<compile_context>
chip_gen: v7x
topology: tpu7x:2x2x1
jax: 0.10.2.dev20260603
libtpu: 0.0.44.dev20260713+nightly
codegen_flags: <defaults>
</compile_context>

<pallas_src>
import functools

import jax
import jax.numpy as jnp
from jax import lax
from jax.experimental import pallas as pl
from jax.experimental.pallas import tpu as pltpu
from jax.experimental.pallas import tpu_sc as plsc

N = 10000
NP = 10240
NPR = NP // 128
E = 320000
EP = 160000
D = 128
NC = 2
NSUB = 16
NW = NC * NSUB
K = 128
EK = 64
ER = 5120
PR = 1280
ECH = ER // NW
PCH = PR // NSUB
OWN = NP // NSUB
ZCH = OWN // EK
NPH = 4
PCHN = ECH // NPH

_mesh = lambda: plsc.VectorSubcoreMesh(core_axis_name="c", subcore_axis_name="s")


@functools.partial(
    pl.kernel,
    mesh=_mesh(),
    compiler_params=pltpu.CompilerParams(needs_layout_passes=False),
    out_type=[
        jax.ShapeDtypeStruct((NW, NPR, 128), jnp.float32),
        jax.ShapeDtypeStruct((NW, NPR, 128), jnp.float32),
    ],
    scratch_types=[
        pltpu.VMEM((NPR, 128), jnp.float32),
        pltpu.VMEM((NPR, 128), jnp.float32),
        pltpu.VMEM((ECH, EK), jnp.int32),
        pltpu.VMEM((ECH, EK), jnp.int32),
    ],
)
def _sc_degrees(src2d, dst2d, out_s, out_t, hist_s, hist_t, sbuf, tbuf):
    c = lax.axis_index("c")
    s = lax.axis_index("s")
    w = c * NSUB + s
    z16 = jnp.zeros((16,), jnp.float32)

    def zero_body(r, carry):
        for c8 in range(128 // 16):
            hist_s[r, pl.ds(c8 * 16, 16)] = z16
            hist_t[r, pl.ds(c8 * 16, 16)] = z16
        return carry

    lax.fori_loop(0, NPR, zero_body, 0)

    pltpu.sync_copy(src2d.at[pl.ds(w * ECH, ECH)], sbuf)
    pltpu.sync_copy(dst2d.at[pl.ds(w * ECH, ECH)], tbuf)

    ones = jnp.ones((16,), jnp.float32)

    def chunk(r, carry):
        for c8 in range(EK // 16):
            si = sbuf[r, pl.ds(c8 * 16, 16)]
            plsc.addupdate_scatter(
                hist_s, [lax.shift_right_logical(si, 7), si & 127], ones)
            ti = tbuf[r, pl.ds(c8 * 16, 16)]
            plsc.addupdate_scatter(
                hist_t, [lax.shift_right_logical(ti, 7), ti & 127], ones)
        return carry

    lax.fori_loop(0, ECH, chunk, 0)
    pltpu.sync_copy(hist_s, out_s.at[w])
    pltpu.sync_copy(hist_t, out_t.at[w])


def _make_segsum():

    @functools.partial(
        pl.kernel,
        mesh=_mesh(),
        compiler_params=pltpu.CompilerParams(needs_layout_passes=False),
        out_type=jax.ShapeDtypeStruct((NC, NP, D), jnp.float32),
        scratch_types=[
            pltpu.VMEM_SHARED((NP, D), jnp.float32),
            pltpu.VMEM((PCHN, EK), jnp.int32),
            pltpu.VMEM((PCHN, EK), jnp.int32),
            pltpu.VMEM((EK, D), jnp.float32),
            pltpu.VMEM((EK, D), jnp.float32),
            pltpu.SemaphoreType.DMA,
            pltpu.SemaphoreType.DMA,
            pltpu.SemaphoreType.DMA,
            pltpu.SemaphoreType.DMA,
        ],
    )
    def seg_kernel(g2d, s2d, G, out, accum, gidx, sidx, r0, r1,
                   sem0, sem1, sw0, sw1):
        c = lax.axis_index("c")
        s = lax.axis_index("s")
        w = c * NSUB + s
        z16 = jnp.zeros((16,), jnp.float32)

        def zrow(r, carry):
            for c8 in range(D // 16):
                r0[r, pl.ds(c8 * 16, 16)] = z16
            return carry

        lax.fori_loop(0, EK, zrow, 0)

        def zinit(j, carry):
            pltpu.sync_copy(r0, accum.at[pl.ds(s * OWN + j * EK, EK)])
            return carry

        lax.fori_loop(0, ZCH, zinit, 0)
        plsc.subcore_barrier()

        def start_g(k, rbuf, sem):
            pltpu.make_async_copy(G.at[gidx.at[k]], rbuf, sem).start()

        def wait_g(rbuf, sem):
            pltpu.make_async_copy(G.at[gidx.at[0]], rbuf, sem).wait()

        def start_s(k, rbuf, sem):
            pltpu.make_async_copy(rbuf, accum.at[sidx.at[k]], sem).start(add=True)

        def wait_s(rbuf, sem):
            pltpu.make_async_copy(rbuf, accum.at[sidx.at[0]], sem).wait()

        def phase(ph, carry):
            base = w * ECH + ph * PCHN
            pltpu.sync_copy(g2d.at[pl.ds(base, PCHN)], gidx)
            pltpu.sync_copy(s2d.at[pl.ds(base, PCHN)], sidx)
            start_g(0, r0, sem0)

            def pair(i, icarry):
                k0 = 2 * i
                k1 = k0 + 1

                @pl.when(k1 < PCHN)
                def _():
                    @pl.when(k1 >= 3)
                    def _():
                        wait_s(r1, sw1)

                    start_g(k1, r1, sem1)

                wait_g(r0, sem0)
                start_s(k0, r0, sw0)

                @pl.when(k1 < PCHN)
                def _():
                    @pl.when(k1 + 1 < PCHN)
                    def _():
                        wait_s(r0, sw0)
                        start_g(k1 + 1, r0, sem0)

                    wait_g(r1, sem1)
                    start_s(k1, r1, sw1)

                return icarry

            lax.fori_loop(0, (PCHN + 1) // 2, pair, 0)
            wait_s(r0, sw0)
            wait_s(r1, sw1)
            return carry

        lax.fori_loop(0, NPH, phase, 0)
        plsc.subcore_barrier()

        def wback(j, carry):
            pltpu.sync_copy(accum.at[pl.ds(s * OWN + j * EK, EK)], r0)
            pltpu.sync_copy(r0, out.at[c, pl.ds(s * OWN + j * EK, EK)])
            return carry

        lax.fori_loop(0, ZCH, wback, 0)

    return seg_kernel


_sc_segsum = _make_segsum()


PK = 80
PRR = EP // PK
PRP = PR * K // PK
PCH2 = PRP // NSUB
PTOT = 2 * PR * K // K


@functools.partial(
    pl.kernel,
    mesh=_mesh(),
    compiler_params=pltpu.CompilerParams(needs_layout_passes=False),
    out_type=[
        jax.ShapeDtypeStruct((PTOT * K, D), jnp.float32),
        jax.ShapeDtypeStruct((PTOT * K, D), jnp.float32),
    ],
    scratch_types=[
        pltpu.VMEM((PCH2, PK), jnp.int32),
        pltpu.VMEM((PCH2, PK), jnp.int32),
        pltpu.VMEM((PK, D), jnp.float32),
        pltpu.VMEM((PK, D), jnp.float32),
        pltpu.VMEM((PK, D), jnp.float32),
        pltpu.VMEM((PK, D), jnp.float32),
        pltpu.VMEM((PK, D), jnp.float32),
        pltpu.VMEM((PK, D), jnp.float32),
        pltpu.VMEM((PK, D), jnp.float32),
        pltpu.VMEM((PK, D), jnp.float32),
    ] + [pltpu.SemaphoreType.DMA] * 16,
)
def _sc_pairgather(pi2d, pj2d, ni2d, nj2d, ht2, outa, outb,
                   iidx, jidx,
                   a0, a1, a2, a3, b0, b1, b2, b3,
                   sa0, sa1, sa2, sa3, sb0, sb1, sb2, sb3,
                   wa0, wa1, wa2, wa3, wb0, wb1, wb2, wb3):
    c = lax.axis_index("c")
    s = lax.axis_index("s")
    w = c * NSUB + s
    A = (a0, a1, a2, a3)
    B = (b0, b1, b2, b3)
    SA = (sa0, sa1, sa2, sa3)
    SB = (sb0, sb1, sb2, sb3)
    WA = (wa0, wa1, wa2, wa3)
    WB = (wb0, wb1, wb2, wb3)

    @pl.when(w < NSUB)
    def _():
        pltpu.sync_copy(pi2d.at[pl.ds(w * PCH2, PCH2)], iidx)
        pltpu.sync_copy(pj2d.at[pl.ds(w * PCH2, PCH2)], jidx)

    @pl.when(w >= NSUB)
    def _():
        pltpu.sync_copy(ni2d.at[pl.ds((w - NSUB) * PCH2, PCH2)], iidx)
        pltpu.sync_copy(nj2d.at[pl.ds((w - NSUB) * PCH2, PCH2)], jidx)

    def start_g(k, j):
        pltpu.make_async_copy(ht2.at[iidx.at[k]], A[j], SA[j]).start()
        pltpu.make_async_copy(ht2.at[jidx.at[k]], B[j], SB[j]).start()

    def wait_g(j):
        pltpu.make_async_copy(ht2.at[iidx.at[0]], A[j], SA[j]).wait()
        pltpu.make_async_copy(ht2.at[jidx.at[0]], B[j], SB[j]).wait()

    def start_w(k, j):
        base = (w * PCH2 + k) * PK
        pltpu.make_async_copy(A[j], outa.at[pl.ds(base, PK)], WA[j]).start()
        pltpu.make_async_copy(B[j], outb.at[pl.ds(base, PK)], WB[j]).start()

    def wait_w(j):
        pltpu.make_async_copy(A[j], outa.at[pl.ds(0, PK)], WA[j]).wait()
        pltpu.make_async_copy(B[j], outb.at[pl.ds(0, PK)], WB[j]).wait()

    start_g(0, 0)
    start_g(1, 1)

    def quad(i, carry):
        for j in range(4):
            k = 4 * i + j
            wait_g(j)
            start_w(k, j)
            nj = (j + 2) % 4

            @pl.when(k + 2 < PCH2)
            def _():
                @pl.when(k >= 2)
                def _():
                    wait_w(nj)

                start_g(k + 2, nj)

        return carry

    lax.fori_loop(0, PCH2 // 4, quad, 0)
    wait_w(0)
    wait_w(1)
    wait_w(2)
    wait_w(3)


def _rsqrt_bcast(p2d):
    x = lax.rsqrt(jnp.maximum(p2d, 1.0))
    xt = x.T
    blocks = [
        jnp.broadcast_to(xt[:, r:r + 1], (128, 128)) for r in range(NPR)
    ]
    return jnp.concatenate(blocks, axis=0)


def _tc_stage1_body(degs_ref, degt_ref, emb_ref, w1_ref, g1_ref, u_ref, v_ref):
    ds2 = jnp.sum(degs_ref[...], axis=0)
    dt2 = jnp.sum(degt_ref[...], axis=0)
    ub = _rsqrt_bcast(ds2)
    vb = _rsqrt_bcast(dt2)
    u_ref[...] = ub
    v_ref[...] = vb
    y = jax.lax.dot_general(
        emb_ref[...], w1_ref[...], (((1,), (0,)), ((), ())),
        preferred_element_type=jnp.float32)
    g1_ref[0:N, :] = vb[0:N, :] * y
    g1_ref[N:NP, :] = jnp.zeros((NP - N, D), jnp.float32)


def _tc_stage1(degs_p, degt_p, emb, w1s):
    return pl.pallas_call(
        _tc_stage1_body,
        out_shape=[
            jax.ShapeDtypeStruct((NP, D), jnp.float32),
            jax.ShapeDtypeStruct((NP, D), jnp.float32),
            jax.ShapeDtypeStruct((NP, D), jnp.float32),
        ],
    )(degs_p, degt_p, emb, w1s)


def _tc_stage2_body(p1a_ref, p1b_ref, u_ref, b1_ref, w2_ref, g2_ref):
    ub = u_ref[...]
    hs1 = jnp.maximum(ub * (p1a_ref[...] + p1b_ref[...]) + b1_ref[...], 0.0)
    g2_ref[...] = jax.lax.dot_general(
        ub * hs1, w2_ref[...], (((1,), (0,)), ((), ())),
        preferred_element_type=jnp.float32)


def _tc_stage2(p1a, p1b, ub, b1, w2t):
    return pl.pallas_call(
        _tc_stage2_body,
        out_shape=jax.ShapeDtypeStruct((NP, D), jnp.float32),
    )(p1a, p1b, ub, b1, w2t)


def _tc_stage3_body(p2a_ref, p2b_ref, v_ref, b2_ref, ht_ref):
    ht_ref[...] = v_ref[...] * (p2a_ref[...] + p2b_ref[...]) + b2_ref[...]


def _tc_stage3(p2a, p2b, vb, b2):
    return pl.pallas_call(
        _tc_stage3_body,
        out_shape=jax.ShapeDtypeStruct((NP, D), jnp.float32),
    )(p2a, p2b, vb, b2)


_DOT_BLK = 4096


def _tc_dot_body(a_ref, b_ref, o_ref):
    prod = a_ref[...] * b_ref[...]
    o_ref[...] = jnp.sum(prod.reshape(_DOT_BLK // K, K, D), axis=2)


def _tc_dot(rowsa, rowsb):
    return pl.pallas_call(
        _tc_dot_body,
        grid=(PTOT * K // _DOT_BLK,),
        in_specs=[
            pl.BlockSpec((_DOT_BLK, D), lambda i: (i, 0)),
            pl.BlockSpec((_DOT_BLK, D), lambda i: (i, 0)),
        ],
        out_specs=pl.BlockSpec((_DOT_BLK // K, K), lambda i: (i, 0)),
        out_shape=jax.ShapeDtypeStruct((PTOT, K), jnp.float32),
    )(rowsa, rowsb)


_POS_ROWS = EP // D
_EPS = 1e-7


def _tc_loss_body(l_ref, pos_ref, neg_ref, loss_ref):
    x = l_ref[...]
    score = jax.nn.sigmoid(x)
    pos = score[0:_POS_ROWS]
    neg = score[PR:PR + _POS_ROWS]
    pos_ref[...] = pos
    neg_ref[...] = neg
    lp = jnp.sum(jnp.log(pos + _EPS)) / float(EP)
    ln = jnp.sum(jnp.log(1.0 - neg + _EPS)) / float(EP)
    loss_ref[...] = jnp.full((1, 1), 0.0) - lp - ln


def _tc_loss(l2d):
    return pl.pallas_call(
        _tc_loss_body,
        out_shape=[
            jax.ShapeDtypeStruct((_POS_ROWS, D), jnp.float32),
            jax.ShapeDtypeStruct((_POS_ROWS, D), jnp.float32),
            jax.ShapeDtypeStruct((1, 1), jnp.float32),
        ],
    )(l2d)


def _pad_idx(row, n_pad, pad_vals, width):
    return jnp.concatenate([row, pad_vals[:n_pad]]).reshape(-1, width)


def kernel(x_s, x_t, edge_index, pos_edge_index, neg_edge_index, emb_s,
           W1_s, b1_s, W1_t, b1_t, W2_s, b2_s, W2_t, b2_t):
    n_epad = ER * EK - E
    n_ppad = PR * K - EP
    epad = (N + (jnp.arange(n_epad, dtype=jnp.int32) % (NP - N)))
    ppad = jnp.arange(n_ppad, dtype=jnp.int32) % N

    src2d = _pad_idx(edge_index[0], n_epad, epad, EK)
    dst2d = _pad_idx(edge_index[1], n_epad, epad, EK)
    pi2d = _pad_idx(pos_edge_index[0], n_ppad, ppad, PK)
    pj2d = _pad_idx(pos_edge_index[1], n_ppad, ppad, PK)
    ni2d = _pad_idx(neg_edge_index[0], n_ppad, ppad, PK)
    nj2d = _pad_idx(neg_edge_index[1], n_ppad, ppad, PK)

    degs_p, degt_p = _sc_degrees(src2d, dst2d)
    g1, ub, vb = _tc_stage1(degs_p, degt_p, emb_s, W1_s)
    p1 = _sc_segsum(dst2d, src2d, g1)
    g2 = _tc_stage2(p1[0], p1[1], ub, b1_s.reshape(1, D), W2_t)
    p2 = _sc_segsum(src2d, dst2d, g2)
    ht2 = _tc_stage3(p2[0], p2[1], vb, b2_t.reshape(1, D))
    rowsa, rowsb = _sc_pairgather(pi2d, pj2d, ni2d, nj2d, ht2)
    logits = _tc_dot(rowsa, rowsb)
    pos_s, neg_s, loss = _tc_loss(logits)
    return (loss[0, 0], pos_s.reshape(EP), neg_s.reshape(EP))

# --- scband reference (transcript-rebuilt; emitter-appended) ---
"""Pipeline reference for scband-model-69526930588077 (READ-ONLY COPY).

The authoritative reference and input builder live on the scoring server;
editing this copy changes nothing except your own understanding.
"""

import jax, jax.numpy as jnp
import numpy as np

N_S = 10000
N_T = 10000
E = 320000
E_POS = 160000
E_NEG = 160000
EMB = 128
HID = 128
PRED = 128


def setup_inputs(seed: int = 0) -> dict:
    key = jax.random.key(seed)
    ks = jax.random.split(key, 12)
    x_s = jnp.arange(N_S, dtype=jnp.int32)
    x_t = jnp.arange(N_T, dtype=jnp.int32)
    edge_index = jax.random.randint(ks[0], (2, E), 0, N_S, dtype=jnp.int32)
    pos_edge_index = jax.random.randint(ks[1], (2, E_POS), 0, N_T, dtype=jnp.int32)
    neg_edge_index = jax.random.randint(ks[2], (2, E_NEG), 0, N_T, dtype=jnp.int32)
    emb_s = jax.random.normal(ks[3], (N_S, EMB), dtype=jnp.float32) * 0.02
    s1 = 1.0 / np.sqrt(EMB)
    s2 = 1.0 / np.sqrt(HID)
    W1_s = jax.random.uniform(ks[4], (EMB, HID), minval=-s1, maxval=s1, dtype=jnp.float32)
    b1_s = jnp.zeros((HID,), jnp.float32)
    W1_t = jax.random.uniform(ks[5], (EMB, HID), minval=-s1, maxval=s1, dtype=jnp.float32)
    b1_t = jnp.zeros((HID,), jnp.float32)
    W2_s = jax.random.uniform(ks[6], (HID, PRED), minval=-s2, maxval=s2, dtype=jnp.float32)
    b2_s = jnp.zeros((PRED,), jnp.float32)
    W2_t = jax.random.uniform(ks[7], (HID, PRED), minval=-s2, maxval=s2, dtype=jnp.float32)
    b2_t = jnp.zeros((PRED,), jnp.float32)
    return {
        "x_s": x_s, "x_t": x_t, "edge_index": edge_index,
        "pos_edge_index": pos_edge_index, "neg_edge_index": neg_edge_index,
        "emb_s": emb_s,
        "W1_s": W1_s, "b1_s": b1_s, "W1_t": W1_t, "b1_t": b1_t,
        "W2_s": W2_s, "b2_s": b2_s, "W2_t": W2_t, "b2_t": b2_t,
    }


def reference(x_s, x_t, edge_index, pos_edge_index, neg_edge_index, emb_s,
              W1_s, b1_s, W1_t, b1_t, W2_s, b2_s, W2_t, b2_t):
    # Embedding lookup (NOTE: original forward uses emb_s for BOTH x_s and x_t; kept faithful)
    hs = jnp.take(emb_s, x_s, axis=0)
    ht = jnp.take(emb_s, x_t, axis=0)

    src = edge_index[0]
    dst = edge_index[1]
    ones = jnp.ones((E,), jnp.float32)
    deg_s = jax.ops.segment_sum(ones, src, num_segments=N_S)
    deg_t = jax.ops.segment_sum(ones, dst, num_segments=N_T)
    norm = jax.lax.rsqrt(jnp.clip(deg_s[src] * deg_t[dst], 1.0, None))

    def gcn_layer(hs, ht, Ws, bs, Wt, bt, act):
        m_t = jax.ops.segment_sum(hs[src] * norm[:, None], dst, num_segments=N_T)
        m_s = jax.ops.segment_sum(ht[dst] * norm[:, None], src, num_segments=N_S)
        hs2 = m_s @ Ws + bs
        ht2 = m_t @ Wt + bt
        if act:
            hs2 = jax.nn.relu(hs2)
            ht2 = jax.nn.relu(ht2)
        return hs2, ht2

    hs, ht = gcn_layer(hs, ht, W1_s, b1_s, W1_t, b1_t, True)
    hs, ht = gcn_layer(hs, ht, W2_s, b2_s, W2_t, b2_t, False)

    # Link predictor on target embeddings: dot-product scorer + BCE loss
    pi, pj = pos_edge_index[0], pos_edge_index[1]
    ni, nj = neg_edge_index[0], neg_edge_index[1]
    pos_logit = jnp.sum(ht[pi] * ht[pj], axis=-1)
    neg_logit = jnp.sum(ht[ni] * ht[nj], axis=-1)
    pos_score = jax.nn.sigmoid(pos_logit)
    neg_score = jax.nn.sigmoid(neg_logit)
    eps = 1e-7
    loss = -jnp.mean(jnp.log(pos_score + eps)) - jnp.mean(jnp.log(1.0 - neg_score + eps))
    return (loss, pos_score, neg_score)

if __name__ == "__main__":
    import jax
    _d = setup_inputs()
    print(jax.jit(kernel)(*tuple(_d.values())))

</pallas_src>

<mosaic_0001>
#map = affine_map<(d0, d1) -> (0, 0)>
module attributes {stable_mosaic.version = 14 : i64} {
  func.func @_sc_pairgather(%arg0: i32, %arg1: i32, %arg2: memref<2048x80xi32, #tpu.memory_space<hbm>>, %arg3: memref<2048x80xi32, #tpu.memory_space<hbm>>, %arg4: memref<2048x80xi32, #tpu.memory_space<hbm>>, %arg5: memref<2048x80xi32, #tpu.memory_space<hbm>>, %arg6: memref<10240x128xf32, #tpu.memory_space<hbm>>, %arg7: memref<327680x128xf32, #tpu.memory_space<hbm>>, %arg8: memref<327680x128xf32, #tpu.memory_space<hbm>>, %arg9: memref<128x80xi32, #tpu.memory_space<vmem>>, %arg10: memref<128x80xi32, #tpu.memory_space<vmem>>, %arg11: memref<80x128xf32, #tpu.memory_space<vmem>>, %arg12: memref<80x128xf32, #tpu.memory_space<vmem>>, %arg13: memref<80x128xf32, #tpu.memory_space<vmem>>, %arg14: memref<80x128xf32, #tpu.memory_space<vmem>>, %arg15: memref<80x128xf32, #tpu.memory_space<vmem>>, %arg16: memref<80x128xf32, #tpu.memory_space<vmem>>, %arg17: memref<80x128xf32, #tpu.memory_space<vmem>>, %arg18: memref<80x128xf32, #tpu.memory_space<vmem>>, %arg19: memref<!tpu.dma_semaphore, #tpu.memory_space<semaphore_mem>>, %arg20: memref<!tpu.dma_semaphore, #tpu.memory_space<semaphore_mem>>, %arg21: memref<!tpu.dma_semaphore, #tpu.memory_space<semaphore_mem>>, %arg22: memref<!tpu.dma_semaphore, #tpu.memory_space<semaphore_mem>>, %arg23: memref<!tpu.dma_semaphore, #tpu.memory_space<semaphore_mem>>, %arg24: memref<!tpu.dma_semaphore, #tpu.memory_space<semaphore_mem>>, %arg25: memref<!tpu.dma_semaphore, #tpu.memory_space<semaphore_mem>>, %arg26: memref<!tpu.dma_semaphore, #tpu.memory_space<semaphore_mem>>, %arg27: memref<!tpu.dma_semaphore, #tpu.memory_space<semaphore_mem>>, %arg28: memref<!tpu.dma_semaphore, #tpu.memory_space<semaphore_mem>>, %arg29: memref<!tpu.dma_semaphore, #tpu.memory_space<semaphore_mem>>, %arg30: memref<!tpu.dma_semaphore, #tpu.memory_space<semaphore_mem>>, %arg31: memref<!tpu.dma_semaphore, #tpu.memory_space<semaphore_mem>>, %arg32: memref<!tpu.dma_semaphore, #tpu.memory_space<semaphore_mem>>, %arg33: memref<!tpu.dma_semaphore, #tpu.memory_space<semaphore_mem>>, %arg34: memref<!tpu.dma_semaphore, #tpu.memory_space<semaphore_mem>>) attributes {dimension_semantics = [#tpu.dimension_semantics<core_parallel>, #tpu.dimension_semantics<subcore_parallel>], iteration_bounds = array<i64: 2, 16>, scalar_prefetch = 0 : i64, scratch_operands = 26 : i64, tpu.core_type = #tpu.core_type<sc_vector_subcore>, window_params = [{transform_indices = #map}, {transform_indices = #map}, {transform_indices = #map}, {transform_indices = #map}, {transform_indices = #map}, {transform_indices = #map}, {transform_indices = #map}]} {
    %mul3A = arith.constant 16 : i32
    %mul3A_0 = arith.muli %arg0, %mul3A : i32
    %add3A = arith.addi %mul3A_0, %arg1 : i32
    %lt3A = arith.constant 16 : i32
    %lt3A_1 = arith.cmpi slt, %add3A, %lt3A : i32
    %convert_element_type3A = arith.extui %lt3A_1 : i1 to i32
    %cond3A = arith.constant 0 : i32
    %cond3A_2 = arith.cmpi ne, %convert_element_type3A, %cond3A : i32
    scf.if %cond3A_2 {
      %mul3A_86 = arith.constant 128 : i32
      %mul3A_87 = arith.muli %add3A, %mul3A_86 : i32
      "tpu.region"() ({
        %run_scoped3A = tpu.sem_alloc : memref<!tpu.dma_semaphore, #tpu.memory_space<semaphore_mem>>
        %dma_start3A_90 = arith.constant 0 : i32
        %dma_start3A_91 = tpu.memref_slice %arg2[%mul3A_87, %dma_start3A_90] : memref<2048x80xi32, #tpu.memory_space<hbm>> -> memref<128x80xi32, #tpu.memory_space<hbm>>
        %dma_start3A_92 = arith.constant 0 : i32
        %dma_start3A_93 = tpu.memref_slice %arg2[%mul3A_87, %dma_start3A_92] : memref<2048x80xi32, #tpu.memory_space<hbm>> -> memref<128x80xi32, #tpu.memory_space<hbm>>
        tpu.enqueue_dma source(%dma_start3A_93 : memref<128x80xi32, #tpu.memory_space<hbm>>) target(%arg9 : memref<128x80xi32, #tpu.memory_space<vmem>>) target_semaphore(%run_scoped3A : memref<!tpu.dma_semaphore, #tpu.memory_space<semaphore_mem>>)
        %dma_wait3A_94 = arith.constant 0 : i32
        %dma_wait3A_95 = tpu.memref_slice %arg2[%mul3A_87, %dma_wait3A_94] : memref<2048x80xi32, #tpu.memory_space<hbm>> -> memref<128x80xi32, #tpu.memory_space<hbm>>
        %dma_wait3A_96 = arith.constant 0 : i32
        %dma_wait3A_97 = tpu.memref_slice %arg2[%mul3A_87, %dma_wait3A_96] : memref<2048x80xi32, #tpu.memory_space<hbm>> -> memref<128x80xi32, #tpu.memory_space<hbm>>
        tpu.wait_dma2 semaphore(%run_scoped3A : memref<!tpu.dma_semaphore, #tpu.memory_space<semaphore_mem>>) src(%dma_wait3A_97 : memref<128x80xi32, #tpu.memory_space<hbm>>) dst(%arg9 : memref<128x80xi32, #tpu.memory_space<vmem>>)
        tpu.yield
      }) : () -> ()
      %mul3A_88 = arith.constant 128 : i32
      %mul3A_89 = arith.muli %add3A, %mul3A_88 : i32
      "tpu.region"() ({
        %run_scoped3A = tpu.sem_alloc : memref<!tpu.dma_semaphore, #tpu.memory_space<semaphore_mem>>
        %dma_start3A_90 = arith.constant 0 : i32
        %dma_start3A_91 = tpu.memref_slice %arg3[%mul3A_89, %dma_start3A_90] : memref<2048x80xi32, #tpu.memory_space<hbm>> -> memref<128x80xi32, #tpu.memory_space<hbm>>
        %dma_start3A_92 = arith.constant 0 : i32
        %dma_start3A_93 = tpu.memref_slice %arg3[%mul3A_89, %dma_start3A_92] : memref<2048x80xi32, #tpu.memory_space<hbm>> -> memref<128x80xi32, #tpu.memory_space<hbm>>
        tpu.enqueue_dma source(%dma_start3A_93 : memref<128x80xi32, #tpu.memory_space<hbm>>) target(%arg10 : memref<128x80xi32, #tpu.memory_space<vmem>>) target_semaphore(%run_scoped3A : memref<!tpu.dma_semaphore, #tpu.memory_space<semaphore_mem>>)
        %dma_wait3A_94 = arith.constant 0 : i32
        %dma_wait3A_95 = tpu.memref_slice %arg3[%mul3A_89, %dma_wait3A_94] : memref<2048x80xi32, #tpu.memory_space<hbm>> -> memref<128x80xi32, #tpu.memory_space<hbm>>
        %dma_wait3A_96 = arith.constant 0 : i32
        %dma_wait3A_97 = tpu.memref_slice %arg3[%mul3A_89, %dma_wait3A_96] : memref<2048x80xi32, #tpu.memory_space<hbm>> -> memref<128x80xi32, #tpu.memory_space<hbm>>
        tpu.wait_dma2 semaphore(%run_scoped3A : memref<!tpu.dma_semaphore, #tpu.memory_space<semaphore_mem>>) src(%dma_wait3A_97 : memref<128x80xi32, #tpu.memory_space<hbm>>) dst(%arg10 : memref<128x80xi32, #tpu.memory_space<vmem>>)
        tpu.yield
      }) : () -> ()
    } else {
    }
    %ge3A = arith.constant 16 : i32
    %ge3A_3 = arith.cmpi sge, %add3A, %ge3A : i32
    %convert_element_type3A_4 = arith.extui %ge3A_3 : i1 to i32
    %cond3A_5 = arith.constant 0 : i32
    %cond3A_6 = arith.cmpi ne, %convert_element_type3A_4, %cond3A_5 : i32
    scf.if %cond3A_6 {
      %sub3A = arith.constant 16 : i32
      %sub3A_86 = arith.subi %add3A, %sub3A : i32
      %mul3A_87 = arith.constant 128 : i32
      %mul3A_88 = arith.muli %sub3A_86, %mul3A_87 : i32
      "tpu.region"() ({
        %run_scoped3A = tpu.sem_alloc : memref<!tpu.dma_semaphore, #tpu.memory_space<semaphore_mem>>
        %dma_start3A_93 = arith.constant 0 : i32
        %dma_start3A_94 = tpu.memref_slice %arg4[%mul3A_88, %dma_start3A_93] : memref<2048x80xi32, #tpu.memory_space<hbm>> -> memref<128x80xi32, #tpu.memory_space<hbm>>
        %dma_start3A_95 = arith.constant 0 : i32
        %dma_start3A_96 = tpu.memref_slice %arg4[%mul3A_88, %dma_start3A_95] : memref<2048x80xi32, #tpu.memory_space<hbm>> -> memref<128x80xi32, #tpu.memory_space<hbm>>
        tpu.enqueue_dma source(%dma_start3A_96 : memref<128x80xi32, #tpu.memory_space<hbm>>) target(%arg9 : memref<128x80xi32, #tpu.memory_space<vmem>>) target_semaphore(%run_scoped3A : memref<!tpu.dma_semaphore, #tpu.memory_space<semaphore_mem>>)
        %dma_wait3A_97 = arith.constant 0 : i32
        %dma_wait3A_98 = tpu.memref_slice %arg4[%mul3A_88, %dma_wait3A_97] : memref<2048x80xi32, #tpu.memory_space<hbm>> -> memref<128x80xi32, #tpu.memory_space<hbm>>
        %dma_wait3A_99 = arith.constant 0 : i32
        %dma_wait3A_100 = tpu.memref_slice %arg4[%mul3A_88, %dma_wait3A_99] : memref<2048x80xi32, #tpu.memory_space<hbm>> -> memref<128x80xi32, #tpu.memory_space<hbm>>
        tpu.wait_dma2 semaphore(%run_scoped3A : memref<!tpu.dma_semaphore, #tpu.memory_space<semaphore_mem>>) src(%dma_wait3A_100 : memref<128x80xi32, #tpu.memory_space<hbm>>) dst(%arg9 : memref<128x80xi32, #tpu.memory_space<vmem>>)
        tpu.yield
      }) : () -> ()
      %sub3A_89 = arith.constant 16 : i32
      %sub3A_90 = arith.subi %add3A, %sub3A_89 : i32
      %mul3A_91 = arith.constant 128 : i32
      %mul3A_92 = arith.muli %sub3A_90, %mul3A_91 : i32
      "tpu.region"() ({
        %run_scoped3A = tpu.sem_alloc : memref<!tpu.dma_semaphore, #tpu.memory_space<semaphore_mem>>
        %dma_start3A_93 = arith.constant 0 : i32
        %dma_start3A_94 = tpu.memref_slice %arg5[%mul3A_92, %dma_start3A_93] : memref<2048x80xi32, #tpu.memory_space<hbm>> -> memref<128x80xi32, #tpu.memory_space<hbm>>
        %dma_start3A_95 = arith.constant 0 : i32
        %dma_start3A_96 = tpu.memref_slice %arg5[%mul3A_92, %dma_start3A_95] : memref<2048x80xi32, #tpu.memory_space<hbm>> -> memref<128x80xi32, #tpu.memory_space<hbm>>
        tpu.enqueue_dma source(%dma_start3A_96 : memref<128x80xi32, #tpu.memory_space<hbm>>) target(%arg10 : memref<128x80xi32, #tpu.memory_space<vmem>>) target_semaphore(%run_scoped3A : memref<!tpu.dma_semaphore, #tpu.memory_space<semaphore_mem>>)
        %dma_wait3A_97 = arith.constant 0 : i32
        %dma_wait3A_98 = tpu.memref_slice %arg5[%mul3A_92, %dma_wait3A_97] : memref<2048x80xi32, #tpu.memory_space<hbm>> -> memref<128x80xi32, #tpu.memory_space<hbm>>
        %dma_wait3A_99 = arith.constant 0 : i32
        %dma_wait3A_100 = tpu.memref_slice %arg5[%mul3A_92, %dma_wait3A_99] : memref<2048x80xi32, #tpu.memory_space<hbm>> -> memref<128x80xi32, #tpu.memory_space<hbm>>
        tpu.wait_dma2 semaphore(%run_scoped3A : memref<!tpu.dma_semaphore, #tpu.memory_space<semaphore_mem>>) src(%dma_wait3A_100 : memref<128x80xi32, #tpu.memory_space<hbm>>) dst(%arg10 : memref<128x80xi32, #tpu.memory_space<vmem>>)
        tpu.yield
      }) : () -> ()
    } else {
    }
    %dma_start3A = arith.constant 0 : i32
    %dma_start3A_7 = arith.constant 0 : i32
    %dma_start3A_8 = tpu.memref_slice %arg9[%dma_start3A, %dma_start3A_7] : memref<128x80xi32, #tpu.memory_space<vmem>> -> memref<1x80xi32, #tpu.memory_space<vmem>>
    %dma_start3A_9 = tpu.memref_squeeze %dma_start3A_8 : memref<1x80xi32, #tpu.memory_space<vmem>> -> memref<80xi32, #tpu.memory_space<vmem>>
    %dma_start3A_10 = arith.constant 0 : i32
    %dma_start3A_11 = arith.constant 0 : i32
    %dma_start3A_12 = tpu.memref_slice %arg6[%dma_start3A_10, %dma_start3A_11] : memref<10240x128xf32, #tpu.memory_space<hbm>> -> memref<10240x128xf32, #tpu.memory_space<hbm>>
    tpu.enqueue_indirect_dma source(%dma_start3A_12 : memref<10240x128xf32, #tpu.memory_space<hbm>>) target(%arg11 : memref<80x128xf32, #tpu.memory_space<vmem>>) offsets(%dma_start3A_9 : memref<80xi32, #tpu.memory_space<vmem>>) semaphore(%arg19 : memref<!tpu.dma_semaphore, #tpu.memory_space<semaphore_mem>>)
    %dma_start3A_13 = arith.constant 0 : i32
    %dma_start3A_14 = arith.constant 0 : i32
    %dma_start3A_15 = tpu.memref_slice %arg10[%dma_start3A_13, %dma_start3A_14] : memref<128x80xi32, #tpu.memory_space<vmem>> -> memref<1x80xi32, #tpu.memory_space<vmem>>
    %dma_start3A_16 = tpu.memref_squeeze %dma_start3A_15 : memref<1x80xi32, #tpu.memory_space<vmem>> -> memref<80xi32, #tpu.memory_space<vmem>>
    %dma_start3A_17 = arith.constant 0 : i32
    %dma_start3A_18 = arith.constant 0 : i32
    %dma_start3A_19 = tpu.memref_slice %arg6[%dma_start3A_17, %dma_start3A_18] : memref<10240x128xf32, #tpu.memory_space<hbm>> -> memref<10240x128xf32, #tpu.memory_space<hbm>>
    tpu.enqueue_indirect_dma source(%dma_start3A_19 : memref<10240x128xf32, #tpu.memory_space<hbm>>) target(%arg15 : memref<80x128xf32, #tpu.memory_space<vmem>>) offsets(%dma_start3A_16 : memref<80xi32, #tpu.memory_space<vmem>>) semaphore(%arg23 : memref<!tpu.dma_semaphore, #tpu.memory_space<semaphore_mem>>)
    %dma_start3A_20 = arith.constant 1 : i32
    %dma_start3A_21 = arith.constant 0 : i32
    %dma_start3A_22 = tpu.memref_slice %arg9[%dma_start3A_20, %dma_start3A_21] : memref<128x80xi32, #tpu.memory_space<vmem>> -> memref<1x80xi32, #tpu.memory_space<vmem>>
    %dma_start3A_23 = tpu.memref_squeeze %dma_start3A_22 : memref<1x80xi32, #tpu.memory_space<vmem>> -> memref<80xi32, #tpu.memory_space<vmem>>
    %dma_start3A_24 = arith.constant 0 : i32
    %dma_start3A_25 = arith.constant 0 : i32
    %dma_start3A_26 = tpu.memref_slice %arg6[%dma_start3A_24, %dma_start3A_25] : memref<10240x128xf32, #tpu.memory_space<hbm>> -> memref<10240x128xf32, #tpu.memory_space<hbm>>
    tpu.enqueue_indirect_dma source(%dma_start3A_26 : memref<10240x128xf32, #tpu.memory_space<hbm>>) target(%arg12 : memref<80x128xf32, #tpu.memory_space<vmem>>) offsets(%dma_start3A_23 : memref<80xi32, #tpu.memory_space<vmem>>) semaphore(%arg20 : memref<!tpu.dma_semaphore, #tpu.memory_space<semaphore_mem>>)
    %dma_start3A_27 = arith.constant 1 : i32
    %dma_start3A_28 = arith.constant 0 : i32
    %dma_start3A_29 = tpu.memref_slice %arg10[%dma_start3A_27, %dma_start3A_28] : memref<128x80xi32, #tpu.memory_space<vmem>> -> memref<1x80xi32, #tpu.memory_space<vmem>>
    %dma_start3A_30 = tpu.memref_squeeze %dma_start3A_29 : memref<1x80xi32, #tpu.memory_space<vmem>> -> memref<80xi32, #tpu.memory_space<vmem>>
    %dma_start3A_31 = arith.constant 0 : i32
    %dma_start3A_32 = arith.constant 0 : i32
    %dma_start3A_33 = tpu.memref_slice %arg6[%dma_start3A_31, %dma_start3A_32] : memref<10240x128xf32, #tpu.memory_space<hbm>> -> memref<10240x128xf32, #tpu.memory_space<hbm>>
    tpu.enqueue_indirect_dma source(%dma_start3A_33 : memref<10240x128xf32, #tpu.memory_space<hbm>>) target(%arg16 : memref<80x128xf32, #tpu.memory_space<vmem>>) offsets(%dma_start3A_30 : memref<80xi32, #tpu.memory_space<vmem>>) semaphore(%arg24 : memref<!tpu.dma_semaphore, #tpu.memory_space<semaphore_mem>>)
    %scan3A = arith.constant 0 : i32
    %scan3A_34 = arith.constant 0 : i32
    %scan3A_35 = arith.constant 32 : i32
    %scan3A_36 = arith.addi %scan3A_34, %scan3A_35 : i32
    %scan3A_37 = arith.constant 1 : i32
    scf.for %scan3A_86 = %scan3A_34 to %scan3A_36 step %scan3A_37  : i32 {
      %mul3A_87 = arith.constant 4 : i32
      %mul3A_88 = arith.muli %mul3A_87, %scan3A_86 : i32
      %add3A_89 = arith.constant 0 : i32
      %add3A_90 = arith.addi %mul3A_88, %add3A_89 : i32
      %dma_wait3A_91 = arith.constant 0 : i32
      %dma_wait3A_92 = arith.constant 0 : i32
      %dma_wait3A_93 = tpu.memref_slice %arg9[%dma_wait3A_91, %dma_wait3A_92] : memref<128x80xi32, #tpu.memory_space<vmem>> -> memref<1x80xi32, #tpu.memory_space<vmem>>
      %dma_wait3A_94 = tpu.memref_squeeze %dma_wait3A_93 : memref<1x80xi32, #tpu.memory_space<vmem>> -> memref<80xi32, #tpu.memory_space<vmem>>
      %dma_wait3A_95 = arith.constant 0 : i32
      %dma_wait3A_96 = arith.constant 0 : i32
      %dma_wait3A_97 = tpu.memref_slice %arg6[%dma_wait3A_95, %dma_wait3A_96] : memref<10240x128xf32, #tpu.memory_space<hbm>> -> memref<10240x128xf32, #tpu.memory_space<hbm>>
      tpu.wait_indirect_dma semaphore(%arg19 : memref<!tpu.dma_semaphore, #tpu.memory_space<semaphore_mem>>) src(%dma_wait3A_97 : memref<10240x128xf32, #tpu.memory_space<hbm>>) dst(%arg11 : memref<80x128xf32, #tpu.memory_space<vmem>>)
      %dma_wait3A_98 = arith.constant 0 : i32
      %dma_wait3A_99 = arith.constant 0 : i32
      %dma_wait3A_100 = tpu.memref_slice %arg10[%dma_wait3A_98, %dma_wait3A_99] : memref<128x80xi32, #tpu.memory_space<vmem>> -> memref<1x80xi32, #tpu.memory_space<vmem>>
      %dma_wait3A_101 = tpu.memref_squeeze %dma_wait3A_100 : memref<1x80xi32, #tpu.memory_space<vmem>> -> memref<80xi32, #tpu.memory_space<vmem>>
      %dma_wait3A_102 = arith.constant 0 : i32
      %dma_wait3A_103 = arith.constant 0 : i32
      %dma_wait3A_104 = tpu.memref_slice %arg6[%dma_wait3A_102, %dma_wait3A_103] : memref<10240x128xf32, #tpu.memory_space<hbm>> -> memref<10240x128xf32, #tpu.memory_space<hbm>>
      tpu.wait_indirect_dma semaphore(%arg23 : memref<!tpu.dma_semaphore, #tpu.memory_space<semaphore_mem>>) src(%dma_wait3A_104 : memref<10240x128xf32, #tpu.memory_space<hbm>>) dst(%arg15 : memref<80x128xf32, #tpu.memory_space<vmem>>)
      %mul3A_105 = arith.constant 128 : i32
      %mul3A_106 = arith.muli %add3A, %mul3A_105 : i32
      %add3A_107 = arith.addi %mul3A_106, %add3A_90 : i32
      %mul3A_108 = arith.constant 80 : i32
      %mul3A_109 = arith.muli %add3A_107, %mul3A_108 : i32
      %dma_start3A_110 = arith.constant 0 : i32
      %dma_start3A_111 = tpu.memref_slice %arg7[%mul3A_109, %dma_start3A_110] : memref<327680x128xf32, #tpu.memory_space<hbm>> -> memref<80x128xf32, #tpu.memory_space<hbm>>
      %dma_start3A_112 = arith.constant 0 : i32
      %dma_start3A_113 = tpu.memref_slice %arg7[%mul3A_109, %dma_start3A_112] : memref<327680x128xf32, #tpu.memory_space<hbm>> -> memref<80x128xf32, #tpu.memory_space<hbm>>
      tpu.enqueue_dma source(%arg11 : memref<80x128xf32, #tpu.memory_space<vmem>>) target(%dma_start3A_113 : memref<80x128xf32, #tpu.memory_space<hbm>>) target_semaphore(%arg27 : memref<!tpu.dma_semaphore, #tpu.memory_space<semaphore_mem>>)
      %dma_start3A_114 = arith.constant 0 : i32
      %dma_start3A_115 = tpu.memref_slice %arg8[%mul3A_109, %dma_start3A_114] : memref<327680x128xf32, #tpu.memory_space<hbm>> -> memref<80x128xf32, #tpu.memory_space<hbm>>
      %dma_start3A_116 = arith.constant 0 : i32
      %dma_start3A_117 = tpu.memref_slice %arg8[%mul3A_109, %dma_start3A_116] : memref<327680x128xf32, #tpu.memory_space<hbm>> -> memref<80x128xf32, #tpu.memory_space<hbm>>
      tpu.enqueue_dma source(%arg15 : memref<80x128xf32, #tpu.memory_space<vmem>>) target(%dma_start3A_117 : memref<80x128xf32, #tpu.memory_space<hbm>>) target_semaphore(%arg31 : memref<!tpu.dma_semaphore, #tpu.memory_space<semaphore_mem>>)
      %add3A_118 = arith.constant 2 : i32
      %add3A_119 = arith.addi %add3A_90, %add3A_118 : i32
      %lt3A_120 = arith.constant 128 : i32
      %lt3A_121 = arith.cmpi slt, %add3A_119, %lt3A_120 : i32
      %convert_element_type3A_122 = arith.extui %lt3A_121 : i1 to i32
      %cond3A_123 = arith.constant 0 : i32
      %cond3A_124 = arith.cmpi ne, %convert_element_type3A_122, %cond3A_123 : i32
      scf.if %cond3A_124 {
        %ge3A_239 = arith.constant 2 : i32
        %ge3A_240 = arith.cmpi sge, %add3A_90, %ge3A_239 : i32
        %convert_element_type3A_241 = arith.extui %ge3A_240 : i1 to i32
        %cond3A_242 = arith.constant 0 : i32
        %cond3A_243 = arith.cmpi ne, %convert_element_type3A_241, %cond3A_242 : i32
        scf.if %cond3A_243 {
          %dma_wait3A_258 = arith.constant 0 : i32
          %dma_wait3A_259 = arith.constant 0 : i32
          %dma_wait3A_260 = tpu.memref_slice %arg7[%dma_wait3A_258, %dma_wait3A_259] : memref<327680x128xf32, #tpu.memory_space<hbm>> -> memref<80x128xf32, #tpu.memory_space<hbm>>
          %dma_wait3A_261 = arith.constant 0 : i32
          %dma_wait3A_262 = arith.constant 0 : i32
          %dma_wait3A_263 = tpu.memref_slice %arg7[%dma_wait3A_261, %dma_wait3A_262] : memref<327680x128xf32, #tpu.memory_space<hbm>> -> memref<80x128xf32, #tpu.memory_space<hbm>>
          tpu.wait_dma2 semaphore(%arg29 : memref<!tpu.dma_semaphore, #tpu.memory_space<semaphore_mem>>) src(%arg13 : memref<80x128xf32, #tpu.memory_space<vmem>>) dst(%dma_wait3A_263 : memref<80x128xf32, #tpu.memory_space<hbm>>)
          %dma_wait3A_264 = arith.constant 0 : i32
          %dma_wait3A_265 = arith.constant 0 : i32
          %dma_wait3A_266 = tpu.memref_slice %arg8[%dma_wait3A_264, %dma_wait3A_265] : memref<327680x128xf32, #tpu.memory_space<hbm>> -> memref<80x128xf32, #tpu.memory_space<hbm>>
          %dma_wait3A_267 = arith.constant 0 : i32
          %dma_wait3A_268 = arith.constant 0 : i32
          %dma_wait3A_269 = tpu.memref_slice %arg8[%dma_wait3A_267, %dma_wait3A_268] : memref<327680x128xf32, #tpu.memory_space<hbm>> -> memref<80x128xf32, #tpu.memory_space<hbm>>
          tpu.wait_dma2 semaphore(%arg33 : memref<!tpu.dma_semaphore, #tpu.memory_space<semaphore_mem>>) src(%arg17 : memref<80x128xf32, #tpu.memory_space<vmem>>) dst(%dma_wait3A_269 : memref<80x128xf32, #tpu.memory_space<hbm>>)
        } else {
        }
        %add3A_244 = arith.constant 2 : i32
        %add3A_245 = arith.addi %add3A_90, %add3A_244 : i32
        %dma_start3A_246 = arith.constant 0 : i32
        %dma_start3A_247 = tpu.memref_slice %arg9[%add3A_245, %dma_start3A_246] : memref<128x80xi32, #tpu.memory_space<vmem>> -> memref<1x80xi32, #tpu.memory_space<vmem>>
        %dma_start3A_248 = tpu.memref_squeeze %dma_start3A_247 : memref<1x80xi32, #tpu.memory_space<vmem>> -> memref<80xi32, #tpu.memory_space<vmem>>
        %dma_start3A_249 = arith.constant 0 : i32
        %dma_start3A_250 = arith.constant 0 : i32
        %dma_start3A_251 = tpu.memref_slice %arg6[%dma_start3A_249, %dma_start3A_250] : memref<10240x128xf32, #tpu.memory_space<hbm>> -> memref<10240x128xf32, #tpu.memory_space<hbm>>
        tpu.enqueue_indirect_dma source(%dma_start3A_251 : memref<10240x128xf32, #tpu.memory_space<hbm>>) target(%arg13 : memref<80x128xf32, #tpu.memory_space<vmem>>) offsets(%dma_start3A_248 : memref<80xi32, #tpu.memory_space<vmem>>) semaphore(%arg21 : memref<!tpu.dma_semaphore, #tpu.memory_space<semaphore_mem>>)
        %dma_start3A_252 = arith.constant 0 : i32
        %dma_start3A_253 = tpu.memref_slice %arg10[%add3A_245, %dma_start3A_252] : memref<128x80xi32, #tpu.memory_space<vmem>> -> memref<1x80xi32, #tpu.memory_space<vmem>>
        %dma_start3A_254 = tpu.memref_squeeze %dma_start3A_253 : memref<1x80xi32, #tpu.memory_space<vmem>> -> memref<80xi32, #tpu.memory_space<vmem>>
        %dma_start3A_255 = arith.constant 0 : i32
        %dma_start3A_256 = arith.constant 0 : i32
        %dma_start3A_257 = tpu.memref_slice %arg6[%dma_start3A_255, %dma_start3A_256] : memref<10240x128xf32, #tpu.memory_space<hbm>> -> memref<10240x128xf32, #tpu.memory_space<hbm>>
        tpu.enqueue_indirect_dma source(%dma_start3A_257 : memref<10240x128xf32, #tpu.memory_space<hbm>>) target(%arg17 : memref<80x128xf32, #tpu.memory_space<vmem>>) offsets(%dma_start3A_254 : memref<80xi32, #tpu.memory_space<vmem>>) semaphore(%arg25 : memref<!tpu.dma_semaphore, #tpu.memory_space<semaphore_mem>>)
      } else {
      }
      %mul3A_125 = arith.constant 4 : i32
      %mul3A_126 = arith.muli %mul3A_125, %scan3A_86 : i32
      %add3A_127 = arith.constant 1 : i32
      %add3A_128 = arith.addi %mul3A_126, %add3A_127 : i32
      %dma_wait3A_129 = arith.constant 0 : i32
      %dma_wait3A_130 = arith.constant 0 : i32
      %dma_wait3A_131 = tpu.memref_slice %arg9[%dma_wait3A_129, %dma_wait3A_130] : memref<128x80xi32, #tpu.memory_space<vmem>> -> memref<1x80xi32, #tpu.memory_space<vmem>>
      %dma_wait3A_132 = tpu.memref_squeeze %dma_wait3A_131 : memref<1x80xi32, #tpu.memory_space<vmem>> -> memref<80xi32, #tpu.memory_space<vmem>>
      %dma_wait3A_133 = arith.constant 0 : i32
      %dma_wait3A_134 = arith.constant 0 : i32
      %dma_wait3A_135 = tpu.memref_slice %arg6[%dma_wait3A_133, %dma_wait3A_134] : memref<10240x128xf32, #tpu.memory_space<hbm>> -> memref<10240x128xf32, #tpu.memory_space<hbm>>
      tpu.wait_indirect_dma semaphore(%arg20 : memref<!tpu.dma_semaphore, #tpu.memory_space<semaphore_mem>>) src(%dma_wait3A_135 : memref<10240x128xf32, #tpu.memory_space<hbm>>) dst(%arg12 : memref<80x128xf32, #tpu.memory_space<vmem>>)
      %dma_wait3A_136 = arith.constant 0 : i32
      %dma_wait3A_137 = arith.constant 0 : i32
      %dma_wait3A_138 = tpu.memref_slice %arg10[%dma_wait3A_136, %dma_wait3A_137] : memref<128x80xi32, #tpu.memory_space<vmem>> -> memref<1x80xi32, #tpu.memory_space<vmem>>
      %dma_wait3A_139 = tpu.memref_squeeze %dma_wait3A_138 : memref<1x80xi32, #tpu.memory_space<vmem>> -> memref<80xi32, #tpu.memory_space<vmem>>
      %dma_wait3A_140 = arith.constant 0 : i32
      %dma_wait3A_141 = arith.constant 0 : i32
      %dma_wait3A_142 = tpu.memref_slice %arg6[%dma_wait3A_140, %dma_wait3A_141] : memref<10240x128xf32, #tpu.memory_space<hbm>> -> memref<10240x128xf32, #tpu.memory_space<hbm>>
      tpu.wait_indirect_dma semaphore(%arg24 : memref<!tpu.dma_semaphore, #tpu.memory_space<semaphore_mem>>) src(%dma_wait3A_142 : memref<10240x128xf32, #tpu.memory_space<hbm>>) dst(%arg16 : memref<80x128xf32, #tpu.memory_space<vmem>>)
      %mul3A_143 = arith.constant 128 : i32
      %mul3A_144 = arith.muli %add3A, %mul3A_143 : i32
      %add3A_145 = arith.addi %mul3A_144, %add3A_128 : i32
      %mul3A_146 = arith.constant 80 : i32
      %mul3A_147 = arith.muli %add3A_145, %mul3A_146 : i32
      %dma_start3A_148 = arith.constant 0 : i32
      %dma_start3A_149 = tpu.memref_slice %arg7[%mul3A_147, %dma_start3A_148] : memref<327680x128xf32, #tpu.memory_space<hbm>> -> memref<80x128xf32, #tpu.memory_space<hbm>>
      %dma_start3A_150 = arith.constant 0 : i32
      %dma_start3A_151 = tpu.memref_slice %arg7[%mul3A_147, %dma_start3A_150] : memref<327680x128xf32, #tpu.memory_space<hbm>> -> memref<80x128xf32, #tpu.memory_space<hbm>>
      tpu.enqueue_dma source(%arg12 : memref<80x128xf32, #tpu.memory_space<vmem>>) target(%dma_start3A_151 : memref<80x128xf32, #tpu.memory_space<hbm>>) target_semaphore(%arg28 : memref<!tpu.dma_semaphore, #tpu.memory_space<semaphore_mem>>)
      %dma_start3A_152 = arith.constant 0 : i32
      %dma_start3A_153 = tpu.memref_slice %arg8[%mul3A_147, %dma_start3A_152] : memref<327680x128xf32, #tpu.memory_space<hbm>> -> memref<80x128xf32, #tpu.memory_space<hbm>>
      %dma_start3A_154 = arith.constant 0 : i32
      %dma_start3A_155 = tpu.memref_slice %arg8[%mul3A_147, %dma_start3A_154] : memref<327680x128xf32, #tpu.memory_space<hbm>> -> memref<80x128xf32, #tpu.memory_space<hbm>>
      tpu.enqueue_dma source(%arg16 : memref<80x128xf32, #tpu.memory_space<vmem>>) target(%dma_start3A_155 : memref<80x128xf32, #tpu.memory_space<hbm>>) target_semaphore(%arg32 : memref<!tpu.dma_semaphore, #tpu.memory_space<semaphore_mem>>)
      %add3A_156 = arith.constant 2 : i32
      %add3A_157 = arith.addi %add3A_128, %add3A_156 : i32
      %lt3A_158 = arith.constant 128 : i32
      %lt3A_159 = arith.cmpi slt, %add3A_157, %lt3A_158 : i32
      %convert_element_type3A_160 = arith.extui %lt3A_159 : i1 to i32
      %cond3A_161 = arith.constant 0 : i32
      %cond3A_162 = arith.cmpi ne, %convert_element_type3A_160, %cond3A_161 : i32
      scf.if %cond3A_162 {
        %ge3A_239 = arith.constant 2 : i32
        %ge3A_240 = arith.cmpi sge, %add3A_128, %ge3A_239 : i32
        %convert_element_type3A_241 = arith.extui %ge3A_240 : i1 to i32
        %cond3A_242 = arith.constant 0 : i32
        %cond3A_243 = arith.cmpi ne, %convert_element_type3A_241, %cond3A_242 : i32
        scf.if %cond3A_243 {
          %dma_wait3A_258 = arith.constant 0 : i32
          %dma_wait3A_259 = arith.constant 0 : i32
          %dma_wait3A_260 = tpu.memref_slice %arg7[%dma_wait3A_258, %dma_wait3A_259] : memref<327680x128xf32, #tpu.memory_space<hbm>> -> memref<80x128xf32, #tpu.memory_space<hbm>>
          %dma_wait3A_261 = arith.constant 0 : i32
          %dma_wait3A_262 = arith.constant 0 : i32
          %dma_wait3A_263 = tpu.memref_slice %arg7[%dma_wait3A_261, %dma_wait3A_262] : memref<327680x128xf32, #tpu.memory_space<hbm>> -> memref<80x128xf32, #tpu.memory_space<hbm>>
          tpu.wait_dma2 semaphore(%arg30 : memref<!tpu.dma_semaphore, #tpu.memory_space<semaphore_mem>>) src(%arg14 : memref<80x128xf32, #tpu.memory_space<vmem>>) dst(%dma_wait3A_263 : memref<80x128xf32, #tpu.memory_space<hbm>>)
          %dma_wait3A_264 = arith.constant 0 : i32
          %dma_wait3A_265 = arith.constant 0 : i32
          %dma_wait3A_266 = tpu.memref_slice %arg8[%dma_wait3A_264, %dma_wait3A_265] : memref<327680x128xf32, #tpu.memory_space<hbm>> -> memref<80x128xf32, #tpu.memory_space<hbm>>
          %dma_wait3A_267 = arith.constant 0 : i32
          %dma_wait3A_268 = arith.constant 0 : i32
          %dma_wait3A_269 = tpu.memref_slice %arg8[%dma_wait3A_267, %dma_wait3A_268] : memref<327680x128xf32, #tpu.memory_space<hbm>> -> memref<80x128xf32, #tpu.memory_space<hbm>>
          tpu.wait_dma2 semaphore(%arg34 : memref<!tpu.dma_semaphore, #tpu.memory_space<semaphore_mem>>) src(%arg18 : memref<80x128xf32, #tpu.memory_space<vmem>>) dst(%dma_wait3A_269 : memref<80x128xf32, #tpu.memory_space<hbm>>)
        } else {
        }
        %add3A_244 = arith.constant 2 : i32
        %add3A_245 = arith.addi %add3A_128, %add3A_244 : i32
        %dma_start3A_246 = arith.constant 0 : i32
        %dma_start3A_247 = tpu.memref_slice %arg9[%add3A_245, %dma_start3A_246] : memref<128x80xi32, #tpu.memory_space<vmem>> -> memref<1x80xi32, #tpu.memory_space<vmem>>
        %dma_start3A_248 = tpu.memref_squeeze %dma_start3A_247 : memref<1x80xi32, #tpu.memory_space<vmem>> -> memref<80xi32, #tpu.memory_space<vmem>>
        %dma_start3A_249 = arith.constant 0 : i32
        %dma_start3A_250 = arith.constant 0 : i32
        %dma_start3A_251 = tpu.memref_slice %arg6[%dma_start3A_249, %dma_start3A_250] : memref<10240x128xf32, #tpu.memory_space<hbm>> -> memref<10240x128xf32, #tpu.memory_space<hbm>>
        tpu.enqueue_indirect_dma source(%dma_start3A_251 : memref<10240x128xf32, #tpu.memory_space<hbm>>) target(%arg14 : memref<80x128xf32, #tpu.memory_space<vmem>>) offsets(%dma_start3A_248 : memref<80xi32, #tpu.memory_space<vmem>>) semaphore(%arg22 : memref<!tpu.dma_semaphore, #tpu.memory_space<semaphore_mem>>)
        %dma_start3A_252 = arith.constant 0 : i32
        %dma_start3A_253 = tpu.memref_slice %arg10[%add3A_245, %dma_start3A_252] : memref<128x80xi32, #tpu.memory_space<vmem>> -> memref<1x80xi32, #tpu.memory_space<vmem>>
        %dma_start3A_254 = tpu.memref_squeeze %dma_start3A_253 : memref<1x80xi32, #tpu.memory_space<vmem>> -> memref<80xi32, #tpu.memory_space<vmem>>
        %dma_start3A_255 = arith.constant 0 : i32
        %dma_start3A_256 = arith.constant 0 : i32
        %dma_start3A_257 = tpu.memref_slice %arg6[%dma_start3A_255, %dma_start3A_256] : memref<10240x128xf32, #tpu.memory_space<hbm>> -> memref<10240x128xf32, #tpu.memory_space<hbm>>
        tpu.enqueue_indirect_dma source(%dma_start3A_257 : memref<10240x128xf32, #tpu.memory_space<hbm>>) target(%arg18 : memref<80x128xf32, #tpu.memory_space<vmem>>) offsets(%dma_start3A_254 : memref<80xi32, #tpu.memory_space<vmem>>) semaphore(%arg26 : memref<!tpu.dma_semaphore, #tpu.memory_space<semaphore_mem>>)
      } else {
      }
      %mul3A_163 = arith.constant 4 : i32
      %mul3A_164 = arith.muli %mul3A_163, %scan3A_86 : i32
      %add3A_165 = arith.constant 2 : i32
      %add3A_166 = arith.addi %mul3A_164, %add3A_165 : i32
      %dma_wait3A_167 = arith.constant 0 : i32
      %dma_wait3A_168 = arith.constant 0 : i32
      %dma_wait3A_169 = tpu.memref_slice %arg9[%dma_wait3A_167, %dma_wait3A_168] : memref<128x80xi32, #tpu.memory_space<vmem>> -> memref<1x80xi32, #tpu.memory_space<vmem>>
      %dma_wait3A_170 = tpu.memref_squeeze %dma_wait3A_169 : memref<1x80xi32, #tpu.memory_space<vmem>> -> memref<80xi32, #tpu.memory_space<vmem>>
      %dma_wait3A_171 = arith.constant 0 : i32
      %dma_wait3A_172 = arith.constant 0 : i32
      %dma_wait3A_173 = tpu.memref_slice %arg6[%dma_wait3A_171, %dma_wait3A_172] : memref<10240x128xf32, #tpu.memory_space<hbm>> -> memref<10240x128xf32, #tpu.memory_space<hbm>>
      tpu.wait_indirect_dma semaphore(%arg21 : memref<!tpu.dma_semaphore, #tpu.memory_space<semaphore_mem>>) src(%dma_wait3A_173 : memref<10240x128xf32, #tpu.memory_space<hbm>>) dst(%arg13 : memref<80x128xf32, #tpu.memory_space<vmem>>)
      %dma_wait3A_174 = arith.constant 0 : i32
      %dma_wait3A_175 = arith.constant 0 : i32
      %dma_wait3A_176 = tpu.memref_slice %arg10[%dma_wait3A_174, %dma_wait3A_175] : memref<128x80xi32, #tpu.memory_space<vmem>> -> memref<1x80xi32, #tpu.memory_space<vmem>>
      %dma_wait3A_177 = tpu.memref_squeeze %dma_wait3A_176 : memref<1x80xi32, #tpu.memory_space<vmem>> -> memref<80xi32, #tpu.memory_space<vmem>>
      %dma_wait3A_178 = arith.constant 0 : i32
      %dma_wait3A_179 = arith.constant 0 : i32
      %dma_wait3A_180 = tpu.memref_slice %arg6[%dma_wait3A_178, %dma_wait3A_179] : memref<10240x128xf32, #tpu.memory_space<hbm>> -> memref<10240x128xf32, #tpu.memory_space<hbm>>
      tpu.wait_indirect_dma semaphore(%arg25 : memref<!tpu.dma_semaphore, #tpu.memory_space<semaphore_mem>>) src(%dma_wait3A_180 : memref<10240x128xf32, #tpu.memory_space<hbm>>) dst(%arg17 : memref<80x128xf32, #tpu.memory_space<vmem>>)
      %mul3A_181 = arith.constant 128 : i32
      %mul3A_182 = arith.muli %add3A, %mul3A_181 : i32
      %add3A_183 = arith.addi %mul3A_182, %add3A_166 : i32
      %mul3A_184 = arith.constant 80 : i32
      %mul3A_185 = arith.muli %add3A_183, %mul3A_184 : i32
      %dma_start3A_186 = arith.constant 0 : i32
      %dma_start3A_187 = tpu.memref_slice %arg7[%mul3A_185, %dma_start3A_186] : memref<327680x128xf32, #tpu.memory_space<hbm>> -> memref<80x128xf32, #tpu.memory_space<hbm>>
      %dma_start3A_188 = arith.constant 0 : i32
      %dma_start3A_189 = tpu.memref_slice %arg7[%mul3A_185, %dma_start3A_188] : memref<327680x128xf32, #tpu.memory_space<hbm>> -> memref<80x128xf32, #tpu.memory_space<hbm>>
      tpu.enqueue_dma source(%arg13 : memref<80x128xf32, #tpu.memory_space<vmem>>) target(%dma_start3A_189 : memref<80x128xf32, #tpu.memory_space<hbm>>) target_semaphore(%arg29 : memref<!tpu.dma_semaphore, #tpu.memory_space<semaphore_mem>>)
      %dma_start3A_190 = arith.constant 0 : i32
      %dma_start3A_191 = tpu.memref_slice %arg8[%mul3A_185, %dma_start3A_190] : memref<327680x128xf32, #tpu.memory_space<hbm>> -> memref<80x128xf32, #tpu.memory_space<hbm>>
      %dma_start3A_192 = arith.constant 0 : i32
      %dma_start3A_193 = tpu.memref_slice %arg8[%mul3A_185, %dma_start3A_192] : memref<327680x128xf32, #tpu.memory_space<hbm>> -> memref<80x128xf32, #tpu.memory_space<hbm>>
      tpu.enqueue_dma source(%arg17 : memref<80x128xf32, #tpu.memory_space<vmem>>) target(%dma_start3A_193 : memref<80x128xf32, #tpu.memory_space<hbm>>) target_semaphore(%arg33 : memref<!tpu.dma_semaphore, #tpu.memory_space<semaphore_mem>>)
      %add3A_194 = arith.constant 2 : i32
      %add3A_195 = arith.addi %add3A_166, %add3A_194 : i32
      %lt3A_196 = arith.constant 128 : i32
      %lt3A_197 = arith.cmpi slt, %add3A_195, %lt3A_196 : i32
      %convert_element_type3A_198 = arith.extui %lt3A_197 : i1 to i32
      %cond3A_199 = arith.constant 0 : i32
      %cond3A_200 = arith.cmpi ne, %convert_element_type3A_198, %cond3A_199 : i32
      scf.if %cond3A_200 {
        %ge3A_239 = arith.constant 2 : i32
        %ge3A_240 = arith.cmpi sge, %add3A_166, %ge3A_239 : i32
        %convert_element_type3A_241 = arith.extui %ge3A_240 : i1 to i32
        %cond3A_242 = arith.constant 0 : i32
        %cond3A_243 = arith.cmpi ne, %convert_element_type3A_241, %cond3A_242 : i32
        scf.if %cond3A_243 {
          %dma_wait3A_258 = arith.constant 0 : i32
          %dma_wait3A_259 = arith.constant 0 : i32
          %dma_wait3A_260 = tpu.memref_slice %arg7[%dma_wait3A_258, %dma_wait3A_259] : memref<327680x128xf32, #tpu.memory_space<hbm>> -> memref<80x128xf32, #tpu.memory_space<hbm>>
          %dma_wait3A_261 = arith.constant 0 : i32
          %dma_wait3A_262 = arith.constant 0 : i32
          %dma_wait3A_263 = tpu.memref_slice %arg7[%dma_wait3A_261, %dma_wait3A_262] : memref<327680x128xf32, #tpu.memory_space<hbm>> -> memref<80x128xf32, #tpu.memory_space<hbm>>
          tpu.wait_dma2 semaphore(%arg27 : memref<!tpu.dma_semaphore, #tpu.memory_space<semaphore_mem>>) src(%arg11 : memref<80x128xf32, #tpu.memory_space<vmem>>) dst(%dma_wait3A_263 : memref<80x128xf32, #tpu.memory_space<hbm>>)
          %dma_wait3A_264 = arith.constant 0 : i32
          %dma_wait3A_265 = arith.constant 0 : i32
          %dma_wait3A_266 = tpu.memref_slice %arg8[%dma_wait3A_264, %dma_wait3A_265] : memref<327680x128xf32, #tpu.memory_space<hbm>> -> memref<80x128xf32, #tpu.memory_space<hbm>>
          %dma_wait3A_267 = arith.constant 0 : i32
          %dma_wait3A_268 = arith.constant 0 : i32
          %dma_wait3A_269 = tpu.memref_slice %arg8[%dma_wait3A_267, %dma_wait3A_268] : memref<327680x128xf32, #tpu.memory_space<hbm>> -> memref<80x128xf32, #tpu.memory_space<hbm>>
          tpu.wait_dma2 semaphore(%arg31 : memref<!tpu.dma_semaphore, #tpu.memory_space<semaphore_mem>>) src(%arg15 : memref<80x128xf32, #tpu.memory_space<vmem>>) dst(%dma_wait3A_269 : memref<80x128xf32, #tpu.memory_space<hbm>>)
        } else {
        }
        %add3A_244 = arith.constant 2 : i32
        %add3A_245 = arith.addi %add3A_166, %add3A_244 : i32
        %dma_start3A_246 = arith.constant 0 : i32
        %dma_start3A_247 = tpu.memref_slice %arg9[%add3A_245, %dma_start3A_246] : memref<128x80xi32, #tpu.memory_space<vmem>> -> memref<1x80xi32, #tpu.memory_space<vmem>>
        %dma_start3A_248 = tpu.memref_squeeze %dma_start3A_247 : memref<1x80xi32, #tpu.memory_space<vmem>> -> memref<80xi32, #tpu.memory_space<vmem>>
        %dma_start3A_249 = arith.constant 0 : i32
        %dma_start3A_250 = arith.constant 0 : i32
        %dma_start3A_251 = tpu.memref_slice %arg6[%dma_start3A_249, %dma_start3A_250] : memref<10240x128xf32, #tpu.memory_space<hbm>> -> memref<10240x128xf32, #tpu.memory_space<hbm>>
        tpu.enqueue_indirect_dma source(%dma_start3A_251 : memref<10240x128xf32, #tpu.memory_space<hbm>>) target(%arg11 : memref<80x128xf32, #tpu.memory_space<vmem>>) offsets(%dma_start3A_248 : memref<80xi32, #tpu.memory_space<vmem>>) semaphore(%arg19 : memref<!tpu.dma_semaphore, #tpu.memory_space<semaphore_mem>>)
        %dma_start3A_252 = arith.constant 0 : i32
        %dma_start3A_253 = tpu.memref_slice %arg10[%add3A_245, %dma_start3A_252] : memref<128x80xi32, #tpu.memory_space<vmem>> -> memref<1x80xi32, #tpu.memory_space<vmem>>
        %dma_start3A_254 = tpu.memref_squeeze %dma_start3A_253 : memref<1x80xi32, #tpu.memory_space<vmem>> -> memref<80xi32, #tpu.memory_space<vmem>>
        %dma_start3A_255 = arith.constant 0 : i32
        %dma_start3A_256 = arith.constant 0 : i32
        %dma_start3A_257 = tpu.memref_slice %arg6[%dma_start3A_255, %dma_start3A_256] : memref<10240x128xf32, #tpu.memory_space<hbm>> -> memref<10240x128xf32, #tpu.memory_space<hbm>>
        tpu.enqueue_indirect_dma source(%dma_start3A_257 : memref<10240x128xf32, #tpu.memory_space<hbm>>) target(%arg15 : memref<80x128xf32, #tpu.memory_space<vmem>>) offsets(%dma_start3A_254 : memref<80xi32, #tpu.memory_space<vmem>>) semaphore(%arg23 : memref<!tpu.dma_semaphore, #tpu.memory_space<semaphore_mem>>)
      } else {
      }
      %mul3A_201 = arith.constant 4 : i32
      %mul3A_202 = arith.muli %mul3A_201, %scan3A_86 : i32
      %add3A_203 = arith.constant 3 : i32
      %add3A_204 = arith.addi %mul3A_202, %add3A_203 : i32
      %dma_wait3A_205 = arith.constant 0 : i32
      %dma_wait3A_206 = arith.constant 0 : i32
      %dma_wait3A_207 = tpu.memref_slice %arg9[%dma_wait3A_205, %dma_wait3A_206] : memref<128x80xi32, #tpu.memory_space<vmem>> -> memref<1x80xi32, #tpu.memory_space<vmem>>
      %dma_wait3A_208 = tpu.memref_squeeze %dma_wait3A_207 : memref<1x80xi32, #tpu.memory_space<vmem>> -> memref<80xi32, #tpu.memory_space<vmem>>
      %dma_wait3A_209 = arith.constant 0 : i32
      %dma_wait3A_210 = arith.constant 0 : i32
      %dma_wait3A_211 = tpu.memref_slice %arg6[%dma_wait3A_209, %dma_wait3A_210] : memref<10240x128xf32, #tpu.memory_space<hbm>> -> memref<10240x128xf32, #tpu.memory_space<hbm>>
      tpu.wait_indirect_dma semaphore(%arg22 : memref<!tpu.dma_semaphore, #tpu.memory_space<semaphore_mem>>) src(%dma_wait3A_211 : memref<10240x128xf32, #tpu.memory_space<hbm>>) dst(%arg14 : memref<80x128xf32, #tpu.memory_space<vmem>>)
      %dma_wait3A_212 = arith.constant 0 : i32
      %dma_wait3A_213 = arith.constant 0 : i32
      %dma_wait3A_214 = tpu.memref_slice %arg10[%dma_wait3A_212, %dma_wait3A_213] : memref<128x80xi32, #tpu.memory_space<vmem>> -> memref<1x80xi32, #tpu.memory_space<vmem>>
      %dma_wait3A_215 = tpu.memref_squeeze %dma_wait3A_214 : memref<1x80xi32, #tpu.memory_space<vmem>> -> memref<80xi32, #tpu.memory_space<vmem>>
      %dma_wait3A_216 = arith.constant 0 : i32
      %dma_wait3A_217 = arith.constant 0 : i32
      %dma_wait3A_218 = tpu.memref_slice %arg6[%dma_wait3A_216, %dma_wait3A_217] : memref<10240x128xf32, #tpu.memory_space<hbm>> -> memref<10240x128xf32, #tpu.memory_space<hbm>>
      tpu.wait_indirect_dma semaphore(%arg26 : memref<!tpu.dma_semaphore, #tpu.memory_space<semaphore_mem>>) src(%dma_wait3A_218 : memref<10240x128xf32, #tpu.memory_space<hbm>>) dst(%arg18 : memref<80x128xf32, #tpu.memory_space<vmem>>)
      %mul3A_219 = arith.constant 128 : i32
      %mul3A_220 = arith.muli %add3A, %mul3A_219 : i32
      %add3A_221 = arith.addi %mul3A_220, %add3A_204 : i32
      %mul3A_222 = arith.constant 80 : i32
      %mul3A_223 = arith.muli %add3A_221, %mul3A_222 : i32
      %dma_start3A_224 = arith.constant 0 : i32
      %dma_start3A_225 = tpu.memref_slice %arg7[%mul3A_223, %dma_start3A_224] : memref<327680x128xf32, #tpu.memory_space<hbm>> -> memref<80x128xf32, #tpu.memory_space<hbm>>
      %dma_start3A_226 = arith.constant 0 : i32
      %dma_start3A_227 = tpu.memref_slice %arg7[%mul3A_223, %dma_start3A_226] : memref<327680x128xf32, #tpu.memory_space<hbm>> -> memref<80x128xf32, #tpu.memory_space<hbm>>
      tpu.enqueue_dma source(%arg14 : memref<80x128xf32, #tpu.memory_space<vmem>>) target(%dma_start3A_227 : memref<80x128xf32, #tpu.memory_space<hbm>>) target_semaphore(%arg30 : memref<!tpu.dma_semaphore, #tpu.memory_space<semaphore_mem>>)
      %dma_start3A_228 = arith.constant 0 : i32
      %dma_start3A_229 = tpu.memref_slice %arg8[%mul3A_223, %dma_start3A_228] : memref<327680x128xf32, #tpu.memory_space<hbm>> -> memref<80x128xf32, #tpu.memory_space<hbm>>
      %dma_start3A_230 = arith.constant 0 : i32
      %dma_start3A_231 = tpu.memref_slice %arg8[%mul3A_223, %dma_start3A_230] : memref<327680x128xf32, #tpu.memory_space<hbm>> -> memref<80x128xf32, #tpu.memory_space<hbm>>
      tpu.enqueue_dma source(%arg18 : memref<80x128xf32, #tpu.memory_space<vmem>>) target(%dma_start3A_231 : memref<80x128xf32, #tpu.memory_space<hbm>>) target_semaphore(%arg34 : memref<!tpu.dma_semaphore, #tpu.memory_space<semaphore_mem>>)
      %add3A_232 = arith.constant 2 : i32
      %add3A_233 = arith.addi %add3A_204, %add3A_232 : i32
      %lt3A_234 = arith.constant 128 : i32
      %lt3A_235 = arith.cmpi slt, %add3A_233, %lt3A_234 : i32
      %convert_element_type3A_236 = arith.extui %lt3A_235 : i1 to i32
      %cond3A_237 = arith.constant 0 : i32
      %cond3A_238 = arith.cmpi ne, %convert_element_type3A_236, %cond3A_237 : i32
      scf.if %cond3A_238 {
        %ge3A_239 = arith.constant 2 : i32
        %ge3A_240 = arith.cmpi sge, %add3A_204, %ge3A_239 : i32
        %convert_element_type3A_241 = arith.extui %ge3A_240 : i1 to i32
        %cond3A_242 = arith.constant 0 : i32
        %cond3A_243 = arith.cmpi ne, %convert_element_type3A_241, %cond3A_242 : i32
        scf.if %cond3A_243 {
          %dma_wait3A_258 = arith.constant 0 : i32
          %dma_wait3A_259 = arith.constant 0 : i32
          %dma_wait3A_260 = tpu.memref_slice %arg7[%dma_wait3A_258, %dma_wait3A_259] : memref<327680x128xf32, #tpu.memory_space<hbm>> -> memref<80x128xf32, #tpu.memory_space<hbm>>
          %dma_wait3A_261 = arith.constant 0 : i32
          %dma_wait3A_262 = arith.constant 0 : i32
          %dma_wait3A_263 = tpu.memref_slice %arg7[%dma_wait3A_261, %dma_wait3A_262] : memref<327680x128xf32, #tpu.memory_space<hbm>> -> memref<80x128xf32, #tpu.memory_space<hbm>>
          tpu.wait_dma2 semaphore(%arg28 : memref<!tpu.dma_semaphore, #tpu.memory_space<semaphore_mem>>) src(%arg12 : memref<80x128xf32, #tpu.memory_space<vmem>>) dst(%dma_wait3A_263 : memref<80x128xf32, #tpu.memory_space<hbm>>)
          %dma_wait3A_264 = arith.constant 0 : i32
          %dma_wait3A_265 = arith.constant 0 : i32
          %dma_wait3A_266 = tpu.memref_slice %arg8[%dma_wait3A_264, %dma_wait3A_265] : memref<327680x128xf32, #tpu.memory_space<hbm>> -> memref<80x128xf32, #tpu.memory_space<hbm>>
          %dma_wait3A_267 = arith.constant 0 : i32
          %dma_wait3A_268 = arith.constant 0 : i32
          %dma_wait3A_269 = tpu.memref_slice %arg8[%dma_wait3A_267, %dma_wait3A_268] : memref<327680x128xf32, #tpu.memory_space<hbm>> -> memref<80x128xf32, #tpu.memory_space<hbm>>
          tpu.wait_dma2 semaphore(%arg32 : memref<!tpu.dma_semaphore, #tpu.memory_space<semaphore_mem>>) src(%arg16 : memref<80x128xf32, #tpu.memory_space<vmem>>) dst(%dma_wait3A_269 : memref<80x128xf32, #tpu.memory_space<hbm>>)
        } else {
        }
        %add3A_244 = arith.constant 2 : i32
        %add3A_245 = arith.addi %add3A_204, %add3A_244 : i32
        %dma_start3A_246 = arith.constant 0 : i32
        %dma_start3A_247 = tpu.memref_slice %arg9[%add3A_245, %dma_start3A_246] : memref<128x80xi32, #tpu.memory_space<vmem>> -> memref<1x80xi32, #tpu.memory_space<vmem>>
        %dma_start3A_248 = tpu.memref_squeeze %dma_start3A_247 : memref<1x80xi32, #tpu.memory_space<vmem>> -> memref<80xi32, #tpu.memory_space<vmem>>
        %dma_start3A_249 = arith.constant 0 : i32
        %dma_start3A_250 = arith.constant 0 : i32
        %dma_start3A_251 = tpu.memref_slice %arg6[%dma_start3A_249, %dma_start3A_250] : memref<10240x128xf32, #tpu.memory_space<hbm>> -> memref<10240x128xf32, #tpu.memory_space<hbm>>
        tpu.enqueue_indirect_dma source(%dma_start3A_251 : memref<10240x128xf32, #tpu.memory_space<hbm>>) target(%arg12 : memref<80x128xf32, #tpu.memory_space<vmem>>) offsets(%dma_start3A_248 : memref<80xi32, #tpu.memory_space<vmem>>) semaphore(%arg20 : memref<!tpu.dma_semaphore, #tpu.memory_space<semaphore_mem>>)
        %dma_start3A_252 = arith.constant 0 : i32
        %dma_start3A_253 = tpu.memref_slice %arg10[%add3A_245, %dma_start3A_252] : memref<128x80xi32, #tpu.memory_space<vmem>> -> memref<1x80xi32, #tpu.memory_space<vmem>>
        %dma_start3A_254 = tpu.memref_squeeze %dma_start3A_253 : memref<1x80xi32, #tpu.memory_space<vmem>> -> memref<80xi32, #tpu.memory_space<vmem>>
        %dma_start3A_255 = arith.constant 0 : i32
        %dma_start3A_256 = arith.constant 0 : i32
        %dma_start3A_257 = tpu.memref_slice %arg6[%dma_start3A_255, %dma_start3A_256] : memref<10240x128xf32, #tpu.memory_space<hbm>> -> memref<10240x128xf32, #tpu.memory_space<hbm>>
        tpu.enqueue_indirect_dma source(%dma_start3A_257 : memref<10240x128xf32, #tpu.memory_space<hbm>>) target(%arg16 : memref<80x128xf32, #tpu.memory_space<vmem>>) offsets(%dma_start3A_254 : memref<80xi32, #tpu.memory_space<vmem>>) semaphore(%arg24 : memref<!tpu.dma_semaphore, #tpu.memory_space<semaphore_mem>>)
      } else {
      }
    }
    %scan3A_38 = arith.constant 32 : i32
    %dma_wait3A = arith.constant 0 : i32
    %dma_wait3A_39 = arith.constant 0 : i32
    %dma_wait3A_40 = tpu.memref_slice %arg7[%dma_wait3A, %dma_wait3A_39] : memref<327680x128xf32, #tpu.memory_space<hbm>> -> memref<80x128xf32, #tpu.memory_space<hbm>>
    %dma_wait3A_41 = arith.constant 0 : i32
    %dma_wait3A_42 = arith.constant 0 : i32
    %dma_wait3A_43 = tpu.memref_slice %arg7[%dma_wait3A_41, %dma_wait3A_42] : memref<327680x128xf32, #tpu.memory_space<hbm>> -> memref<80x128xf32, #tpu.memory_space<hbm>>
    tpu.wait_dma2 semaphore(%arg27 : memref<!tpu.dma_semaphore, #tpu.memory_space<semaphore_mem>>) src(%arg11 : memref<80x128xf32, #tpu.memory_space<vmem>>) dst(%dma_wait3A_43 : memref<80x128xf32, #tpu.memory_space<hbm>>)
    %dma_wait3A_44 = arith.constant 0 : i32
    %dma_wait3A_45 = arith.constant 0 : i32
    %dma_wait3A_46 = tpu.memref_slice %arg8[%dma_wait3A_44, %dma_wait3A_45] : memref<327680x128xf32, #tpu.memory_space<hbm>> -> memref<80x128xf32, #tpu.memory_space<hbm>>
    %dma_wait3A_47 = arith.constant 0 : i32
    %dma_wait3A_48 = arith.constant 0 : i32
    %dma_wait3A_49 = tpu.memref_slice %arg8[%dma_wait3A_47, %dma_wait3A_48] : memref<327680x128xf32, #tpu.memory_space<hbm>> -> memref<80x128xf32, #tpu.memory_space<hbm>>
    tpu.wait_dma2 semaphore(%arg31 : memref<!tpu.dma_semaphore, #tpu.memory_space<semaphore_mem>>) src(%arg15 : memref<80x128xf32, #tpu.memory_space<vmem>>) dst(%dma_wait3A_49 : memref<80x128xf32, #tpu.memory_space<hbm>>)
    %dma_wait3A_50 = arith.constant 0 : i32
    %dma_wait3A_51 = arith.constant 0 : i32
    %dma_wait3A_52 = tpu.memref_slice %arg7[%dma_wait3A_50, %dma_wait3A_51] : memref<327680x128xf32, #tpu.memory_space<hbm>> -> memref<80x128xf32, #tpu.memory_space<hbm>>
    %dma_wait3A_53 = arith.constant 0 : i32
    %dma_wait3A_54 = arith.constant 0 : i32
    %dma_wait3A_55 = tpu.memref_slice %arg7[%dma_wait3A_53, %dma_wait3A_54] : memref<327680x128xf32, #tpu.memory_space<hbm>> -> memref<80x128xf32, #tpu.memory_space<hbm>>
    tpu.wait_dma2 semaphore(%arg28 : memref<!tpu.dma_semaphore, #tpu.memory_space<semaphore_mem>>) src(%arg12 : memref<80x128xf32, #tpu.memory_space<vmem>>) dst(%dma_wait3A_55 : memref<80x128xf32, #tpu.memory_space<hbm>>)
    %dma_wait3A_56 = arith.constant 0 : i32
    %dma_wait3A_57 = arith.constant 0 : i32
    %dma_wait3A_58 = tpu.memref_slice %arg8[%dma_wait3A_56, %dma_wait3A_57] : memref<327680x128xf32, #tpu.memory_space<hbm>> -> memref<80x128xf32, #tpu.memory_space<hbm>>
    %dma_wait3A_59 = arith.constant 0 : i32
    %dma_wait3A_60 = arith.constant 0 : i32
    %dma_wait3A_61 = tpu.memref_slice %arg8[%dma_wait3A_59, %dma_wait3A_60] : memref<327680x128xf32, #tpu.memory_space<hbm>> -> memref<80x128xf32, #tpu.memory_space<hbm>>
    tpu.wait_dma2 semaphore(%arg32 : memref<!tpu.dma_semaphore, #tpu.memory_space<semaphore_mem>>) src(%arg16 : memref<80x128xf32, #tpu.memory_space<vmem>>) dst(%dma_wait3A_61 : memref<80x128xf32, #tpu.memory_space<hbm>>)
    %dma_wait3A_62 = arith.constant 0 : i32
    %dma_wait3A_63 = arith.constant 0 : i32
    %dma_wait3A_64 = tpu.memref_slice %arg7[%dma_wait3A_62, %dma_wait3A_63] : memref<327680x128xf32, #tpu.memory_space<hbm>> -> memref<80x128xf32, #tpu.memory_space<hbm>>
    %dma_wait3A_65 = arith.constant 0 : i32
    %dma_wait3A_66 = arith.constant 0 : i32
    %dma_wait3A_67 = tpu.memref_slice %arg7[%dma_wait3A_65, %dma_wait3A_66] : memref<327680x128xf32, #tpu.memory_space<hbm>> -> memref<80x128xf32, #tpu.memory_space<hbm>>
    tpu.wait_dma2 semaphore(%arg29 : memref<!tpu.dma_semaphore, #tpu.memory_space<semaphore_mem>>) src(%arg13 : memref<80x128xf32, #tpu.memory_space<vmem>>) dst(%dma_wait3A_67 : memref<80x128xf32, #tpu.memory_space<hbm>>)
    %dma_wait3A_68 = arith.constant 0 : i32
    %dma_wait3A_69 = arith.constant 0 : i32
    %dma_wait3A_70 = tpu.memref_slice %arg8[%dma_wait3A_68, %dma_wait3A_69] : memref<327680x128xf32, #tpu.memory_space<hbm>> -> memref<80x128xf32, #tpu.memory_space<hbm>>
    %dma_wait3A_71 = arith.constant 0 : i32
    %dma_wait3A_72 = arith.constant 0 : i32
    %dma_wait3A_73 = tpu.memref_slice %arg8[%dma_wait3A_71, %dma_wait3A_72] : memref<327680x128xf32, #tpu.memory_space<hbm>> -> memref<80x128xf32, #tpu.memory_space<hbm>>
    tpu.wait_dma2 semaphore(%arg33 : memref<!tpu.dma_semaphore, #tpu.memory_space<semaphore_mem>>) src(%arg17 : memref<80x128xf32, #tpu.memory_space<vmem>>) dst(%dma_wait3A_73 : memref<80x128xf32, #tpu.memory_space<hbm>>)
    %dma_wait3A_74 = arith.constant 0 : i32
    %dma_wait3A_75 = arith.constant 0 : i32
    %dma_wait3A_76 = tpu.memref_slice %arg7[%dma_wait3A_74, %dma_wait3A_75] : memref<327680x128xf32, #tpu.memory_space<hbm>> -> memref<80x128xf32, #tpu.memory_space<hbm>>
    %dma_wait3A_77 = arith.constant 0 : i32
    %dma_wait3A_78 = arith.constant 0 : i32
    %dma_wait3A_79 = tpu.memref_slice %arg7[%dma_wait3A_77, %dma_wait3A_78] : memref<327680x128xf32, #tpu.memory_space<hbm>> -> memref<80x128xf32, #tpu.memory_space<hbm>>
    tpu.wait_dma2 semaphore(%arg30 : memref<!tpu.dma_semaphore, #tpu.memory_space<semaphore_mem>>) src(%arg14 : memref<80x128xf32, #tpu.memory_space<vmem>>) dst(%dma_wait3A_79 : memref<80x128xf32, #tpu.memory_space<hbm>>)
    %dma_wait3A_80 = arith.constant 0 : i32
    %dma_wait3A_81 = arith.constant 0 : i32
    %dma_wait3A_82 = tpu.memref_slice %arg8[%dma_wait3A_80, %dma_wait3A_81] : memref<327680x128xf32, #tpu.memory_space<hbm>> -> memref<80x128xf32, #tpu.memory_space<hbm>>
    %dma_wait3A_83 = arith.constant 0 : i32
    %dma_wait3A_84 = arith.constant 0 : i32
    %dma_wait3A_85 = tpu.memref_slice %arg8[%dma_wait3A_83, %dma_wait3A_84] : memref<327680x128xf32, #tpu.memory_space<hbm>> -> memref<80x128xf32, #tpu.memory_space<hbm>>
    tpu.wait_dma2 semaphore(%arg34 : memref<!tpu.dma_semaphore, #tpu.memory_space<semaphore_mem>>) src(%arg18 : memref<80x128xf32, #tpu.memory_space<vmem>>) dst(%dma_wait3A_85 : memref<80x128xf32, #tpu.memory_space<hbm>>)
    return
  }
}

#map = affine_map<(d0, d1) -> (0, 0)>
#map1 = affine_map<(d0, d1) -> (0, 0, 0)>
module attributes {stable_mosaic.version = 14 : i64} {
  func.func @_sc_degrees(%arg0: i32, %arg1: i32, %arg2: memref<5120x64xi32, #tpu.memory_space<hbm>>, %arg3: memref<5120x64xi32, #tpu.memory_space<hbm>>, %arg4: memref<32x80x128xf32, #tpu.memory_space<hbm>>, %arg5: memref<32x80x128xf32, #tpu.memory_space<hbm>>, %arg6: memref<80x128xf32, #tpu.memory_space<vmem>>, %arg7: memref<80x128xf32, #tpu.memory_space<vmem>>, %arg8: memref<160x64xi32, #tpu.memory_space<vmem>>, %arg9: memref<160x64xi32, #tpu.memory_space<vmem>>) attributes {dimension_semantics = [#tpu.dimension_semantics<core_parallel>, #tpu.dimension_semantics<subcore_parallel>], iteration_bounds = array<i64: 2, 16>, scalar_prefetch = 0 : i64, scratch_operands = 4 : i64, tpu.core_type = #tpu.core_type<sc_vector_subcore>, window_params = [{transform_indices = #map}, {transform_indices = #map}, {transform_indices = #map1}, {transform_indices = #map1}]} {
    %mul3A = arith.constant 16 : i32
    %mul3A_0 = arith.muli %arg0, %mul3A : i32
    %add3A = arith.addi %mul3A_0, %arg1 : i32
    %broadcast_in_dim3A = arith.constant 0.000000e+00 : f32
    %broadcast_in_dim3A_1 = vector.broadcast %broadcast_in_dim3A : f32 to vector<16xf32>
    %scan3A = arith.constant 0 : i32
    %scan3A_2 = arith.constant 0 : i32
    %scan3A_3 = arith.constant 80 : i32
    %scan3A_4 = arith.addi %scan3A_2, %scan3A_3 : i32
    %scan3A_5 = arith.constant 1 : i32
    scf.for %scan3A_19 = %scan3A_2 to %scan3A_4 step %scan3A_5  : i32 {
      %swap3A = arith.index_cast %scan3A_19 : i32 to index
      %swap3A_20 = arith.constant 0 : index
      %swap3A_21 = tpu.vector_load %arg6[%swap3A, %swap3A_20] {strides = array<i32>} : memref<80x128xf32, #tpu.memory_space<vmem>>, vector<16xf32>,
      tpu.vector_store %arg6[%swap3A, %swap3A_20], %broadcast_in_dim3A_1 {strides = array<i32>} : memref<80x128xf32, #tpu.memory_space<vmem>>, vector<16xf32>,
      %swap3A_22 = arith.index_cast %scan3A_19 : i32 to index
      %swap3A_23 = arith.constant 0 : index
      %swap3A_24 = tpu.vector_load %arg7[%swap3A_22, %swap3A_23] {strides = array<i32>} : memref<80x128xf32, #tpu.memory_space<vmem>>, vector<16xf32>,
      tpu.vector_store %arg7[%swap3A_22, %swap3A_23], %broadcast_in_dim3A_1 {strides = array<i32>} : memref<80x128xf32, #tpu.memory_space<vmem>>, vector<16xf32>,
      %swap3A_25 = arith.index_cast %scan3A_19 : i32 to index
      %swap3A_26 = arith.constant 16 : index
      %swap3A_27 = tpu.vector_load %arg6[%swap3A_25, %swap3A_26] {strides = array<i32>} : memref<80x128xf32, #tpu.memory_space<vmem>>, vector<16xf32>,
      tpu.vector_store %arg6[%swap3A_25, %swap3A_26], %broadcast_in_dim3A_1 {strides = array<i32>} : memref<80x128xf32, #tpu.memory_space<vmem>>, vector<16xf32>,
      %swap3A_28 = arith.index_cast %scan3A_19 : i32 to index
      %swap3A_29 = arith.constant 16 : index
      %swap3A_30 = tpu.vector_load %arg7[%swap3A_28, %swap3A_29] {strides = array<i32>} : memref<80x128xf32, #tpu.memory_space<vmem>>, vector<16xf32>,
      tpu.vector_store %arg7[%swap3A_28, %swap3A_29], %broadcast_in_dim3A_1 {strides = array<i32>} : memref<80x128xf32, #tpu.memory_space<vmem>>, vector<16xf32>,
      %swap3A_31 = arith.index_cast %scan3A_19 : i32 to index
      %swap3A_32 = arith.constant 32 : index
      %swap3A_33 = tpu.vector_load %arg6[%swap3A_31, %swap3A_32] {strides = array<i32>} : memref<80x128xf32, #tpu.memory_space<vmem>>, vector<16xf32>,
      tpu.vector_store %arg6[%swap3A_31, %swap3A_32], %broadcast_in_dim3A_1 {strides = array<i32>} : memref<80x128xf32, #tpu.memory_space<vmem>>, vector<16xf32>,
      %swap3A_34 = arith.index_cast %scan3A_19 : i32 to index
      %swap3A_35 = arith.constant 32 : index
      %swap3A_36 = tpu.vector_load %arg7[%swap3A_34, %swap3A_35] {strides = array<i32>} : memref<80x128xf32, #tpu.memory_space<vmem>>, vector<16xf32>,
      tpu.vector_store %arg7[%swap3A_34, %swap3A_35], %broadcast_in_dim3A_1 {strides = array<i32>} : memref<80x128xf32, #tpu.memory_space<vmem>>, vector<16xf32>,
      %swap3A_37 = arith.index_cast %scan3A_19 : i32 to index
      %swap3A_38 = arith.constant 48 : index
      %swap3A_39 = tpu.vector_load %arg6[%swap3A_37, %swap3A_38] {strides = array<i32>} : memref<80x128xf32, #tpu.memory_space<vmem>>, vector<16xf32>,
      tpu.vector_store %arg6[%swap3A_37, %swap3A_38], %broadcast_in_dim3A_1 {strides = array<i32>} : memref<80x128xf32, #tpu.memory_space<vmem>>, vector<16xf32>,
      %swap3A_40 = arith.index_cast %scan3A_19 : i32 to index
      %swap3A_41 = arith.constant 48 : index
      %swap3A_42 = tpu.vector_load %arg7[%swap3A_40, %swap3A_41] {strides = array<i32>} : memref<80x128xf32, #tpu.memory_space<vmem>>, vector<16xf32>,
      tpu.vector_store %arg7[%swap3A_40, %swap3A_41], %broadcast_in_dim3A_1 {strides = array<i32>} : memref<80x128xf32, #tpu.memory_space<vmem>>, vector<16xf32>,
      %swap3A_43 = arith.index_cast %scan3A_19 : i32 to index
      %swap3A_44 = arith.constant 64 : index
      %swap3A_45 = tpu.vector_load %arg6[%swap3A_43, %swap3A_44] {strides = array<i32>} : memref<80x128xf32, #tpu.memory_space<vmem>>, vector<16xf32>,
      tpu.vector_store %arg6[%swap3A_43, %swap3A_44], %broadcast_in_dim3A_1 {strides = array<i32>} : memref<80x128xf32, #tpu.memory_space<vmem>>, vector<16xf32>,
      %swap3A_46 = arith.index_cast %scan3A_19 : i32 to index
      %swap3A_47 = arith.constant 64 : index
      %swap3A_48 = tpu.vector_load %arg7[%swap3A_46, %swap3A_47] {strides = array<i32>} : memref<80x128xf32, #tpu.memory_space<vmem>>, vector<16xf32>,
      tpu.vector_store %arg7[%swap3A_46, %swap3A_47], %broadcast_in_dim3A_1 {strides = array<i32>} : memref<80x128xf32, #tpu.memory_space<vmem>>, vector<16xf32>,
      %swap3A_49 = arith.index_cast %scan3A_19 : i32 to index
      %swap3A_50 = arith.constant 80 : index
      %swap3A_51 = tpu.vector_load %arg6[%swap3A_49, %swap3A_50] {strides = array<i32>} : memref<80x128xf32, #tpu.memory_space<vmem>>, vector<16xf32>,
      tpu.vector_store %arg6[%swap3A_49, %swap3A_50], %broadcast_in_dim3A_1 {strides = array<i32>} : memref<80x128xf32, #tpu.memory_space<vmem>>, vector<16xf32>,
      %swap3A_52 = arith.index_cast %scan3A_19 : i32 to index
      %swap3A_53 = arith.constant 80 : index
      %swap3A_54 = tpu.vector_load %arg7[%swap3A_52, %swap3A_53] {strides = array<i32>} : memref<80x128xf32, #tpu.memory_space<vmem>>, vector<16xf32>,
      tpu.vector_store %arg7[%swap3A_52, %swap3A_53], %broadcast_in_dim3A_1 {strides = array<i32>} : memref<80x128xf32, #tpu.memory_space<vmem>>, vector<16xf32>,
      %swap3A_55 = arith.index_cast %scan3A_19 : i32 to index
      %swap3A_56 = arith.constant 96 : index
      %swap3A_57 = tpu.vector_load %arg6[%swap3A_55, %swap3A_56] {strides = array<i32>} : memref<80x128xf32, #tpu.memory_space<vmem>>, vector<16xf32>,
      tpu.vector_store %arg6[%swap3A_55, %swap3A_56], %broadcast_in_dim3A_1 {strides = array<i32>} : memref<80x128xf32, #tpu.memory_space<vmem>>, vector<16xf32>,
      %swap3A_58 = arith.index_cast %scan3A_19 : i32 to index
      %swap3A_59 = arith.constant 96 : index
      %swap3A_60 = tpu.vector_load %arg7[%swap3A_58, %swap3A_59] {strides = array<i32>} : memref<80x128xf32, #tpu.memory_space<vmem>>, vector<16xf32>,
      tpu.vector_store %arg7[%swap3A_58, %swap3A_59], %broadcast_in_dim3A_1 {strides = array<i32>} : memref<80x128xf32, #tpu.memory_space<vmem>>, vector<16xf32>,
      %swap3A_61 = arith.index_cast %scan3A_19 : i32 to index
      %swap3A_62 = arith.constant 112 : index
      %swap3A_63 = tpu.vector_load %arg6[%swap3A_61, %swap3A_62] {strides = array<i32>} : memref<80x128xf32, #tpu.memory_space<vmem>>, vector<16xf32>,
      tpu.vector_store %arg6[%swap3A_61, %swap3A_62], %broadcast_in_dim3A_1 {strides = array<i32>} : memref<80x128xf32, #tpu.memory_space<vmem>>, vector<16xf32>,
      %swap3A_64 = arith.index_cast %scan3A_19 : i32 to index
      %swap3A_65 = arith.constant 112 : index
      %swap3A_66 = tpu.vector_load %arg7[%swap3A_64, %swap3A_65] {strides = array<i32>} : memref<80x128xf32, #tpu.memory_space<vmem>>, vector<16xf32>,
      tpu.vector_store %arg7[%swap3A_64, %swap3A_65], %broadcast_in_dim3A_1 {strides = array<i32>} : memref<80x128xf32, #tpu.memory_space<vmem>>, vector<16xf32>,
    }
    %scan3A_6 = arith.constant 80 : i32
    %mul3A_7 = arith.constant 160 : i32
    %mul3A_8 = arith.muli %add3A, %mul3A_7 : i32
    "tpu.region"() ({
      %run_scoped3A = tpu.sem_alloc : memref<!tpu.dma_semaphore, #tpu.memory_space<semaphore_mem>>
      %dma_start3A = arith.constant 0 : i32
      %dma_start3A_19 = tpu.memref_slice %arg2[%mul3A_8, %dma_start3A] : memref<5120x64xi32, #tpu.memory_space<hbm>> -> memref<160x64xi32, #tpu.memory_space<hbm>>
      %dma_start3A_20 = arith.constant 0 : i32
      %dma_start3A_21 = tpu.memref_slice %arg2[%mul3A_8, %dma_start3A_20] : memref<5120x64xi32, #tpu.memory_space<hbm>> -> memref<160x64xi32, #tpu.memory_space<hbm>>
      tpu.enqueue_dma source(%dma_start3A_21 : memref<160x64xi32, #tpu.memory_space<hbm>>) target(%arg8 : memref<160x64xi32, #tpu.memory_space<vmem>>) target_semaphore(%run_scoped3A : memref<!tpu.dma_semaphore, #tpu.memory_space<semaphore_mem>>)
      %dma_wait3A = arith.constant 0 : i32
      %dma_wait3A_22 = tpu.memref_slice %arg2[%mul3A_8, %dma_wait3A] : memref<5120x64xi32, #tpu.memory_space<hbm>> -> memref<160x64xi32, #tpu.memory_space<hbm>>
      %dma_wait3A_23 = arith.constant 0 : i32
      %dma_wait3A_24 = tpu.memref_slice %arg2[%mul3A_8, %dma_wait3A_23] : memref<5120x64xi32, #tpu.memory_space<hbm>> -> memref<160x64xi32, #tpu.memory_space<hbm>>
      tpu.wait_dma2 semaphore(%run_scoped3A : memref<!tpu.dma_semaphore, #tpu.memory_space<semaphore_mem>>) src(%dma_wait3A_24 : memref<160x64xi32, #tpu.memory_space<hbm>>) dst(%arg8 : memref<160x64xi32, #tpu.memory_space<vmem>>)
      tpu.yield
    }) : () -> ()
    %mul3A_9 = arith.constant 160 : i32
    %mul3A_10 = arith.muli %add3A, %mul3A_9 : i32
    "tpu.region"() ({
      %run_scoped3A = tpu.sem_alloc : memref<!tpu.dma_semaphore, #tpu.memory_space<semaphore_mem>>
      %dma_start3A = arith.constant 0 : i32
      %dma_start3A_19 = tpu.memref_slice %arg3[%mul3A_10, %dma_start3A] : memref<5120x64xi32, #tpu.memory_space<hbm>> -> memref<160x64xi32, #tpu.memory_space<hbm>>
      %dma_start3A_20 = arith.constant 0 : i32
      %dma_start3A_21 = tpu.memref_slice %arg3[%mul3A_10, %dma_start3A_20] : memref<5120x64xi32, #tpu.memory_space<hbm>> -> memref<160x64xi32, #tpu.memory_space<hbm>>
      tpu.enqueue_dma source(%dma_start3A_21 : memref<160x64xi32, #tpu.memory_space<hbm>>) target(%arg9 : memref<160x64xi32, #tpu.memory_space<vmem>>) target_semaphore(%run_scoped3A : memref<!tpu.dma_semaphore, #tpu.memory_space<semaphore_mem>>)
      %dma_wait3A = arith.constant 0 : i32
      %dma_wait3A_22 = tpu.memref_slice %arg3[%mul3A_10, %dma_wait3A] : memref<5120x64xi32, #tpu.memory_space<hbm>> -> memref<160x64xi32, #tpu.memory_space<hbm>>
      %dma_wait3A_23 = arith.constant 0 : i32
      %dma_wait3A_24 = tpu.memref_slice %arg3[%mul3A_10, %dma_wait3A_23] : memref<5120x64xi32, #tpu.memory_space<hbm>> -> memref<160x64xi32, #tpu.memory_space<hbm>>
      tpu.wait_dma2 semaphore(%run_scoped3A : memref<!tpu.dma_semaphore, #tpu.memory_space<semaphore_mem>>) src(%dma_wait3A_24 : memref<160x64xi32, #tpu.memory_space<hbm>>) dst(%arg9 : memref<160x64xi32, #tpu.memory_space<vmem>>)
      tpu.yield
    }) : () -> ()
    %broadcast_in_dim3A_11 = arith.constant 1.000000e+00 : f32
    %broadcast_in_dim3A_12 = vector.broadcast %broadcast_in_dim3A_11 : f32 to vector<16xf32>
    %scan3A_13 = arith.constant 0 : i32
    %scan3A_14 = arith.constant 0 : i32
    %scan3A_15 = arith.constant 160 : i32
    %scan3A_16 = arith.addi %scan3A_14, %scan3A_15 : i32
    %scan3A_17 = arith.constant 1 : i32
    scf.for %scan3A_19 = %scan3A_14 to %scan3A_16 step %scan3A_17  : i32 {
      %get3A = arith.index_cast %scan3A_19 : i32 to index
      %get3A_20 = arith.constant 0 : index
      %get3A_21 = tpu.vector_load %arg8[%get3A, %get3A_20] {strides = array<i32>} : memref<160x64xi32, #tpu.memory_space<vmem>>, vector<16xi32>,
      %shift_right_logical3A = arith.constant 7 : i32
      %shift_right_logical3A_22 = vector.broadcast %shift_right_logical3A : i32 to vector<16xi32>
      %shift_right_logical3A_23 = arith.shrui %get3A_21, %shift_right_logical3A_22 : vector<16xi32>
      %and3A = arith.constant 127 : i32
      %and3A_24 = vector.broadcast %and3A : i32 to vector<16xi32>
      %and3A_25 = arith.andi %get3A_21, %and3A_24 : vector<16xi32>
      tpu.vector_store_idx %arg6[%shift_right_logical3A_23, %and3A_25], %broadcast_in_dim3A_12 {add = true} : memref<80x128xf32, #tpu.memory_space<vmem>>[vector<16xi32>, vector<16xi32>], vector<16xf32>,
      %get3A_26 = arith.index_cast %scan3A_19 : i32 to index
      %get3A_27 = arith.constant 0 : index
      %get3A_28 = tpu.vector_load %arg9[%get3A_26, %get3A_27] {strides = array<i32>} : memref<160x64xi32, #tpu.memory_space<vmem>>, vector<16xi32>,
      %shift_right_logical3A_29 = arith.constant 7 : i32
      %shift_right_logical3A_30 = vector.broadcast %shift_right_logical3A_29 : i32 to vector<16xi32>
      %shift_right_logical3A_31 = arith.shrui %get3A_28, %shift_right_logical3A_30 : vector<16xi32>
      %and3A_32 = arith.constant 127 : i32
      %and3A_33 = vector.broadcast %and3A_32 : i32 to vector<16xi32>
      %and3A_34 = arith.andi %get3A_28, %and3A_33 : vector<16xi32>
      tpu.vector_store_idx %arg7[%shift_right_logical3A_31, %and3A_34], %broadcast_in_dim3A_12 {add = true} : memref<80x128xf32, #tpu.memory_space<vmem>>[vector<16xi32>, vector<16xi32>], vector<16xf32>,
      %get3A_35 = arith.index_cast %scan3A_19 : i32 to index
      %get3A_36 = arith.constant 16 : index
      %get3A_37 = tpu.vector_load %arg8[%get3A_35, %get3A_36] {strides = array<i32>} : memref<160x64xi32, #tpu.memory_space<vmem>>, vector<16xi32>,
      %shift_right_logical3A_38 = arith.constant 7 : i32
      %shift_right_logical3A_39 = vector.broadcast %shift_right_logical3A_38 : i32 to vector<16xi32>
      %shift_right_logical3A_40 = arith.shrui %get3A_37, %shift_right_logical3A_39 : vector<16xi32>
      %and3A_41 = arith.constant 127 : i32
      %and3A_42 = vector.broadcast %and3A_41 : i32 to vector<16xi32>
      %and3A_43 = arith.andi %get3A_37, %and3A_42 : vector<16xi32>
      tpu.vector_store_idx %arg6[%shift_right_logical3A_40, %and3A_43], %broadcast_in_dim3A_12 {add = true} : memref<80x128xf32, #tpu.memory_space<vmem>>[vector<16xi32>, vector<16xi32>], vector<16xf32>,
      %get3A_44 = arith.index_cast %scan3A_19 : i32 to index
      %get3A_45 = arith.constant 16 : index
      %get3A_46 = tpu.vector_load %arg9[%get3A_44, %get3A_45] {strides = array<i32>} : memref<160x64xi32, #tpu.memory_space<vmem>>, vector<16xi32>,
      %shift_right_logical3A_47 = arith.constant 7 : i32
      %shift_right_logical3A_48 = vector.broadcast %shift_right_logical3A_47 : i32 to vector<16xi32>
      %shift_right_logical3A_49 = arith.shrui %get3A_46, %shift_right_logical3A_48 : vector<16xi32>
      %and3A_50 = arith.constant 127 : i32
      %and3A_51 = vector.broadcast %and3A_50 : i32 to vector<16xi32>
      %and3A_52 = arith.andi %get3A_46, %and3A_51 : vector<16xi32>
      tpu.vector_store_idx %arg7[%shift_right_logical3A_49, %and3A_52], %broadcast_in_dim3A_12 {add = true} : memref<80x128xf32, #tpu.memory_space<vmem>>[vector<16xi32>, vector<16xi32>], vector<16xf32>,
      %get3A_53 = arith.index_cast %scan3A_19 : i32 to index
      %get3A_54 = arith.constant 32 : index
      %get3A_55 = tpu.vector_load %arg8[%get3A_53, %get3A_54] {strides = array<i32>} : memref<160x64xi32, #tpu.memory_space<vmem>>, vector<16xi32>,
      %shift_right_logical3A_56 = arith.constant 7 : i32
      %shift_right_logical3A_57 = vector.broadcast %shift_right_logical3A_56 : i32 to vector<16xi32>
      %shift_right_logical3A_58 = arith.shrui %get3A_55, %shift_right_logical3A_57 : vector<16xi32>
      %and3A_59 = arith.constant 127 : i32
      %and3A_60 = vector.broadcast %and3A_59 : i32 to vector<16xi32>
      %and3A_61 = arith.andi %get3A_55, %and3A_60 : vector<16xi32>
      tpu.vector_store_idx %arg6[%shift_right_logical3A_58, %and3A_61], %broadcast_in_dim3A_12 {add = true} : memref<80x128xf32, #tpu.memory_space<vmem>>[vector<16xi32>, vector<16xi32>], vector<16xf32>,
      %get3A_62 = arith.index_cast %scan3A_19 : i32 to index
      %get3A_63 = arith.constant 32 : index
      %get3A_64 = tpu.vector_load %arg9[%get3A_62, %get3A_63] {strides = array<i32>} : memref<160x64xi32, #tpu.memory_space<vmem>>, vector<16xi32>,
      %shift_right_logical3A_65 = arith.constant 7 : i32
      %shift_right_logical3A_66 = vector.broadcast %shift_right_logical3A_65 : i32 to vector<16xi32>
      %shift_right_logical3A_67 = arith.shrui %get3A_64, %shift_right_logical3A_66 : vector<16xi32>
      %and3A_68 = arith.constant 127 : i32
      %and3A_69 = vector.broadcast %and3A_68 : i32 to vector<16xi32>
      %and3A_70 = arith.andi %get3A_64, %and3A_69 : vector<16xi32>
      tpu.vector_store_idx %arg7[%shift_right_logical3A_67, %and3A_70], %broadcast_in_dim3A_12 {add = true} : memref<80x128xf32, #tpu.memory_space<vmem>>[vector<16xi32>, vector<16xi32>], vector<16xf32>,
      %get3A_71 = arith.index_cast %scan3A_19 : i32 to index
      %get3A_72 = arith.constant 48 : index
      %get3A_73 = tpu.vector_load %arg8[%get3A_71, %get3A_72] {strides = array<i32>} : memref<160x64xi32, #tpu.memory_space<vmem>>, vector<16xi32>,
      %shift_right_logical3A_74 = arith.constant 7 : i32
      %shift_right_logical3A_75 = vector.broadcast %shift_right_logical3A_74 : i32 to vector<16xi32>
      %shift_right_logical3A_76 = arith.shrui %get3A_73, %shift_right_logical3A_75 : vector<16xi32>
      %and3A_77 = arith.constant 127 : i32
      %and3A_78 = vector.broadcast %and3A_77 : i32 to vector<16xi32>
      %and3A_79 = arith.andi %get3A_73, %and3A_78 : vector<16xi32>
      tpu.vector_store_idx %arg6[%shift_right_logical3A_76, %and3A_79], %broadcast_in_dim3A_12 {add = true} : memref<80x128xf32, #tpu.memory_space<vmem>>[vector<16xi32>, vector<16xi32>], vector<16xf32>,
      %get3A_80 = arith.index_cast %scan3A_19 : i32 to index
      %get3A_81 = arith.constant 48 : index
      %get3A_82 = tpu.vector_load %arg9[%get3A_80, %get3A_81] {strides = array<i32>} : memref<160x64xi32, #tpu.memory_space<vmem>>, vector<16xi32>,
      %shift_right_logical3A_83 = arith.constant 7 : i32
      %shift_right_logical3A_84 = vector.broadcast %shift_right_logical3A_83 : i32 to vector<16xi32>
      %shift_right_logical3A_85 = arith.shrui %get3A_82, %shift_right_logical3A_84 : vector<16xi32>
      %and3A_86 = arith.constant 127 : i32
      %and3A_87 = vector.broadcast %and3A_86 : i32 to vector<16xi32>
      %and3A_88 = arith.andi %get3A_82, %and3A_87 : vector<16xi32>
      tpu.vector_store_idx %arg7[%shift_right_logical3A_85, %and3A_88], %broadcast_in_dim3A_12 {add = true} : memref<80x128xf32, #tpu.memory_space<vmem>>[vector<16xi32>, vector<16xi32>], vector<16xf32>,
    }
    %scan3A_18 = arith.constant 160 : i32
    "tpu.region"() ({
      %run_scoped3A = tpu.sem_alloc : memref<!tpu.dma_semaphore, #tpu.memory_space<semaphore_mem>>
      %dma_start3A = arith.constant 0 : i32
      %dma_start3A_19 = arith.constant 0 : i32
      %dma_start3A_20 = tpu.memref_slice %arg4[%add3A, %dma_start3A, %dma_start3A_19] : memref<32x80x128xf32, #tpu.memory_space<hbm>> -> memref<1x80x128xf32, #tpu.memory_space<hbm>>
      %dma_start3A_21 = tpu.memref_squeeze %dma_start3A_20 : memref<1x80x128xf32, #tpu.memory_space<hbm>> -> memref<80x128xf32, #tpu.memory_space<hbm>>
      %dma_start3A_22 = arith.constant 0 : i32
      %dma_start3A_23 = arith.constant 0 : i32
      %dma_start3A_24 = tpu.memref_slice %arg4[%add3A, %dma_start3A_22, %dma_start3A_23] : memref<32x80x128xf32, #tpu.memory_space<hbm>> -> memref<1x80x128xf32, #tpu.memory_space<hbm>>
      %dma_start3A_25 = tpu.memref_squeeze %dma_start3A_24 : memref<1x80x128xf32, #tpu.memory_space<hbm>> -> memref<80x128xf32, #tpu.memory_space<hbm>>
      tpu.enqueue_dma source(%arg6 : memref<80x128xf32, #tpu.memory_space<vmem>>) target(%dma_start3A_25 : memref<80x128xf32, #tpu.memory_space<hbm>>) target_semaphore(%run_scoped3A : memref<!tpu.dma_semaphore, #tpu.memory_space<semaphore_mem>>)
      %dma_wait3A = arith.constant 0 : i32
      %dma_wait3A_26 = arith.constant 0 : i32
      %dma_wait3A_27 = tpu.memref_slice %arg4[%add3A, %dma_wait3A, %dma_wait3A_26] : memref<32x80x128xf32, #tpu.memory_space<hbm>> -> memref<1x80x128xf32, #tpu.memory_space<hbm>>
      %dma_wait3A_28 = tpu.memref_squeeze %dma_wait3A_27 : memref<1x80x128xf32, #tpu.memory_space<hbm>> -> memref<80x128xf32, #tpu.memory_space<hbm>>
      %dma_wait3A_29 = arith.constant 0 : i32
      %dma_wait3A_30 = arith.constant 0 : i32
      %dma_wait3A_31 = tpu.memref_slice %arg4[%add3A, %dma_wait3A_29, %dma_wait3A_30] : memref<32x80x128xf32, #tpu.memory_space<hbm>> -> memref<1x80x128xf32, #tpu.memory_space<hbm>>
      %dma_wait3A_32 = tpu.memref_squeeze %dma_wait3A_31 : memref<1x80x128xf32, #tpu.memory_space<hbm>> -> memref<80x128xf32, #tpu.memory_space<hbm>>
      tpu.wait_dma2 semaphore(%run_scoped3A : memref<!tpu.dma_semaphore, #tpu.memory_space<semaphore_mem>>) src(%arg6 : memref<80x128xf32, #tpu.memory_space<vmem>>) dst(%dma_wait3A_32 : memref<80x128xf32, #tpu.memory_space<hbm>>)
      tpu.yield
    }) : () -> ()
    "tpu.region"() ({
      %run_scoped3A = tpu.sem_alloc : memref<!tpu.dma_semaphore, #tpu.memory_space<semaphore_mem>>
      %dma_start3A = arith.constant 0 : i32
      %dma_start3A_19 = arith.constant 0 : i32
      %dma_start3A_20 = tpu.memref_slice %arg5[%add3A, %dma_start3A, %dma_start3A_19] : memref<32x80x128xf32, #tpu.memory_space<hbm>> -> memref<1x80x128xf32, #tpu.memory_space<hbm>>
      %dma_start3A_21 = tpu.memref_squeeze %dma_start3A_20 : memref<1x80x128xf32, #tpu.memory_space<hbm>> -> memref<80x128xf32, #tpu.memory_space<hbm>>
      %dma_start3A_22 = arith.constant 0 : i32
      %dma_start3A_23 = arith.constant 0 : i32
      %dma_start3A_24 = tpu.memref_slice %arg5[%add3A, %dma_start3A_22, %dma_start3A_23] : memref<32x80x128xf32, #tpu.memory_space<hbm>> -> memref<1x80x128xf32, #tpu.memory_space<hbm>>
      %dma_start3A_25 = tpu.memref_squeeze %dma_start3A_24 : memref<1x80x128xf32, #tpu.memory_space<hbm>> -> memref<80x128xf32, #tpu.memory_space<hbm>>
      tpu.enqueue_dma source(%arg7 : memref<80x128xf32, #tpu.memory_space<vmem>>) target(%dma_start3A_25 : memref<80x128xf32, #tpu.memory_space<hbm>>) target_semaphore(%run_scoped3A : memref<!tpu.dma_semaphore, #tpu.memory_space<semaphore_mem>>)
      %dma_wait3A = arith.constant 0 : i32
      %dma_wait3A_26 = arith.constant 0 : i32
      %dma_wait3A_27 = tpu.memref_slice %arg5[%add3A, %dma_wait3A, %dma_wait3A_26] : memref<32x80x128xf32, #tpu.memory_space<hbm>> -> memref<1x80x128xf32, #tpu.memory_space<hbm>>
      %dma_wait3A_28 = tpu.memref_squeeze %dma_wait3A_27 : memref<1x80x128xf32, #tpu.memory_space<hbm>> -> memref<80x128xf32, #tpu.memory_space<hbm>>
      %dma_wait3A_29 = arith.constant 0 : i32
      %dma_wait3A_30 = arith.constant 0 : i32
      %dma_wait3A_31 = tpu.memref_slice %arg5[%add3A, %dma_wait3A_29, %dma_wait3A_30] : memref<32x80x128xf32, #tpu.memory_space<hbm>> -> memref<1x80x128xf32, #tpu.memory_space<hbm>>
      %dma_wait3A_32 = tpu.memref_squeeze %dma_wait3A_31 : memref<1x80x128xf32, #tpu.memory_space<hbm>> -> memref<80x128xf32, #tpu.memory_space<hbm>>
      tpu.wait_dma2 semaphore(%run_scoped3A : memref<!tpu.dma_semaphore, #tpu.memory_space<semaphore_mem>>) src(%arg7 : memref<80x128xf32, #tpu.memory_space<vmem>>) dst(%dma_wait3A_32 : memref<80x128xf32, #tpu.memory_space<hbm>>)
      tpu.yield
    }) : () -> ()
    return
  }
}

#map = affine_map<(d0, d1) -> (0, 0)>
#map1 = affine_map<(d0, d1) -> (0, 0, 0)>
module attributes {stable_mosaic.version = 14 : i64} {
  func.func @seg_kernel(%arg0: i32, %arg1: i32, %arg2: memref<5120x64xi32, #tpu.memory_space<hbm>>, %arg3: memref<5120x64xi32, #tpu.memory_space<hbm>>, %arg4: memref<10240x128xf32, #tpu.memory_space<hbm>>, %arg5: memref<2x10240x128xf32, #tpu.memory_space<hbm>>, %arg6: memref<10240x128xf32, #tpu.memory_space<vmem_shared>>, %arg7: memref<40x64xi32, #tpu.memory_space<vmem>>, %arg8: memref<40x64xi32, #tpu.memory_space<vmem>>, %arg9: memref<64x128xf32, #tpu.memory_space<vmem>>, %arg10: memref<64x128xf32, #tpu.memory_space<vmem>>, %arg11: memref<!tpu.dma_semaphore, #tpu.memory_space<semaphore_mem>>, %arg12: memref<!tpu.dma_semaphore, #tpu.memory_space<semaphore_mem>>, %arg13: memref<!tpu.dma_semaphore, #tpu.memory_space<semaphore_mem>>, %arg14: memref<!tpu.dma_semaphore, #tpu.memory_space<semaphore_mem>>) attributes {dimension_semantics = [#tpu.dimension_semantics<core_parallel>, #tpu.dimension_semantics<subcore_parallel>], iteration_bounds = array<i64: 2, 16>, scalar_prefetch = 0 : i64, scratch_operands = 9 : i64, tpu.core_type = #tpu.core_type<sc_vector_subcore>, window_params = [{transform_indices = #map}, {transform_indices = #map}, {transform_indices = #map}, {transform_indices = #map1}]} {
    %mul3A = arith.constant 16 : i32
    %mul3A_0 = arith.muli %arg0, %mul3A : i32
    %add3A = arith.addi %mul3A_0, %arg1 : i32
    %broadcast_in_dim3A = arith.constant 0.000000e+00 : f32
    %broadcast_in_dim3A_1 = vector.broadcast %broadcast_in_dim3A : f32 to vector<16xf32>
    %scan3A = arith.constant 0 : i32
    %scan3A_2 = arith.constant 0 : i32
    %scan3A_3 = arith.constant 64 : i32
    %scan3A_4 = arith.addi %scan3A_2, %scan3A_3 : i32
    %scan3A_5 = arith.constant 1 : i32
    scf.for %scan3A_26 = %scan3A_2 to %scan3A_4 step %scan3A_5  : i32 {
      %swap3A = arith.index_cast %scan3A_26 : i32 to index
      %swap3A_27 = arith.constant 0 : index
      %swap3A_28 = tpu.vector_load %arg9[%swap3A, %swap3A_27] {strides = array<i32>} : memref<64x128xf32, #tpu.memory_space<vmem>>, vector<16xf32>,
      tpu.vector_store %arg9[%swap3A, %swap3A_27], %broadcast_in_dim3A_1 {strides = array<i32>} : memref<64x128xf32, #tpu.memory_space<vmem>>, vector<16xf32>,
      %swap3A_29 = arith.index_cast %scan3A_26 : i32 to index
      %swap3A_30 = arith.constant 16 : index
      %swap3A_31 = tpu.vector_load %arg9[%swap3A_29, %swap3A_30] {strides = array<i32>} : memref<64x128xf32, #tpu.memory_space<vmem>>, vector<16xf32>,
      tpu.vector_store %arg9[%swap3A_29, %swap3A_30], %broadcast_in_dim3A_1 {strides = array<i32>} : memref<64x128xf32, #tpu.memory_space<vmem>>, vector<16xf32>,
      %swap3A_32 = arith.index_cast %scan3A_26 : i32 to index
      %swap3A_33 = arith.constant 32 : index
      %swap3A_34 = tpu.vector_load %arg9[%swap3A_32, %swap3A_33] {strides = array<i32>} : memref<64x128xf32, #tpu.memory_space<vmem>>, vector<16xf32>,
      tpu.vector_store %arg9[%swap3A_32, %swap3A_33], %broadcast_in_dim3A_1 {strides = array<i32>} : memref<64x128xf32, #tpu.memory_space<vmem>>, vector<16xf32>,
      %swap3A_35 = arith.index_cast %scan3A_26 : i32 to index
      %swap3A_36 = arith.constant 48 : index
      %swap3A_37 = tpu.vector_load %arg9[%swap3A_35, %swap3A_36] {strides = array<i32>} : memref<64x128xf32, #tpu.memory_space<vmem>>, vector<16xf32>,
      tpu.vector_store %arg9[%swap3A_35, %swap3A_36], %broadcast_in_dim3A_1 {strides = array<i32>} : memref<64x128xf32, #tpu.memory_space<vmem>>, vector<16xf32>,
      %swap3A_38 = arith.index_cast %scan3A_26 : i32 to index
      %swap3A_39 = arith.constant 64 : index
      %swap3A_40 = tpu.vector_load %arg9[%swap3A_38, %swap3A_39] {strides = array<i32>} : memref<64x128xf32, #tpu.memory_space<vmem>>, vector<16xf32>,
      tpu.vector_store %arg9[%swap3A_38, %swap3A_39], %broadcast_in_dim3A_1 {strides = array<i32>} : memref<64x128xf32, #tpu.memory_space<vmem>>, vector<16xf32>,
      %swap3A_41 = arith.index_cast %scan3A_26 : i32 to index
      %swap3A_42 = arith.constant 80 : index
      %swap3A_43 = tpu.vector_load %arg9[%swap3A_41, %swap3A_42] {strides = array<i32>} : memref<64x128xf32, #tpu.memory_space<vmem>>, vector<16xf32>,
      tpu.vector_store %arg9[%swap3A_41, %swap3A_42], %broadcast_in_dim3A_1 {strides = array<i32>} : memref<64x128xf32, #tpu.memory_space<vmem>>, vector<16xf32>,
      %swap3A_44 = arith.index_cast %scan3A_26 : i32 to index
      %swap3A_45 = arith.constant 96 : index
      %swap3A_46 = tpu.vector_load %arg9[%swap3A_44, %swap3A_45] {strides = array<i32>} : memref<64x128xf32, #tpu.memory_space<vmem>>, vector<16xf32>,
      tpu.vector_store %arg9[%swap3A_44, %swap3A_45], %broadcast_in_dim3A_1 {strides = array<i32>} : memref<64x128xf32, #tpu.memory_space<vmem>>, vector<16xf32>,
      %swap3A_47 = arith.index_cast %scan3A_26 : i32 to index
      %swap3A_48 = arith.constant 112 : index
      %swap3A_49 = tpu.vector_load %arg9[%swap3A_47, %swap3A_48] {strides = array<i32>} : memref<64x128xf32, #tpu.memory_space<vmem>>, vector<16xf32>,
      tpu.vector_store %arg9[%swap3A_47, %swap3A_48], %broadcast_in_dim3A_1 {strides = array<i32>} : memref<64x128xf32, #tpu.memory_space<vmem>>, vector<16xf32>,
    }
    %scan3A_6 = arith.constant 64 : i32
    %scan3A_7 = arith.constant 0 : i32
    %scan3A_8 = arith.constant 0 : i32
    %scan3A_9 = arith.constant 10 : i32
    %scan3A_10 = arith.addi %scan3A_8, %scan3A_9 : i32
    %scan3A_11 = arith.constant 1 : i32
    scf.for %scan3A_26 = %scan3A_8 to %scan3A_10 step %scan3A_11  : i32 {
      %mul3A_27 = arith.constant 640 : i32
      %mul3A_28 = arith.muli %arg1, %mul3A_27 : i32
      %mul3A_29 = arith.constant 64 : i32
      %mul3A_30 = arith.muli %scan3A_26, %mul3A_29 : i32
      %add3A_31 = arith.addi %mul3A_28, %mul3A_30 : i32
      "tpu.region"() ({
        %run_scoped3A = tpu.sem_alloc : memref<!tpu.dma_semaphore, #tpu.memory_space<semaphore_mem>>
        %dma_start3A = arith.constant 0 : i32
        %dma_start3A_32 = tpu.memref_slice %arg6[%add3A_31, %dma_start3A] : memref<10240x128xf32, #tpu.memory_space<vmem_shared>> -> memref<64x128xf32, #tpu.memory_space<vmem_shared>>
        %dma_start3A_33 = arith.constant 0 : i32
        %dma_start3A_34 = tpu.memref_slice %arg6[%add3A_31, %dma_start3A_33] : memref<10240x128xf32, #tpu.memory_space<vmem_shared>> -> memref<64x128xf32, #tpu.memory_space<vmem_shared>>
        tpu.enqueue_dma source(%arg9 : memref<64x128xf32, #tpu.memory_space<vmem>>) target(%dma_start3A_34 : memref<64x128xf32, #tpu.memory_space<vmem_shared>>) target_semaphore(%run_scoped3A : memref<!tpu.dma_semaphore, #tpu.memory_space<semaphore_mem>>)
        %dma_wait3A = arith.constant 0 : i32
        %dma_wait3A_35 = tpu.memref_slice %arg6[%add3A_31, %dma_wait3A] : memref<10240x128xf32, #tpu.memory_space<vmem_shared>> -> memref<64x128xf32, #tpu.memory_space<vmem_shared>>
        %dma_wait3A_36 = arith.constant 0 : i32
        %dma_wait3A_37 = tpu.memref_slice %arg6[%add3A_31, %dma_wait3A_36] : memref<10240x128xf32, #tpu.memory_space<vmem_shared>> -> memref<64x128xf32, #tpu.memory_space<vmem_shared>>
        tpu.wait_dma2 semaphore(%run_scoped3A : memref<!tpu.dma_semaphore, #tpu.memory_space<semaphore_mem>>) src(%arg9 : memref<64x128xf32, #tpu.memory_space<vmem>>) dst(%dma_wait3A_37 : memref<64x128xf32, #tpu.memory_space<vmem_shared>>)
        tpu.yield
      }) : () -> ()
    }
    %scan3A_12 = arith.constant 10 : i32
    %barrier3A = arith.constant 0 : index
    tpu.barrier barrier_id(%barrier3A)
    %scan3A_13 = arith.constant 0 : i32
    %scan3A_14 = arith.constant 0 : i32
    %scan3A_15 = arith.constant 4 : i32
    %scan3A_16 = arith.addi %scan3A_14, %scan3A_15 : i32
    %scan3A_17 = arith.constant 1 : i32
    scf.for %scan3A_26 = %scan3A_14 to %scan3A_16 step %scan3A_17  : i32 {
      %mul3A_27 = arith.constant 160 : i32
      %mul3A_28 = arith.muli %add3A, %mul3A_27 : i32
      %mul3A_29 = arith.constant 40 : i32
      %mul3A_30 = arith.muli %scan3A_26, %mul3A_29 : i32
      %add3A_31 = arith.addi %mul3A_28, %mul3A_30 : i32
      "tpu.region"() ({
        %run_scoped3A = tpu.sem_alloc : memref<!tpu.dma_semaphore, #tpu.memory_space<semaphore_mem>>
        %dma_start3A_57 = arith.constant 0 : i32
        %dma_start3A_58 = tpu.memref_slice %arg2[%add3A_31, %dma_start3A_57] : memref<5120x64xi32, #tpu.memory_space<hbm>> -> memref<40x64xi32, #tpu.memory_space<hbm>>
        %dma_start3A_59 = arith.constant 0 : i32
        %dma_start3A_60 = tpu.memref_slice %arg2[%add3A_31, %dma_start3A_59] : memref<5120x64xi32, #tpu.memory_space<hbm>> -> memref<40x64xi32, #tpu.memory_space<hbm>>
        tpu.enqueue_dma source(%dma_start3A_60 : memref<40x64xi32, #tpu.memory_space<hbm>>) target(%arg7 : memref<40x64xi32, #tpu.memory_space<vmem>>) target_semaphore(%run_scoped3A : memref<!tpu.dma_semaphore, #tpu.memory_space<semaphore_mem>>)
        %dma_wait3A_61 = arith.constant 0 : i32
        %dma_wait3A_62 = tpu.memref_slice %arg2[%add3A_31, %dma_wait3A_61] : memref<5120x64xi32, #tpu.memory_space<hbm>> -> memref<40x64xi32, #tpu.memory_space<hbm>>
        %dma_wait3A_63 = arith.constant 0 : i32
        %dma_wait3A_64 = tpu.memref_slice %arg2[%add3A_31, %dma_wait3A_63] : memref<5120x64xi32, #tpu.memory_space<hbm>> -> memref<40x64xi32, #tpu.memory_space<hbm>>
        tpu.wait_dma2 semaphore(%run_scoped3A : memref<!tpu.dma_semaphore, #tpu.memory_space<semaphore_mem>>) src(%dma_wait3A_64 : memref<40x64xi32, #tpu.memory_space<hbm>>) dst(%arg7 : memref<40x64xi32, #tpu.memory_space<vmem>>)
        tpu.yield
      }) : () -> ()
      "tpu.region"() ({
        %run_scoped3A = tpu.sem_alloc : memref<!tpu.dma_semaphore, #tpu.memory_space<semaphore_mem>>
        %dma_start3A_57 = arith.constant 0 : i32
        %dma_start3A_58 = tpu.memref_slice %arg3[%add3A_31, %dma_start3A_57] : memref<5120x64xi32, #tpu.memory_space<hbm>> -> memref<40x64xi32, #tpu.memory_space<hbm>>
        %dma_start3A_59 = arith.constant 0 : i32
        %dma_start3A_60 = tpu.memref_slice %arg3[%add3A_31, %dma_start3A_59] : memref<5120x64xi32, #tpu.memory_space<hbm>> -> memref<40x64xi32, #tpu.memory_space<hbm>>
        tpu.enqueue_dma source(%dma_start3A_60 : memref<40x64xi32, #tpu.memory_space<hbm>>) target(%arg8 : memref<40x64xi32, #tpu.memory_space<vmem>>) target_semaphore(%run_scoped3A : memref<!tpu.dma_semaphore, #tpu.memory_space<semaphore_mem>>)
        %dma_wait3A_61 = arith.constant 0 : i32
        %dma_wait3A_62 = tpu.memref_slice %arg3[%add3A_31, %dma_wait3A_61] : memref<5120x64xi32, #tpu.memory_space<hbm>> -> memref<40x64xi32, #tpu.memory_space<hbm>>
        %dma_wait3A_63 = arith.constant 0 : i32
        %dma_wait3A_64 = tpu.memref_slice %arg3[%add3A_31, %dma_wait3A_63] : memref<5120x64xi32, #tpu.memory_space<hbm>> -> memref<40x64xi32, #tpu.memory_space<hbm>>
        tpu.wait_dma2 semaphore(%run_scoped3A : memref<!tpu.dma_semaphore, #tpu.memory_space<semaphore_mem>>) src(%dma_wait3A_64 : memref<40x64xi32, #tpu.memory_space<hbm>>) dst(%arg8 : memref<40x64xi32, #tpu.memory_space<vmem>>)
        tpu.yield
      }) : () -> ()
      %dma_start3A = arith.constant 0 : i32
      %dma_start3A_32 = arith.constant 0 : i32
      %dma_start3A_33 = tpu.memref_slice %arg7[%dma_start3A, %dma_start3A_32] : memref<40x64xi32, #tpu.memory_space<vmem>> -> memref<1x64xi32, #tpu.memory_space<vmem>>
      %dma_start3A_34 = tpu.memref_squeeze %dma_start3A_33 : memref<1x64xi32, #tpu.memory_space<vmem>> -> memref<64xi32, #tpu.memory_space<vmem>>
      %dma_start3A_35 = arith.constant 0 : i32
      %dma_start3A_36 = arith.constant 0 : i32
      %dma_start3A_37 = tpu.memref_slice %arg4[%dma_start3A_35, %dma_start3A_36] : memref<10240x128xf32, #tpu.memory_space<hbm>> -> memref<10240x128xf32, #tpu.memory_space<hbm>>
      tpu.enqueue_indirect_dma source(%dma_start3A_37 : memref<10240x128xf32, #tpu.memory_space<hbm>>) target(%arg9 : memref<64x128xf32, #tpu.memory_space<vmem>>) offsets(%dma_start3A_34 : memref<64xi32, #tpu.memory_space<vmem>>) semaphore(%arg11 : memref<!tpu.dma_semaphore, #tpu.memory_space<semaphore_mem>>)
      %scan3A_38 = arith.constant 0 : i32
      %scan3A_39 = arith.constant 0 : i32
      %scan3A_40 = arith.constant 20 : i32
      %scan3A_41 = arith.addi %scan3A_39, %scan3A_40 : i32
      %scan3A_42 = arith.constant 1 : i32
      scf.for %scan3A_57 = %scan3A_39 to %scan3A_41 step %scan3A_42  : i32 {
        %mul3A_58 = arith.constant 2 : i32
        %mul3A_59 = arith.muli %mul3A_58, %scan3A_57 : i32
        %add3A_60 = arith.constant 1 : i32
        %add3A_61 = arith.addi %mul3A_59, %add3A_60 : i32
        %lt3A = arith.constant 40 : i32
        %lt3A_62 = arith.cmpi slt, %add3A_61, %lt3A : i32
        %convert_element_type3A = arith.extui %lt3A_62 : i1 to i32
        %cond3A = arith.constant 0 : i32
        %cond3A_63 = arith.cmpi ne, %convert_element_type3A, %cond3A : i32
        scf.if %cond3A_63 {
          %ge3A = arith.constant 3 : i32
          %ge3A_82 = arith.cmpi sge, %add3A_61, %ge3A : i32
          %convert_element_type3A_83 = arith.extui %ge3A_82 : i1 to i32
          %cond3A_84 = arith.constant 0 : i32
          %cond3A_85 = arith.cmpi ne, %convert_element_type3A_83, %cond3A_84 : i32
          scf.if %cond3A_85 {
            %dma_wait3A_92 = arith.constant 0 : i32
            %dma_wait3A_93 = arith.constant 0 : i32
            %dma_wait3A_94 = tpu.memref_slice %arg8[%dma_wait3A_92, %dma_wait3A_93] : memref<40x64xi32, #tpu.memory_space<vmem>> -> memref<1x64xi32, #tpu.memory_space<vmem>>
            %dma_wait3A_95 = tpu.memref_squeeze %dma_wait3A_94 : memref<1x64xi32, #tpu.memory_space<vmem>> -> memref<64xi32, #tpu.memory_space<vmem>>
            %dma_wait3A_96 = arith.constant 0 : i32
            %dma_wait3A_97 = arith.constant 0 : i32
            %dma_wait3A_98 = tpu.memref_slice %arg6[%dma_wait3A_96, %dma_wait3A_97] : memref<10240x128xf32, #tpu.memory_space<vmem_shared>> -> memref<10240x128xf32, #tpu.memory_space<vmem_shared>>
            tpu.wait_indirect_dma semaphore(%arg14 : memref<!tpu.dma_semaphore, #tpu.memory_space<semaphore_mem>>) src(%arg10 : memref<64x128xf32, #tpu.memory_space<vmem>>) dst(%dma_wait3A_98 : memref<10240x128xf32, #tpu.memory_space<vmem_shared>>)
          } else {
          }
          %dma_start3A_86 = arith.constant 0 : i32
          %dma_start3A_87 = tpu.memref_slice %arg7[%add3A_61, %dma_start3A_86] : memref<40x64xi32, #tpu.memory_space<vmem>> -> memref<1x64xi32, #tpu.memory_space<vmem>>
          %dma_start3A_88 = tpu.memref_squeeze %dma_start3A_87 : memref<1x64xi32, #tpu.memory_space<vmem>> -> memref<64xi32, #tpu.memory_space<vmem>>
          %dma_start3A_89 = arith.constant 0 : i32
          %dma_start3A_90 = arith.constant 0 : i32
          %dma_start3A_91 = tpu.memref_slice %arg4[%dma_start3A_89, %dma_start3A_90] : memref<10240x128xf32, #tpu.memory_space<hbm>> -> memref<10240x128xf32, #tpu.memory_space<hbm>>
          tpu.enqueue_indirect_dma source(%dma_start3A_91 : memref<10240x128xf32, #tpu.memory_space<hbm>>) target(%arg10 : memref<64x128xf32, #tpu.memory_space<vmem>>) offsets(%dma_start3A_88 : memref<64xi32, #tpu.memory_space<vmem>>) semaphore(%arg12 : memref<!tpu.dma_semaphore, #tpu.memory_space<semaphore_mem>>)
        } else {
        }
        %dma_wait3A_64 = arith.constant 0 : i32
        %dma_wait3A_65 = arith.constant 0 : i32
        %dma_wait3A_66 = tpu.memref_slice %arg7[%dma_wait3A_64, %dma_wait3A_65] : memref<40x64xi32, #tpu.memory_space<vmem>> -> memref<1x64xi32, #tpu.memory_space<vmem>>
        %dma_wait3A_67 = tpu.memref_squeeze %dma_wait3A_66 : memref<1x64xi32, #tpu.memory_space<vmem>> -> memref<64xi32, #tpu.memory_space<vmem>>
        %dma_wait3A_68 = arith.constant 0 : i32
        %dma_wait3A_69 = arith.constant 0 : i32
        %dma_wait3A_70 = tpu.memref_slice %arg4[%dma_wait3A_68, %dma_wait3A_69] : memref<10240x128xf32, #tpu.memory_space<hbm>> -> memref<10240x128xf32, #tpu.memory_space<hbm>>
        tpu.wait_indirect_dma semaphore(%arg11 : memref<!tpu.dma_semaphore, #tpu.memory_space<semaphore_mem>>) src(%dma_wait3A_70 : memref<10240x128xf32, #tpu.memory_space<hbm>>) dst(%arg9 : memref<64x128xf32, #tpu.memory_space<vmem>>)
        %dma_start3A_71 = arith.constant 0 : i32
        %dma_start3A_72 = tpu.memref_slice %arg8[%mul3A_59, %dma_start3A_71] : memref<40x64xi32, #tpu.memory_space<vmem>> -> memref<1x64xi32, #tpu.memory_space<vmem>>
        %dma_start3A_73 = tpu.memref_squeeze %dma_start3A_72 : memref<1x64xi32, #tpu.memory_space<vmem>> -> memref<64xi32, #tpu.memory_space<vmem>>
        %dma_start3A_74 = arith.constant 0 : i32
        %dma_start3A_75 = arith.constant 0 : i32
        %dma_start3A_76 = tpu.memref_slice %arg6[%dma_start3A_74, %dma_start3A_75] : memref<10240x128xf32, #tpu.memory_space<vmem_shared>> -> memref<10240x128xf32, #tpu.memory_space<vmem_shared>>
        tpu.enqueue_indirect_dma source(%arg9 : memref<64x128xf32, #tpu.memory_space<vmem>>) target(%dma_start3A_76 : memref<10240x128xf32, #tpu.memory_space<vmem_shared>>) offsets(%dma_start3A_73 : memref<64xi32, #tpu.memory_space<vmem>>) semaphore(%arg13 : memref<!tpu.dma_semaphore, #tpu.memory_space<semaphore_mem>>) {add = true}
        %lt3A_77 = arith.constant 40 : i32
        %lt3A_78 = arith.cmpi slt, %add3A_61, %lt3A_77 : i32
        %convert_element_type3A_79 = arith.extui %lt3A_78 : i1 to i32
        %cond3A_80 = arith.constant 0 : i32
        %cond3A_81 = arith.cmpi ne, %convert_element_type3A_79, %cond3A_80 : i32
        scf.if %cond3A_81 {
          %add3A_82 = arith.constant 1 : i32
          %add3A_83 = arith.addi %add3A_61, %add3A_82 : i32
          %lt3A_84 = arith.constant 40 : i32
          %lt3A_85 = arith.cmpi slt, %add3A_83, %lt3A_84 : i32
          %convert_element_type3A_86 = arith.extui %lt3A_85 : i1 to i32
          %cond3A_87 = arith.constant 0 : i32
          %cond3A_88 = arith.cmpi ne, %convert_element_type3A_86, %cond3A_87 : i32
          scf.if %cond3A_88 {
            %dma_wait3A_102 = arith.constant 0 : i32
            %dma_wait3A_103 = arith.constant 0 : i32
            %dma_wait3A_104 = tpu.memref_slice %arg8[%dma_wait3A_102, %dma_wait3A_103] : memref<40x64xi32, #tpu.memory_space<vmem>> -> memref<1x64xi32, #tpu.memory_space<vmem>>
            %dma_wait3A_105 = tpu.memref_squeeze %dma_wait3A_104 : memref<1x64xi32, #tpu.memory_space<vmem>> -> memref<64xi32, #tpu.memory_space<vmem>>
            %dma_wait3A_106 = arith.constant 0 : i32
            %dma_wait3A_107 = arith.constant 0 : i32
            %dma_wait3A_108 = tpu.memref_slice %arg6[%dma_wait3A_106, %dma_wait3A_107] : memref<10240x128xf32, #tpu.memory_space<vmem_shared>> -> memref<10240x128xf32, #tpu.memory_space<vmem_shared>>
            tpu.wait_indirect_dma semaphore(%arg13 : memref<!tpu.dma_semaphore, #tpu.memory_space<semaphore_mem>>) src(%arg9 : memref<64x128xf32, #tpu.memory_space<vmem>>) dst(%dma_wait3A_108 : memref<10240x128xf32, #tpu.memory_space<vmem_shared>>)
            %add3A_109 = arith.constant 1 : i32
            %add3A_110 = arith.addi %add3A_61, %add3A_109 : i32
            %dma_start3A_111 = arith.constant 0 : i32
            %dma_start3A_112 = tpu.memref_slice %arg7[%add3A_110, %dma_start3A_111] : memref<40x64xi32, #tpu.memory_space<vmem>> -> memref<1x64xi32, #tpu.memory_space<vmem>>
            %dma_start3A_113 = tpu.memref_squeeze %dma_start3A_112 : memref<1x64xi32, #tpu.memory_space<vmem>> -> memref<64xi32, #tpu.memory_space<vmem>>
            %dma_start3A_114 = arith.constant 0 : i32
            %dma_start3A_115 = arith.constant 0 : i32
            %dma_start3A_116 = tpu.memref_slice %arg4[%dma_start3A_114, %dma_start3A_115] : memref<10240x128xf32, #tpu.memory_space<hbm>> -> memref<10240x128xf32, #tpu.memory_space<hbm>>
            tpu.enqueue_indirect_dma source(%dma_start3A_116 : memref<10240x128xf32, #tpu.memory_space<hbm>>) target(%arg9 : memref<64x128xf32, #tpu.memory_space<vmem>>) offsets(%dma_start3A_113 : memref<64xi32, #tpu.memory_space<vmem>>) semaphore(%arg11 : memref<!tpu.dma_semaphore, #tpu.memory_space<semaphore_mem>>)
          } else {
          }
          %dma_wait3A_89 = arith.constant 0 : i32
          %dma_wait3A_90 = arith.constant 0 : i32
          %dma_wait3A_91 = tpu.memref_slice %arg7[%dma_wait3A_89, %dma_wait3A_90] : memref<40x64xi32, #tpu.memory_space<vmem>> -> memref<1x64xi32, #tpu.memory_space<vmem>>
          %dma_wait3A_92 = tpu.memref_squeeze %dma_wait3A_91 : memref<1x64xi32, #tpu.memory_space<vmem>> -> memref<64xi32, #tpu.memory_space<vmem>>
          %dma_wait3A_93 = arith.constant 0 : i32
          %dma_wait3A_94 = arith.constant 0 : i32
          %dma_wait3A_95 = tpu.memref_slice %arg4[%dma_wait3A_93, %dma_wait3A_94] : memref<10240x128xf32, #tpu.memory_space<hbm>> -> memref<10240x128xf32, #tpu.memory_space<hbm>>
          tpu.wait_indirect_dma semaphore(%arg12 : memref<!tpu.dma_semaphore, #tpu.memory_space<semaphore_mem>>) src(%dma_wait3A_95 : memref<10240x128xf32, #tpu.memory_space<hbm>>) dst(%arg10 : memref<64x128xf32, #tpu.memory_space<vmem>>)
          %dma_start3A_96 = arith.constant 0 : i32
          %dma_start3A_97 = tpu.memref_slice %arg8[%add3A_61, %dma_start3A_96] : memref<40x64xi32, #tpu.memory_space<vmem>> -> memref<1x64xi32, #tpu.memory_space<vmem>>
          %dma_start3A_98 = tpu.memref_squeeze %dma_start3A_97 : memref<1x64xi32, #tpu.memory_space<vmem>> -> memref<64xi32, #tpu.memory_space<vmem>>
          %dma_start3A_99 = arith.constant 0 : i32
          %dma_start3A_100 = arith.constant 0 : i32
          %dma_start3A_101 = tpu.memref_slice %arg6[%dma_start3A_99, %dma_start3A_100] : memref<10240x128xf32, #tpu.memory_space<vmem_shared>> -> memref<10240x128xf32, #tpu.memory_space<vmem_shared>>
          tpu.enqueue_indirect_dma source(%arg10 : memref<64x128xf32, #tpu.memory_space<vmem>>) target(%dma_start3A_101 : memref<10240x128xf32, #tpu.memory_space<vmem_shared>>) offsets(%dma_start3A_98 : memref<64xi32, #tpu.memory_space<vmem>>) semaphore(%arg14 : memref<!tpu.dma_semaphore, #tpu.memory_space<semaphore_mem>>) {add = true}
        } else {
        }
      }
      %scan3A_43 = arith.constant 20 : i32
      %dma_wait3A = arith.constant 0 : i32
      %dma_wait3A_44 = arith.constant 0 : i32
      %dma_wait3A_45 = tpu.memref_slice %arg8[%dma_wait3A, %dma_wait3A_44] : memref<40x64xi32, #tpu.memory_space<vmem>> -> memref<1x64xi32, #tpu.memory_space<vmem>>
      %dma_wait3A_46 = tpu.memref_squeeze %dma_wait3A_45 : memref<1x64xi32, #tpu.memory_space<vmem>> -> memref<64xi32, #tpu.memory_space<vmem>>
      %dma_wait3A_47 = arith.constant 0 : i32
      %dma_wait3A_48 = arith.constant 0 : i32
      %dma_wait3A_49 = tpu.memref_slice %arg6[%dma_wait3A_47, %dma_wait3A_48] : memref<10240x128xf32, #tpu.memory_space<vmem_shared>> -> memref<10240x128xf32, #tpu.memory_space<vmem_shared>>
      tpu.wait_indirect_dma semaphore(%arg13 : memref<!tpu.dma_semaphore, #tpu.memory_space<semaphore_mem>>) src(%arg9 : memref<64x128xf32, #tpu.memory_space<vmem>>) dst(%dma_wait3A_49 : memref<10240x128xf32, #tpu.memory_space<vmem_shared>>)
      %dma_wait3A_50 = arith.constant 0 : i32
      %dma_wait3A_51 = arith.constant 0 : i32
      %dma_wait3A_52 = tpu.memref_slice %arg8[%dma_wait3A_50, %dma_wait3A_51] : memref<40x64xi32, #tpu.memory_space<vmem>> -> memref<1x64xi32, #tpu.memory_space<vmem>>
      %dma_wait3A_53 = tpu.memref_squeeze %dma_wait3A_52 : memref<1x64xi32, #tpu.memory_space<vmem>> -> memref<64xi32, #tpu.memory_space<vmem>>
      %dma_wait3A_54 = arith.constant 0 : i32
      %dma_wait3A_55 = arith.constant 0 : i32
      %dma_wait3A_56 = tpu.memref_slice %arg6[%dma_wait3A_54, %dma_wait3A_55] : memref<10240x128xf32, #tpu.memory_space<vmem_shared>> -> memref<10240x128xf32, #tpu.memory_space<vmem_shared>>
      tpu.wait_indirect_dma semaphore(%arg14 : memref<!tpu.dma_semaphore, #tpu.memory_space<semaphore_mem>>) src(%arg10 : memref<64x128xf32, #tpu.memory_space<vmem>>) dst(%dma_wait3A_56 : memref<10240x128xf32, #tpu.memory_space<vmem_shared>>)
    }
    %scan3A_18 = arith.constant 4 : i32
    %barrier3A_19 = arith.constant 0 : index
    tpu.barrier barrier_id(%barrier3A_19)
    %scan3A_20 = arith.constant 0 : i32
    %scan3A_21 = arith.constant 0 : i32
    %scan3A_22 = arith.constant 10 : i32
    %scan3A_23 = arith.addi %scan3A_21, %scan3A_22 : i32
    %scan3A_24 = arith.constant 1 : i32
    scf.for %scan3A_26 = %scan3A_21 to %scan3A_23 step %scan3A_24  : i32 {
      %mul3A_27 = arith.constant 640 : i32
      %mul3A_28 = arith.muli %arg1, %mul3A_27 : i32
      %mul3A_29 = arith.constant 64 : i32
      %mul3A_30 = arith.muli %scan3A_26, %mul3A_29 : i32
      %add3A_31 = arith.addi %mul3A_28, %mul3A_30 : i32
      "tpu.region"() ({
        %run_scoped3A = tpu.sem_alloc : memref<!tpu.dma_semaphore, #tpu.memory_space<semaphore_mem>>
        %dma_start3A = arith.constant 0 : i32
        %dma_start3A_37 = tpu.memref_slice %arg6[%add3A_31, %dma_start3A] : memref<10240x128xf32, #tpu.memory_space<vmem_shared>> -> memref<64x128xf32, #tpu.memory_space<vmem_shared>>
        %dma_start3A_38 = arith.constant 0 : i32
        %dma_start3A_39 = tpu.memref_slice %arg6[%add3A_31, %dma_start3A_38] : memref<10240x128xf32, #tpu.memory_space<vmem_shared>> -> memref<64x128xf32, #tpu.memory_space<vmem_shared>>
        tpu.enqueue_dma source(%dma_start3A_39 : memref<64x128xf32, #tpu.memory_space<vmem_shared>>) target(%arg9 : memref<64x128xf32, #tpu.memory_space<vmem>>) target_semaphore(%run_scoped3A : memref<!tpu.dma_semaphore, #tpu.memory_space<semaphore_mem>>)
        %dma_wait3A = arith.constant 0 : i32
        %dma_wait3A_40 = tpu.memref_slice %arg6[%add3A_31, %dma_wait3A] : memref<10240x128xf32, #tpu.memory_space<vmem_shared>> -> memref<64x128xf32, #tpu.memory_space<vmem_shared>>
        %dma_wait3A_41 = arith.constant 0 : i32
        %dma_wait3A_42 = tpu.memref_slice %arg6[%add3A_31, %dma_wait3A_41] : memref<10240x128xf32, #tpu.memory_space<vmem_shared>> -> memref<64x128xf32, #tpu.memory_space<vmem_shared>>
        tpu.wait_dma2 semaphore(%run_scoped3A : memref<!tpu.dma_semaphore, #tpu.memory_space<semaphore_mem>>) src(%dma_wait3A_42 : memref<64x128xf32, #tpu.memory_space<vmem_shared>>) dst(%arg9 : memref<64x128xf32, #tpu.memory_space<vmem>>)
        tpu.yield
      }) : () -> ()
      %mul3A_32 = arith.constant 640 : i32
      %mul3A_33 = arith.muli %arg1, %mul3A_32 : i32
      %mul3A_34 = arith.constant 64 : i32
      %mul3A_35 = arith.muli %scan3A_26, %mul3A_34 : i32
      %add3A_36 = arith.addi %mul3A_33, %mul3A_35 : i32
      "tpu.region"() ({
        %run_scoped3A = tpu.sem_alloc : memref<!tpu.dma_semaphore, #tpu.memory_space<semaphore_mem>>
        %dma_start3A = arith.constant 0 : i32
        %dma_start3A_37 = tpu.memref_slice %arg5[%arg0, %add3A_36, %dma_start3A] : memref<2x10240x128xf32, #tpu.memory_space<hbm>> -> memref<1x64x128xf32, #tpu.memory_space<hbm>>
        %dma_start3A_38 = tpu.memref_squeeze %dma_start3A_37 : memref<1x64x128xf32, #tpu.memory_space<hbm>> -> memref<64x128xf32, #tpu.memory_space<hbm>>
        %dma_start3A_39 = arith.constant 0 : i32
        %dma_start3A_40 = tpu.memref_slice %arg5[%arg0, %add3A_36, %dma_start3A_39] : memref<2x10240x128xf32, #tpu.memory_space<hbm>> -> memref<1x64x128xf32, #tpu.memory_space<hbm>>
        %dma_start3A_41 = tpu.memref_squeeze %dma_start3A_40 : memref<1x64x128xf32, #tpu.memory_space<hbm>> -> memref<64x128xf32, #tpu.memory_space<hbm>>
        tpu.enqueue_dma source(%arg9 : memref<64x128xf32, #tpu.memory_space<vmem>>) target(%dma_start3A_41 : memref<64x128xf32, #tpu.memory_space<hbm>>) target_semaphore(%run_scoped3A : memref<!tpu.dma_semaphore, #tpu.memory_space<semaphore_mem>>)
        %dma_wait3A = arith.constant 0 : i32
        %dma_wait3A_42 = tpu.memref_slice %arg5[%arg0, %add3A_36, %dma_wait3A] : memref<2x10240x128xf32, #tpu.memory_space<hbm>> -> memref<1x64x128xf32, #tpu.memory_space<hbm>>
        %dma_wait3A_43 = tpu.memref_squeeze %dma_wait3A_42 : memref<1x64x128xf32, #tpu.memory_space<hbm>> -> memref<64x128xf32, #tpu.memory_space<hbm>>
        %dma_wait3A_44 = arith.constant 0 : i32
        %dma_wait3A_45 = tpu.memref_slice %arg5[%arg0, %add3A_36, %dma_wait3A_44] : memref<2x10240x128xf32, #tpu.memory_space<hbm>> -> memref<1x64x128xf32, #tpu.memory_space<hbm>>
        %dma_wait3A_46 = tpu.memref_squeeze %dma_wait3A_45 : memref<1x64x128xf32, #tpu.memory_space<hbm>> -> memref<64x128xf32, #tpu.memory_space<hbm>>
        tpu.wait_dma2 semaphore(%run_scoped3A : memref<!tpu.dma_semaphore, #tpu.memory_space<semaphore_mem>>) src(%arg9 : memref<64x128xf32, #tpu.memory_space<vmem>>) dst(%dma_wait3A_46 : memref<64x128xf32, #tpu.memory_space<hbm>>)
        tpu.yield
      }) : () -> ()
    }
    %scan3A_25 = arith.constant 10 : i32
    return
  }
}

#map = affine_map<(d0, d1) -> (0, 0)>
#map1 = affine_map<(d0, d1) -> (0, 0, 0)>
module attributes {stable_mosaic.version = 14 : i64} {
  func.func @seg_kernel(%arg0: i32, %arg1: i32, %arg2: memref<5120x64xi32, #tpu.memory_space<hbm>>, %arg3: memref<5120x64xi32, #tpu.memory_space<hbm>>, %arg4: memref<10240x128xf32, #tpu.memory_space<hbm>>, %arg5: memref<2x10240x128xf32, #tpu.memory_space<hbm>>, %arg6: memref<10240x128xf32, #tpu.memory_space<vmem_shared>>, %arg7: memref<40x64xi32, #tpu.memory_space<vmem>>, %arg8: memref<40x64xi32, #tpu.memory_space<vmem>>, %arg9: memref<64x128xf32, #tpu.memory_space<vmem>>, %arg10: memref<64x128xf32, #tpu.memory_space<vmem>>, %arg11: memref<!tpu.dma_semaphore, #tpu.memory_space<semaphore_mem>>, %arg12: memref<!tpu.dma_semaphore, #tpu.memory_space<semaphore_mem>>, %arg13: memref<!tpu.dma_semaphore, #tpu.memory_space<semaphore_mem>>, %arg14: memref<!tpu.dma_semaphore, #tpu.memory_space<semaphore_mem>>) attributes {dimension_semantics = [#tpu.dimension_semantics<core_parallel>, #tpu.dimension_semantics<subcore_parallel>], iteration_bounds = array<i64: 2, 16>, scalar_prefetch = 0 : i64, scratch_operands = 9 : i64, tpu.core_type = #tpu.core_type<sc_vector_subcore>, window_params = [{transform_indices = #map}, {transform_indices = #map}, {transform_indices = #map}, {transform_indices = #map1}]} {
    %mul3A = arith.constant 16 : i32
    %mul3A_0 = arith.muli %arg0, %mul3A : i32
    %add3A = arith.addi %mul3A_0, %arg1 : i32
    %broadcast_in_dim3A = arith.constant 0.000000e+00 : f32
    %broadcast_in_dim3A_1 = vector.broadcast %broadcast_in_dim3A : f32 to vector<16xf32>
    %scan3A = arith.constant 0 : i32
    %scan3A_2 = arith.constant 0 : i32
    %scan3A_3 = arith.constant 64 : i32
    %scan3A_4 = arith.addi %scan3A_2, %scan3A_3 : i32
    %scan3A_5 = arith.constant 1 : i32
    scf.for %scan3A_26 = %scan3A_2 to %scan3A_4 step %scan3A_5  : i32 {
      %swap3A = arith.index_cast %scan3A_26 : i32 to index
      %swap3A_27 = arith.constant 0 : index
      %swap3A_28 = tpu.vector_load %arg9[%swap3A, %swap3A_27] {strides = array<i32>} : memref<64x128xf32, #tpu.memory_space<vmem>>, vector<16xf32>,
      tpu.vector_store %arg9[%swap3A, %swap3A_27], %broadcast_in_dim3A_1 {strides = array<i32>} : memref<64x128xf32, #tpu.memory_space<vmem>>, vector<16xf32>,
      %swap3A_29 = arith.index_cast %scan3A_26 : i32 to index
      %swap3A_30 = arith.constant 16 : index
      %swap3A_31 = tpu.vector_load %arg9[%swap3A_29, %swap3A_30] {strides = array<i32>} : memref<64x128xf32, #tpu.memory_space<vmem>>, vector<16xf32>,
      tpu.vector_store %arg9[%swap3A_29, %swap3A_30], %broadcast_in_dim3A_1 {strides = array<i32>} : memref<64x128xf32, #tpu.memory_space<vmem>>, vector<16xf32>,
      %swap3A_32 = arith.index_cast %scan3A_26 : i32 to index
      %swap3A_33 = arith.constant 32 : index
      %swap3A_34 = tpu.vector_load %arg9[%swap3A_32, %swap3A_33] {strides = array<i32>} : memref<64x128xf32, #tpu.memory_space<vmem>>, vector<16xf32>,
      tpu.vector_store %arg9[%swap3A_32, %swap3A_33], %broadcast_in_dim3A_1 {strides = array<i32>} : memref<64x128xf32, #tpu.memory_space<vmem>>, vector<16xf32>,
      %swap3A_35 = arith.index_cast %scan3A_26 : i32 to index
      %swap3A_36 = arith.constant 48 : index
      %swap3A_37 = tpu.vector_load %arg9[%swap3A_35, %swap3A_36] {strides = array<i32>} : memref<64x128xf32, #tpu.memory_space<vmem>>, vector<16xf32>,
      tpu.vector_store %arg9[%swap3A_35, %swap3A_36], %broadcast_in_dim3A_1 {strides = array<i32>} : memref<64x128xf32, #tpu.memory_space<vmem>>, vector<16xf32>,
      %swap3A_38 = arith.index_cast %scan3A_26 : i32 to index
      %swap3A_39 = arith.constant 64 : index
      %swap3A_40 = tpu.vector_load %arg9[%swap3A_38, %swap3A_39] {strides = array<i32>} : memref<64x128xf32, #tpu.memory_space<vmem>>, vector<16xf32>,
      tpu.vector_store %arg9[%swap3A_38, %swap3A_39], %broadcast_in_dim3A_1 {strides = array<i32>} : memref<64x128xf32, #tpu.memory_space<vmem>>, vector<16xf32>,
      %swap3A_41 = arith.index_cast %scan3A_26 : i32 to index
      %swap3A_42 = arith.constant 80 : index
      %swap3A_43 = tpu.vector_load %arg9[%swap3A_41, %swap3A_42] {strides = array<i32>} : memref<64x128xf32, #tpu.memory_space<vmem>>, vector<16xf32>,
      tpu.vector_store %arg9[%swap3A_41, %swap3A_42], %broadcast_in_dim3A_1 {strides = array<i32>} : memref<64x128xf32, #tpu.memory_space<vmem>>, vector<16xf32>,
      %swap3A_44 = arith.index_cast %scan3A_26 : i32 to index
      %swap3A_45 = arith.constant 96 : index
      %swap3A_46 = tpu.vector_load %arg9[%swap3A_44, %swap3A_45] {strides = array<i32>} : memref<64x128xf32, #tpu.memory_space<vmem>>, vector<16xf32>,
      tpu.vector_store %arg9[%swap3A_44, %swap3A_45], %broadcast_in_dim3A_1 {strides = array<i32>} : memref<64x128xf32, #tpu.memory_space<vmem>>, vector<16xf32>,
      %swap3A_47 = arith.index_cast %scan3A_26 : i32 to index
      %swap3A_48 = arith.constant 112 : index
      %swap3A_49 = tpu.vector_load %arg9[%swap3A_47, %swap3A_48] {strides = array<i32>} : memref<64x128xf32, #tpu.memory_space<vmem>>, vector<16xf32>,
      tpu.vector_store %arg9[%swap3A_47, %swap3A_48], %broadcast_in_dim3A_1 {strides = array<i32>} : memref<64x128xf32, #tpu.memory_space<vmem>>, vector<16xf32>,
    }
    %scan3A_6 = arith.constant 64 : i32
    %scan3A_7 = arith.constant 0 : i32
    %scan3A_8 = arith.constant 0 : i32
    %scan3A_9 = arith.constant 10 : i32
    %scan3A_10 = arith.addi %scan3A_8, %scan3A_9 : i32
    %scan3A_11 = arith.constant 1 : i32
    scf.for %scan3A_26 = %scan3A_8 to %scan3A_10 step %scan3A_11  : i32 {
      %mul3A_27 = arith.constant 640 : i32
      %mul3A_28 = arith.muli %arg1, %mul3A_27 : i32
      %mul3A_29 = arith.constant 64 : i32
      %mul3A_30 = arith.muli %scan3A_26, %mul3A_29 : i32
      %add3A_31 = arith.addi %mul3A_28, %mul3A_30 : i32
      "tpu.region"() ({
        %run_scoped3A = tpu.sem_alloc : memref<!tpu.dma_semaphore, #tpu.memory_space<semaphore_mem>>
        %dma_start3A = arith.constant 0 : i32
        %dma_start3A_32 = tpu.memref_slice %arg6[%add3A_31, %dma_start3A] : memref<10240x128xf32, #tpu.memory_space<vmem_shared>> -> memref<64x128xf32, #tpu.memory_space<vmem_shared>>
        %dma_start3A_33 = arith.constant 0 : i32
        %dma_start3A_34 = tpu.memref_slice %arg6[%add3A_31, %dma_start3A_33] : memref<10240x128xf32, #tpu.memory_space<vmem_shared>> -> memref<64x128xf32, #tpu.memory_space<vmem_shared>>
        tpu.enqueue_dma source(%arg9 : memref<64x128xf32, #tpu.memory_space<vmem>>) target(%dma_start3A_34 : memref<64x128xf32, #tpu.memory_space<vmem_shared>>) target_semaphore(%run_scoped3A : memref<!tpu.dma_semaphore, #tpu.memory_space<semaphore_mem>>)
        %dma_wait3A = arith.constant 0 : i32
        %dma_wait3A_35 = tpu.memref_slice %arg6[%add3A_31, %dma_wait3A] : memref<10240x128xf32, #tpu.memory_space<vmem_shared>> -> memref<64x128xf32, #tpu.memory_space<vmem_shared>>
        %dma_wait3A_36 = arith.constant 0 : i32
        %dma_wait3A_37 = tpu.memref_slice %arg6[%add3A_31, %dma_wait3A_36] : memref<10240x128xf32, #tpu.memory_space<vmem_shared>> -> memref<64x128xf32, #tpu.memory_space<vmem_shared>>
        tpu.wait_dma2 semaphore(%run_scoped3A : memref<!tpu.dma_semaphore, #tpu.memory_space<semaphore_mem>>) src(%arg9 : memref<64x128xf32, #tpu.memory_space<vmem>>) dst(%dma_wait3A_37 : memref<64x128xf32, #tpu.memory_space<vmem_shared>>)
        tpu.yield
      }) : () -> ()
    }
    %scan3A_12 = arith.constant 10 : i32
    %barrier3A = arith.constant 0 : index
    tpu.barrier barrier_id(%barrier3A)
    %scan3A_13 = arith.constant 0 : i32
    %scan3A_14 = arith.constant 0 : i32
    %scan3A_15 = arith.constant 4 : i32
    %scan3A_16 = arith.addi %scan3A_14, %scan3A_15 : i32
    %scan3A_17 = arith.constant 1 : i32
    scf.for %scan3A_26 = %scan3A_14 to %scan3A_16 step %scan3A_17  : i32 {
      %mul3A_27 = arith.constant 160 : i32
      %mul3A_28 = arith.muli %add3A, %mul3A_27 : i32
      %mul3A_29 = arith.constant 40 : i32
      %mul3A_30 = arith.muli %scan3A_26, %mul3A_29 : i32
      %add3A_31 = arith.addi %mul3A_28, %mul3A_30 : i32
      "tpu.region"() ({
        %run_scoped3A = tpu.sem_alloc : memref<!tpu.dma_semaphore, #tpu.memory_space<semaphore_mem>>
        %dma_start3A_57 = arith.constant 0 : i32
        %dma_start3A_58 = tpu.memref_slice %arg2[%add3A_31, %dma_start3A_57] : memref<5120x64xi32, #tpu.memory_space<hbm>> -> memref<40x64xi32, #tpu.memory_space<hbm>>
        %dma_start3A_59 = arith.constant 0 : i32
        %dma_start3A_60 = tpu.memref_slice %arg2[%add3A_31, %dma_start3A_59] : memref<5120x64xi32, #tpu.memory_space<hbm>> -> memref<40x64xi32, #tpu.memory_space<hbm>>
        tpu.enqueue_dma source(%dma_start3A_60 : memref<40x64xi32, #tpu.memory_space<hbm>>) target(%arg7 : memref<40x64xi32, #tpu.memory_space<vmem>>) target_semaphore(%run_scoped3A : memref<!tpu.dma_semaphore, #tpu.memory_space<semaphore_mem>>)
        %dma_wait3A_61 = arith.constant 0 : i32
        %dma_wait3A_62 = tpu.memref_slice %arg2[%add3A_31, %dma_wait3A_61] : memref<5120x64xi32, #tpu.memory_space<hbm>> -> memref<40x64xi32, #tpu.memory_space<hbm>>
        %dma_wait3A_63 = arith.constant 0 : i32
        %dma_wait3A_64 = tpu.memref_slice %arg2[%add3A_31, %dma_wait3A_63] : memref<5120x64xi32, #tpu.memory_space<hbm>> -> memref<40x64xi32, #tpu.memory_space<hbm>>
        tpu.wait_dma2 semaphore(%run_scoped3A : memref<!tpu.dma_semaphore, #tpu.memory_space<semaphore_mem>>) src(%dma_wait3A_64 : memref<40x64xi32, #tpu.memory_space<hbm>>) dst(%arg7 : memref<40x64xi32, #tpu.memory_space<vmem>>)
        tpu.yield
      }) : () -> ()
      "tpu.region"() ({
        %run_scoped3A = tpu.sem_alloc : memref<!tpu.dma_semaphore, #tpu.memory_space<semaphore_mem>>
        %dma_start3A_57 = arith.constant 0 : i32
        %dma_start3A_58 = tpu.memref_slice %arg3[%add3A_31, %dma_start3A_57] : memref<5120x64xi32, #tpu.memory_space<hbm>> -> memref<40x64xi32, #tpu.memory_space<hbm>>
        %dma_start3A_59 = arith.constant 0 : i32
        %dma_start3A_60 = tpu.memref_slice %arg3[%add3A_31, %dma_start3A_59] : memref<5120x64xi32, #tpu.memory_space<hbm>> -> memref<40x64xi32, #tpu.memory_space<hbm>>
        tpu.enqueue_dma source(%dma_start3A_60 : memref<40x64xi32, #tpu.memory_space<hbm>>) target(%arg8 : memref<40x64xi32, #tpu.memory_space<vmem>>) target_semaphore(%run_scoped3A : memref<!tpu.dma_semaphore, #tpu.memory_space<semaphore_mem>>)
        %dma_wait3A_61 = arith.constant 0 : i32
        %dma_wait3A_62 = tpu.memref_slice %arg3[%add3A_31, %dma_wait3A_61] : memref<5120x64xi32, #tpu.memory_space<hbm>> -> memref<40x64xi32, #tpu.memory_space<hbm>>
        %dma_wait3A_63 = arith.constant 0 : i32
        %dma_wait3A_64 = tpu.memref_slice %arg3[%add3A_31, %dma_wait3A_63] : memref<5120x64xi32, #tpu.memory_space<hbm>> -> memref<40x64xi32, #tpu.memory_space<hbm>>
        tpu.wait_dma2 semaphore(%run_scoped3A : memref<!tpu.dma_semaphore, #tpu.memory_space<semaphore_mem>>) src(%dma_wait3A_64 : memref<40x64xi32, #tpu.memory_space<hbm>>) dst(%arg8 : memref<40x64xi32, #tpu.memory_space<vmem>>)
        tpu.yield
      }) : () -> ()
      %dma_start3A = arith.constant 0 : i32
      %dma_start3A_32 = arith.constant 0 : i32
      %dma_start3A_33 = tpu.memref_slice %arg7[%dma_start3A, %dma_start3A_32] : memref<40x64xi32, #tpu.memory_space<vmem>> -> memref<1x64xi32, #tpu.memory_space<vmem>>
      %dma_start3A_34 = tpu.memref_squeeze %dma_start3A_33 : memref<1x64xi32, #tpu.memory_space<vmem>> -> memref<64xi32, #tpu.memory_space<vmem>>
      %dma_start3A_35 = arith.constant 0 : i32
      %dma_start3A_36 = arith.constant 0 : i32
      %dma_start3A_37 = tpu.memref_slice %arg4[%dma_start3A_35, %dma_start3A_36] : memref<10240x128xf32, #tpu.memory_space<hbm>> -> memref<10240x128xf32, #tpu.memory_space<hbm>>
      tpu.enqueue_indirect_dma source(%dma_start3A_37 : memref<10240x128xf32, #tpu.memory_space<hbm>>) target(%arg9 : memref<64x128xf32, #tpu.memory_space<vmem>>) offsets(%dma_start3A_34 : memref<64xi32, #tpu.memory_space<vmem>>) semaphore(%arg11 : memref<!tpu.dma_semaphore, #tpu.memory_space<semaphore_mem>>)
      %scan3A_38 = arith.constant 0 : i32
      %scan3A_39 = arith.constant 0 : i32
      %scan3A_40 = arith.constant 20 : i32
      %scan3A_41 = arith.addi %scan3A_39, %scan3A_40 : i32
      %scan3A_42 = arith.constant 1 : i32
      scf.for %scan3A_57 = %scan3A_39 to %scan3A_41 step %scan3A_42  : i32 {
        %mul3A_58 = arith.constant 2 : i32
        %mul3A_59 = arith.muli %mul3A_58, %scan3A_57 : i32
        %add3A_60 = arith.constant 1 : i32
        %add3A_61 = arith.addi %mul3A_59, %add3A_60 : i32
        %lt3A = arith.constant 40 : i32
        %lt3A_62 = arith.cmpi slt, %add3A_61, %lt3A : i32
        %convert_element_type3A = arith.extui %lt3A_62 : i1 to i32
        %cond3A = arith.constant 0 : i32
        %cond3A_63 = arith.cmpi ne, %convert_element_type3A, %cond3A : i32
        scf.if %cond3A_63 {
          %ge3A = arith.constant 3 : i32
          %ge3A_82 = arith.cmpi sge, %add3A_61, %ge3A : i32
          %convert_element_type3A_83 = arith.extui %ge3A_82 : i1 to i32
          %cond3A_84 = arith.constant 0 : i32
          %cond3A_85 = arith.cmpi ne, %convert_element_type3A_83, %cond3A_84 : i32
          scf.if %cond3A_85 {
            %dma_wait3A_92 = arith.constant 0 : i32
            %dma_wait3A_93 = arith.constant 0 : i32
            %dma_wait3A_94 = tpu.memref_slice %arg8[%dma_wait3A_92, %dma_wait3A_93] : memref<40x64xi32, #tpu.memory_space<vmem>> -> memref<1x64xi32, #tpu.memory_space<vmem>>
            %dma_wait3A_95 = tpu.memref_squeeze %dma_wait3A_94 : memref<1x64xi32, #tpu.memory_space<vmem>> -> memref<64xi32, #tpu.memory_space<vmem>>
            %dma_wait3A_96 = arith.constant 0 : i32
            %dma_wait3A_97 = arith.constant 0 : i32
            %dma_wait3A_98 = tpu.memref_slice %arg6[%dma_wait3A_96, %dma_wait3A_97] : memref<10240x128xf32, #tpu.memory_space<vmem_shared>> -> memref<10240x128xf32, #tpu.memory_space<vmem_shared>>
            tpu.wait_indirect_dma semaphore(%arg14 : memref<!tpu.dma_semaphore, #tpu.memory_space<semaphore_mem>>) src(%arg10 : memref<64x128xf32, #tpu.memory_space<vmem>>) dst(%dma_wait3A_98 : memref<10240x128xf32, #tpu.memory_space<vmem_shared>>)
          } else {
          }
          %dma_start3A_86 = arith.constant 0 : i32
          %dma_start3A_87 = tpu.memref_slice %arg7[%add3A_61, %dma_start3A_86] : memref<40x64xi32, #tpu.memory_space<vmem>> -> memref<1x64xi32, #tpu.memory_space<vmem>>
          %dma_start3A_88 = tpu.memref_squeeze %dma_start3A_87 : memref<1x64xi32, #tpu.memory_space<vmem>> -> memref<64xi32, #tpu.memory_space<vmem>>
          %dma_start3A_89 = arith.constant 0 : i32
          %dma_start3A_90 = arith.constant 0 : i32
          %dma_start3A_91 = tpu.memref_slice %arg4[%dma_start3A_89, %dma_start3A_90] : memref<10240x128xf32, #tpu.memory_space<hbm>> -> memref<10240x128xf32, #tpu.memory_space<hbm>>
          tpu.enqueue_indirect_dma source(%dma_start3A_91 : memref<10240x128xf32, #tpu.memory_space<hbm>>) target(%arg10 : memref<64x128xf32, #tpu.memory_space<vmem>>) offsets(%dma_start3A_88 : memref<64xi32, #tpu.memory_space<vmem>>) semaphore(%arg12 : memref<!tpu.dma_semaphore, #tpu.memory_space<semaphore_mem>>)
        } else {
        }
        %dma_wait3A_64 = arith.constant 0 : i32
        %dma_wait3A_65 = arith.constant 0 : i32
        %dma_wait3A_66 = tpu.memref_slice %arg7[%dma_wait3A_64, %dma_wait3A_65] : memref<40x64xi32, #tpu.memory_space<vmem>> -> memref<1x64xi32, #tpu.memory_space<vmem>>
        %dma_wait3A_67 = tpu.memref_squeeze %dma_wait3A_66 : memref<1x64xi32, #tpu.memory_space<vmem>> -> memref<64xi32, #tpu.memory_space<vmem>>
        %dma_wait3A_68 = arith.constant 0 : i32
        %dma_wait3A_69 = arith.constant 0 : i32
        %dma_wait3A_70 = tpu.memref_slice %arg4[%dma_wait3A_68, %dma_wait3A_69] : memref<10240x128xf32, #tpu.memory_space<hbm>> -> memref<10240x128xf32, #tpu.memory_space<hbm>>
        tpu.wait_indirect_dma semaphore(%arg11 : memref<!tpu.dma_semaphore, #tpu.memory_space<semaphore_mem>>) src(%dma_wait3A_70 : memref<10240x128xf32, #tpu.memory_space<hbm>>) dst(%arg9 : memref<64x128xf32, #tpu.memory_space<vmem>>)
        %dma_start3A_71 = arith.constant 0 : i32
        %dma_start3A_72 = tpu.memref_slice %arg8[%mul3A_59, %dma_start3A_71] : memref<40x64xi32, #tpu.memory_space<vmem>> -> memref<1x64xi32, #tpu.memory_space<vmem>>
        %dma_start3A_73 = tpu.memref_squeeze %dma_start3A_72 : memref<1x64xi32, #tpu.memory_space<vmem>> -> memref<64xi32, #tpu.memory_space<vmem>>
        %dma_start3A_74 = arith.constant 0 : i32
        %dma_start3A_75 = arith.constant 0 : i32
        %dma_start3A_76 = tpu.memref_slice %arg6[%dma_start3A_74, %dma_start3A_75] : memref<10240x128xf32, #tpu.memory_space<vmem_shared>> -> memref<10240x128xf32, #tpu.memory_space<vmem_shared>>
        tpu.enqueue_indirect_dma source(%arg9 : memref<64x128xf32, #tpu.memory_space<vmem>>) target(%dma_start3A_76 : memref<10240x128xf32, #tpu.memory_space<vmem_shared>>) offsets(%dma_start3A_73 : memref<64xi32, #tpu.memory_space<vmem>>) semaphore(%arg13 : memref<!tpu.dma_semaphore, #tpu.memory_space<semaphore_mem>>) {add = true}
        %lt3A_77 = arith.constant 40 : i32
        %lt3A_78 = arith.cmpi slt, %add3A_61, %lt3A_77 : i32
        %convert_element_type3A_79 = arith.extui %lt3A_78 : i1 to i32
        %cond3A_80 = arith.constant 0 : i32
        %cond3A_81 = arith.cmpi ne, %convert_element_type3A_79, %cond3A_80 : i32
        scf.if %cond3A_81 {
          %add3A_82 = arith.constant 1 : i32
          %add3A_83 = arith.addi %add3A_61, %add3A_82 : i32
          %lt3A_84 = arith.constant 40 : i32
          %lt3A_85 = arith.cmpi slt, %add3A_83, %lt3A_84 : i32
          %convert_element_type3A_86 = arith.extui %lt3A_85 : i1 to i32
          %cond3A_87 = arith.constant 0 : i32
          %cond3A_88 = arith.cmpi ne, %convert_element_type3A_86, %cond3A_87 : i32
          scf.if %cond3A_88 {
            %dma_wait3A_102 = arith.constant 0 : i32
            %dma_wait3A_103 = arith.constant 0 : i32
            %dma_wait3A_104 = tpu.memref_slice %arg8[%dma_wait3A_102, %dma_wait3A_103] : memref<40x64xi32, #tpu.memory_space<vmem>> -> memref<1x64xi32, #tpu.memory_space<vmem>>
            %dma_wait3A_105 = tpu.memref_squeeze %dma_wait3A_104 : memref<1x64xi32, #tpu.memory_space<vmem>> -> memref<64xi32, #tpu.memory_space<vmem>>
            %dma_wait3A_106 = arith.constant 0 : i32
            %dma_wait3A_107 = arith.constant 0 : i32
            %dma_wait3A_108 = tpu.memref_slice %arg6[%dma_wait3A_106, %dma_wait3A_107] : memref<10240x128xf32, #tpu.memory_space<vmem_shared>> -> memref<10240x128xf32, #tpu.memory_space<vmem_shared>>
            tpu.wait_indirect_dma semaphore(%arg13 : memref<!tpu.dma_semaphore, #tpu.memory_space<semaphore_mem>>) src(%arg9 : memref<64x128xf32, #tpu.memory_space<vmem>>) dst(%dma_wait3A_108 : memref<10240x128xf32, #tpu.memory_space<vmem_shared>>)
            %add3A_109 = arith.constant 1 : i32
            %add3A_110 = arith.addi %add3A_61, %add3A_109 : i32
            %dma_start3A_111 = arith.constant 0 : i32
            %dma_start3A_112 = tpu.memref_slice %arg7[%add3A_110, %dma_start3A_111] : memref<40x64xi32, #tpu.memory_space<vmem>> -> memref<1x64xi32, #tpu.memory_space<vmem>>
            %dma_start3A_113 = tpu.memref_squeeze %dma_start3A_112 : memref<1x64xi32, #tpu.memory_space<vmem>> -> memref<64xi32, #tpu.memory_space<vmem>>
            %dma_start3A_114 = arith.constant 0 : i32
            %dma_start3A_115 = arith.constant 0 : i32
            %dma_start3A_116 = tpu.memref_slice %arg4[%dma_start3A_114, %dma_start3A_115] : memref<10240x128xf32, #tpu.memory_space<hbm>> -> memref<10240x128xf32, #tpu.memory_space<hbm>>
            tpu.enqueue_indirect_dma source(%dma_start3A_116 : memref<10240x128xf32, #tpu.memory_space<hbm>>) target(%arg9 : memref<64x128xf32, #tpu.memory_space<vmem>>) offsets(%dma_start3A_113 : memref<64xi32, #tpu.memory_space<vmem>>) semaphore(%arg11 : memref<!tpu.dma_semaphore, #tpu.memory_space<semaphore_mem>>)
          } else {
          }
          %dma_wait3A_89 = arith.constant 0 : i32
          %dma_wait3A_90 = arith.constant 0 : i32
          %dma_wait3A_91 = tpu.memref_slice %arg7[%dma_wait3A_89, %dma_wait3A_90] : memref<40x64xi32, #tpu.memory_space<vmem>> -> memref<1x64xi32, #tpu.memory_space<vmem>>
          %dma_wait3A_92 = tpu.memref_squeeze %dma_wait3A_91 : memref<1x64xi32, #tpu.memory_space<vmem>> -> memref<64xi32, #tpu.memory_space<vmem>>
          %dma_wait3A_93 = arith.constant 0 : i32
          %dma_wait3A_94 = arith.constant 0 : i32
          %dma_wait3A_95 = tpu.memref_slice %arg4[%dma_wait3A_93, %dma_wait3A_94] : memref<10240x128xf32, #tpu.memory_space<hbm>> -> memref<10240x128xf32, #tpu.memory_space<hbm>>
          tpu.wait_indirect_dma semaphore(%arg12 : memref<!tpu.dma_semaphore, #tpu.memory_space<semaphore_mem>>) src(%dma_wait3A_95 : memref<10240x128xf32, #tpu.memory_space<hbm>>) dst(%arg10 : memref<64x128xf32, #tpu.memory_space<vmem>>)
          %dma_start3A_96 = arith.constant 0 : i32
          %dma_start3A_97 = tpu.memref_slice %arg8[%add3A_61, %dma_start3A_96] : memref<40x64xi32, #tpu.memory_space<vmem>> -> memref<1x64xi32, #tpu.memory_space<vmem>>
          %dma_start3A_98 = tpu.memref_squeeze %dma_start3A_97 : memref<1x64xi32, #tpu.memory_space<vmem>> -> memref<64xi32, #tpu.memory_space<vmem>>
          %dma_start3A_99 = arith.constant 0 : i32
          %dma_start3A_100 = arith.constant 0 : i32
          %dma_start3A_101 = tpu.memref_slice %arg6[%dma_start3A_99, %dma_start3A_100] : memref<10240x128xf32, #tpu.memory_space<vmem_shared>> -> memref<10240x128xf32, #tpu.memory_space<vmem_shared>>
          tpu.enqueue_indirect_dma source(%arg10 : memref<64x128xf32, #tpu.memory_space<vmem>>) target(%dma_start3A_101 : memref<10240x128xf32, #tpu.memory_space<vmem_shared>>) offsets(%dma_start3A_98 : memref<64xi32, #tpu.memory_space<vmem>>) semaphore(%arg14 : memref<!tpu.dma_semaphore, #tpu.memory_space<semaphore_mem>>) {add = true}
        } else {
        }
      }
      %scan3A_43 = arith.constant 20 : i32
      %dma_wait3A = arith.constant 0 : i32
      %dma_wait3A_44 = arith.constant 0 : i32
      %dma_wait3A_45 = tpu.memref_slice %arg8[%dma_wait3A, %dma_wait3A_44] : memref<40x64xi32, #tpu.memory_space<vmem>> -> memref<1x64xi32, #tpu.memory_space<vmem>>
      %dma_wait3A_46 = tpu.memref_squeeze %dma_wait3A_45 : memref<1x64xi32, #tpu.memory_space<vmem>> -> memref<64xi32, #tpu.memory_space<vmem>>
      %dma_wait3A_47 = arith.constant 0 : i32
      %dma_wait3A_48 = arith.constant 0 : i32
      %dma_wait3A_49 = tpu.memref_slice %arg6[%dma_wait3A_47, %dma_wait3A_48] : memref<10240x128xf32, #tpu.memory_space<vmem_shared>> -> memref<10240x128xf32, #tpu.memory_space<vmem_shared>>
      tpu.wait_indirect_dma semaphore(%arg13 : memref<!tpu.dma_semaphore, #tpu.memory_space<semaphore_mem>>) src(%arg9 : memref<64x128xf32, #tpu.memory_space<vmem>>) dst(%dma_wait3A_49 : memref<10240x128xf32, #tpu.memory_space<vmem_shared>>)
      %dma_wait3A_50 = arith.constant 0 : i32
      %dma_wait3A_51 = arith.constant 0 : i32
      %dma_wait3A_52 = tpu.memref_slice %arg8[%dma_wait3A_50, %dma_wait3A_51] : memref<40x64xi32, #tpu.memory_space<vmem>> -> memref<1x64xi32, #tpu.memory_space<vmem>>
      %dma_wait3A_53 = tpu.memref_squeeze %dma_wait3A_52 : memref<1x64xi32, #tpu.memory_space<vmem>> -> memref<64xi32, #tpu.memory_space<vmem>>
      %dma_wait3A_54 = arith.constant 0 : i32
      %dma_wait3A_55 = arith.constant 0 : i32
      %dma_wait3A_56 = tpu.memref_slice %arg6[%dma_wait3A_54, %dma_wait3A_55] : memref<10240x128xf32, #tpu.memory_space<vmem_shared>> -> memref<10240x128xf32, #tpu.memory_space<vmem_shared>>
      tpu.wait_indirect_dma semaphore(%arg14 : memref<!tpu.dma_semaphore, #tpu.memory_space<semaphore_mem>>) src(%arg10 : memref<64x128xf32, #tpu.memory_space<vmem>>) dst(%dma_wait3A_56 : memref<10240x128xf32, #tpu.memory_space<vmem_shared>>)
    }
    %scan3A_18 = arith.constant 4 : i32
    %barrier3A_19 = arith.constant 0 : index
    tpu.barrier barrier_id(%barrier3A_19)
    %scan3A_20 = arith.constant 0 : i32
    %scan3A_21 = arith.constant 0 : i32
    %scan3A_22 = arith.constant 10 : i32
    %scan3A_23 = arith.addi %scan3A_21, %scan3A_22 : i32
    %scan3A_24 = arith.constant 1 : i32
    scf.for %scan3A_26 = %scan3A_21 to %scan3A_23 step %scan3A_24  : i32 {
      %mul3A_27 = arith.constant 640 : i32
      %mul3A_28 = arith.muli %arg1, %mul3A_27 : i32
      %mul3A_29 = arith.constant 64 : i32
      %mul3A_30 = arith.muli %scan3A_26, %mul3A_29 : i32
      %add3A_31 = arith.addi %mul3A_28, %mul3A_30 : i32
      "tpu.region"() ({
        %run_scoped3A = tpu.sem_alloc : memref<!tpu.dma_semaphore, #tpu.memory_space<semaphore_mem>>
        %dma_start3A = arith.constant 0 : i32
        %dma_start3A_37 = tpu.memref_slice %arg6[%add3A_31, %dma_start3A] : memref<10240x128xf32, #tpu.memory_space<vmem_shared>> -> memref<64x128xf32, #tpu.memory_space<vmem_shared>>
        %dma_start3A_38 = arith.constant 0 : i32
        %dma_start3A_39 = tpu.memref_slice %arg6[%add3A_31, %dma_start3A_38] : memref<10240x128xf32, #tpu.memory_space<vmem_shared>> -> memref<64x128xf32, #tpu.memory_space<vmem_shared>>
        tpu.enqueue_dma source(%dma_start3A_39 : memref<64x128xf32, #tpu.memory_space<vmem_shared>>) target(%arg9 : memref<64x128xf32, #tpu.memory_space<vmem>>) target_semaphore(%run_scoped3A : memref<!tpu.dma_semaphore, #tpu.memory_space<semaphore_mem>>)
        %dma_wait3A = arith.constant 0 : i32
        %dma_wait3A_40 = tpu.memref_slice %arg6[%add3A_31, %dma_wait3A] : memref<10240x128xf32, #tpu.memory_space<vmem_shared>> -> memref<64x128xf32, #tpu.memory_space<vmem_shared>>
        %dma_wait3A_41 = arith.constant 0 : i32
        %dma_wait3A_42 = tpu.memref_slice %arg6[%add3A_31, %dma_wait3A_41] : memref<10240x128xf32, #tpu.memory_space<vmem_shared>> -> memref<64x128xf32, #tpu.memory_space<vmem_shared>>
        tpu.wait_dma2 semaphore(%run_scoped3A : memref<!tpu.dma_semaphore, #tpu.memory_space<semaphore_mem>>) src(%dma_wait3A_42 : memref<64x128xf32, #tpu.memory_space<vmem_shared>>) dst(%arg9 : memref<64x128xf32, #tpu.memory_space<vmem>>)
        tpu.yield
      }) : () -> ()
      %mul3A_32 = arith.constant 640 : i32
      %mul3A_33 = arith.muli %arg1, %mul3A_32 : i32
      %mul3A_34 = arith.constant 64 : i32
      %mul3A_35 = arith.muli %scan3A_26, %mul3A_34 : i32
      %add3A_36 = arith.addi %mul3A_33, %mul3A_35 : i32
      "tpu.region"() ({
        %run_scoped3A = tpu.sem_alloc : memref<!tpu.dma_semaphore, #tpu.memory_space<semaphore_mem>>
        %dma_start3A = arith.constant 0 : i32
        %dma_start3A_37 = tpu.memref_slice %arg5[%arg0, %add3A_36, %dma_start3A] : memref<2x10240x128xf32, #tpu.memory_space<hbm>> -> memref<1x64x128xf32, #tpu.memory_space<hbm>>
        %dma_start3A_38 = tpu.memref_squeeze %dma_start3A_37 : memref<1x64x128xf32, #tpu.memory_space<hbm>> -> memref<64x128xf32, #tpu.memory_space<hbm>>
        %dma_start3A_39 = arith.constant 0 : i32
        %dma_start3A_40 = tpu.memref_slice %arg5[%arg0, %add3A_36, %dma_start3A_39] : memref<2x10240x128xf32, #tpu.memory_space<hbm>> -> memref<1x64x128xf32, #tpu.memory_space<hbm>>
        %dma_start3A_41 = tpu.memref_squeeze %dma_start3A_40 : memref<1x64x128xf32, #tpu.memory_space<hbm>> -> memref<64x128xf32, #tpu.memory_space<hbm>>
        tpu.enqueue_dma source(%arg9 : memref<64x128xf32, #tpu.memory_space<vmem>>) target(%dma_start3A_41 : memref<64x128xf32, #tpu.memory_space<hbm>>) target_semaphore(%run_scoped3A : memref<!tpu.dma_semaphore, #tpu.memory_space<semaphore_mem>>)
        %dma_wait3A = arith.constant 0 : i32
        %dma_wait3A_42 = tpu.memref_slice %arg5[%arg0, %add3A_36, %dma_wait3A] : memref<2x10240x128xf32, #tpu.memory_space<hbm>> -> memref<1x64x128xf32, #tpu.memory_space<hbm>>
        %dma_wait3A_43 = tpu.memref_squeeze %dma_wait3A_42 : memref<1x64x128xf32, #tpu.memory_space<hbm>> -> memref<64x128xf32, #tpu.memory_space<hbm>>
        %dma_wait3A_44 = arith.constant 0 : i32
        %dma_wait3A_45 = tpu.memref_slice %arg5[%arg0, %add3A_36, %dma_wait3A_44] : memref<2x10240x128xf32, #tpu.memory_space<hbm>> -> memref<1x64x128xf32, #tpu.memory_space<hbm>>
        %dma_wait3A_46 = tpu.memref_squeeze %dma_wait3A_45 : memref<1x64x128xf32, #tpu.memory_space<hbm>> -> memref<64x128xf32, #tpu.memory_space<hbm>>
        tpu.wait_dma2 semaphore(%run_scoped3A : memref<!tpu.dma_semaphore, #tpu.memory_space<semaphore_mem>>) src(%arg9 : memref<64x128xf32, #tpu.memory_space<vmem>>) dst(%dma_wait3A_46 : memref<64x128xf32, #tpu.memory_space<hbm>>)
        tpu.yield
      }) : () -> ()
    }
    %scan3A_25 = arith.constant 10 : i32
    return
  }
}

module attributes {stable_mosaic.version = 14 : i64} {
  func.func @_tc_stage1_body(%arg0: memref<32x80x128xf32, #tpu.memory_space<vmem>>, %arg1: memref<32x80x128xf32, #tpu.memory_space<vmem>>, %arg2: memref<10000x128xf32, #tpu.memory_space<vmem>>, %arg3: memref<128x128xf32, #tpu.memory_space<vmem>>, %arg4: memref<10240x128xf32, #tpu.memory_space<vmem>>, %arg5: memref<10240x128xf32, #tpu.memory_space<vmem>>, %arg6: memref<10240x128xf32, #tpu.memory_space<vmem>>) attributes {dimension_semantics = [], scalar_prefetch = 0 : i64, scratch_operands = 0 : i64, tpu.core_type = #tpu.core_type<tc>} {
    %get3A = arith.constant 0 : index
    %get3A_0 = arith.constant 0 : index
    %get3A_1 = arith.constant 0 : index
    %get3A_2 = vector.load %arg0[%get3A, %get3A_0, %get3A_1] : memref<32x80x128xf32, #tpu.memory_space<vmem>>, vector<32x80x128xf32>
    %reduce_sum3A = arith.constant dense<0.000000e+00> : vector<80x128xf32>
    %reduce_sum3A_3 = vector.multi_reduction <add>, %get3A_2, %reduce_sum3A [0] : vector<32x80x128xf32> to vector<80x128xf32>
    %get3A_4 = arith.constant 0 : index
    %get3A_5 = arith.constant 0 : index
    %get3A_6 = arith.constant 0 : index
    %get3A_7 = vector.load %arg1[%get3A_4, %get3A_5, %get3A_6] : memref<32x80x128xf32, #tpu.memory_space<vmem>>, vector<32x80x128xf32>
    %reduce_sum3A_8 = arith.constant dense<0.000000e+00> : vector<80x128xf32>
    %reduce_sum3A_9 = vector.multi_reduction <add>, %get3A_7, %reduce_sum3A_8 [0] : vector<32x80x128xf32> to vector<80x128xf32>
    %max3A = arith.constant 1.000000e+00 : f32
    %max3A_10 = vector.broadcast %max3A : f32 to vector<80x128xf32>
    %max3A_11 = arith.maximumf %reduce_sum3A_3, %max3A_10 : vector<80x128xf32>
    %rsqrt3A = math.rsqrt %max3A_11 : vector<80x128xf32>
    %transpose3A = tpu.transpose %rsqrt3A, [1, 0] : vector<80x128xf32> -> vector<128x80xf32>
    %slice3A = vector.extract_strided_slice %transpose3A {offsets = [0, 0], sizes = [128, 1], strides = [1, 1]} : vector<128x80xf32> to vector<128x1xf32>
    %broadcast_in_dim3A = vector.shape_cast %slice3A : vector<128x1xf32> to vector<128x1xf32>
    %broadcast_in_dim3A_12 = vector.broadcast %broadcast_in_dim3A : vector<128x1xf32> to vector<128x128xf32>
    %slice3A_13 = vector.extract_strided_slice %transpose3A {offsets = [0, 1], sizes = [128, 1], strides = [1, 1]} : vector<128x80xf32> to vector<128x1xf32>
    %broadcast_in_dim3A_14 = vector.shape_cast %slice3A_13 : vector<128x1xf32> to vector<128x1xf32>
    %broadcast_in_dim3A_15 = vector.broadcast %broadcast_in_dim3A_14 : vector<128x1xf32> to vector<128x128xf32>
    %slice3A_16 = vector.extract_strided_slice %transpose3A {offsets = [0, 2], sizes = [128, 1], strides = [1, 1]} : vector<128x80xf32> to vector<128x1xf32>
    %broadcast_in_dim3A_17 = vector.shape_cast %slice3A_16 : vector<128x1xf32> to vector<128x1xf32>
    %broadcast_in_dim3A_18 = vector.broadcast %broadcast_in_dim3A_17 : vector<128x1xf32> to vector<128x128xf32>
    %slice3A_19 = vector.extract_strided_slice %transpose3A {offsets = [0, 3], sizes = [128, 1], strides = [1, 1]} : vector<128x80xf32> to vector<128x1xf32>
    %broadcast_in_dim3A_20 = vector.shape_cast %slice3A_19 : vector<128x1xf32> to vector<128x1xf32>
    %broadcast_in_dim3A_21 = vector.broadcast %broadcast_in_dim3A_20 : vector<128x1xf32> to vector<128x128xf32>
    %slice3A_22 = vector.extract_strided_slice %transpose3A {offsets = [0, 4], sizes = [128, 1], strides = [1, 1]} : vector<128x80xf32> to vector<128x1xf32>
    %broadcast_in_dim3A_23 = vector.shape_cast %slice3A_22 : vector<128x1xf32> to vector<128x1xf32>
    %broadcast_in_dim3A_24 = vector.broadcast %broadcast_in_dim3A_23 : vector<128x1xf32> to vector<128x128xf32>
    %slice3A_25 = vector.extract_strided_slice %transpose3A {offsets = [0, 5], sizes = [128, 1], strides = [1, 1]} : vector<128x80xf32> to vector<128x1xf32>
    %broadcast_in_dim3A_26 = vector.shape_cast %slice3A_25 : vector<128x1xf32> to vector<128x1xf32>
    %broadcast_in_dim3A_27 = vector.broadcast %broadcast_in_dim3A_26 : vector<128x1xf32> to vector<128x128xf32>
    %slice3A_28 = vector.extract_strided_slice %transpose3A {offsets = [0, 6], sizes = [128, 1], strides = [1, 1]} : vector<128x80xf32> to vector<128x1xf32>
    %broadcast_in_dim3A_29 = vector.shape_cast %slice3A_28 : vector<128x1xf32> to vector<128x1xf32>
    %broadcast_in_dim3A_30 = vector.broadcast %broadcast_in_dim3A_29 : vector<128x1xf32> to vector<128x128xf32>
    %slice3A_31 = vector.extract_strided_slice %transpose3A {offsets = [0, 7], sizes = [128, 1], strides = [1, 1]} : vector<128x80xf32> to vector<128x1xf32>
    %broadcast_in_dim3A_32 = vector.shape_cast %slice3A_31 : vector<128x1xf32> to vector<128x1xf32>
    %broadcast_in_dim3A_33 = vector.broadcast %broadcast_in_dim3A_32 : vector<128x1xf32> to vector<128x128xf32>
    %slice3A_34 = vector.extract_strided_slice %transpose3A {offsets = [0, 8], sizes = [128, 1], strides = [1, 1]} : vector<128x80xf32> to vector<128x1xf32>
    %broadcast_in_dim3A_35 = vector.shape_cast %slice3A_34 : vector<128x1xf32> to vector<128x1xf32>
    %broadcast_in_dim3A_36 = vector.broadcast %broadcast_in_dim3A_35 : vector<128x1xf32> to vector<128x128xf32>
    %slice3A_37 = vector.extract_strided_slice %transpose3A {offsets = [0, 9], sizes = [128, 1], strides = [1, 1]} : vector<128x80xf32> to vector<128x1xf32>
    %broadcast_in_dim3A_38 = vector.shape_cast %slice3A_37 : vector<128x1xf32> to vector<128x1xf32>
    %broadcast_in_dim3A_39 = vector.broadcast %broadcast_in_dim3A_38 : vector<128x1xf32> to vector<128x128xf32>
    %slice3A_40 = vector.extract_strided_slice %transpose3A {offsets = [0, 10], sizes = [128, 1], strides = [1, 1]} : vector<128x80xf32> to vector<128x1xf32>
    %broadcast_in_dim3A_41 = vector.shape_cast %slice3A_40 : vector<128x1xf32> to vector<128x1xf32>
    %broadcast_in_dim3A_42 = vector.broadcast %broadcast_in_dim3A_41 : vector<128x1xf32> to vector<128x128xf32>
    %slice3A_43 = vector.extract_strided_slice %transpose3A {offsets = [0, 11], sizes = [128, 1], strides = [1, 1]} : vector<128x80xf32> to vector<128x1xf32>
    %broadcast_in_dim3A_44 = vector.shape_cast %slice3A_43 : vector<128x1xf32> to vector<128x1xf32>
    %broadcast_in_dim3A_45 = vector.broadcast %broadcast_in_dim3A_44 : vector<128x1xf32> to vector<128x128xf32>
    %slice3A_46 = vector.extract_strided_slice %transpose3A {offsets = [0, 12], sizes = [128, 1], strides = [1, 1]} : vector<128x80xf32> to vector<128x1xf32>
    %broadcast_in_dim3A_47 = vector.shape_cast %slice3A_46 : vector<128x1xf32> to vector<128x1xf32>
    %broadcast_in_dim3A_48 = vector.broadcast %broadcast_in_dim3A_47 : vector<128x1xf32> to vector<128x128xf32>
    %slice3A_49 = vector.extract_strided_slice %transpose3A {offsets = [0, 13], sizes = [128, 1], strides = [1, 1]} : vector<128x80xf32> to vector<128x1xf32>
    %broadcast_in_dim3A_50 = vector.shape_cast %slice3A_49 : vector<128x1xf32> to vector<128x1xf32>
    %broadcast_in_dim3A_51 = vector.broadcast %broadcast_in_dim3A_50 : vector<128x1xf32> to vector<128x128xf32>
    %slice3A_52 = vector.extract_strided_slice %transpose3A {offsets = [0, 14], sizes = [128, 1], strides = [1, 1]} : vector<128x80xf32> to vector<128x1xf32>
    %broadcast_in_dim3A_53 = vector.shape_cast %slice3A_52 : vector<128x1xf32> to vector<128x1xf32>
    %broadcast_in_dim3A_54 = vector.broadcast %broadcast_in_dim3A_53 : vector<128x1xf32> to vector<128x128xf32>
    %slice3A_55 = vector.extract_strided_slice %transpose3A {offsets = [0, 15], sizes = [128, 1], strides = [1, 1]} : vector<128x80xf32> to vector<128x1xf32>
    %broadcast_in_dim3A_56 = vector.shape_cast %slice3A_55 : vector<128x1xf32> to vector<128x1xf32>
    %broadcast_in_dim3A_57 = vector.broadcast %broadcast_in_dim3A_56 : vector<128x1xf32> to vector<128x128xf32>
    %slice3A_58 = vector.extract_strided_slice %transpose3A {offsets = [0, 16], sizes = [128, 1], strides = [1, 1]} : vector<128x80xf32> to vector<128x1xf32>
    %broadcast_in_dim3A_59 = vector.shape_cast %slice3A_58 : vector<128x1xf32> to vector<128x1xf32>
    %broadcast_in_dim3A_60 = vector.broadcast %broadcast_in_dim3A_59 : vector<128x1xf32> to vector<128x128xf32>
    %slice3A_61 = vector.extract_strided_slice %transpose3A {offsets = [0, 17], sizes = [128, 1], strides = [1, 1]} : vector<128x80xf32> to vector<128x1xf32>
    %broadcast_in_dim3A_62 = vector.shape_cast %slice3A_61 : vector<128x1xf32> to vector<128x1xf32>
    %broadcast_in_dim3A_63 = vector.broadcast %broadcast_in_dim3A_62 : vector<128x1xf32> to vector<128x128xf32>
    %slice3A_64 = vector.extract_strided_slice %transpose3A {offsets = [0, 18], sizes = [128, 1], strides = [1, 1]} : vector<128x80xf32> to vector<128x1xf32>
    %broadcast_in_dim3A_65 = vector.shape_cast %slice3A_64 : vector<128x1xf32> to vector<128x1xf32>
    %broadcast_in_dim3A_66 = vector.broadcast %broadcast_in_dim3A_65 : vector<128x1xf32> to vector<128x128xf32>
    %slice3A_67 = vector.extract_strided_slice %transpose3A {offsets = [0, 19], sizes = [128, 1], strides = [1, 1]} : vector<128x80xf32> to vector<128x1xf32>
    %broadcast_in_dim3A_68 = vector.shape_cast %slice3A_67 : vector<128x1xf32> to vector<128x1xf32>
    %broadcast_in_dim3A_69 = vector.broadcast %broadcast_in_dim3A_68 : vector<128x1xf32> to vector<128x128xf32>
    %slice3A_70 = vector.extract_strided_slice %transpose3A {offsets = [0, 20], sizes = [128, 1], strides = [1, 1]} : vector<128x80xf32> to vector<128x1xf32>
    %broadcast_in_dim3A_71 = vector.shape_cast %slice3A_70 : vector<128x1xf32> to vector<128x1xf32>
    %broadcast_in_dim3A_72 = vector.broadcast %broadcast_in_dim3A_71 : vector<128x1xf32> to vector<128x128xf32>
    %slice3A_73 = vector.extract_strided_slice %transpose3A {offsets = [0, 21], sizes = [128, 1], strides = [1, 1]} : vector<128x80xf32> to vector<128x1xf32>
    %broadcast_in_dim3A_74 = vector.shape_cast %slice3A_73 : vector<128x1xf32> to vector<128x1xf32>
    %broadcast_in_dim3A_75 = vector.broadcast %broadcast_in_dim3A_74 : vector<128x1xf32> to vector<128x128xf32>
    %slice3A_76 = vector.extract_strided_slice %transpose3A {offsets = [0, 22], sizes = [128, 1], strides = [1, 1]} : vector<128x80xf32> to vector<128x1xf32>
    %broadcast_in_dim3A_77 = vector.shape_cast %slice3A_76 : vector<128x1xf32> to vector<128x1xf32>
    %broadcast_in_dim3A_78 = vector.broadcast %broadcast_in_dim3A_77 : vector<128x1xf32> to vector<128x128xf32>
    %slice3A_79 = vector.extract_strided_slice %transpose3A {offsets = [0, 23], sizes = [128, 1], strides = [1, 1]} : vector<128x80xf32> to vector<128x1xf32>
    %broadcast_in_dim3A_80 = vector.shape_cast %slice3A_79 : vector<128x1xf32> to vector<128x1xf32>
    %broadcast_in_dim3A_81 = vector.broadcast %broadcast_in_dim3A_80 : vector<128x1xf32> to vector<128x128xf32>
    %slice3A_82 = vector.extract_strided_slice %transpose3A {offsets = [0, 24], sizes = [128, 1], strides = [1, 1]} : vector<128x80xf32> to vector<128x1xf32>
    %broadcast_in_dim3A_83 = vector.shape_cast %slice3A_82 : vector<128x1xf32> to vector<128x1xf32>
    %broadcast_in_dim3A_84 = vector.broadcast %broadcast_in_dim3A_83 : vector<128x1xf32> to vector<128x128xf32>
    %slice3A_85 = vector.extract_strided_slice %transpose3A {offsets = [0, 25], sizes = [128, 1], strides = [1, 1]} : vector<128x80xf32> to vector<128x1xf32>
    %broadcast_in_dim3A_86 = vector.shape_cast %slice3A_85 : vector<128x1xf32> to vector<128x1xf32>
    %broadcast_in_dim3A_87 = vector.broadcast %broadcast_in_dim3A_86 : vector<128x1xf32> to vector<128x128xf32>
    %slice3A_88 = vector.extract_strided_slice %transpose3A {offsets = [0, 26], sizes = [128, 1], strides = [1, 1]} : vector<128x80xf32> to vector<128x1xf32>
    %broadcast_in_dim3A_89 = vector.shape_cast %slice3A_88 : vector<128x1xf32> to vector<128x1xf32>
    %broadcast_in_dim3A_90 = vector.broadcast %broadcast_in_dim3A_89 : vector<128x1xf32> to vector<128x128xf32>
    %slice3A_91 = vector.extract_strided_slice %transpose3A {offsets = [0, 27], sizes = [128, 1], strides = [1, 1]} : vector<128x80xf32> to vector<128x1xf32>
    %broadcast_in_dim3A_92 = vector.shape_cast %slice3A_91 : vector<128x1xf32> to vector<128x1xf32>
    %broadcast_in_dim3A_93 = vector.broadcast %broadcast_in_dim3A_92 : vector<128x1xf32> to vector<128x128xf32>
    %slice3A_94 = vector.extract_strided_slice %transpose3A {offsets = [0, 28], sizes = [128, 1], strides = [1, 1]} : vector<128x80xf32> to vector<128x1xf32>
    %broadcast_in_dim3A_95 = vector.shape_cast %slice3A_94 : vector<128x1xf32> to vector<128x1xf32>
    %broadcast_in_dim3A_96 = vector.broadcast %broadcast_in_dim3A_95 : vector<128x1xf32> to vector<128x128xf32>
    %slice3A_97 = vector.extract_strided_slice %transpose3A {offsets = [0, 29], sizes = [128, 1], strides = [1, 1]} : vector<128x80xf32> to vector<128x1xf32>
    %broadcast_in_dim3A_98 = vector.shape_cast %slice3A_97 : vector<128x1xf32> to vector<128x1xf32>
    %broadcast_in_dim3A_99 = vector.broadcast %broadcast_in_dim3A_98 : vector<128x1xf32> to vector<128x128xf32>
    %slice3A_100 = vector.extract_strided_slice %transpose3A {offsets = [0, 30], sizes = [128, 1], strides = [1, 1]} : vector<128x80xf32> to vector<128x1xf32>
    %broadcast_in_dim3A_101 = vector.shape_cast %slice3A_100 : vector<128x1xf32> to vector<128x1xf32>
    %broadcast_in_dim3A_102 = vector.broadcast %broadcast_in_dim3A_101 : vector<128x1xf32> to vector<128x128xf32>
    %slice3A_103 = vector.extract_strided_slice %transpose3A {offsets = [0, 31], sizes = [128, 1], strides = [1, 1]} : vector<128x80xf32> to vector<128x1xf32>
    %broadcast_in_dim3A_104 = vector.shape_cast %slice3A_103 : vector<128x1xf32> to vector<128x1xf32>
    %broadcast_in_dim3A_105 = vector.broadcast %broadcast_in_dim3A_104 : vector<128x1xf32> to vector<128x128xf32>
    %slice3A_106 = vector.extract_strided_slice %transpose3A {offsets = [0, 32], sizes = [128, 1], strides = [1, 1]} : vector<128x80xf32> to vector<128x1xf32>
    %broadcast_in_dim3A_107 = vector.shape_cast %slice3A_106 : vector<128x1xf32> to vector<128x1xf32>
    %broadcast_in_dim3A_108 = vector.broadcast %broadcast_in_dim3A_107 : vector<128x1xf32> to vector<128x128xf32>
    %slice3A_109 = vector.extract_strided_slice %transpose3A {offsets = [0, 33], sizes = [128, 1], strides = [1, 1]} : vector<128x80xf32> to vector<128x1xf32>
    %broadcast_in_dim3A_110 = vector.shape_cast %slice3A_109 : vector<128x1xf32> to vector<128x1xf32>
    %broadcast_in_dim3A_111 = vector.broadcast %broadcast_in_dim3A_110 : vector<128x1xf32> to vector<128x128xf32>
    %slice3A_112 = vector.extract_strided_slice %transpose3A {offsets = [0, 34], sizes = [128, 1], strides = [1, 1]} : vector<128x80xf32> to vector<128x1xf32>
    %broadcast_in_dim3A_113 = vector.shape_cast %slice3A_112 : vector<128x1xf32> to vector<128x1xf32>
    %broadcast_in_dim3A_114 = vector.broadcast %broadcast_in_dim3A_113 : vector<128x1xf32> to vector<128x128xf32>
    %slice3A_115 = vector.extract_strided_slice %transpose3A {offsets = [0, 35], sizes = [128, 1], strides = [1, 1]} : vector<128x80xf32> to vector<128x1xf32>
    %broadcast_in_dim3A_116 = vector.shape_cast %slice3A_115 : vector<128x1xf32> to vector<128x1xf32>
    %broadcast_in_dim3A_117 = vector.broadcast %broadcast_in_dim3A_116 : vector<128x1xf32> to vector<128x128xf32>
    %slice3A_118 = vector.extract_strided_slice %transpose3A {offsets = [0, 36], sizes = [128, 1], strides = [1, 1]} : vector<128x80xf32> to vector<128x1xf32>
    %broadcast_in_dim3A_119 = vector.shape_cast %slice3A_118 : vector<128x1xf32> to vector<128x1xf32>
    %broadcast_in_dim3A_120 = vector.broadcast %broadcast_in_dim3A_119 : vector<128x1xf32> to vector<128x128xf32>
    %slice3A_121 = vector.extract_strided_slice %transpose3A {offsets = [0, 37], sizes = [128, 1], strides = [1, 1]} : vector<128x80xf32> to vector<128x1xf32>
    %broadcast_in_dim3A_122 = vector.shape_cast %slice3A_121 : vector<128x1xf32> to vector<128x1xf32>
    %broadcast_in_dim3A_123 = vector.broadcast %broadcast_in_dim3A_122 : vector<128x1xf32> to vector<128x128xf32>
    %slice3A_124 = vector.extract_strided_slice %transpose3A {offsets = [0, 38], sizes = [128, 1], strides = [1, 1]} : vector<128x80xf32> to vector<128x1xf32>
    %broadcast_in_dim3A_125 = vector.shape_cast %slice3A_124 : vector<128x1xf32> to vector<128x1xf32>
    %broadcast_in_dim3A_126 = vector.broadcast %broadcast_in_dim3A_125 : vector<128x1xf32> to vector<128x128xf32>
    %slice3A_127 = vector.extract_strided_slice %transpose3A {offsets = [0, 39], sizes = [128, 1], strides = [1, 1]} : vector<128x80xf32> to vector<128x1xf32>
    %broadcast_in_dim3A_128 = vector.shape_cast %slice3A_127 : vector<128x1xf32> to vector<128x1xf32>
    %broadcast_in_dim3A_129 = vector.broadcast %broadcast_in_dim3A_128 : vector<128x1xf32> to vector<128x128xf32>
    %slice3A_130 = vector.extract_strided_slice %transpose3A {offsets = [0, 40], sizes = [128, 1], strides = [1, 1]} : vector<128x80xf32> to vector<128x1xf32>
    %broadcast_in_dim3A_131 = vector.shape_cast %slice3A_130 : vector<128x1xf32> to vector<128x1xf32>
    %broadcast_in_dim3A_132 = vector.broadcast %broadcast_in_dim3A_131 : vector<128x1xf32> to vector<128x128xf32>
    %slice3A_133 = vector.extract_strided_slice %transpose3A {offsets = [0, 41], sizes = [128, 1], strides = [1, 1]} : vector<128x80xf32> to vector<128x1xf32>
    %broadcast_in_dim3A_134 = vector.shape_cast %slice3A_133 : vector<128x1xf32> to vector<128x1xf32>
    %broadcast_in_dim3A_135 = vector.broadcast %broadcast_in_dim3A_134 : vector<128x1xf32> to vector<128x128xf32>
    %slice3A_136 = vector.extract_strided_slice %transpose3A {offsets = [0, 42], sizes = [128, 1], strides = [1, 1]} : vector<128x80xf32> to vector<128x1xf32>
    %broadcast_in_dim3A_137 = vector.shape_cast %slice3A_136 : vector<128x1xf32> to vector<128x1xf32>
    %broadcast_in_dim3A_138 = vector.broadcast %broadcast_in_dim3A_137 : vector<128x1xf32> to vector<128x128xf32>
    %slice3A_139 = vector.extract_strided_slice %transpose3A {offsets = [0, 43], sizes = [128, 1], strides = [1, 1]} : vector<128x80xf32> to vector<128x1xf32>
    %broadcast_in_dim3A_140 = vector.shape_cast %slice3A_139 : vector<128x1xf32> to vector<128x1xf32>
    %broadcast_in_dim3A_141 = vector.broadcast %broadcast_in_dim3A_140 : vector<128x1xf32> to vector<128x128xf32>
    %slice3A_142 = vector.extract_strided_slice %transpose3A {offsets = [0, 44], sizes = [128, 1], strides = [1, 1]} : vector<128x80xf32> to vector<128x1xf32>
    %broadcast_in_dim3A_143 = vector.shape_cast %slice3A_142 : vector<128x1xf32> to vector<128x1xf32>
    %broadcast_in_dim3A_144 = vector.broadcast %broadcast_in_dim3A_143 : vector<128x1xf32> to vector<128x128xf32>
    %slice3A_145 = vector.extract_strided_slice %transpose3A {offsets = [0, 45], sizes = [128, 1], strides = [1, 1]} : vector<128x80xf32> to vector<128x1xf32>
    %broadcast_in_dim3A_146 = vector.shape_cast %slice3A_145 : vector<128x1xf32> to vector<128x1xf32>
    %broadcast_in_dim3A_147 = vector.broadcast %broadcast_in_dim3A_146 : vector<128x1xf32> to vector<128x128xf32>
    %slice3A_148 = vector.extract_strided_slice %transpose3A {offsets = [0, 46], sizes = [128, 1], strides = [1, 1]} : vector<128x80xf32> to vector<128x1xf32>
    %broadcast_in_dim3A_149 = vector.shape_cast %slice3A_148 : vector<128x1xf32> to vector<128x1xf32>
    %broadcast_in_dim3A_150 = vector.broadcast %broadcast_in_dim3A_149 : vector<128x1xf32> to vector<128x128xf32>
    %slice3A_151 = vector.extract_strided_slice %transpose3A {offsets = [0, 47], sizes = [128, 1], strides = [1, 1]} : vector<128x80xf32> to vector<128x1xf32>
    %broadcast_in_dim3A_152 = vector.shape_cast %slice3A_151 : vector<128x1xf32> to vector<128x1xf32>
    %broadcast_in_dim3A_153 = vector.broadcast %broadcast_in_dim3A_152 : vector<128x1xf32> to vector<128x128xf32>
    %slice3A_154 = vector.extract_strided_slice %transpose3A {offsets = [0, 48], sizes = [128, 1], strides = [1, 1]} : vector<128x80xf32> to vector<128x1xf32>
    %broadcast_in_dim3A_155 = vector.shape_cast %slice3A_154 : vector<128x1xf32> to vector<128x1xf32>
    %broadcast_in_dim3A_156 = vector.broadcast %broadcast_in_dim3A_155 : vector<128x1xf32> to vector<128x128xf32>
    %slice3A_157 = vector.extract_strided_slice %transpose3A {offsets = [0, 49], sizes = [128, 1], strides = [1, 1]} : vector<128x80xf32> to vector<128x1xf32>
    %broadcast_in_dim3A_158 = vector.shape_cast %slice3A_157 : vector<128x1xf32> to vector<128x1xf32>
    %broadcast_in_dim3A_159 = vector.broadcast %broadcast_in_dim3A_158 : vector<128x1xf32> to vector<128x128xf32>
    %slice3A_160 = vector.extract_strided_slice %transpose3A {offsets = [0, 50], sizes = [128, 1], strides = [1, 1]} : vector<128x80xf32> to vector<128x1xf32>
    %broadcast_in_dim3A_161 = vector.shape_cast %slice3A_160 : vector<128x1xf32> to vector<128x1xf32>
    %broadcast_in_dim3A_162 = vector.broadcast %broadcast_in_dim3A_161 : vector<128x1xf32> to vector<128x128xf32>
    %slice3A_163 = vector.extract_strided_slice %transpose3A {offsets = [0, 51], sizes = [128, 1], strides = [1, 1]} : vector<128x80xf32> to vector<128x1xf32>
    %broadcast_in_dim3A_164 = vector.shape_cast %slice3A_163 : vector<128x1xf32> to vector<128x1xf32>
    %broadcast_in_dim3A_165 = vector.broadcast %broadcast_in_dim3A_164 : vector<128x1xf32> to vector<128x128xf32>
    %slice3A_166 = vector.extract_strided_slice %transpose3A {offsets = [0, 52], sizes = [128, 1], strides = [1, 1]} : vector<128x80xf32> to vector<128x1xf32>
    %broadcast_in_dim3A_167 = vector.shape_cast %slice3A_166 : vector<128x1xf32> to vector<128x1xf32>
    %broadcast_in_dim3A_168 = vector.broadcast %broadcast_in_dim3A_167 : vector<128x1xf32> to vector<128x128xf32>
    %slice3A_169 = vector.extract_strided_slice %transpose3A {offsets = [0, 53], sizes = [128, 1], strides = [1, 1]} : vector<128x80xf32> to vector<128x1xf32>
    %broadcast_in_dim3A_170 = vector.shape_cast %slice3A_169 : vector<128x1xf32> to vector<128x1xf32>
    %broadcast_in_dim3A_171 = vector.broadcast %broadcast_in_dim3A_170 : vector<128x1xf32> to vector<128x128xf32>
    %slice3A_172 = vector.extract_strided_slice %transpose3A {offsets = [0, 54], sizes = [128, 1], strides = [1, 1]} : vector<128x80xf32> to vector<128x1xf32>
    %broadcast_in_dim3A_173 = vector.shape_cast %slice3A_172 : vector<128x1xf32> to vector<128x1xf32>
    %broadcast_in_dim3A_174 = vector.broadcast %broadcast_in_dim3A_173 : vector<128x1xf32> to vector<128x128xf32>
    %slice3A_175 = vector.extract_strided_slice %transpose3A {offsets = [0, 55], sizes = [128, 1], strides = [1, 1]} : vector<128x80xf32> to vector<128x1xf32>
    %broadcast_in_dim3A_176 = vector.shape_cast %slice3A_175 : vector<128x1xf32> to vector<128x1xf32>
    %broadcast_in_dim3A_177 = vector.broadcast %broadcast_in_dim3A_176 : vector<128x1xf32> to vector<128x128xf32>
    %slice3A_178 = vector.extract_strided_slice %transpose3A {offsets = [0, 56], sizes = [128, 1], strides = [1, 1]} : vector<128x80xf32> to vector<128x1xf32>
    %broadcast_in_dim3A_179 = vector.shape_cast %slice3A_178 : vector<128x1xf32> to vector<128x1xf32>
    %broadcast_in_dim3A_180 = vector.broadcast %broadcast_in_dim3A_179 : vector<128x1xf32> to vector<128x128xf32>
    %slice3A_181 = vector.extract_strided_slice %transpose3A {offsets = [0, 57], sizes = [128, 1], strides = [1, 1]} : vector<128x80xf32> to vector<128x1xf32>
    %broadcast_in_dim3A_182 = vector.shape_cast %slice3A_181 : vector<128x1xf32> to vector<128x1xf32>
    %broadcast_in_dim3A_183 = vector.broadcast %broadcast_in_dim3A_182 : vector<128x1xf32> to vector<128x128xf32>
    %slice3A_184 = vector.extract_strided_slice %transpose3A {offsets = [0, 58], sizes = [128, 1], strides = [1, 1]} : vector<128x80xf32> to vector<128x1xf32>
    %broadcast_in_dim3A_185 = vector.shape_cast %slice3A_184 : vector<128x1xf32> to vector<128x1xf32>
    %broadcast_in_dim3A_186 = vector.broadcast %broadcast_in_dim3A_185 : vector<128x1xf32> to vector<128x128xf32>
    %slice3A_187 = vector.extract_strided_slice %transpose3A {offsets = [0, 59], sizes = [128, 1], strides = [1, 1]} : vector<128x80xf32> to vector<128x1xf32>
    %broadcast_in_dim3A_188 = vector.shape_cast %slice3A_187 : vector<128x1xf32> to vector<128x1xf32>
    %broadcast_in_dim3A_189 = vector.broadcast %broadcast_in_dim3A_188 : vector<128x1xf32> to vector<128x128xf32>
    %slice3A_190 = vector.extract_strided_slice %transpose3A {offsets = [0, 60], sizes = [128, 1], strides = [1, 1]} : vector<128x80xf32> to vector<128x1xf32>
    %broadcast_in_dim3A_191 = vector.shape_cast %slice3A_190 : vector<128x1xf32> to vector<128x1xf32>
    %broadcast_in_dim3A_192 = vector.broadcast %broadcast_in_dim3A_191 : vector<128x1xf32> to vector<128x128xf32>
    %slice3A_193 = vector.extract_strided_slice %transpose3A {offsets = [0, 61], sizes = [128, 1], strides = [1, 1]} : vector<128x80xf32> to vector<128x1xf32>
    %broadcast_in_dim3A_194 = vector.shape_cast %slice3A_193 : vector<128x1xf32> to vector<128x1xf32>
    %broadcast_in_dim3A_195 = vector.broadcast %broadcast_in_dim3A_194 : vector<128x1xf32> to vector<128x128xf32>
    %slice3A_196 = vector.extract_strided_slice %transpose3A {offsets = [0, 62], sizes = [128, 1], strides = [1, 1]} : vector<128x80xf32> to vector<128x1xf32>
    %broadcast_in_dim3A_197 = vector.shape_cast %slice3A_196 : vector<128x1xf32> to vector<128x1xf32>
    %broadcast_in_dim3A_198 = vector.broadcast %broadcast_in_dim3A_197 : vector<128x1xf32> to vector<128x128xf32>
    %slice3A_199 = vector.extract_strided_slice %transpose3A {offsets = [0, 63], sizes = [128, 1], strides = [1, 1]} : vector<128x80xf32> to vector<128x1xf32>
    %broadcast_in_dim3A_200 = vector.shape_cast %slice3A_199 : vector<128x1xf32> to vector<128x1xf32>
    %broadcast_in_dim3A_201 = vector.broadcast %broadcast_in_dim3A_200 : vector<128x1xf32> to vector<128x128xf32>
    %slice3A_202 = vector.extract_strided_slice %transpose3A {offsets = [0, 64], sizes = [128, 1], strides = [1, 1]} : vector<128x80xf32> to vector<128x1xf32>
    %broadcast_in_dim3A_203 = vector.shape_cast %slice3A_202 : vector<128x1xf32> to vector<128x1xf32>
    %broadcast_in_dim3A_204 = vector.broadcast %broadcast_in_dim3A_203 : vector<128x1xf32> to vector<128x128xf32>
    %slice3A_205 = vector.extract_strided_slice %transpose3A {offsets = [0, 65], sizes = [128, 1], strides = [1, 1]} : vector<128x80xf32> to vector<128x1xf32>
    %broadcast_in_dim3A_206 = vector.shape_cast %slice3A_205 : vector<128x1xf32> to vector<128x1xf32>
    %broadcast_in_dim3A_207 = vector.broadcast %broadcast_in_dim3A_206 : vector<128x1xf32> to vector<128x128xf32>
    %slice3A_208 = vector.extract_strided_slice %transpose3A {offsets = [0, 66], sizes = [128, 1], strides = [1, 1]} : vector<128x80xf32> to vector<128x1xf32>
    %broadcast_in_dim3A_209 = vector.shape_cast %slice3A_208 : vector<128x1xf32> to vector<128x1xf32>
    %broadcast_in_dim3A_210 = vector.broadcast %broadcast_in_dim3A_209 : vector<128x1xf32> to vector<128x128xf32>
    %slice3A_211 = vector.extract_strided_slice %transpose3A {offsets = [0, 67], sizes = [128, 1], strides = [1, 1]} : vector<128x80xf32> to vector<128x1xf32>
    %broadcast_in_dim3A_212 = vector.shape_cast %slice3A_211 : vector<128x1xf32> to vector<128x1xf32>
    %broadcast_in_dim3A_213 = vector.broadcast %broadcast_in_dim3A_212 : vector<128x1xf32> to vector<128x128xf32>
    %slice3A_214 = vector.extract_strided_slice %transpose3A {offsets = [0, 68], sizes = [128, 1], strides = [1, 1]} : vector<128x80xf32> to vector<128x1xf32>
    %broadcast_in_dim3A_215 = vector.shape_cast %slice3A_214 : vector<128x1xf32> to vector<128x1xf32>
    %broadcast_in_dim3A_216 = vector.broadcast %broadcast_in_dim3A_215 : vector<128x1xf32> to vector<128x128xf32>
    %slice3A_217 = vector.extract_strided_slice %transpose3A {offsets = [0, 69], sizes = [128, 1], strides = [1, 1]} : vector<128x80xf32> to vector<128x1xf32>
    %broadcast_in_dim3A_218 = vector.shape_cast %slice3A_217 : vector<128x1xf32> to vector<128x1xf32>
    %broadcast_in_dim3A_219 = vector.broadcast %broadcast_in_dim3A_218 : vector<128x1xf32> to vector<128x128xf32>
    %slice3A_220 = vector.extract_strided_slice %transpose3A {offsets = [0, 70], sizes = [128, 1], strides = [1, 1]} : vector<128x80xf32> to vector<128x1xf32>
    %broadcast_in_dim3A_221 = vector.shape_cast %slice3A_220 : vector<128x1xf32> to vector<128x1xf32>
    %broadcast_in_dim3A_222 = vector.broadcast %broadcast_in_dim3A_221 : vector<128x1xf32> to vector<128x128xf32>
    %slice3A_223 = vector.extract_strided_slice %transpose3A {offsets = [0, 71], sizes = [128, 1], strides = [1, 1]} : vector<128x80xf32> to vector<128x1xf32>
    %broadcast_in_dim3A_224 = vector.shape_cast %slice3A_223 : vector<128x1xf32> to vector<128x1xf32>
    %broadcast_in_dim3A_225 = vector.broadcast %broadcast_in_dim3A_224 : vector<128x1xf32> to vector<128x128xf32>
    %slice3A_226 = vector.extract_strided_slice %transpose3A {offsets = [0, 72], sizes = [128, 1], strides = [1, 1]} : vector<128x80xf32> to vector<128x1xf32>
    %broadcast_in_dim3A_227 = vector.shape_cast %slice3A_226 : vector<128x1xf32> to vector<128x1xf32>
    %broadcast_in_dim3A_228 = vector.broadcast %broadcast_in_dim3A_227 : vector<128x1xf32> to vector<128x128xf32>
    %slice3A_229 = vector.extract_strided_slice %transpose3A {offsets = [0, 73], sizes = [128, 1], strides = [1, 1]} : vector<128x80xf32> to vector<128x1xf32>
    %broadcast_in_dim3A_230 = vector.shape_cast %slice3A_229 : vector<128x1xf32> to vector<128x1xf32>
    %broadcast_in_dim3A_231 = vector.broadcast %broadcast_in_dim3A_230 : vector<128x1xf32> to vector<128x128xf32>
    %slice3A_232 = vector.extract_strided_slice %transpose3A {offsets = [0, 74], sizes = [128, 1], strides = [1, 1]} : vector<128x80xf32> to vector<128x1xf32>
    %broadcast_in_dim3A_233 = vector.shape_cast %slice3A_232 : vector<128x1xf32> to vector<128x1xf32>
    %broadcast_in_dim3A_234 = vector.broadcast %broadcast_in_dim3A_233 : vector<128x1xf32> to vector<128x128xf32>
    %slice3A_235 = vector.extract_strided_slice %transpose3A {offsets = [0, 75], sizes = [128, 1], strides = [1, 1]} : vector<128x80xf32> to vector<128x1xf32>
    %broadcast_in_dim3A_236 = vector.shape_cast %slice3A_235 : vector<128x1xf32> to vector<128x1xf32>
    %broadcast_in_dim3A_237 = vector.broadcast %broadcast_in_dim3A_236 : vector<128x1xf32> to vector<128x128xf32>
    %slice3A_238 = vector.extract_strided_slice %transpose3A {offsets = [0, 76], sizes = [128, 1], strides = [1, 1]} : vector<128x80xf32> to vector<128x1xf32>
    %broadcast_in_dim3A_239 = vector.shape_cast %slice3A_238 : vector<128x1xf32> to vector<128x1xf32>
    %broadcast_in_dim3A_240 = vector.broadcast %broadcast_in_dim3A_239 : vector<128x1xf32> to vector<128x128xf32>
    %slice3A_241 = vector.extract_strided_slice %transpose3A {offsets = [0, 77], sizes = [128, 1], strides = [1, 1]} : vector<128x80xf32> to vector<128x1xf32>
    %broadcast_in_dim3A_242 = vector.shape_cast %slice3A_241 : vector<128x1xf32> to vector<128x1xf32>
    %broadcast_in_dim3A_243 = vector.broadcast %broadcast_in_dim3A_242 : vector<128x1xf32> to vector<128x128xf32>
    %slice3A_244 = vector.extract_strided_slice %transpose3A {offsets = [0, 78], sizes = [128, 1], strides = [1, 1]} : vector<128x80xf32> to vector<128x1xf32>
    %broadcast_in_dim3A_245 = vector.shape_cast %slice3A_244 : vector<128x1xf32> to vector<128x1xf32>
    %broadcast_in_dim3A_246 = vector.broadcast %broadcast_in_dim3A_245 : vector<128x1xf32> to vector<128x128xf32>
    %slice3A_247 = vector.extract_strided_slice %transpose3A {offsets = [0, 79], sizes = [128, 1], strides = [1, 1]} : vector<128x80xf32> to vector<128x1xf32>
    %broadcast_in_dim3A_248 = vector.shape_cast %slice3A_247 : vector<128x1xf32> to vector<128x1xf32>
    %broadcast_in_dim3A_249 = vector.broadcast %broadcast_in_dim3A_248 : vector<128x1xf32> to vector<128x128xf32>
    %concatenate3A = tpu.concatenate %broadcast_in_dim3A_12, %broadcast_in_dim3A_15, %broadcast_in_dim3A_18, %broadcast_in_dim3A_21, %broadcast_in_dim3A_24, %broadcast_in_dim3A_27, %broadcast_in_dim3A_30, %broadcast_in_dim3A_33, %broadcast_in_dim3A_36, %broadcast_in_dim3A_39, %broadcast_in_dim3A_42, %broadcast_in_dim3A_45, %broadcast_in_dim3A_48, %broadcast_in_dim3A_51, %broadcast_in_dim3A_54, %broadcast_in_dim3A_57, %broadcast_in_dim3A_60, %broadcast_in_dim3A_63, %broadcast_in_dim3A_66, %broadcast_in_dim3A_69, %broadcast_in_dim3A_72, %broadcast_in_dim3A_75, %broadcast_in_dim3A_78, %broadcast_in_dim3A_81, %broadcast_in_dim3A_84, %broadcast_in_dim3A_87, %broadcast_in_dim3A_90, %broadcast_in_dim3A_93, %broadcast_in_dim3A_96, %broadcast_in_dim3A_99, %broadcast_in_dim3A_102, %broadcast_in_dim3A_105, %broadcast_in_dim3A_108, %broadcast_in_dim3A_111, %broadcast_in_dim3A_114, %broadcast_in_dim3A_117, %broadcast_in_dim3A_120, %broadcast_in_dim3A_123, %broadcast_in_dim3A_126, %broadcast_in_dim3A_129, %broadcast_in_dim3A_132, %broadcast_in_dim3A_135, %broadcast_in_dim3A_138, %broadcast_in_dim3A_141, %broadcast_in_dim3A_144, %broadcast_in_dim3A_147, %broadcast_in_dim3A_150, %broadcast_in_dim3A_153, %broadcast_in_dim3A_156, %broadcast_in_dim3A_159, %broadcast_in_dim3A_162, %broadcast_in_dim3A_165, %broadcast_in_dim3A_168, %broadcast_in_dim3A_171, %broadcast_in_dim3A_174, %broadcast_in_dim3A_177, %broadcast_in_dim3A_180, %broadcast_in_dim3A_183, %broadcast_in_dim3A_186, %broadcast_in_dim3A_189, %broadcast_in_dim3A_192, %broadcast_in_dim3A_195, %broadcast_in_dim3A_198, %broadcast_in_dim3A_201, %broadcast_in_dim3A_204, %broadcast_in_dim3A_207, %broadcast_in_dim3A_210, %broadcast_in_dim3A_213, %broadcast_in_dim3A_216, %broadcast_in_dim3A_219, %broadcast_in_dim3A_222, %broadcast_in_dim3A_225, %broadcast_in_dim3A_228, %broadcast_in_dim3A_231, %broadcast_in_dim3A_234, %broadcast_in_dim3A_237, %broadcast_in_dim3A_240, %broadcast_in_dim3A_243, %broadcast_in_dim3A_246, %broadcast_in_dim3A_249 in 0 : vector<128x128xf32>, vector<128x128xf32>, vector<128x128xf32>, vector<128x128xf32>, vector<128x128xf32>, vector<128x128xf32>, vector<128x128xf32>, vector<128x128xf32>, vector<128x128xf32>, vector<128x128xf32>, vector<128x128xf32>, vector<128x128xf32>, vector<128x128xf32>, vector<128x128xf32>, vector<128x128xf32>, vector<128x128xf32>, vector<128x128xf32>, vector<128x128xf32>, vector<128x128xf32>, vector<128x128xf32>, vector<128x128xf32>, vector<128x128xf32>, vector<128x128xf32>, vector<128x128xf32>, vector<128x128xf32>, vector<128x128xf32>, vector<128x128xf32>, vector<128x128xf32>, vector<128x128xf32>, vector<128x128xf32>, vector<128x128xf32>, vector<128x128xf32>, vector<128x128xf32>, vector<128x128xf32>, vector<128x128xf32>, vector<128x128xf32>, vector<128x128xf32>, vector<128x128xf32>, vector<128x128xf32>, vector<128x128xf32>, vector<128x128xf32>, vector<128x128xf32>, vector<128x128xf32>, vector<128x128xf32>, vector<128x128xf32>, vector<128x128xf32>, vector<128x128xf32>, vector<128x128xf32>, vector<128x128xf32>, vector<128x128xf32>, vector<128x128xf32>, vector<128x128xf32>, vector<128x128xf32>, vector<128x128xf32>, vector<128x128xf32>, vector<128x128xf32>, vector<128x128xf32>, vector<128x128xf32>, vector<128x128xf32>, vector<128x128xf32>, vector<128x128xf32>, vector<128x128xf32>, vector<128x128xf32>, vector<128x128xf32>, vector<128x128xf32>, vector<128x128xf32>, vector<128x128xf32>, vector<128x128xf32>, vector<128x128xf32>, vector<128x128xf32>, vector<128x128xf32>, vector<128x128xf32>, vector<128x128xf32>, vector<128x128xf32>, vector<128x128xf32>, vector<128x128xf32>, vector<128x128xf32>, vector<128x128xf32>, vector<128x128xf32>, vector<128x128xf32> -> vector<10240x128xf32>
    %max3A_250 = arith.constant 1.000000e+00 : f32
    %max3A_251 = vector.broadcast %max3A_250 : f32 to vector<80x128xf32>
    %max3A_252 = arith.maximumf %reduce_sum3A_9, %max3A_251 : vector<80x128xf32>
    %rsqrt3A_253 = math.rsqrt %max3A_252 : vector<80x128xf32>
    %transpose3A_254 = tpu.transpose %rsqrt3A_253, [1, 0] : vector<80x128xf32> -> vector<128x80xf32>
    %slice3A_255 = vector.extract_strided_slice %transpose3A_254 {offsets = [0, 0], sizes = [128, 1], strides = [1, 1]} : vector<128x80xf32> to vector<128x1xf32>
    %broadcast_in_dim3A_256 = vector.shape_cast %slice3A_255 : vector<128x1xf32> to vector<128x1xf32>
    %broadcast_in_dim3A_257 = vector.broadcast %broadcast_in_dim3A_256 : vector<128x1xf32> to vector<128x128xf32>
    %slice3A_258 = vector.extract_strided_slice %transpose3A_254 {offsets = [0, 1], sizes = [128, 1], strides = [1, 1]} : vector<128x80xf32> to vector<128x1xf32>
    %broadcast_in_dim3A_259 = vector.shape_cast %slice3A_258 : vector<128x1xf32> to vector<128x1xf32>
    %broadcast_in_dim3A_260 = vector.broadcast %broadcast_in_dim3A_259 : vector<128x1xf32> to vector<128x128xf32>
    %slice3A_261 = vector.extract_strided_slice %transpose3A_254 {offsets = [0, 2], sizes = [128, 1], strides = [1, 1]} : vector<128x80xf32> to vector<128x1xf32>
    %broadcast_in_dim3A_262 = vector.shape_cast %slice3A_261 : vector<128x1xf32> to vector<128x1xf32>
    %broadcast_in_dim3A_263 = vector.broadcast %broadcast_in_dim3A_262 : vector<128x1xf32> to vector<128x128xf32>
    %slice3A_264 = vector.extract_strided_slice %transpose3A_254 {offsets = [0, 3], sizes = [128, 1], strides = [1, 1]} : vector<128x80xf32> to vector<128x1xf32>
    %broadcast_in_dim3A_265 = vector.shape_cast %slice3A_264 : vector<128x1xf32> to vector<128x1xf32>
    %broadcast_in_dim3A_266 = vector.broadcast %broadcast_in_dim3A_265 : vector<128x1xf32> to vector<128x128xf32>
    %slice3A_267 = vector.extract_strided_slice %transpose3A_254 {offsets = [0, 4], sizes = [128, 1], strides = [1, 1]} : vector<128x80xf32> to vector<128x1xf32>
    %broadcast_in_dim3A_268 = vector.shape_cast %slice3A_267 : vector<128x1xf32> to vector<128x1xf32>
    %broadcast_in_dim3A_269 = vector.broadcast %broadcast_in_dim3A_268 : vector<128x1xf32> to vector<128x128xf32>
    %slice3A_270 = vector.extract_strided_slice %transpose3A_254 {offsets = [0, 5], sizes = [128, 1], strides = [1, 1]} : vector<128x80xf32> to vector<128x1xf32>
    %broadcast_in_dim3A_271 = vector.shape_cast %slice3A_270 : vector<128x1xf32> to vector<128x1xf32>
    %broadcast_in_dim3A_272 = vector.broadcast %broadcast_in_dim3A_271 : vector<128x1xf32> to vector<128x128xf32>
    %slice3A_273 = vector.extract_strided_slice %transpose3A_254 {offsets = [0, 6], sizes = [128, 1], strides = [1, 1]} : vector<128x80xf32> to vector<128x1xf32>
    %broadcast_in_dim3A_274 = vector.shape_cast %slice3A_273 : vector<128x1xf32> to vector<128x1xf32>
    %broadcast_in_dim3A_275 = vector.broadcast %broadcast_in_dim3A_274 : vector<128x1xf32> to vector<128x128xf32>
    %slice3A_276 = vector.extract_strided_slice %transpose3A_254 {offsets = [0, 7], sizes = [128, 1], strides = [1, 1]} : vector<128x80xf32> to vector<128x1xf32>
    %broadcast_in_dim3A_277 = vector.shape_cast %slice3A_276 : vector<128x1xf32> to vector<128x1xf32>
    %broadcast_in_dim3A_278 = vector.broadcast %broadcast_in_dim3A_277 : vector<128x1xf32> to vector<128x128xf32>
    %slice3A_279 = vector.extract_strided_slice %transpose3A_254 {offsets = [0, 8], sizes = [128, 1], strides = [1, 1]} : vector<128x80xf32> to vector<128x1xf32>
    %broadcast_in_dim3A_280 = vector.shape_cast %slice3A_279 : vector<128x1xf32> to vector<128x1xf32>
    %broadcast_in_dim3A_281 = vector.broadcast %broadcast_in_dim3A_280 : vector<128x1xf32> to vector<128x128xf32>
    %slice3A_282 = vector.extract_strided_slice %transpose3A_254 {offsets = [0, 9], sizes = [128, 1], strides = [1, 1]} : vector<128x80xf32> to vector<128x1xf32>
    %broadcast_in_dim3A_283 = vector.shape_cast %slice3A_282 : vector<128x1xf32> to vector<128x1xf32>
    %broadcast_in_dim3A_284 = vector.broadcast %broadcast_in_dim3A_283 : vector<128x1xf32> to vector<128x128xf32>
    %slice3A_285 = vector.extract_strided_slice %transpose3A_254 {offsets = [0, 10], sizes = [128, 1], strides = [1, 1]} : vector<128x80xf32> to vector<128x1xf32>
    %broadcast_in_dim3A_286 = vector.shape_cast %slice3A_285 : vector<128x1xf32> to vector<128x1xf32>
    %broadcast_in_dim3A_287 = vector.broadcast %broadcast_in_dim3A_286 : vector<128x1xf32> to vector<128x128xf32>
    %slice3A_288 = vector.extract_strided_slice %transpose3A_254 {offsets = [0, 11], sizes = [128, 1], strides = [1, 1]} : vector<128x80xf32> to vector<128x1xf32>
    %broadcast_in_dim3A_289 = vector.shape_cast %slice3A_288 : vector<128x1xf32> to vector<128x1xf32>
    %broadcast_in_dim3A_290 = vector.broadcast %broadcast_in_dim3A_289 : vector<128x1xf32> to vector<128x128xf32>
    %slice3A_291 = vector.extract_strided_slice %transpose3A_254 {offsets = [0, 12], sizes = [128, 1], strides = [1, 1]} : vector<128x80xf32> to vector<128x1xf32>
    %broadcast_in_dim3A_292 = vector.shape_cast %slice3A_291 : vector<128x1xf32> to vector<128x1xf32>
    %broadcast_in_dim3A_293 = vector.broadcast %broadcast_in_dim3A_292 : vector<128x1xf32> to vector<128x128xf32>
    %slice3A_294 = vector.extract_strided_slice %transpose3A_254 {offsets = [0, 13], sizes = [128, 1], strides = [1, 1]} : vector<128x80xf32> to vector<128x1xf32>
    %broadcast_in_dim3A_295 = vector.shape_cast %slice3A_294 : vector<128x1xf32> to vector<128x1xf32>
    %broadcast_in_dim3A_296 = vector.broadcast %broadcast_in_dim3A_295 : vector<128x1xf32> to vector<128x128xf32>
    %slice3A_297 = vector.extract_strided_slice %transpose3A_254 {offsets = [0, 14], sizes = [128, 1], strides = [1, 1]} : vector<128x80xf32> to vector<128x1xf32>
    %broadcast_in_dim3A_298 = vector.shape_cast %slice3A_297 : vector<128x1xf32> to vector<128x1xf32>
    %broadcast_in_dim3A_299 = vector.broadcast %broadcast_in_dim3A_298 : vector<128x1xf32> to vector<128x128xf32>
    %slice3A_300 = vector.extract_strided_slice %transpose3A_254 {offsets = [0, 15], sizes = [128, 1], strides = [1, 1]} : vector<128x80xf32> to vector<128x1xf32>
    %broadcast_in_dim3A_301 = vector.shape_cast %slice3A_300 : vector<128x1xf32> to vector<128x1xf32>
    %broadcast_in_dim3A_302 = vector.broadcast %broadcast_in_dim3A_301 : vector<128x1xf32> to vector<128x128xf32>
    %slice3A_303 = vector.extract_strided_slice %transpose3A_254 {offsets = [0, 16], sizes = [128, 1], strides = [1, 1]} : vector<128x80xf32> to vector<128x1xf32>
    %broadcast_in_dim3A_304 = vector.shape_cast %slice3A_303 : vector<128x1xf32> to vector<128x1xf32>
    %broadcast_in_dim3A_305 = vector.broadcast %broadcast_in_dim3A_304 : vector<128x1xf32> to vector<128x128xf32>
    %slice3A_306 = vector.extract_strided_slice %transpose3A_254 {offsets = [0, 17], sizes = [128, 1], strides = [1, 1]} : vector<128x80xf32> to vector<128x1xf32>
    %broadcast_in_dim3A_307 = vector.shape_cast %slice3A_306 : vector<128x1xf32> to vector<128x1xf32>
    %broadcast_in_dim3A_308 = vector.broadcast %broadcast_in_dim3A_307 : vector<128x1xf32> to vector<128x128xf32>
    %slice3A_309 = vector.extract_strided_slice %transpose3A_254 {offsets = [0, 18], sizes = [128, 1], strides = [1, 1]} : vector<128x80xf32> to vector<128x1xf32>
    %broadcast_in_dim3A_310 = vector.shape_cast %slice3A_309 : vector<128x1xf32> to vector<128x1xf32>
    %broadcast_in_dim3A_311 = vector.broadcast %broadcast_in_dim3A_310 : vector<128x1xf32> to vector<128x128xf32>
    %slice3A_312 = vector.extract_strided_slice %transpose3A_254 {offsets = [0, 19], sizes = [128, 1], strides = [1, 1]} : vector<128x80xf32> to vector<128x1xf32>
    %broadcast_in_dim3A_313 = vector.shape_cast %slice3A_312 : vector<128x1xf32> to vector<128x1xf32>
    %broadcast_in_dim3A_314 = vector.broadcast %broadcast_in_dim3A_313 : vector<128x1xf32> to vector<128x128xf32>
    %slice3A_315 = vector.extract_strided_slice %transpose3A_254 {offsets = [0, 20], sizes = [128, 1], strides = [1, 1]} : vector<128x80xf32> to vector<128x1xf32>
    %broadcast_in_dim3A_316 = vector.shape_cast %slice3A_315 : vector<128x1xf32> to vector<128x1xf32>
    %broadcast_in_dim3A_317 = vector.broadcast %broadcast_in_dim3A_316 : vector<128x1xf32> to vector<128x128xf32>
    %slice3A_318 = vector.extract_strided_slice %transpose3A_254 {offsets = [0, 21], sizes = [128, 1], strides = [1, 1]} : vector<128x80xf32> to vector<128x1xf32>
    %broadcast_in_dim3A_319 = vector.shape_cast %slice3A_318 : vector<128x1xf32> to vector<128x1xf32>
    %broadcast_in_dim3A_320 = vector.broadcast %broadcast_in_dim3A_319 : vector<128x1xf32> to vector<128x128xf32>
    %slice3A_321 = vector.extract_strided_slice %transpose3A_254 {offsets = [0, 22], sizes = [128, 1], strides = [1, 1]} : vector<128x80xf32> to vector<128x1xf32>
    %broadcast_in_dim3A_322 = vector.shape_cast %slice3A_321 : vector<128x1xf32> to vector<128x1xf32>
    %broadcast_in_dim3A_323 = vector.broadcast %broadcast_in_dim3A_322 : vector<128x1xf32> to vector<128x128xf32>
    %slice3A_324 = vector.extract_strided_slice %transpose3A_254 {offsets = [0, 23], sizes = [128, 1], strides = [1, 1]} : vector<128x80xf32> to vector<128x1xf32>
    %broadcast_in_dim3A_325 = vector.shape_cast %slice3A_324 : vector<128x1xf32> to vector<128x1xf32>
    %broadcast_in_dim3A_326 = vector.broadcast %broadcast_in_dim3A_325 : vector<128x1xf32> to vector<128x128xf32>
    %slice3A_327 = vector.extract_strided_slice %transpose3A_254 {offsets = [0, 24], sizes = [128, 1], strides = [1, 1]} : vector<128x80xf32> to vector<128x1xf32>
    %broadcast_in_dim3A_328 = vector.shape_cast %slice3A_327 : vector<128x1xf32> to vector<128x1xf32>
    %broadcast_in_dim3A_329 = vector.broadcast %broadcast_in_dim3A_328 : vector<128x1xf32> to vector<128x128xf32>
    %slice3A_330 = vector.extract_strided_slice %transpose3A_254 {offsets = [0, 25], sizes = [128, 1], strides = [1, 1]} : vector<128x80xf32> to vector<128x1xf32>
    %broadcast_in_dim3A_331 = vector.shape_cast %slice3A_330 : vector<128x1xf32> to vector<128x1xf32>
    %broadcast_in_dim3A_332 = vector.broadcast %broadcast_in_dim3A_331 : vector<128x1xf32> to vector<128x128xf32>
    %slice3A_333 = vector.extract_strided_slice %transpose3A_254 {offsets = [0, 26], sizes = [128, 1], strides = [1, 1]} : vector<128x80xf32> to vector<128x1xf32>
    %broadcast_in_dim3A_334 = vector.shape_cast %slice3A_333 : vector<128x1xf32> to vector<128x1xf32>
    %broadcast_in_dim3A_335 = vector.broadcast %broadcast_in_dim3A_334 : vector<128x1xf32> to vector<128x128xf32>
    %slice3A_336 = vector.extract_strided_slice %transpose3A_254 {offsets = [0, 27], sizes = [128, 1], strides = [1, 1]} : vector<128x80xf32> to vector<128x1xf32>
    %broadcast_in_dim3A_337 = vector.shape_cast %slice3A_336 : vector<128x1xf32> to vector<128x1xf32>
    %broadcast_in_dim3A_338 = vector.broadcast %broadcast_in_dim3A_337 : vector<128x1xf32> to vector<128x128xf32>
    %slice3A_339 = vector.extract_strided_slice %transpose3A_254 {offsets = [0, 28], sizes = [128, 1], strides = [1, 1]} : vector<128x80xf32> to vector<128x1xf32>
    %broadcast_in_dim3A_340 = vector.shape_cast %slice3A_339 : vector<128x1xf32> to vector<128x1xf32>
    %broadcast_in_dim3A_341 = vector.broadcast %broadcast_in_dim3A_340 : vector<128x1xf32> to vector<128x128xf32>
    %slice3A_342 = vector.extract_strided_slice %transpose3A_254 {offsets = [0, 29], sizes = [128, 1], strides = [1, 1]} : vector<128x80xf32> to vector<128x1xf32>
    %broadcast_in_dim3A_343 = vector.shape_cast %slice3A_342 : vector<128x1xf32> to vector<128x1xf32>
    %broadcast_in_dim3A_344 = vector.broadcast %broadcast_in_dim3A_343 : vector<128x1xf32> to vector<128x128xf32>
    %slice3A_345 = vector.extract_strided_slice %transpose3A_254 {offsets = [0, 30], sizes = [128, 1], strides = [1, 1]} : vector<128x80xf32> to vector<128x1xf32>
    %broadcast_in_dim3A_346 = vector.shape_cast %slice3A_345 : vector<128x1xf32> to vector<128x1xf32>
    %broadcast_in_dim3A_347 = vector.broadcast %broadcast_in_dim3A_346 : vector<128x1xf32> to vector<128x128xf32>
    %slice3A_348 = vector.extract_strided_slice %transpose3A_254 {offsets = [0, 31], sizes = [128, 1], strides = [1, 1]} : vector<128x80xf32> to vector<128x1xf32>
    %broadcast_in_dim3A_349 = vector.shape_cast %slice3A_348 : vector<128x1xf32> to vector<128x1xf32>
    %broadcast_in_dim3A_350 = vector.broadcast %broadcast_in_dim3A_349 : vector<128x1xf32> to vector<128x128xf32>
    %slice3A_351 = vector.extract_strided_slice %transpose3A_254 {offsets = [0, 32], sizes = [128, 1], strides = [1, 1]} : vector<128x80xf32> to vector<128x1xf32>
    %broadcast_in_dim3A_352 = vector.shape_cast %slice3A_351 : vector<128x1xf32> to vector<128x1xf32>
    %broadcast_in_dim3A_353 = vector.broadcast %broadcast_in_dim3A_352 : vector<128x1xf32> to vector<128x128xf32>
    %slice3A_354 = vector.extract_strided_slice %transpose3A_254 {offsets = [0, 33], sizes = [128, 1], strides = [1, 1]} : vector<128x80xf32> to vector<128x1xf32>
    %broadcast_in_dim3A_355 = vector.shape_cast %slice3A_354 : vector<128x1xf32> to vector<128x1xf32>
    %broadcast_in_dim3A_356 = vector.broadcast %broadcast_in_dim3A_355 : vector<128x1xf32> to vector<128x128xf32>
    %slice3A_357 = vector.extract_strided_slice %transpose3A_254 {offsets = [0, 34], sizes = [128, 1], strides = [1, 1]} : vector<128x80xf32> to vector<128x1xf32>
    %broadcast_in_dim3A_358 = vector.shape_cast %slice3A_357 : vector<128x1xf32> to vector<128x1xf32>
    %broadcast_in_dim3A_359 = vector.broadcast %broadcast_in_dim3A_358 : vector<128x1xf32> to vector<128x128xf32>
    %slice3A_360 = vector.extract_strided_slice %transpose3A_254 {offsets = [0, 35], sizes = [128, 1], strides = [1, 1]} : vector<128x80xf32> to vector<128x1xf32>
    %broadcast_in_dim3A_361 = vector.shape_cast %slice3A_360 : vector<128x1xf32> to vector<128x1xf32>
    %broadcast_in_dim3A_362 = vector.broadcast %broadcast_in_dim3A_361 : vector<128x1xf32> to vector<128x128xf32>
    %slice3A_363 = vector.extract_strided_slice %transpose3A_254 {offsets = [0, 36], sizes = [128, 1], strides = [1, 1]} : vector<128x80xf32> to vector<128x1xf32>
    %broadcast_in_dim3A_364 = vector.shape_cast %slice3A_363 : vector<128x1xf32> to vector<128x1xf32>
    %broadcast_in_dim3A_365 = vector.broadcast %broadcast_in_dim3A_364 : vector<128x1xf32> to vector<128x128xf32>
    %slice3A_366 = vector.extract_strided_slice %transpose3A_254 {offsets = [0, 37], sizes = [128, 1], strides = [1, 1]} : vector<128x80xf32> to vector<128x1xf32>
    %broadcast_in_dim3A_367 = vector.shape_cast %slice3A_366 : vector<128x1xf32> to vector<128x1xf32>
    %broadcast_in_dim3A_368 = vector.broadcast %broadcast_in_dim3A_367 : vector<128x1xf32> to vector<128x128xf32>
    %slice3A_369 = vector.extract_strided_slice %transpose3A_254 {offsets = [0, 38], sizes = [128, 1], strides = [1, 1]} : vector<128x80xf32> to vector<128x1xf32>
    %broadcast_in_dim3A_370 = vector.shape_cast %slice3A_369 : vector<128x1xf32> to vector<128x1xf32>
    %broadcast_in_dim3A_371 = vector.broadcast %broadcast_in_dim3A_370 : vector<128x1xf32> to vector<128x128xf32>
    %slice3A_372 = vector.extract_strided_slice %transpose3A_254 {offsets = [0, 39], sizes = [128, 1], strides = [1, 1]} : vector<128x80xf32> to vector<128x1xf32>
    %broadcast_in_dim3A_373 = vector.shape_cast %slice3A_372 : vector<128x1xf32> to vector<128x1xf32>
    %broadcast_in_dim3A_374 = vector.broadcast %broadcast_in_dim3A_373 : vector<128x1xf32> to vector<128x128xf32>
    %slice3A_375 = vector.extract_strided_slice %transpose3A_254 {offsets = [0, 40], sizes = [128, 1], strides = [1, 1]} : vector<128x80xf32> to vector<128x1xf32>
    %broadcast_in_dim3A_376 = vector.shape_cast %slice3A_375 : vector<128x1xf32> to vector<128x1xf32>
    %broadcast_in_dim3A_377 = vector.broadcast %broadcast_in_dim3A_376 : vector<128x1xf32> to vector<128x128xf32>
    %slice3A_378 = vector.extract_strided_slice %transpose3A_254 {offsets = [0, 41], sizes = [128, 1], strides = [1, 1]} : vector<128x80xf32> to vector<128x1xf32>
    %broadcast_in_dim3A_379 = vector.shape_cast %slice3A_378 : vector<128x1xf32> to vector<128x1xf32>
    %broadcast_in_dim3A_380 = vector.broadcast %broadcast_in_dim3A_379 : vector<128x1xf32> to vector<128x128xf32>
    %slice3A_381 = vector.extract_strided_slice %transpose3A_254 {offsets = [0, 42], sizes = [128, 1], strides = [1, 1]} : vector<128x80xf32> to vector<128x1xf32>
    %broadcast_in_dim3A_382 = vector.shape_cast %slice3A_381 : vector<128x1xf32> to vector<128x1xf32>
    %broadcast_in_dim3A_383 = vector.broadcast %broadcast_in_dim3A_382 : vector<128x1xf32> to vector<128x128xf32>
    %slice3A_384 = vector.extract_strided_slice %transpose3A_254 {offsets = [0, 43], sizes = [128, 1], strides = [1, 1]} : vector<128x80xf32> to vector<128x1xf32>
    %broadcast_in_dim3A_385 = vector.shape_cast %slice3A_384 : vector<128x1xf32> to vector<128x1xf32>
    %broadcast_in_dim3A_386 = vector.broadcast %broadcast_in_dim3A_385 : vector<128x1xf32> to vector<128x128xf32>
    %slice3A_387 = vector.extract_strided_slice %transpose3A_254 {offsets = [0, 44], sizes = [128, 1], strides = [1, 1]} : vector<128x80xf32> to vector<128x1xf32>
    %broadcast_in_dim3A_388 = vector.shape_cast %slice3A_387 : vector<128x1xf32> to vector<128x1xf32>
    %broadcast_in_dim3A_389 = vector.broadcast %broadcast_in_dim3A_388 : vector<128x1xf32> to vector<128x128xf32>
    %slice3A_390 = vector.extract_strided_slice %transpose3A_254 {offsets = [0, 45], sizes = [128, 1], strides = [1, 1]} : vector<128x80xf32> to vector<128x1xf32>
    %broadcast_in_dim3A_391 = vector.shape_cast %slice3A_390 : vector<128x1xf32> to vector<128x1xf32>
    %broadcast_in_dim3A_392 = vector.broadcast %broadcast_in_dim3A_391 : vector<128x1xf32> to vector<128x128xf32>
    %slice3A_393 = vector.extract_strided_slice %transpose3A_254 {offsets = [0, 46], sizes = [128, 1], strides = [1, 1]} : vector<128x80xf32> to vector<128x1xf32>
    %broadcast_in_dim3A_394 = vector.shape_cast %slice3A_393 : vector<128x1xf32> to vector<128x1xf32>
    %broadcast_in_dim3A_395 = vector.broadcast %broadcast_in_dim3A_394 : vector<128x1xf32> to vector<128x128xf32>
    %slice3A_396 = vector.extract_strided_slice %transpose3A_254 {offsets = [0, 47], sizes = [128, 1], strides = [1, 1]} : vector<128x80xf32> to vector<128x1xf32>
    %broadcast_in_dim3A_397 = vector.shape_cast %slice3A_396 : vector<128x1xf32> to vector<128x1xf32>
    %broadcast_in_dim3A_398 = vector.broadcast %broadcast_in_dim3A_397 : vector<128x1xf32> to vector<128x128xf32>
    %slice3A_399 = vector.extract_strided_slice %transpose3A_254 {offsets = [0, 48], sizes = [128, 1], strides = [1, 1]} : vector<128x80xf32> to vector<128x1xf32>
    %broadcast_in_dim3A_400 = vector.shape_cast %slice3A_399 : vector<128x1xf32> to vector<128x1xf32>
    %broadcast_in_dim3A_401 = vector.broadcast %broadcast_in_dim3A_400 : vector<128x1xf32> to vector<128x128xf32>
    %slice3A_402 = vector.extract_strided_slice %transpose3A_254 {offsets = [0, 49], sizes = [128, 1], strides = [1, 1]} : vector<128x80xf32> to vector<128x1xf32>
    %broadcast_in_dim3A_403 = vector.shape_cast %slice3A_402 : vector<128x1xf32> to vector<128x1xf32>
    %broadcast_in_dim3A_404 = vector.broadcast %broadcast_in_dim3A_403 : vector<128x1xf32> to vector<128x128xf32>
    %slice3A_405 = vector.extract_strided_slice %transpose3A_254 {offsets = [0, 50], sizes = [128, 1], strides = [1, 1]} : vector<128x80xf32> to vector<128x1xf32>
    %broadcast_in_dim3A_406 = vector.shape_cast %slice3A_405 : vector<128x1xf32> to vector<128x1xf32>
    %broadcast_in_dim3A_407 = vector.broadcast %broadcast_in_dim3A_406 : vector<128x1xf32> to vector<128x128xf32>
    %slice3A_408 = vector.extract_strided_slice %transpose3A_254 {offsets = [0, 51], sizes = [128, 1], strides = [1, 1]} : vector<128x80xf32> to vector<128x1xf32>
    %broadcast_in_dim3A_409 = vector.shape_cast %slice3A_408 : vector<128x1xf32> to vector<128x1xf32>
    %broadcast_in_dim3A_410 = vector.broadcast %broadcast_in_dim3A_409 : vector<128x1xf32> to vector<128x128xf32>
    %slice3A_411 = vector.extract_strided_slice %transpose3A_254 {offsets = [0, 52], sizes = [128, 1], strides = [1, 1]} : vector<128x80xf32> to vector<128x1xf32>
    %broadcast_in_dim3A_412 = vector.shape_cast %slice3A_411 : vector<128x1xf32> to vector<128x1xf32>
    %broadcast_in_dim3A_413 = vector.broadcast %broadcast_in_dim3A_412 : vector<128x1xf32> to vector<128x128xf32>
    %slice3A_414 = vector.extract_strided_slice %transpose3A_254 {offsets = [0, 53], sizes = [128, 1], strides = [1, 1]} : vector<128x80xf32> to vector<128x1xf32>
    %broadcast_in_dim3A_415 = vector.shape_cast %slice3A_414 : vector<128x1xf32> to vector<128x1xf32>
    %broadcast_in_dim3A_416 = vector.broadcast %broadcast_in_dim3A_415 : vector<128x1xf32> to vector<128x128xf32>
    %slice3A_417 = vector.extract_strided_slice %transpose3A_254 {offsets = [0, 54], sizes = [128, 1], strides = [1, 1]} : vector<128x80xf32> to vector<128x1xf32>
    %broadcast_in_dim3A_418 = vector.shape_cast %slice3A_417 : vector<128x1xf32> to vector<128x1xf32>
    %broadcast_in_dim3A_419 = vector.broadcast %broadcast_in_dim3A_418 : vector<128x1xf32> to vector<128x128xf32>
    %slice3A_420 = vector.extract_strided_slice %transpose3A_254 {offsets = [0, 55], sizes = [128, 1], strides = [1, 1]} : vector<128x80xf32> to vector<128x1xf32>
    %broadcast_in_dim3A_421 = vector.shape_cast %slice3A_420 : vector<128x1xf32> to vector<128x1xf32>
    %broadcast_in_dim3A_422 = vector.broadcast %broadcast_in_dim3A_421 : vector<128x1xf32> to vector<128x128xf32>
    %slice3A_423 = vector.extract_strided_slice %transpose3A_254 {offsets = [0, 56], sizes = [128, 1], strides = [1, 1]} : vector<128x80xf32> to vector<128x1xf32>
    %broadcast_in_dim3A_424 = vector.shape_cast %slice3A_423 : vector<128x1xf32> to vector<128x1xf32>
    %broadcast_in_dim3A_425 = vector.broadcast %broadcast_in_dim3A_424 : vector<128x1xf32> to vector<128x128xf32>
    %slice3A_426 = vector.extract_strided_slice %transpose3A_254 {offsets = [0, 57], sizes = [128, 1], strides = [1, 1]} : vector<128x80xf32> to vector<128x1xf32>
    %broadcast_in_dim3A_427 = vector.shape_cast %slice3A_426 : vector<128x1xf32> to vector<128x1xf32>
    %broadcast_in_dim3A_428 = vector.broadcast %broadcast_in_dim3A_427 : vector<128x1xf32> to vector<128x128xf32>
    %slice3A_429 = vector.extract_strided_slice %transpose3A_254 {offsets = [0, 58], sizes = [128, 1], strides = [1, 1]} : vector<128x80xf32> to vector<128x1xf32>
    %broadcast_in_dim3A_430 = vector.shape_cast %slice3A_429 : vector<128x1xf32> to vector<128x1xf32>
    %broadcast_in_dim3A_431 = vector.broadcast %broadcast_in_dim3A_430 : vector<128x1xf32> to vector<128x128xf32>
    %slice3A_432 = vector.extract_strided_slice %transpose3A_254 {offsets = [0, 59], sizes = [128, 1], strides = [1, 1]} : vector<128x80xf32> to vector<128x1xf32>
    %broadcast_in_dim3A_433 = vector.shape_cast %slice3A_432 : vector<128x1xf32> to vector<128x1xf32>
    %broadcast_in_dim3A_434 = vector.broadcast %broadcast_in_dim3A_433 : vector<128x1xf32> to vector<128x128xf32>
    %slice3A_435 = vector.extract_strided_slice %transpose3A_254 {offsets = [0, 60], sizes = [128, 1], strides = [1, 1]} : vector<128x80xf32> to vector<128x1xf32>
    %broadcast_in_dim3A_436 = vector.shape_cast %slice3A_435 : vector<128x1xf32> to vector<128x1xf32>
    %broadcast_in_dim3A_437 = vector.broadcast %broadcast_in_dim3A_436 : vector<128x1xf32> to vector<128x128xf32>
    %slice3A_438 = vector.extract_strided_slice %transpose3A_254 {offsets = [0, 61], sizes = [128, 1], strides = [1, 1]} : vector<128x80xf32> to vector<128x1xf32>
    %broadcast_in_dim3A_439 = vector.shape_cast %slice3A_438 : vector<128x1xf32> to vector<128x1xf32>
    %broadcast_in_dim3A_440 = vector.broadcast %broadcast_in_dim3A_439 : vector<128x1xf32> to vector<128x128xf32>
    %slice3A_441 = vector.extract_strided_slice %transpose3A_254 {offsets = [0, 62], sizes = [128, 1], strides = [1, 1]} : vector<128x80xf32> to vector<128x1xf32>
    %broadcast_in_dim3A_442 = vector.shape_cast %slice3A_441 : vector<128x1xf32> to vector<128x1xf32>
    %broadcast_in_dim3A_443 = vector.broadcast %broadcast_in_dim3A_442 : vector<128x1xf32> to vector<128x128xf32>
    %slice3A_444 = vector.extract_strided_slice %transpose3A_254 {offsets = [0, 63], sizes = [128, 1], strides = [1, 1]} : vector<128x80xf32> to vector<128x1xf32>
    %broadcast_in_dim3A_445 = vector.shape_cast %slice3A_444 : vector<128x1xf32> to vector<128x1xf32>
    %broadcast_in_dim3A_446 = vector.broadcast %broadcast_in_dim3A_445 : vector<128x1xf32> to vector<128x128xf32>
    %slice3A_447 = vector.extract_strided_slice %transpose3A_254 {offsets = [0, 64], sizes = [128, 1], strides = [1, 1]} : vector<128x80xf32> to vector<128x1xf32>
    %broadcast_in_dim3A_448 = vector.shape_cast %slice3A_447 : vector<128x1xf32> to vector<128x1xf32>
    %broadcast_in_dim3A_449 = vector.broadcast %broadcast_in_dim3A_448 : vector<128x1xf32> to vector<128x128xf32>
    %slice3A_450 = vector.extract_strided_slice %transpose3A_254 {offsets = [0, 65], sizes = [128, 1], strides = [1, 1]} : vector<128x80xf32> to vector<128x1xf32>
    %broadcast_in_dim3A_451 = vector.shape_cast %slice3A_450 : vector<128x1xf32> to vector<128x1xf32>
    %broadcast_in_dim3A_452 = vector.broadcast %broadcast_in_dim3A_451 : vector<128x1xf32> to vector<128x128xf32>
    %slice3A_453 = vector.extract_strided_slice %transpose3A_254 {offsets = [0, 66], sizes = [128, 1], strides = [1, 1]} : vector<128x80xf32> to vector<128x1xf32>
    %broadcast_in_dim3A_454 = vector.shape_cast %slice3A_453 : vector<128x1xf32> to vector<128x1xf32>
    %broadcast_in_dim3A_455 = vector.broadcast %broadcast_in_dim3A_454 : vector<128x1xf32> to vector<128x128xf32>
    %slice3A_456 = vector.extract_strided_slice %transpose3A_254 {offsets = [0, 67], sizes = [128, 1], strides = [1, 1]} : vector<128x80xf32> to vector<128x1xf32>
    %broadcast_in_dim3A_457 = vector.shape_cast %slice3A_456 : vector<128x1xf32> to vector<128x1xf32>
    %broadcast_in_dim3A_458 = vector.broadcast %broadcast_in_dim3A_457 : vector<128x1xf32> to vector<128x128xf32>
    %slice3A_459 = vector.extract_strided_slice %transpose3A_254 {offsets = [0, 68], sizes = [128, 1], strides = [1, 1]} : vector<128x80xf32> to vector<128x1xf32>
    %broadcast_in_dim3A_460 = vector.shape_cast %slice3A_459 : vector<128x1xf32> to vector<128x1xf32>
    %broadcast_in_dim3A_461 = vector.broadcast %broadcast_in_dim3A_460 : vector<128x1xf32> to vector<128x128xf32>
    %slice3A_462 = vector.extract_strided_slice %transpose3A_254 {offsets = [0, 69], sizes = [128, 1], strides = [1, 1]} : vector<128x80xf32> to vector<128x1xf32>
    %broadcast_in_dim3A_463 = vector.shape_cast %slice3A_462 : vector<128x1xf32> to vector<128x1xf32>
    %broadcast_in_dim3A_464 = vector.broadcast %broadcast_in_dim3A_463 : vector<128x1xf32> to vector<128x128xf32>
    %slice3A_465 = vector.extract_strided_slice %transpose3A_254 {offsets = [0, 70], sizes = [128, 1], strides = [1, 1]} : vector<128x80xf32> to vector<128x1xf32>
    %broadcast_in_dim3A_466 = vector.shape_cast %slice3A_465 : vector<128x1xf32> to vector<128x1xf32>
    %broadcast_in_dim3A_467 = vector.broadcast %broadcast_in_dim3A_466 : vector<128x1xf32> to vector<128x128xf32>
    %slice3A_468 = vector.extract_strided_slice %transpose3A_254 {offsets = [0, 71], sizes = [128, 1], strides = [1, 1]} : vector<128x80xf32> to vector<128x1xf32>
    %broadcast_in_dim3A_469 = vector.shape_cast %slice3A_468 : vector<128x1xf32> to vector<128x1xf32>
    %broadcast_in_dim3A_470 = vector.broadcast %broadcast_in_dim3A_469 : vector<128x1xf32> to vector<128x128xf32>
    %slice3A_471 = vector.extract_strided_slice %transpose3A_254 {offsets = [0, 72], sizes = [128, 1], strides = [1, 1]} : vector<128x80xf32> to vector<128x1xf32>
    %broadcast_in_dim3A_472 = vector.shape_cast %slice3A_471 : vector<128x1xf32> to vector<128x1xf32>
    %broadcast_in_dim3A_473 = vector.broadcast %broadcast_in_dim3A_472 : vector<128x1xf32> to vector<128x128xf32>
    %slice3A_474 = vector.extract_strided_slice %transpose3A_254 {offsets = [0, 73], sizes = [128, 1], strides = [1, 1]} : vector<128x80xf32> to vector<128x1xf32>
    %broadcast_in_dim3A_475 = vector.shape_cast %slice3A_474 : vector<128x1xf32> to vector<128x1xf32>
    %broadcast_in_dim3A_476 = vector.broadcast %broadcast_in_dim3A_475 : vector<128x1xf32> to vector<128x128xf32>
    %slice3A_477 = vector.extract_strided_slice %transpose3A_254 {offsets = [0, 74], sizes = [128, 1], strides = [1, 1]} : vector<128x80xf32> to vector<128x1xf32>
    %broadcast_in_dim3A_478 = vector.shape_cast %slice3A_477 : vector<128x1xf32> to vector<128x1xf32>
    %broadcast_in_dim3A_479 = vector.broadcast %broadcast_in_dim3A_478 : vector<128x1xf32> to vector<128x128xf32>
    %slice3A_480 = vector.extract_strided_slice %transpose3A_254 {offsets = [0, 75], sizes = [128, 1], strides = [1, 1]} : vector<128x80xf32> to vector<128x1xf32>
    %broadcast_in_dim3A_481 = vector.shape_cast %slice3A_480 : vector<128x1xf32> to vector<128x1xf32>
    %broadcast_in_dim3A_482 = vector.broadcast %broadcast_in_dim3A_481 : vector<128x1xf32> to vector<128x128xf32>
    %slice3A_483 = vector.extract_strided_slice %transpose3A_254 {offsets = [0, 76], sizes = [128, 1], strides = [1, 1]} : vector<128x80xf32> to vector<128x1xf32>
    %broadcast_in_dim3A_484 = vector.shape_cast %slice3A_483 : vector<128x1xf32> to vector<128x1xf32>
    %broadcast_in_dim3A_485 = vector.broadcast %broadcast_in_dim3A_484 : vector<128x1xf32> to vector<128x128xf32>
    %slice3A_486 = vector.extract_strided_slice %transpose3A_254 {offsets = [0, 77], sizes = [128, 1], strides = [1, 1]} : vector<128x80xf32> to vector<128x1xf32>
    %broadcast_in_dim3A_487 = vector.shape_cast %slice3A_486 : vector<128x1xf32> to vector<128x1xf32>
    %broadcast_in_dim3A_488 = vector.broadcast %broadcast_in_dim3A_487 : vector<128x1xf32> to vector<128x128xf32>
    %slice3A_489 = vector.extract_strided_slice %transpose3A_254 {offsets = [0, 78], sizes = [128, 1], strides = [1, 1]} : vector<128x80xf32> to vector<128x1xf32>
    %broadcast_in_dim3A_490 = vector.shape_cast %slice3A_489 : vector<128x1xf32> to vector<128x1xf32>
    %broadcast_in_dim3A_491 = vector.broadcast %broadcast_in_dim3A_490 : vector<128x1xf32> to vector<128x128xf32>
    %slice3A_492 = vector.extract_strided_slice %transpose3A_254 {offsets = [0, 79], sizes = [128, 1], strides = [1, 1]} : vector<128x80xf32> to vector<128x1xf32>
    %broadcast_in_dim3A_493 = vector.shape_cast %slice3A_492 : vector<128x1xf32> to vector<128x1xf32>
    %broadcast_in_dim3A_494 = vector.broadcast %broadcast_in_dim3A_493 : vector<128x1xf32> to vector<128x128xf32>
    %concatenate3A_495 = tpu.concatenate %broadcast_in_dim3A_257, %broadcast_in_dim3A_260, %broadcast_in_dim3A_263, %broadcast_in_dim3A_266, %broadcast_in_dim3A_269, %broadcast_in_dim3A_272, %broadcast_in_dim3A_275, %broadcast_in_dim3A_278, %broadcast_in_dim3A_281, %broadcast_in_dim3A_284, %broadcast_in_dim3A_287, %broadcast_in_dim3A_290, %broadcast_in_dim3A_293, %broadcast_in_dim3A_296, %broadcast_in_dim3A_299, %broadcast_in_dim3A_302, %broadcast_in_dim3A_305, %broadcast_in_dim3A_308, %broadcast_in_dim3A_311, %broadcast_in_dim3A_314, %broadcast_in_dim3A_317, %broadcast_in_dim3A_320, %broadcast_in_dim3A_323, %broadcast_in_dim3A_326, %broadcast_in_dim3A_329, %broadcast_in_dim3A_332, %broadcast_in_dim3A_335, %broadcast_in_dim3A_338, %broadcast_in_dim3A_341, %broadcast_in_dim3A_344, %broadcast_in_dim3A_347, %broadcast_in_dim3A_350, %broadcast_in_dim3A_353, %broadcast_in_dim3A_356, %broadcast_in_dim3A_359, %broadcast_in_dim3A_362, %broadcast_in_dim3A_365, %broadcast_in_dim3A_368, %broadcast_in_dim3A_371, %broadcast_in_dim3A_374, %broadcast_in_dim3A_377, %broadcast_in_dim3A_380, %broadcast_in_dim3A_383, %broadcast_in_dim3A_386, %broadcast_in_dim3A_389, %broadcast_in_dim3A_392, %broadcast_in_dim3A_395, %broadcast_in_dim3A_398, %broadcast_in_dim3A_401, %broadcast_in_dim3A_404, %broadcast_in_dim3A_407, %broadcast_in_dim3A_410, %broadcast_in_dim3A_413, %broadcast_in_dim3A_416, %broadcast_in_dim3A_419, %broadcast_in_dim3A_422, %broadcast_in_dim3A_425, %broadcast_in_dim3A_428, %broadcast_in_dim3A_431, %broadcast_in_dim3A_434, %broadcast_in_dim3A_437, %broadcast_in_dim3A_440, %broadcast_in_dim3A_443, %broadcast_in_dim3A_446, %broadcast_in_dim3A_449, %broadcast_in_dim3A_452, %broadcast_in_dim3A_455, %broadcast_in_dim3A_458, %broadcast_in_dim3A_461, %broadcast_in_dim3A_464, %broadcast_in_dim3A_467, %broadcast_in_dim3A_470, %broadcast_in_dim3A_473, %broadcast_in_dim3A_476, %broadcast_in_dim3A_479, %broadcast_in_dim3A_482, %broadcast_in_dim3A_485, %broadcast_in_dim3A_488, %broadcast_in_dim3A_491, %broadcast_in_dim3A_494 in 0 : vector<128x128xf32>, vector<128x128xf32>, vector<128x128xf32>, vector<128x128xf32>, vector<128x128xf32>, vector<128x128xf32>, vector<128x128xf32>, vector<128x128xf32>, vector<128x128xf32>, vector<128x128xf32>, vector<128x128xf32>, vector<128x128xf32>, vector<128x128xf32>, vector<128x128xf32>, vector<128x128xf32>, vector<128x128xf32>, vector<128x128xf32>, vector<128x128xf32>, vector<128x128xf32>, vector<128x128xf32>, vector<128x128xf32>, vector<128x128xf32>, vector<128x128xf32>, vector<128x128xf32>, vector<128x128xf32>, vector<128x128xf32>, vector<128x128xf32>, vector<128x128xf32>, vector<128x128xf32>, vector<128x128xf32>, vector<128x128xf32>, vector<128x128xf32>, vector<128x128xf32>, vector<128x128xf32>, vector<128x128xf32>, vector<128x128xf32>, vector<128x128xf32>, vector<128x128xf32>, vector<128x128xf32>, vector<128x128xf32>, vector<128x128xf32>, vector<128x128xf32>, vector<128x128xf32>, vector<128x128xf32>, vector<128x128xf32>, vector<128x128xf32>, vector<128x128xf32>, vector<128x128xf32>, vector<128x128xf32>, vector<128x128xf32>, vector<128x128xf32>, vector<128x128xf32>, vector<128x128xf32>, vector<128x128xf32>, vector<128x128xf32>, vector<128x128xf32>, vector<128x128xf32>, vector<128x128xf32>, vector<128x128xf32>, vector<128x128xf32>, vector<128x128xf32>, vector<128x128xf32>, vector<128x128xf32>, vector<128x128xf32>, vector<128x128xf32>, vector<128x128xf32>, vector<128x128xf32>, vector<128x128xf32>, vector<128x128xf32>, vector<128x128xf32>, vector<128x128xf32>, vector<128x128xf32>, vector<128x128xf32>, vector<128x128xf32>, vector<128x128xf32>, vector<128x128xf32>, vector<128x128xf32>, vector<128x128xf32>, vector<128x128xf32>, vector<128x128xf32> -> vector<10240x128xf32>
    %swap3A = arith.constant 0 : index
    %swap3A_496 = arith.constant 0 : index
    %swap3A_497 = vector.load %arg5[%swap3A, %swap3A_496] : memref<10240x128xf32, #tpu.memory_space<vmem>>, vector<10240x128xf32>
    tpu.vector_store %arg5[%swap3A, %swap3A_496], %concatenate3A {strides = array<i32>} : memref<10240x128xf32, #tpu.memory_space<vmem>>, vector<10240x128xf32>,
    %swap3A_498 = arith.constant 0 : index
    %swap3A_499 = arith.constant 0 : index
    %swap3A_500 = vector.load %arg6[%swap3A_498, %swap3A_499] : memref<10240x128xf32, #tpu.memory_space<vmem>>, vector<10240x128xf32>
    tpu.vector_store %arg6[%swap3A_498, %swap3A_499], %concatenate3A_495 {strides = array<i32>} : memref<10240x128xf32, #tpu.memory_space<vmem>>, vector<10240x128xf32>,
    %get3A_501 = arith.constant 0 : index
    %get3A_502 = arith.constant 0 : index
    %get3A_503 = vector.load %arg2[%get3A_501, %get3A_502] : memref<10000x128xf32, #tpu.memory_space<vmem>>, vector<10000x128xf32>
    %get3A_504 = arith.constant 0 : index
    %get3A_505 = arith.constant 0 : index
    %get3A_506 = vector.load %arg3[%get3A_504, %get3A_505] : memref<128x128xf32, #tpu.memory_space<vmem>>, vector<128x128xf32>
    %dot_general3A = arith.constant dense<0.000000e+00> : vector<10000x128xf32>
    %dot_general3A_507 = tpu.matmul %get3A_503, %get3A_506, %dot_general3A {dimension_numbers = #tpu.dot_dimension_numbers<[1], [0], [0], [1], [0, 0, 1, 1], [], []>, transpose_lhs_hint = false} : vector<10000x128xf32>, vector<128x128xf32>, vector<10000x128xf32> -> vector<10000x128xf32>
    %slice3A_508 = vector.extract_strided_slice %concatenate3A_495 {offsets = [0, 0], sizes = [10000, 128], strides = [1, 1]} : vector<10240x128xf32> to vector<10000x128xf32>
    %mul3A = arith.mulf %slice3A_508, %dot_general3A_507 : vector<10000x128xf32>
    %swap3A_509 = arith.constant 0 : index
    %swap3A_510 = arith.constant 0 : index
    %swap3A_511 = vector.load %arg4[%swap3A_509, %swap3A_510] : memref<10240x128xf32, #tpu.memory_space<vmem>>, vector<10000x128xf32>
    tpu.vector_store %arg4[%swap3A_509, %swap3A_510], %mul3A {strides = array<i32>} : memref<10240x128xf32, #tpu.memory_space<vmem>>, vector<10000x128xf32>,
    %broadcast_in_dim3A_512 = arith.constant 0.000000e+00 : f32
    %broadcast_in_dim3A_513 = vector.broadcast %broadcast_in_dim3A_512 : f32 to vector<240x128xf32>
    %swap3A_514 = arith.constant 10000 : index
    %swap3A_515 = arith.constant 0 : index
    %swap3A_516 = vector.load %arg4[%swap3A_514, %swap3A_515] : memref<10240x128xf32, #tpu.memory_space<vmem>>, vector<240x128xf32>
    tpu.vector_store %arg4[%swap3A_514, %swap3A_515], %broadcast_in_dim3A_513 {strides = array<i32>} : memref<10240x128xf32, #tpu.memory_space<vmem>>, vector<240x128xf32>,
    return
  }
}

module attributes {stable_mosaic.version = 14 : i64} {
  func.func @_tc_stage2_body(%arg0: memref<10240x128xf32, #tpu.memory_space<vmem>>, %arg1: memref<10240x128xf32, #tpu.memory_space<vmem>>, %arg2: memref<10240x128xf32, #tpu.memory_space<vmem>>, %arg3: memref<1x128xf32, #tpu.memory_space<vmem>>, %arg4: memref<128x128xf32, #tpu.memory_space<vmem>>, %arg5: memref<10240x128xf32, #tpu.memory_space<vmem>>) attributes {dimension_semantics = [], scalar_prefetch = 0 : i64, scratch_operands = 0 : i64, tpu.core_type = #tpu.core_type<tc>} {
    %get3A = arith.constant 0 : index
    %get3A_0 = arith.constant 0 : index
    %get3A_1 = vector.load %arg2[%get3A, %get3A_0] : memref<10240x128xf32, #tpu.memory_space<vmem>>, vector<10240x128xf32>
    %get3A_2 = arith.constant 0 : index
    %get3A_3 = arith.constant 0 : index
    %get3A_4 = vector.load %arg0[%get3A_2, %get3A_3] : memref<10240x128xf32, #tpu.memory_space<vmem>>, vector<10240x128xf32>
    %get3A_5 = arith.constant 0 : index
    %get3A_6 = arith.constant 0 : index
    %get3A_7 = vector.load %arg1[%get3A_5, %get3A_6] : memref<10240x128xf32, #tpu.memory_space<vmem>>, vector<10240x128xf32>
    %add3A = arith.addf %get3A_4, %get3A_7 : vector<10240x128xf32>
    %mul3A = arith.mulf %get3A_1, %add3A : vector<10240x128xf32>
    %get3A_8 = arith.constant 0 : index
    %get3A_9 = arith.constant 0 : index
    %get3A_10 = vector.load %arg3[%get3A_8, %get3A_9] : memref<1x128xf32, #tpu.memory_space<vmem>>, vector<1x128xf32>
    %add3A_11 = vector.broadcast %get3A_10 : vector<1x128xf32> to vector<10240x128xf32>
    %add3A_12 = arith.addf %mul3A, %add3A_11 : vector<10240x128xf32>
    %max3A = arith.constant 0.000000e+00 : f32
    %max3A_13 = vector.broadcast %max3A : f32 to vector<10240x128xf32>
    %max3A_14 = arith.maximumf %add3A_12, %max3A_13 : vector<10240x128xf32>
    %mul3A_15 = arith.mulf %get3A_1, %max3A_14 : vector<10240x128xf32>
    %get3A_16 = arith.constant 0 : index
    %get3A_17 = arith.constant 0 : index
    %get3A_18 = vector.load %arg4[%get3A_16, %get3A_17] : memref<128x128xf32, #tpu.memory_space<vmem>>, vector<128x128xf32>
    %dot_general3A = arith.constant dense<0.000000e+00> : vector<10240x128xf32>
    %dot_general3A_19 = tpu.matmul %mul3A_15, %get3A_18, %dot_general3A {dimension_numbers = #tpu.dot_dimension_numbers<[1], [0], [0], [1], [0, 0, 1, 1], [], []>, transpose_lhs_hint = false} : vector<10240x128xf32>, vector<128x128xf32>, vector<10240x128xf32> -> vector<10240x128xf32>
    %swap3A = arith.constant 0 : index
    %swap3A_20 = arith.constant 0 : index
    %swap3A_21 = vector.load %arg5[%swap3A, %swap3A_20] : memref<10240x128xf32, #tpu.memory_space<vmem>>, vector<10240x128xf32>
    tpu.vector_store %arg5[%swap3A, %swap3A_20], %dot_general3A_19 {strides = array<i32>} : memref<10240x128xf32, #tpu.memory_space<vmem>>, vector<10240x128xf32>,
    return
  }
}

module attributes {stable_mosaic.version = 14 : i64} {
  func.func @_tc_stage3_body(%arg0: memref<10240x128xf32, #tpu.memory_space<vmem>>, %arg1: memref<10240x128xf32, #tpu.memory_space<vmem>>, %arg2: memref<10240x128xf32, #tpu.memory_space<vmem>>, %arg3: memref<1x128xf32, #tpu.memory_space<vmem>>, %arg4: memref<10240x128xf32, #tpu.memory_space<vmem>>) attributes {dimension_semantics = [], scalar_prefetch = 0 : i64, scratch_operands = 0 : i64, tpu.core_type = #tpu.core_type<tc>} {
    %get3A = arith.constant 0 : index
    %get3A_0 = arith.constant 0 : index
    %get3A_1 = vector.load %arg2[%get3A, %get3A_0] : memref<10240x128xf32, #tpu.memory_space<vmem>>, vector<10240x128xf32>
    %get3A_2 = arith.constant 0 : index
    %get3A_3 = arith.constant 0 : index
    %get3A_4 = vector.load %arg0[%get3A_2, %get3A_3] : memref<10240x128xf32, #tpu.memory_space<vmem>>, vector<10240x128xf32>
    %get3A_5 = arith.constant 0 : index
    %get3A_6 = arith.constant 0 : index
    %get3A_7 = vector.load %arg1[%get3A_5, %get3A_6] : memref<10240x128xf32, #tpu.memory_space<vmem>>, vector<10240x128xf32>
    %add3A = arith.addf %get3A_4, %get3A_7 : vector<10240x128xf32>
    %mul3A = arith.mulf %get3A_1, %add3A : vector<10240x128xf32>
    %get3A_8 = arith.constant 0 : index
    %get3A_9 = arith.constant 0 : index
    %get3A_10 = vector.load %arg3[%get3A_8, %get3A_9] : memref<1x128xf32, #tpu.memory_space<vmem>>, vector<1x128xf32>
    %add3A_11 = vector.broadcast %get3A_10 : vector<1x128xf32> to vector<10240x128xf32>
    %add3A_12 = arith.addf %mul3A, %add3A_11 : vector<10240x128xf32>
    %swap3A = arith.constant 0 : index
    %swap3A_13 = arith.constant 0 : index
    %swap3A_14 = vector.load %arg4[%swap3A, %swap3A_13] : memref<10240x128xf32, #tpu.memory_space<vmem>>, vector<10240x128xf32>
    tpu.vector_store %arg4[%swap3A, %swap3A_13], %add3A_12 {strides = array<i32>} : memref<10240x128xf32, #tpu.memory_space<vmem>>, vector<10240x128xf32>,
    return
  }
}

module attributes {stable_mosaic.version = 14 : i64} {
  func.func @_tc_dot_body(%arg0: i32, %arg1: memref<4096x128xf32, #tpu.memory_space<vmem>>, %arg2: memref<4096x128xf32, #tpu.memory_space<vmem>>, %arg3: memref<32x128xf32, #tpu.memory_space<vmem>>) attributes {dimension_semantics = [#tpu.dimension_semantics<arbitrary>], iteration_bounds = array<i64: 80>, scalar_prefetch = 0 : i64, scratch_operands = 0 : i64, tpu.core_type = #tpu.core_type<tc>, window_params = [{transform_indices = @transform_0, window_bounds = array<i64: 4096, 128>}, {transform_indices = @transform_1, window_bounds = array<i64: 4096, 128>}, {transform_indices = @transform_2, window_bounds = array<i64: 32, 128>}]} {
    %get3A = arith.constant 0 : index
    %get3A_0 = arith.constant 0 : index
    %get3A_1 = vector.load %arg1[%get3A, %get3A_0] : memref<4096x128xf32, #tpu.memory_space<vmem>>, vector<4096x128xf32>
    %get3A_2 = arith.constant 0 : index
    %get3A_3 = arith.constant 0 : index
    %get3A_4 = vector.load %arg2[%get3A_2, %get3A_3] : memref<4096x128xf32, #tpu.memory_space<vmem>>, vector<4096x128xf32>
    %mul3A = arith.mulf %get3A_1, %get3A_4 : vector<4096x128xf32>
    %reshape3A = vector.shape_cast %mul3A : vector<4096x128xf32> to vector<32x128x128xf32>
    %reduce_sum3A = arith.constant dense<0.000000e+00> : vector<32x128xf32>
    %reduce_sum3A_5 = vector.multi_reduction <add>, %reshape3A, %reduce_sum3A [2] : vector<32x128x128xf32> to vector<32x128xf32>
    %swap3A = arith.constant 0 : index
    %swap3A_6 = arith.constant 0 : index
    %swap3A_7 = vector.load %arg3[%swap3A, %swap3A_6] : memref<32x128xf32, #tpu.memory_space<vmem>>, vector<32x128xf32>
    tpu.vector_store %arg3[%swap3A, %swap3A_6], %reduce_sum3A_5 {strides = array<i32>} : memref<32x128xf32, #tpu.memory_space<vmem>>, vector<32x128xf32>,
    return
  }
  func.func @transform_0(%arg0: i32) -> (i32, i32) {
    %c0_i32 = arith.constant 0 : i32
    %c0_i32_0 = arith.constant 0 : i32
    return %arg0, %c0_i32 : i32, i32
  }
  func.func @transform_1(%arg0: i32) -> (i32, i32) {
    %c0_i32 = arith.constant 0 : i32
    %c0_i32_0 = arith.constant 0 : i32
    return %arg0, %c0_i32 : i32, i32
  }
  func.func @transform_2(%arg0: i32) -> (i32, i32) {
    %c0_i32 = arith.constant 0 : i32
    %c0_i32_0 = arith.constant 0 : i32
    return %arg0, %c0_i32 : i32, i32
  }
}

module attributes {stable_mosaic.version = 14 : i64} {
  func.func @_tc_loss_body(%arg0: memref<2560x128xf32, #tpu.memory_space<vmem>>, %arg1: memref<1250x128xf32, #tpu.memory_space<vmem>>, %arg2: memref<1250x128xf32, #tpu.memory_space<vmem>>, %arg3: memref<1x1xf32, #tpu.memory_space<vmem>>) attributes {dimension_semantics = [], scalar_prefetch = 0 : i64, scratch_operands = 0 : i64, tpu.core_type = #tpu.core_type<tc>} {
    %get3A = arith.constant 0 : index
    %get3A_0 = arith.constant 0 : index
    %get3A_1 = vector.load %arg0[%get3A, %get3A_0] : memref<2560x128xf32, #tpu.memory_space<vmem>>, vector<2560x128xf32>
    %logistic3A = arith.negf %get3A_1 : vector<2560x128xf32>
    %logistic3A_2 = math.exp %logistic3A : vector<2560x128xf32>
    %logistic3A_3 = arith.constant 1.000000e+00 : f32
    %logistic3A_4 = vector.broadcast %logistic3A_3 : f32 to vector<2560x128xf32>
    %logistic3A_5 = arith.addf %logistic3A_4, %logistic3A_2 : vector<2560x128xf32>
    %logistic3A_6 = arith.divf %logistic3A_4, %logistic3A_5 : vector<2560x128xf32>
    %slice3A = vector.extract_strided_slice %logistic3A_6 {offsets = [0, 0], sizes = [1250, 128], strides = [1, 1]} : vector<2560x128xf32> to vector<1250x128xf32>
    %slice3A_7 = vector.extract_strided_slice %logistic3A_6 {offsets = [1280, 0], sizes = [1250, 128], strides = [1, 1]} : vector<2560x128xf32> to vector<1250x128xf32>
    %swap3A = arith.constant 0 : index
    %swap3A_8 = arith.constant 0 : index
    %swap3A_9 = vector.load %arg1[%swap3A, %swap3A_8] : memref<1250x128xf32, #tpu.memory_space<vmem>>, vector<1250x128xf32>
    tpu.vector_store %arg1[%swap3A, %swap3A_8], %slice3A {strides = array<i32>} : memref<1250x128xf32, #tpu.memory_space<vmem>>, vector<1250x128xf32>,
    %swap3A_10 = arith.constant 0 : index
    %swap3A_11 = arith.constant 0 : index
    %swap3A_12 = vector.load %arg2[%swap3A_10, %swap3A_11] : memref<1250x128xf32, #tpu.memory_space<vmem>>, vector<1250x128xf32>
    tpu.vector_store %arg2[%swap3A_10, %swap3A_11], %slice3A_7 {strides = array<i32>} : memref<1250x128xf32, #tpu.memory_space<vmem>>, vector<1250x128xf32>,
    %add3A = arith.constant 1.000000e-07 : f32
    %add3A_13 = vector.broadcast %add3A : f32 to vector<1250x128xf32>
    %add3A_14 = arith.addf %slice3A, %add3A_13 : vector<1250x128xf32>
    %log3A = math.log %add3A_14 : vector<1250x128xf32>
    %reduce_sum3A = vector.shape_cast %log3A : vector<1250x128xf32> to vector<1x1250x128xf32>
    %reduce_sum3A_15 = arith.constant dense<0.000000e+00> : vector<1xf32>
    %reduce_sum3A_16 = vector.multi_reduction <add>, %reduce_sum3A, %reduce_sum3A_15 [1, 2] : vector<1x1250x128xf32> to vector<1xf32>
    %reduce_sum3A_17 = vector.shape_cast %reduce_sum3A_16 : vector<1xf32> to vector<1x1x1xf32>
    %reduce_sum3A_18 = vector.extract %reduce_sum3A_17[0, 0, 0] : f32 from vector<1x1x1xf32>
    %div3A = arith.constant 1.600000e+05 : f32
    %div3A_19 = arith.divf %reduce_sum3A_18, %div3A : f32
    %sub3A = arith.constant 1.000000e+00 : f32
    %sub3A_20 = vector.broadcast %sub3A : f32 to vector<1250x128xf32>
    %sub3A_21 = arith.subf %sub3A_20, %slice3A_7 : vector<1250x128xf32>
    %add3A_22 = arith.constant 1.000000e-07 : f32
    %add3A_23 = vector.broadcast %add3A_22 : f32 to vector<1250x128xf32>
    %add3A_24 = arith.addf %sub3A_21, %add3A_23 : vector<1250x128xf32>
    %log3A_25 = math.log %add3A_24 : vector<1250x128xf32>
    %reduce_sum3A_26 = vector.shape_cast %log3A_25 : vector<1250x128xf32> to vector<1x1250x128xf32>
    %reduce_sum3A_27 = arith.constant dense<0.000000e+00> : vector<1xf32>
    %reduce_sum3A_28 = vector.multi_reduction <add>, %reduce_sum3A_26, %reduce_sum3A_27 [1, 2] : vector<1x1250x128xf32> to vector<1xf32>
    %reduce_sum3A_29 = vector.shape_cast %reduce_sum3A_28 : vector<1xf32> to vector<1x1x1xf32>
    %reduce_sum3A_30 = vector.extract %reduce_sum3A_29[0, 0, 0] : f32 from vector<1x1x1xf32>
    %div3A_31 = arith.constant 1.600000e+05 : f32
    %div3A_32 = arith.divf %reduce_sum3A_30, %div3A_31 : f32
    %broadcast_in_dim3A = arith.constant 0.000000e+00 : f32
    %broadcast_in_dim3A_33 = vector.broadcast %broadcast_in_dim3A : f32 to vector<1x1xf32>
    %sub3A_34 = vector.broadcast %div3A_19 : f32 to vector<1x1xf32>
    %sub3A_35 = arith.subf %broadcast_in_dim3A_33, %sub3A_34 : vector<1x1xf32>
    %sub3A_36 = vector.broadcast %div3A_32 : f32 to vector<1x1xf32>
    %sub3A_37 = arith.subf %sub3A_35, %sub3A_36 : vector<1x1xf32>
    %swap3A_38 = arith.constant 0 : index
    %swap3A_39 = arith.constant 0 : index
    %swap3A_40 = vector.load %arg3[%swap3A_38, %swap3A_39] : memref<1x1xf32, #tpu.memory_space<vmem>>, vector<1x1xf32>
    tpu.vector_store %arg3[%swap3A_38, %swap3A_39], %sub3A_37 {strides = array<i32>} : memref<1x1xf32, #tpu.memory_space<vmem>>, vector<1x1xf32>,
    return
  }
}

</mosaic_0001>

<sc_bundles>
// kernel: kernel.11.cloned.1.call-start
scs
__scs_entry_jumppad:
0x0: {  	(pc) =	sbr.rel $0x88, $3  }
0x1: {  	(tag) =	ssettag $0x0;
	lr =	simm.s32 $0x1  }
0x2: {  	[smem:$0x3F99] =	sst lr;
	_ =	strace $0xD0000000  }
0x3: {  	_ = 	snop  }
0x4: {  	_ = 	snop  }
0x5: {  	_ = 	snop  }
0x6: {  	_ = 	snop  }
0x7: {  	_ = 	snop  }
__scs_overlays_trampoline_lowered:
0x8: {  	[smem:$0x3FA8] =	sst s0  }
0x9: {  	[smem:$0x3FA9] =	sst s1  }
0xa: {  	[smem:$0x3FAA] =	sst s2  }
0xb: {  	[smem:$0x3FAB] =	sst s3  }
0xc: {  	[smem:$0x3FAC] =	sst s4  }
0xd: {  	[smem:$0x3FAD] =	sst s5  }
0xe: {  	[smem:$0x3FAE] =	sst s6  }
0xf: {  	[smem:$0x3FAF] =	sst s7  }
0x10: {  	[smem:$0x3FB0] =	sst s8  }
0x11: {  	[smem:$0x3FB1] =	sst s9;
	s0 =	simm.s32 @!p0 $0x0  }
0x12: {  	s1 =	sld [smem:$0x3F97];
	s0 =	simm.s32 @p0 $0x1  }
0x13: {  	[smem:$0x3FB2] =	sst s0;
	s0 =	simm.s32 @!p1 $0x0  }
0x14: {  	s2 =	sld [smem:$0x3F96];
	s0 =	simm.s32 @p1 $0x1  }
0x15: {  	[smem:$0x3FB3] =	sst s0;
	s0 =	simm.s32 @!p2 $0x0  }
0x16: {  	s3 =	sld [smem:$0x3FDB];
	s0 =	simm.s32 @p2 $0x1  }
0x17: {  	s4 =	simm.s32 $0x1BF5;
	[smem:$0x3FB5] =	sst s0  }
0x18: {  	s0 =	sld [smem:$0x3F98];
	_ =	swait.ge [sflag:s4], $0x0  }
0x19: {  	s7 =	sld [smem:$0x3F99]  }
0x1a: {  	s8 =	sadd.s32 $0xFFFFE003, lr  }
0x1b: {  	s9 =	sadd.s32 $0xFFFFFEF7, lr;
	s5 =	simm.s32 $0xFFFFFFFF;
	p2 =	slt.u32 s8, $0xFFFFF086  }
0x1c: {  	p1 =	slt.u32 s9, $0xF7A;
	s5 =	simm.s32 @!p2 $0x0  }
0x1d: {  	s5 =	simm.s32 @p1 $0x1;
	p0 =	seq.s32 s7, s2  }
0x1e: {  	s7 =	smul.u32 @!p0 $0xF7A, s2;
	p2 =	seq.s32 @!p0 s5, $0x0  }
0x1f: {  	s9 =	smul.u32 $0xF7A, s1;
	s8 =	simm.s32 @!p0 $0x1BF5;
	p2 =	por !p2, p0  }
0x20: {  	[sflag:s8] =	ssyncset.s32 @!p0 $0xFFFFF086;
	s6 =	sadd.s32 @!p0 s3, s7;
	s7 =	simm.s32 @!p0 $0x108  }
0x21: {  	s3 =	sadd.s32 s3, s9;
	s6 =	sadd.s32 @!p0 $0x88, s6;
	s7 =	simm.s32 @p2 $0x1082  }
0x22: {  	[simem:s7], [sflag:s8] =	dma.local @!p0 [hbm:s6], $0xF7A  }
0x23: {  	s9 =	sor.u32 $0xD0000000, s2;
	s6 =	simm.s32 $0x108;
	_ =	swait.ge @!p0 [sflag:s8], $0x0  }
0x24: {  	s3 =	sadd.s32 $0x88, s3;
	s6 =	simm.s32 @!p1 $0x1082;
	[sflag:s4] =	ssyncset.s32 $0xFFFFF086  }
0x25: {  	[simem:s6], [sflag:s4] =	dma.local [hbm:s3], $0xF7A  }
0x26: {  	[smem:$0x3F99] =	sst s1;
	(tag) =	ssettag s2;
	_ =	strace s9  }
0x27: {  	s1 =	sld [smem:$0x3FA9]  }
0x28: {  	s2 =	sld [smem:$0x3FAA]  }
0x29: {  	s4 =	sld [smem:$0x3FAC]  }
0x2a: {  	p0 =	seq.s32 s5, $0x0;
	s5 =	sld [smem:$0x3FAD]  }
0x2b: {  	s6 =	sld [smem:$0x3FAE]  }
0x2c: {  	s7 =	sld [smem:$0x3FAF]  }
0x2d: {  	s3 =	simm.s32 $0x108;
	s8 =	sld [smem:$0x3FB0]  }
0x2e: {  	s3 =	simm.s32 @!p0 $0x1082;
	s9 =	sld [smem:$0x3FB1]  }
0x2f: {  	lr =	sadd.s32 s0, s3;
	s0 =	sld [smem:$0x3FA8]  }
0x30: {  	s3 =	sld [smem:$0x3FAB]  }
0x31: {  	[smem:$0x3FB4] =	sst s10  }
0x32: {  	s10 =	sld [smem:$0x3FB2];
	_ =	sdelay $0x3  }
0x33: {  	p0 =	seq.s32 s10, $0x1;
	s10 =	sld [smem:$0x3FB4];
	_ =	sdelay $0x3  }
0x34: {  	[smem:$0x3FB4] =	sst s10  }
0x35: {  	s10 =	sld [smem:$0x3FB3];
	_ =	sdelay $0x3  }
0x36: {  	p1 =	seq.s32 s10, $0x1;
	s10 =	sld [smem:$0x3FB4];
	_ =	sdelay $0x3  }
0x37: {  	[smem:$0x3FB4] =	sst s10  }
0x38: {  	s10 =	sld [smem:$0x3FB5]  }
0x39: {  	_ = 	snop;
	(pc) =	sbr.ind lr, $3  }
0x3a: {  	_ = 	snop  }
0x3b: {  	_ = 	snop  }
0x3c: {  	p2 =	seq.s32 s10, $0x1;
	s10 =	sld [smem:$0x3FB4]  }
0x3d: {  	_ =	shalt  }
0x3e: {  	_ =	shalt  }
0x3f: {  	_ =	shalt  }
0x40: {  	_ =	shalt  }
0x41: {  	_ =	shalt  }
0x42: {  	_ =	shalt  }
0x43: {  	_ =	shalt  }
0x44: {  	_ =	shalt  }
0x45: {  	_ =	shalt  }
0x46: {  	_ =	shalt  }
0x47: {  	_ =	shalt  }
0x48: {  	_ =	shalt  }
0x49: {  	_ =	shalt  }
0x4a: {  	_ =	shalt  }
0x4b: {  	_ =	shalt  }
0x4c: {  	_ =	shalt  }
0x4d: {  	_ =	shalt  }
0x4e: {  	_ =	shalt  }
0x4f: {  	_ =	shalt  }
0x50: {  	_ =	shalt  }
0x51: {  	_ =	shalt  }
0x52: {  	_ =	shalt  }
0x53: {  	_ =	shalt  }
0x54: {  	_ =	shalt  }
0x55: {  	_ =	shalt  }
0x56: {  	_ =	shalt  }
0x57: {  	_ =	shalt  }
0x58: {  	_ =	shalt  }
0x59: {  	_ =	shalt  }
0x5a: {  	_ =	shalt  }
0x5b: {  	_ =	shalt  }
0x5c: {  	_ =	shalt  }
0x5d: {  	_ =	shalt  }
0x5e: {  	_ =	shalt  }
0x5f: {  	_ =	shalt  }
0x60: {  	_ =	shalt  }
0x61: {  	_ =	shalt  }
0x62: {  	_ =	shalt  }
0x63: {  	_ =	shalt  }
0x64: {  	_ =	shalt  }
0x65: {  	_ =	shalt  }
0x66: {  	_ =	shalt  }
0x67: {  	_ =	shalt  }
0x68: {  	_ =	shalt  }
0x69: {  	_ =	shalt  }
0x6a: {  	_ =	shalt  }
0x6b: {  	_ =	shalt  }
0x6c: {  	_ =	shalt  }
0x6d: {  	_ =	shalt  }
0x6e: {  	_ =	shalt  }
0x6f: {  	_ =	shalt  }
0x70: {  	_ =	shalt  }
0x71: {  	_ =	shalt  }
0x72: {  	_ =	shalt  }
0x73: {  	_ =	shalt  }
0x74: {  	_ =	shalt  }
0x75: {  	_ =	shalt  }
0x76: {  	_ =	shalt  }
0x77: {  	_ =	shalt  }
0x78: {  	_ =	shalt  }
0x79: {  	_ =	shalt  }
0x7a: {  	_ =	shalt  }
0x7b: {  	_ =	shalt  }
0x7c: {  	_ =	shalt  }
0x7d: {  	_ =	shalt  }
0x7e: {  	_ =	shalt  }
0x7f: {  	_ =	shalt  }
0x80: {  	_ =	shalt  }
0x81: {  	_ =	shalt  }
0x82: {  	_ =	shalt  }
0x83: {  	_ =	shalt  }
0x84: {  	_ =	shalt  }
0x85: {  	_ =	shalt  }
0x86: {  	_ =	shalt  }
0x87: {  	_ =	shalt  }
.Lfunc_end0:
.L_simem_size_0:
called_computation_lowered:
.L_overlay_start_0:
0x88: {  	s2 =	sld [smem:$0x3FD9]  }
0x89: {  	s3 =	sld [smem:$0x3FFE];
	_ =	sdelay $0x1  }
0x8a: {  	s1 =	srdreg.scid  }
0x8b: {  	s0 =	sand.u32 $0x1, s1  }
0x8c: {  	s16 =	sshll.u32 s0, $0xA;
	s2 =	sadd.s32 s3, s2  }
0x8d: {  	s2 =	sadd.s32 s2, s16  }
0x8e: {  	[smem:$0x3FC0] =	sst s2  }
0x8f: {  	_ = 	snop  }
0x90: {  	(tm) =	ssettm $0x1  }
0x91: {  	s17 =	sld [smem:$0x3FFB];
	_ =	sdelay $0x3  }
0x92: {  	_ =	strace s17  }
0x93: {  	s2 =	sld [smem:$0x3FFC];
	_ =	sdelay $0x3  }
0x94: {  	_ =	strace s2  }
0x95: {  	s2 =	sld [smem:$0x3FFD];
	_ =	sdelay $0x3  }
0x96: {  	_ =	strace s2  }
0x97: {  	_ =	strace $0x8FFFFFFF  }
0x98: {  	s18 =	sld [smem:$0x3FDB];
	_ =	sdelay $0x1  }
0x99: {  	s19 =	simm.s32 $_scs_section_size  }
0x9a: {  	s4 =	simm.s32 $_size__tile_overlayer_lowered;
	s5 =	simm.s32 $_tile_overlayer_lowered  }
0x9b: {  	s22 =	simm.s32 $0x1BFF;
	s21 =	sshll.u32 s5, $0x1;
	s2 =	sadd.s32 s19, s18  }
0x9c: {  	s6 =	simm.s32 $0x0;
	s20 =	sshll.u32 s4, $0x1;
	s4 =	sadd.s32 s21, s2  }
0x9d: {  	[timem:s6], [sflag:s22] =	dma.local [hbm:s4], s20  }
0x9e: {  	_ =	swait.ge [sflag:s22], s20  }
0x9f: {  	s3 =	ssub.s32 $0x0, s20;
	[sflag:s22] =	ssyncset.done $0x0  }
0xa0: {  	[sflag:s22] =	ssyncadd.s32 s3;
	_ =	sdelay $0x1  }
0xa1: {  	s23 =	simm.s32 $0x1B8B  }
0xa2: {  	_ =	swait.ge [sflag:s23], $0x1  }
0xa3: {  	[sflag:s23] =	ssyncset.done $0x0  }
0xa4: {  	s25 =	simm.s32 $0x1B8E;
	s24 =	sld [smem:$0x3FFE];
	[sflag:s23] =	ssyncadd.s32 $0xFFFFFFFF  }
0xa5: {  	s26 =	simm.s32 $execute0_lowered;
	[smem:$0x3FD2] =	sst s25  }
0xa6: {  	s4 =	sshll.u32 s26, $0x1;
	_ =	strace $0x80000046;
	[dreg:$0x1] =	wrdreg $0xFFFFFFFF  }
0xa7: {  	s28 =	simm.s32 $_size_execute0_lowered;
	s2 =	sadd.s32 s2, s4;
	[dreg:$0x0] =	wrdreg $0x0  }
0xa8: {  	s4 =	sshll.u32 s28, $0x1;
	[dreg:$0x2] =	wrdreg s2  }
0xa9: {  	[dreg:$0x3] =	wrdreg s4  }
0xaa: {  	[dreg:$0x4] =	wrdreg $0xC0  }
0xab: {  	_ =	task [dreg:s6], $0x5FFFF  }
0xac: {  	[dreg:$0x1] =	wrdreg $0xFFFFFFFF  }
0xad: {  	[dreg:$0x0] =	wrdreg $0x60  }
0xae: {  	[dreg:$0x2] =	wrdreg s24  }
0xaf: {  	[dreg:$0x3] =	wrdreg $0x9  }
0xb0: {  	_ =	task.clear_ibuf [dreg:s6], $0x4FFFF;
	_ =	strace $0x90000046  }
0xb1: {  	s29 =	simm.s32 $0x9;
	_ =	strace $0x80000048  }
0xb2: {  	_ =	swait.ge [sflag:s29], $0x1  }
0xb3: {  	[sflag:s29] =	ssyncadd.s32 $0xFFFFFFFF  }
0xb4: {  	_ =	strace $0x90000048  }
0xb5: {  	_ =	sfence  }
0xb6: {  	s30 =	sld [smem:$0x0];
	_ =	sdelay $0x2  }
0xb7: {  	s31 =	sshll.u32 s1, $0xD;
	s1 =	sshrl.u32 s1, $0x2  }
0xb8: {  	s3 =	sand.u32 $0x4000, s31;
	s1 =	sadd.s32 s1, s30  }
0xb9: {  	s0 =	sor.u32 s3, s0;
	s1 =	sshll.u32 s1, $0x11  }
0xba: {  	s0 =	sor.u32 s1, s0  }
0xbb: {  	s0 =	sadd.s32 $0x8F2B, s0  }
0xbc: {  	[sflag:s0] =	ssyncadd.remote.s32 $0x1  }
0xbd: {  	_ =	sfence.sel $0xFFFF  }
0xbe: {  	[dreg:$0x0] =	wrdreg $0xFFFFFFFF;
	(pc) =	sbr.abs _section_cstart, $3  }
0xbf: {  	[dreg:$0x1] =	wrdreg $0xFFFFFFFF  }
0xc0: {  	_ =	task.clear_ibuf [dreg:s6], $0x2FFFF;
	_ =	strace $0x9FFFFFFF  }
0xc1: {  	(tm) =	ssettm $0x7FFFFFFF  }
tec
execute0_lowered:
.L_overlay_start_1:
0x0: {  	(tag) =	ssettag $0x1  }
0x1: {  	s0 =	srdreg.scid;
	s4 =	rddreg [dreg:$0x0];
	s2 =	simm.s32 $0x0  }
0x2: {  	s9 =	simm.s32 $0x1;
	s10 =	simm.s32 $0xA000;
	s3 =	sand.u32 $0x1, s0  }
0x3: {  	s11 =	simm.s32 $0x2800;
	s0 =	stileid.u32;
	s1 =	sshll.u32 s3, $0x4  }
0x4: {  	s12 =	simm.s32 $0x0;
	s3 =	ssub.s32 $0x2, s3;
	s5 =	sor.u32 s0, s1  }
0x5: {  	[smem:$0x7FF] =	sst s2;
	s7 =	sshrl.u32 s3, $0x1;
	s6 =	smul.u32 $0xA00, s5  }
0x6: {  	s1 =	rddreg [dreg:$0x1];
	s5 =	smul.u32 $0x500, s5;
	s7 =	ssub.s32 s3, s7  }
0x7: {  	_ =	strace $0x80000047;
	s7 =	smax.u32 s7, $0x1;
	s6 =	sadd.s32 s6, s4  }
0x8: {  	s8 =	sadd.s32 s5, s4;
	s3 =	sadd.s32 $0x16C00, s6;
	s4 =	sadd.s32 $0x2C00, s6  }
0x9: {  	v0 =	vimm.f32 $0.0e+00;
	v1 =	vimm.f32 $1.000000000e+00;
	s5 =	sadd.s32 $0x2AC00, s8;
	s6 =	sadd.s32 $0x34C00, s8;
	s8 =	simm.s32 $0x5000  }
.LBB2_1:
0xa: {  	s13 =	simm.s32 $0x0;
	s14 =	simm.s32 $0x200  }
.LBB2_2:
0xb: {  	p0 =	sne.s32 s14, $0x9E00;
	[tilespmem:s13+$0x2870] =	vst v0  }
0xc: {  	[tilespmem:s13+$0x0] =	vst v0  }
0xd: {  	[tilespmem:s13+$0x2800] =	vst v0  }
0xe: {  	[tilespmem:s13+$0x10] =	vst v0  }
0xf: {  	[tilespmem:s13+$0x2810] =	vst v0  }
0x10: {  	[tilespmem:s13+$0x20] =	vst v0  }
0x11: {  	[tilespmem:s13+$0x2820] =	vst v0  }
0x12: {  	[tilespmem:s13+$0x30] =	vst v0  }
0x13: {  	[tilespmem:s13+$0x2830] =	vst v0  }
0x14: {  	[tilespmem:s13+$0x40] =	vst v0  }
0x15: {  	[tilespmem:s13+$0x2840] =	vst v0  }
.Ltmp0:
0x16: {  	[tilespmem:s13+$0x50] =	vst v0;
	(pc) =	sbr.rel @p0 .LBB2_2-.Ltmp0, $4  }
0x17: {  	[tilespmem:s13+$0x2850] =	vst v0  }
0x18: {  	[tilespmem:s13+$0x60] =	vst v0  }
0x19: {  	[tilespmem:s13+$0x2860] =	vst v0  }
0x1a: {  	[tilespmem:s13+$0x70] =	vst v0;
	s13 =	sshra.s32 s14, $0x2;
	s14 =	sadd.s32 $0x200, s14  }
0x1b: {  	[tilespmem:s13+$0x2870] =	vst v0  }
0x1c: {  	[tilespmem:s13+$0x0] =	vst v0  }
0x1d: {  	[tilespmem:s13+$0x2800] =	vst v0  }
0x1e: {  	[tilespmem:s13+$0x10] =	vst v0  }
0x1f: {  	[tilespmem:s13+$0x2810] =	vst v0  }
0x20: {  	[tilespmem:s13+$0x20] =	vst v0  }
0x21: {  	[tilespmem:s13+$0x2820] =	vst v0  }
0x22: {  	[tilespmem:s13+$0x30] =	vst v0  }
0x23: {  	[tilespmem:s13+$0x2830] =	vst v0  }
0x24: {  	[tilespmem:s13+$0x40] =	vst v0  }
0x25: {  	[tilespmem:s13+$0x2840] =	vst v0  }
0x26: {  	[tilespmem:s13+$0x50] =	vst v0  }
0x27: {  	[tilespmem:s13+$0x2850] =	vst v0  }
0x28: {  	[tilespmem:s13+$0x60] =	vst v0  }
0x29: {  	[tilespmem:s13+$0x2860] =	vst v0  }
0x2a: {  	[tilespmem:s13+$0x70] =	vst v0;
	s13 =	simm.s32 $0x0  }
0x2b: {  	[tilespmem:s8], [sflag:$0x1] =	stream.linear.gather [hbm4b:s3+s13], $0x5000, $0x38;
	[tilespmem:$0xF000] =	vst v63  }
0x2c: {  	_ =	swait.ge [sflag:s9], $0x5000  }
0x2d: {  	[sflag:s9] =	ssyncset.done $0x0  }
0x2e: {  	[sflag:s9] =	ssyncadd.s32 $0xFFFFB000  }
0x2f: {  	[tilespmem:s10], [sflag:$0x1] =	stream.linear.gather [hbm4b:s4+s13], $0x5000, $0x38;
	[tilespmem:$0xF000] =	vst v63  }
0x30: {  	_ =	swait.ge [sflag:s9], $0x5000  }
0x31: {  	[sflag:s9] =	ssyncset.done $0x0  }
0x32: {  	[sflag:s9] =	ssyncadd.s32 $0xFFFFB000  }
.LBB2_4:
0x33: {  	s14 =	sshra.s32 s13, $0x2  }
0x34: {  	v2 =	vld [tilespmem:s14+$0x5000];
	_ =	sdelay $0x7  }
0x35: {  	[tilespmem:v2+s2+$0x0] =	vst.idx.add.f32.msk $0xffff, v1  }
0x36: {  	v2 =	vld [tilespmem:s14+$0xA000];
	_ =	sdelay $0x7  }
0x37: {  	[tilespmem:v2+s11+$0x0] =	vst.idx.add.f32.msk $0xffff, v1  }
0x38: {  	v2 =	vld [tilespmem:s14+$0x5010];
	_ =	sdelay $0x7  }
0x39: {  	[tilespmem:v2+s2+$0x0] =	vst.idx.add.f32.msk $0xffff, v1  }
0x3a: {  	v2 =	vld [tilespmem:s14+$0xA010];
	_ =	sdelay $0x7  }
0x3b: {  	[tilespmem:v2+s11+$0x0] =	vst.idx.add.f32.msk $0xffff, v1  }
0x3c: {  	v2 =	vld [tilespmem:s14+$0x5020];
	_ =	sdelay $0x7  }
0x3d: {  	[tilespmem:v2+s2+$0x0] =	vst.idx.add.f32.msk $0xffff, v1  }
0x3e: {  	v2 =	vld [tilespmem:s14+$0xA020];
	_ =	sdelay $0x7  }
0x3f: {  	[tilespmem:v2+s11+$0x0] =	vst.idx.add.f32.msk $0xffff, v1  }
0x40: {  	v2 =	vld [tilespmem:s14+$0x5030];
	_ =	sdelay $0x7  }
0x41: {  	[tilespmem:v2+s2+$0x0] =	vst.idx.add.f32.msk $0xffff, v1  }
0x42: {  	v2 =	vld [tilespmem:s14+$0xA030];
	_ =	sdelay $0x2  }
0x43: {  	p0 =	sne.s32 s13, $0x13E00  }
.Ltmp1:
0x44: {  	_ = 	snop;
	(pc) =	sbr.rel @p0 .LBB2_4-.Ltmp1, $2  }
0x45: {  	_ =	sdelay $0x2  }
0x46: {  	s13 =	sadd.s32 $0x200, s13;
	[tilespmem:v2+s11+$0x0] =	vst.idx.add.f32.msk $0xffff, v1  }
0x47: {  	[hbm4b:s5+s2] =	stream.linear.scatter [tilespmem:s2], [sflag:$0x1], $0x2800, $0x38;
	[tilespmem:$0xF000] =	vst v63  }
0x48: {  	s12 =	sadd.s32 $0x1, s12;
	_ =	swait.ge [sflag:s9], $0x2800  }
0x49: {  	p0 =	sne.s32 s12, s7;
	[sflag:s9] =	ssyncset.done $0x0  }
.Ltmp2:
0x4a: {  	[sflag:s9] =	ssyncadd.s32 $0xFFFFD800;
	(pc) =	sbr.rel @p0 .LBB2_1-.Ltmp2, $4  }
0x4b: {  	[hbm4b:s6+s2] =	stream.linear.scatter [tilespmem:s11], [sflag:$0x1], $0x2800, $0x38;
	[tilespmem:$0xF000] =	vst v63  }
0x4c: {  	_ =	swait.ge [sflag:s9], $0x2800  }
0x4d: {  	[sflag:s9] =	ssyncset.done $0x0  }
0x4e: {  	[sflag:s9] =	ssyncadd.s32 $0xFFFFD800  }
0x4f: {  	_ =	sfence.sel $0x180000  }
0x50: {  	[bflag:$0x0] =	sbarrier.arrive $0xFFFF  }
0x51: {  	p0 =	sne.s32 s0, $0x0;
	_ =	strace $0x90000047  }
0x52: {  	s0 =	sadd.s32 @!p0 $0x100000, s1;
	[bflag:$0x2] =	sbarrier.arrive $0xFFFF  }
0x53: {  	[sflag:s0] =	ssyncadd.tile.s32 @!p0 $0x1;
	_ =	shalt  }
.Lfunc_end2:
_tile_overlayer_lowered:
.L_overlay_start_2:
0x54: {  	(tag) =	ssettag $0x2  }
0x55: {  	s0 =	rddreg [dreg:$0x0];
	s2 =	stileid.u32  }
0x56: {  	s1 =	rddreg [dreg:$0x1];
	p0 =	sne.s32 s2, $0x0  }
0x57: {  	s3 =	rddreg [dreg:$0x2];
	[bflag:$0x3] =	sbarrier.arrive $0xFFFF;
	s2 =	simm.s32 @!p0 $0x1C01  }
0x58: {  	[timem:s3], [sflag:s2] =	dma.local @!p0 [hbm:s0], s1  }
0x59: {  	s0 =	simm.s32 @!p0 $0x1  }
0x5a: {  	_ =	swait.ge @!p0 [sflag:s0], s1  }
0x5b: {  	s1 =	ssub.s32 @!p0 $0x0, s1;
	[sflag:s0] =	ssyncset.done @!p0 $0x0  }
0x5c: {  	[sflag:s0] =	ssyncadd.s32 @!p0 s1  }
0x5d: {  	[bflag:$0x3] =	sbarrier.arrive $0xFFFF  }
0x5e: {  	_ =	shalt  }

// kernel: kernel.14.cloned.1.call-start
scs
__scs_entry_jumppad:
0x0: {  	(pc) =	sbr.rel $0x88, $3  }
0x1: {  	(tag) =	ssettag $0x0;
	lr =	simm.s32 $0x1  }
0x2: {  	[smem:$0x3F99] =	sst lr;
	_ =	strace $0xD0000000  }
0x3: {  	_ = 	snop  }
0x4: {  	_ = 	snop  }
0x5: {  	_ = 	snop  }
0x6: {  	_ = 	snop  }
0x7: {  	_ = 	snop  }
__scs_overlays_trampoline_lowered:
0x8: {  	[smem:$0x3FA8] =	sst s0  }
0x9: {  	[smem:$0x3FA9] =	sst s1  }
0xa: {  	[smem:$0x3FAA] =	sst s2  }
0xb: {  	[smem:$0x3FAB] =	sst s3  }
0xc: {  	[smem:$0x3FAC] =	sst s4  }
0xd: {  	[smem:$0x3FAD] =	sst s5  }
0xe: {  	[smem:$0x3FAE] =	sst s6  }
0xf: {  	[smem:$0x3FAF] =	sst s7  }
0x10: {  	[smem:$0x3FB0] =	sst s8  }
0x11: {  	[smem:$0x3FB1] =	sst s9;
	s0 =	simm.s32 @!p0 $0x0  }
0x12: {  	s1 =	sld [smem:$0x3F97];
	s0 =	simm.s32 @p0 $0x1  }
0x13: {  	[smem:$0x3FB2] =	sst s0;
	s0 =	simm.s32 @!p1 $0x0  }
0x14: {  	s2 =	sld [smem:$0x3F96];
	s0 =	simm.s32 @p1 $0x1  }
0x15: {  	[smem:$0x3FB3] =	sst s0;
	s0 =	simm.s32 @!p2 $0x0  }
0x16: {  	s3 =	sld [smem:$0x3FDB];
	s0 =	simm.s32 @p2 $0x1  }
0x17: {  	s4 =	simm.s32 $0x1BF5;
	[smem:$0x3FB5] =	sst s0  }
0x18: {  	s0 =	sld [smem:$0x3F98];
	_ =	swait.ge [sflag:s4], $0x0  }
0x19: {  	s7 =	sld [smem:$0x3F99]  }
0x1a: {  	s8 =	sadd.s32 $0xFFFFE003, lr  }
0x1b: {  	s9 =	sadd.s32 $0xFFFFFEF7, lr;
	s5 =	simm.s32 $0xFFFFFFFF;
	p2 =	slt.u32 s8, $0xFFFFF086  }
0x1c: {  	p1 =	slt.u32 s9, $0xF7A;
	s5 =	simm.s32 @!p2 $0x0  }
0x1d: {  	s5 =	simm.s32 @p1 $0x1;
	p0 =	seq.s32 s7, s2  }
0x1e: {  	s7 =	smul.u32 @!p0 $0xF7A, s2;
	p2 =	seq.s32 @!p0 s5, $0x0  }
0x1f: {  	s9 =	smul.u32 $0xF7A, s1;
	s8 =	simm.s32 @!p0 $0x1BF5;
	p2 =	por !p2, p0  }
0x20: {  	[sflag:s8] =	ssyncset.s32 @!p0 $0xFFFFF086;
	s6 =	sadd.s32 @!p0 s3, s7;
	s7 =	simm.s32 @!p0 $0x108  }
0x21: {  	s3 =	sadd.s32 s3, s9;
	s6 =	sadd.s32 @!p0 $0x88, s6;
	s7 =	simm.s32 @p2 $0x1082  }
0x22: {  	[simem:s7], [sflag:s8] =	dma.local @!p0 [hbm:s6], $0xF7A  }
0x23: {  	s9 =	sor.u32 $0xD0000000, s2;
	s6 =	simm.s32 $0x108;
	_ =	swait.ge @!p0 [sflag:s8], $0x0  }
0x24: {  	s3 =	sadd.s32 $0x88, s3;
	s6 =	simm.s32 @!p1 $0x1082;
	[sflag:s4] =	ssyncset.s32 $0xFFFFF086  }
0x25: {  	[simem:s6], [sflag:s4] =	dma.local [hbm:s3], $0xF7A  }
0x26: {  	[smem:$0x3F99] =	sst s1;
	(tag) =	ssettag s2;
	_ =	strace s9  }
0x27: {  	s1 =	sld [smem:$0x3FA9]  }
0x28: {  	s2 =	sld [smem:$0x3FAA]  }
0x29: {  	s4 =	sld [smem:$0x3FAC]  }
0x2a: {  	p0 =	seq.s32 s5, $0x0;
	s5 =	sld [smem:$0x3FAD]  }
0x2b: {  	s6 =	sld [smem:$0x3FAE]  }
0x2c: {  	s7 =	sld [smem:$0x3FAF]  }
0x2d: {  	s3 =	simm.s32 $0x108;
	s8 =	sld [smem:$0x3FB0]  }
0x2e: {  	s3 =	simm.s32 @!p0 $0x1082;
	s9 =	sld [smem:$0x3FB1]  }
0x2f: {  	lr =	sadd.s32 s0, s3;
	s0 =	sld [smem:$0x3FA8]  }
0x30: {  	s3 =	sld [smem:$0x3FAB]  }
0x31: {  	[smem:$0x3FB4] =	sst s10  }
0x32: {  	s10 =	sld [smem:$0x3FB2];
	_ =	sdelay $0x3  }
0x33: {  	p0 =	seq.s32 s10, $0x1;
	s10 =	sld [smem:$0x3FB4];
	_ =	sdelay $0x3  }
0x34: {  	[smem:$0x3FB4] =	sst s10  }
0x35: {  	s10 =	sld [smem:$0x3FB3];
	_ =	sdelay $0x3  }
0x36: {  	p1 =	seq.s32 s10, $0x1;
	s10 =	sld [smem:$0x3FB4];
	_ =	sdelay $0x3  }
0x37: {  	[smem:$0x3FB4] =	sst s10  }
0x38: {  	s10 =	sld [smem:$0x3FB5]  }
0x39: {  	_ = 	snop;
	(pc) =	sbr.ind lr, $3  }
0x3a: {  	_ = 	snop  }
0x3b: {  	_ = 	snop  }
0x3c: {  	p2 =	seq.s32 s10, $0x1;
	s10 =	sld [smem:$0x3FB4]  }
0x3d: {  	_ =	shalt  }
0x3e: {  	_ =	shalt  }
0x3f: {  	_ =	shalt  }
0x40: {  	_ =	shalt  }
0x41: {  	_ =	shalt  }
0x42: {  	_ =	shalt  }
0x43: {  	_ =	shalt  }
0x44: {  	_ =	shalt  }
0x45: {  	_ =	shalt  }
0x46: {  	_ =	shalt  }
0x47: {  	_ =	shalt  }
0x48: {  	_ =	shalt  }
0x49: {  	_ =	shalt  }
0x4a: {  	_ =	shalt  }
0x4b: {  	_ =	shalt  }
0x4c: {  	_ =	shalt  }
0x4d: {  	_ =	shalt  }
0x4e: {  	_ =	shalt  }
0x4f: {  	_ =	shalt  }
0x50: {  	_ =	shalt  }
0x51: {  	_ =	shalt  }
0x52: {  	_ =	shalt  }
0x53: {  	_ =	shalt  }
0x54: {  	_ =	shalt  }
0x55: {  	_ =	shalt  }
0x56: {  	_ =	shalt  }
0x57: {  	_ =	shalt  }
0x58: {  	_ =	shalt  }
0x59: {  	_ =	shalt  }
0x5a: {  	_ =	shalt  }
0x5b: {  	_ =	shalt  }
0x5c: {  	_ =	shalt  }
0x5d: {  	_ =	shalt  }
0x5e: {  	_ =	shalt  }
0x5f: {  	_ =	shalt  }
0x60: {  	_ =	shalt  }
0x61: {  	_ =	shalt  }
0x62: {  	_ =	shalt  }
0x63: {  	_ =	shalt  }
0x64: {  	_ =	shalt  }
0x65: {  	_ =	shalt  }
0x66: {  	_ =	shalt  }
0x67: {  	_ =	shalt  }
0x68: {  	_ =	shalt  }
0x69: {  	_ =	shalt  }
0x6a: {  	_ =	shalt  }
0x6b: {  	_ =	shalt  }
0x6c: {  	_ =	shalt  }
0x6d: {  	_ =	shalt  }
0x6e: {  	_ =	shalt  }
0x6f: {  	_ =	shalt  }
0x70: {  	_ =	shalt  }
0x71: {  	_ =	shalt  }
0x72: {  	_ =	shalt  }
0x73: {  	_ =	shalt  }
0x74: {  	_ =	shalt  }
0x75: {  	_ =	shalt  }
0x76: {  	_ =	shalt  }
0x77: {  	_ =	shalt  }
0x78: {  	_ =	shalt  }
0x79: {  	_ =	shalt  }
0x7a: {  	_ =	shalt  }
0x7b: {  	_ =	shalt  }
0x7c: {  	_ =	shalt  }
0x7d: {  	_ =	shalt  }
0x7e: {  	_ =	shalt  }
0x7f: {  	_ =	shalt  }
0x80: {  	_ =	shalt  }
0x81: {  	_ =	shalt  }
0x82: {  	_ =	shalt  }
0x83: {  	_ =	shalt  }
0x84: {  	_ =	shalt  }
0x85: {  	_ =	shalt  }
0x86: {  	_ =	shalt  }
0x87: {  	_ =	shalt  }
.Lfunc_end0:
.L_simem_size_0:
called_computation.1_lowered:
.L_overlay_start_0:
0x88: {  	s2 =	sld [smem:$0x3FD9]  }
0x89: {  	s3 =	sld [smem:$0x3FFE];
	_ =	sdelay $0x1  }
0x8a: {  	s1 =	srdreg.scid  }
0x8b: {  	s0 =	sand.u32 $0x1, s1  }
0x8c: {  	s16 =	sshll.u32 s0, $0xA;
	s2 =	sadd.s32 s3, s2  }
0x8d: {  	s2 =	sadd.s32 s2, s16  }
0x8e: {  	[smem:$0x3FC0] =	sst s2  }
0x8f: {  	_ = 	snop  }
0x90: {  	(tm) =	ssettm $0x1  }
0x91: {  	s17 =	sld [smem:$0x3FFB];
	_ =	sdelay $0x3  }
0x92: {  	_ =	strace s17  }
0x93: {  	s2 =	sld [smem:$0x3FFC];
	_ =	sdelay $0x3  }
0x94: {  	_ =	strace s2  }
0x95: {  	s2 =	sld [smem:$0x3FFD];
	_ =	sdelay $0x3  }
0x96: {  	_ =	strace s2  }
0x97: {  	_ =	strace $0x8FFFFFFF  }
0x98: {  	s18 =	sld [smem:$0x3FDB];
	_ =	sdelay $0x1  }
0x99: {  	s19 =	simm.s32 $_scs_section_size  }
0x9a: {  	s4 =	simm.s32 $_size__tile_overlayer_lowered;
	s5 =	simm.s32 $_tile_overlayer_lowered  }
0x9b: {  	s22 =	simm.s32 $0x1BFF;
	s21 =	sshll.u32 s5, $0x1;
	s2 =	sadd.s32 s19, s18  }
0x9c: {  	s6 =	simm.s32 $0x0;
	s20 =	sshll.u32 s4, $0x1;
	s4 =	sadd.s32 s21, s2  }
0x9d: {  	[timem:s6], [sflag:s22] =	dma.local [hbm:s4], s20  }
0x9e: {  	_ =	swait.ge [sflag:s22], s20  }
0x9f: {  	s3 =	ssub.s32 $0x0, s20;
	[sflag:s22] =	ssyncset.done $0x0  }
0xa0: {  	[sflag:s22] =	ssyncadd.s32 s3;
	_ =	sdelay $0x1  }
0xa1: {  	s23 =	simm.s32 $0x1B8B  }
0xa2: {  	_ =	swait.ge [sflag:s23], $0x1  }
0xa3: {  	[sflag:s23] =	ssyncset.done $0x0  }
0xa4: {  	s25 =	simm.s32 $0x1B8E;
	s24 =	sld [smem:$0x3FFE];
	[sflag:s23] =	ssyncadd.s32 $0xFFFFFFFF  }
0xa5: {  	s26 =	simm.s32 $execute0_lowered;
	[smem:$0x3FD2] =	sst s25  }
0xa6: {  	s4 =	sshll.u32 s26, $0x1;
	_ =	strace $0x80000049;
	[dreg:$0x1] =	wrdreg $0xFFFFFFFF  }
0xa7: {  	s28 =	simm.s32 $_size_execute0_lowered;
	s2 =	sadd.s32 s2, s4;
	[dreg:$0x0] =	wrdreg $0x0  }
0xa8: {  	s4 =	sshll.u32 s28, $0x1;
	[dreg:$0x2] =	wrdreg s2  }
0xa9: {  	[dreg:$0x3] =	wrdreg s4  }
0xaa: {  	[dreg:$0x4] =	wrdreg $0xC0  }
0xab: {  	_ =	task [dreg:s6], $0x5FFFF  }
0xac: {  	[dreg:$0x1] =	wrdreg $0xFFFFFFFF  }
0xad: {  	[dreg:$0x0] =	wrdreg $0x60  }
0xae: {  	[dreg:$0x2] =	wrdreg s24  }
0xaf: {  	[dreg:$0x3] =	wrdreg $0x0  }
0xb0: {  	[dreg:$0x4] =	wrdreg $0x9  }
0xb1: {  	_ =	task.clear_ibuf [dreg:s6], $0x5FFFF;
	_ =	strace $0x90000049  }
0xb2: {  	s29 =	simm.s32 $0x9;
	_ =	strace $0x8000004B  }
0xb3: {  	_ =	swait.ge [sflag:s29], $0x1  }
0xb4: {  	[sflag:s29] =	ssyncadd.s32 $0xFFFFFFFF  }
0xb5: {  	_ =	strace $0x9000004B  }
0xb6: {  	_ =	sfence  }
0xb7: {  	s30 =	sld [smem:$0x0];
	_ =	sdelay $0x2  }
0xb8: {  	s31 =	sshll.u32 s1, $0xD;
	s1 =	sshrl.u32 s1, $0x2  }
0xb9: {  	s3 =	sand.u32 $0x4000, s31;
	s1 =	sadd.s32 s1, s30  }
0xba: {  	s0 =	sor.u32 s3, s0;
	s1 =	sshll.u32 s1, $0x11  }
0xbb: {  	s0 =	sor.u32 s1, s0  }
0xbc: {  	s0 =	sadd.s32 $0x8F2B, s0  }
0xbd: {  	[sflag:s0] =	ssyncadd.remote.s32 $0x1  }
0xbe: {  	_ =	sfence.sel $0xFFFF  }
0xbf: {  	[dreg:$0x0] =	wrdreg $0xFFFFFFFF;
	(pc) =	sbr.abs _section_cstart, $3  }
0xc0: {  	[dreg:$0x1] =	wrdreg $0xFFFFFFFF  }
0xc1: {  	_ =	task.clear_ibuf [dreg:s6], $0x2FFFF;
	_ =	strace $0x9FFFFFFF  }
0xc2: {  	(tm) =	ssettm $0x7FFFFFFF  }
0xc3: {  	_ =	shalt  }
tec
execute0_lowered:
.L_overlay_start_1:
0x0: {  	(tag) =	ssettag $0x1  }
0x1: {  	s0 =	rddreg [dreg:$0x0];
	s2 =	srdreg.scid  }
0x2: {  	s1 =	rddreg [dreg:$0x1];
	s15 =	stileid.u32;
	s3 =	sand.u32 $0x1, s2  }
0x3: {  	s2 =	simm.s32 $0x0;
	s6 =	smul.u32 $0x14000, s15;
	s7 =	sadd.s32 $0x7AC00, s0  }
0x4: {  	s4 =	smul.u32 $0x140000, s3;
	s5 =	ssub.s32 $0x2, s3;
	[smem:$0x7FF] =	sst s2  }
0x5: {  	s8 =	sshrl.u32 s5, $0x1;
	s9 =	sor.u32 $0x2000, s6;
	s10 =	sadd.s32 $0x4000, s6  }
0x6: {  	s12 =	sadd.s32 $0x6000, s6;
	s13 =	sadd.s32 $0xA000, s6;
	s5 =	ssub.s32 s5, s8  }
0x7: {  	s14 =	sadd.s32 s4, s6;
	s16 =	sadd.s32 s4, s9;
	s11 =	sadd.s32 s4, s10  }
0x8: {  	s18 =	sadd.s32 s4, s12;
	s8 =	sshrl.u32 s14, $0x3;
	s11 =	sshrl.u32 s11, $0x3  }
0x9: {  	s14 =	sadd.s32 s4, s13;
	s8 =	sadd.s32 s7, s8;
	s17 =	sadd.s32 s7, s11  }
0xa: {  	s11 =	sadd.s32 $0x8000, s6;
	[dreg:$0x3] =	wrdreg s8;
	s8 =	sshrl.u32 s16, $0x3  }
0xb: {  	s14 =	sshrl.u32 s14, $0x3;
	[dreg:$0x5] =	wrdreg s17;
	s8 =	sadd.s32 s7, s8  }
0xc: {  	s20 =	sadd.s32 s7, s14;
	[dreg:$0x4] =	wrdreg s8;
	s8 =	sshrl.u32 s18, $0x3  }
0xd: {  	s19 =	sadd.s32 s4, s11;
	[dreg:$0x8] =	wrdreg s20;
	s8 =	sadd.s32 s7, s8  }
0xe: {  	[dreg:$0x6] =	wrdreg s8;
	s8 =	sshrl.u32 s19, $0x3;
	s19 =	sadd.s32 $0xC000, s6  }
0xf: {  	s20 =	sadd.s32 $0xE000, s6;
	s8 =	sadd.s32 s7, s8;
	s21 =	sadd.s32 s4, s19  }
0x10: {  	s22 =	sadd.s32 s4, s20;
	[dreg:$0x7] =	wrdreg s8;
	s8 =	sshrl.u32 s21, $0x3  }
0x11: {  	s21 =	sadd.s32 $0x10000, s6;
	s6 =	sadd.s32 $0x12000, s6;
	s8 =	sadd.s32 s7, s8  }
0x12: {  	s23 =	sadd.s32 s4, s21;
	[dreg:$0x9] =	wrdreg s8;
	s8 =	sshrl.u32 s22, $0x3  }
0x13: {  	s4 =	sadd.s32 s4, s6;
	s14 =	sshrl.u32 s23, $0x3;
	s8 =	sadd.s32 s7, s8  }
0x14: {  	s4 =	sshrl.u32 s4, $0x3;
	s24 =	sadd.s32 s7, s14;
	[dreg:$0xa] =	wrdreg s8  }
0x15: {  	s4 =	sadd.s32 s7, s4;
	[dreg:$0xb] =	wrdreg s24  }
0x16: {  	s5 =	smax.u32 s5, $0x1;
	[dreg:$0xc] =	wrdreg s4  }
0x17: {  	s7 =	sadd.s32 s9, s1;
	_ =	strace $0x8000004A;
	[dreg:$0xd] =	wrdreg s5  }
0x18: {  	s8 =	sadd.s32 s10, s1;
	[dreg:$0xe] =	wrdreg s7  }
0x19: {  	s9 =	sadd.s32 s12, s1;
	[dreg:$0xf] =	wrdreg s8  }
0x1a: {  	s28 =	simm.s32 $0x15380;
	s10 =	sadd.s32 s11, s1;
	[dreg:$0x10] =	wrdreg s9  }
0x1b: {  	s29 =	simm.s32 $0x16700;
	s11 =	sadd.s32 s13, s1;
	[dreg:$0x11] =	wrdreg s10  }
0x1c: {  	s25 =	smul.u32 $0x50000, s15;
	s12 =	sadd.s32 s19, s1;
	[dreg:$0x12] =	wrdreg s11  }
0x1d: {  	s30 =	simm.s32 $0x16780;
	s13 =	sadd.s32 s20, s1;
	[dreg:$0x13] =	wrdreg s12  }
0x1e: {  	s26 =	sshrl.u32 s25, $0x2;
	s19 =	sadd.s32 s21, s1;
	[dreg:$0x14] =	wrdreg s13  }
0x1f: {  	s17 =	sadd.s32 s26, s1;
	s20 =	sadd.s32 s6, s1;
	[dreg:$0x15] =	wrdreg s19  }
0x20: {  	s31 =	simm.s32 $0x0;
	s21 =	sadd.s32 $0x2000, s17;
	[dreg:$0x16] =	wrdreg s20  }
0x21: {  	s3 =	sshll.u32 s3, $0x4;
	s22 =	sadd.s32 $0x4000, s17;
	[dreg:$0x17] =	wrdreg s21  }
0x22: {  	s3 =	sor.u32 s15, s3;
	s23 =	sadd.s32 $0x6000, s17;
	[dreg:$0x18] =	wrdreg s22  }
0x23: {  	s15 =	sadd.s32 $0x16C00, s0;
	s24 =	sadd.s32 $0x8000, s17;
	[dreg:$0x19] =	wrdreg s23  }
0x24: {  	s16 =	sadd.s32 $0x52C00, s0;
	s25 =	sadd.s32 $0xA000, s17;
	[dreg:$0x1a] =	wrdreg s24  }
0x25: {  	s26 =	sadd.s32 $0xC000, s17;
	s18 =	smul.u32 $0xA0, s3;
	[dreg:$0x1b] =	wrdreg s25  }
0x26: {  	s14 =	sadd.s32 $0x2C00, s0;
	s6 =	sadd.s32 $0x10000, s17;
	[dreg:$0x1c] =	wrdreg s26  }
0x27: {  	s5 =	sadd.s32 $0xE000, s17;
	s7 =	sadd.s32 $0x12000, s17;
	s8 =	simm.s32 $0x16800  }
0x28: {  	s9 =	simm.s32 $0x5;
	s11 =	simm.s32 $0x14000;
	s12 =	simm.s32 $0x15400  }
0x29: {  	s13 =	simm.s32 $0x40;
	s19 =	simm.s32 $0x14080;
	s20 =	simm.s32 $0x18800  }
0x2a: {  	s21 =	simm.s32 $0x1;
	s22 =	simm.s32 $0x3;
	s23 =	simm.s32 $0x14100  }
0x2b: {  	v0 =	vimm.f32 $0.0e+00;
	s24 =	simm.s32 $0x2;
	s25 =	simm.s32 $0x15480;
	s26 =	simm.s32 $0x4  }
.LBB2_1:
0x2c: {  	s0 =	simm.s32 $0x0;
	s10 =	simm.s32 $0x200  }
.LBB2_2:
0x2d: {  	p0 =	sne.s32 s10, $0x7E00;
	[tilespmem:s0+$0x16870] =	vst v0  }
0x2e: {  	[tilespmem:s0+$0x16800] =	vst v0  }
0x2f: {  	[tilespmem:s0+$0x16810] =	vst v0  }
.Ltmp0:
0x30: {  	[tilespmem:s0+$0x16820] =	vst v0;
	(pc) =	sbr.rel @p0 .LBB2_2-.Ltmp0, $4  }
0x31: {  	[tilespmem:s0+$0x16830] =	vst v0  }
0x32: {  	[tilespmem:s0+$0x16840] =	vst v0  }
0x33: {  	[tilespmem:s0+$0x16850] =	vst v0  }
0x34: {  	[tilespmem:s0+$0x16860] =	vst v0;
	s0 =	sshra.s32 s10, $0x2;
	s10 =	sadd.s32 $0x200, s10  }
0x35: {  	[tilespmem:s0+$0x16870] =	vst v0  }
0x36: {  	[tilespmem:s0+$0x16800] =	vst v0  }
0x37: {  	[tilespmem:s0+$0x16810] =	vst v0  }
0x38: {  	[tilespmem:s0+$0x16820] =	vst v0  }
0x39: {  	[tilespmem:s0+$0x16830] =	vst v0  }
0x3a: {  	[tilespmem:s0+$0x16840] =	vst v0  }
0x3b: {  	[tilespmem:s0+$0x16850] =	vst v0  }
0x3c: {  	[tilespmem:s0+$0x16860] =	vst v0  }
0x3d: {  	[spmem:s17] =	stream.linear.scatter [tilespmem:s8], [sflag:$0x5], $0x2000, $0x38;
	[tilespmem:$0x1A800] =	vst v63  }
0x3e: {  	_ =	swait.ge [sflag:s9], $0x2000  }
0x3f: {  	[sflag:s9] =	ssyncset.done $0x0  }
0x40: {  	s3 =	rddreg [dreg:$0x17];
	[sflag:s9] =	ssyncadd.s32 $0xFFFFE000  }
0x41: {  	[spmem:s3] =	stream.linear.scatter [tilespmem:s8], [sflag:$0x5], $0x2000, $0x38;
	[tilespmem:$0x1A800] =	vst v63  }
0x42: {  	_ =	swait.ge [sflag:s9], $0x2000  }
0x43: {  	[sflag:s9] =	ssyncset.done $0x0  }
0x44: {  	s4 =	rddreg [dreg:$0x18];
	[sflag:s9] =	ssyncadd.s32 $0xFFFFE000  }
0x45: {  	[spmem:s4] =	stream.linear.scatter [tilespmem:s8], [sflag:$0x5], $0x2000, $0x38;
	[tilespmem:$0x1A800] =	vst v63  }
0x46: {  	_ =	swait.ge [sflag:s9], $0x2000  }
0x47: {  	[sflag:s9] =	ssyncset.done $0x0  }
0x48: {  	s10 =	rddreg [dreg:$0x19];
	[sflag:s9] =	ssyncadd.s32 $0xFFFFE000  }
0x49: {  	[spmem:s10] =	stream.linear.scatter [tilespmem:s8], [sflag:$0x5], $0x2000, $0x38;
	[tilespmem:$0x1A800] =	vst v63  }
0x4a: {  	_ =	swait.ge [sflag:s9], $0x2000  }
0x4b: {  	[sflag:s9] =	ssyncset.done $0x0  }
0x4c: {  	s3 =	rddreg [dreg:$0x1a];
	[sflag:s9] =	ssyncadd.s32 $0xFFFFE000  }
0x4d: {  	[spmem:s3] =	stream.linear.scatter [tilespmem:s8], [sflag:$0x5], $0x2000, $0x38;
	[tilespmem:$0x1A800] =	vst v63  }
0x4e: {  	_ =	swait.ge [sflag:s9], $0x2000  }
0x4f: {  	[sflag:s9] =	ssyncset.done $0x0  }
0x50: {  	s4 =	rddreg [dreg:$0x1b];
	[sflag:s9] =	ssyncadd.s32 $0xFFFFE000  }
0x51: {  	[spmem:s4] =	stream.linear.scatter [tilespmem:s8], [sflag:$0x5], $0x2000, $0x38;
	[tilespmem:$0x1A800] =	vst v63  }
0x52: {  	_ =	swait.ge [sflag:s9], $0x2000  }
0x53: {  	[sflag:s9] =	ssyncset.done $0x0  }
0x54: {  	s10 =	rddreg [dreg:$0x1c];
	[sflag:s9] =	ssyncadd.s32 $0xFFFFE000  }
0x55: {  	[spmem:s10] =	stream.linear.scatter [tilespmem:s8], [sflag:$0x5], $0x2000, $0x38;
	[tilespmem:$0x1A800] =	vst v63  }
0x56: {  	_ =	swait.ge [sflag:s9], $0x2000  }
0x57: {  	[sflag:s9] =	ssyncset.done $0x0  }
0x58: {  	[sflag:s9] =	ssyncadd.s32 $0xFFFFE000  }
0x59: {  	[spmem:s5] =	stream.linear.scatter [tilespmem:s8], [sflag:$0x5], $0x2000, $0x38;
	[tilespmem:$0x1A800] =	vst v63  }
0x5a: {  	_ =	swait.ge [sflag:s9], $0x2000  }
0x5b: {  	[sflag:s9] =	ssyncset.done $0x0  }
0x5c: {  	[sflag:s9] =	ssyncadd.s32 $0xFFFFE000  }
0x5d: {  	[spmem:s6] =	stream.linear.scatter [tilespmem:s8], [sflag:$0x5], $0x2000, $0x38;
	[tilespmem:$0x1A800] =	vst v63  }
0x5e: {  	_ =	swait.ge [sflag:s9], $0x2000  }
0x5f: {  	[sflag:s9] =	ssyncset.done $0x0  }
0x60: {  	[sflag:s9] =	ssyncadd.s32 $0xFFFFE000  }
0x61: {  	[spmem:s7] =	stream.linear.scatter [tilespmem:s8], [sflag:$0x5], $0x2000, $0x38;
	[tilespmem:$0x1A800] =	vst v63  }
0x62: {  	_ =	swait.ge [sflag:s9], $0x2000  }
0x63: {  	[sflag:s9] =	ssyncset.done $0x0  }
0x64: {  	[sflag:s9] =	ssyncadd.s32 $0xFFFFE000  }
0x65: {  	s10 =	simm.s32 $0x0;
	[bflag:$0x0] =	sbarrier.arrive $0xFFFF  }
.LBB2_4:
0x66: {  	s0 =	smul.u32 $0x28, s10;
	_ =	sdelay $0x1  }
0x67: {  	s0 =	sadd.s32 s18, s0  }
0x68: {  	s0 =	sshll.u32 s0, $0x4  }
0x69: {  	s3 =	sadd.s32 s14, s0  }
0x6a: {  	[tilespmem:s11], [sflag:$0x5] =	stream.linear.gather [hbm4b:s3+s2], $0x1400, $0x38;
	[tilespmem:$0x1A800] =	vst v63  }
0x6b: {  	_ =	swait.ge [sflag:s9], $0x1400  }
0x6c: {  	[sflag:s9] =	ssyncset.done $0x0  }
0x6d: {  	s0 =	sadd.s32 s15, s0;
	[sflag:s9] =	ssyncadd.s32 $0xFFFFEC00  }
0x6e: {  	[tilespmem:s12], [sflag:$0x5] =	stream.linear.gather [hbm4b:s0+s2], $0x1400, $0x38;
	[tilespmem:$0x1A800] =	vst v63  }
0x6f: {  	_ =	swait.ge [sflag:s9], $0x1400  }
0x70: {  	[sflag:s9] =	ssyncset.done $0x0  }
0x71: {  	[sflag:s9] =	ssyncadd.s32 $0xFFFFEC00  }
0x72: {  	[tilespmem:s8], [sflag:$0x1] =	stream.indirect.gather [hbm4b:s16+s13], $0x80, s11, s13, $0xb8;
	[tilespmem:$0x1A800] =	vst v63  }
0x73: {  	_ = 	snop  }
0x74: {  	[tilespmem:s20], [sflag:$0x2] =	stream.indirect.gather [hbm4b:s16+s13], $0x80, s19, s13, $0xb8;
	[tilespmem:$0x1A800] =	vst v63  }
0x75: {  	_ =	swait.ge [sflag:s21], $0x2000  }
0x76: {  	[sflag:s21] =	ssyncset.done $0x0  }
0x77: {  	[sflag:s21] =	ssyncadd.s32 $0xFFFFE000  }
0x78: {  	[spmem:s1] =	stream.indirect.scatter.add.f32 [tilespmem:s8], [sflag:$0x3], $0x80, s12, s13, $0xb8;
	[tilespmem:$0x1A800] =	vst v63  }
0x79: {  	_ =	swait.ge [sflag:s22], $0x2000  }
0x7a: {  	[sflag:s22] =	ssyncset.done $0x0  }
0x7b: {  	[sflag:s22] =	ssyncadd.s32 $0xFFFFE000  }
0x7c: {  	[tilespmem:s8], [sflag:$0x1] =	stream.indirect.gather [hbm4b:s16+s13], $0x80, s23, s13, $0xb8;
	[tilespmem:$0x1A800] =	vst v63  }
0x7d: {  	_ =	swait.ge [sflag:s24], $0x2000  }
0x7e: {  	[sflag:s24] =	ssyncset.done $0x0  }
0x7f: {  	[sflag:s24] =	ssyncadd.s32 $0xFFFFE000  }
0x80: {  	[spmem:s1] =	stream.indirect.scatter.add.f32 [tilespmem:s20], [sflag:$0x4], $0x80, s25, s13, $0xb8;
	[tilespmem:$0x1A800] =	vst v63  }
0x81: {  	_ =	swait.ge [sflag:s26], $0x2000  }
0x82: {  	[sflag:s26] =	ssyncset.done $0x0  }
0x83: {  	s4 =	simm.s32 $0x14180;
	[sflag:s26] =	ssyncadd.s32 $0xFFFFE000  }
0x84: {  	[tilespmem:s20], [sflag:$0x2] =	stream.indirect.gather [hbm4b:s16+s13], $0x80, s4, s13, $0xb8;
	[tilespmem:$0x1A800] =	vst v63  }
0x85: {  	_ =	swait.ge [sflag:s21], $0x2000  }
0x86: {  	[sflag:s21] =	ssyncset.done $0x0  }
0x87: {  	s3 =	simm.s32 $0x15500;
	[sflag:s21] =	ssyncadd.s32 $0xFFFFE000  }
0x88: {  	[spmem:s1] =	stream.indirect.scatter.add.f32 [tilespmem:s8], [sflag:$0x3], $0x80, s3, s13, $0xb8;
	[tilespmem:$0x1A800] =	vst v63  }
0x89: {  	_ =	swait.ge [sflag:s22], $0x2000  }
0x8a: {  	[sflag:s22] =	ssyncset.done $0x0  }
0x8b: {  	s4 =	simm.s32 $0x14200;
	[sflag:s22] =	ssyncadd.s32 $0xFFFFE000  }
0x8c: {  	[tilespmem:s8], [sflag:$0x1] =	stream.indirect.gather [hbm4b:s16+s13], $0x80, s4, s13, $0xb8;
	[tilespmem:$0x1A800] =	vst v63  }
0x8d: {  	_ =	swait.ge [sflag:s24], $0x2000  }
0x8e: {  	[sflag:s24] =	ssyncset.done $0x0  }
0x8f: {  	s0 =	simm.s32 $0xFFFFBC00;
	s3 =	simm.s32 $0x15580;
	[sflag:s24] =	ssyncadd.s32 $0xFFFFE000  }
.LBB2_5:
0x90: {  	[spmem:s1] =	stream.indirect.scatter.add.f32 [tilespmem:s20], [sflag:$0x4], $0x80, s3, s13, $0xb8;
	[tilespmem:$0x1A800] =	vst v63  }
0x91: {  	s3 =	smov.u32 s0  }
0x92: {  	p0 =	sne.s32 s0, $0xFFFFFC00;
	s0 =	sadd.s32 $0x400, s0;
	_ =	swait.ge [sflag:s26], $0x2000  }
0x93: {  	s3 =	sshra.s32 s3, $0x2;
	[sflag:s26] =	ssyncset.done $0x0  }
0x94: {  	s4 =	sadd.s32 $0x15380, s3;
	[sflag:s26] =	ssyncadd.s32 $0xFFFFE000  }
0x95: {  	[tilespmem:s20], [sflag:$0x2] =	stream.indirect.gather [hbm4b:s16+s13], $0x80, s4, s13, $0xb8;
	[tilespmem:$0x1A800] =	vst v63  }
0x96: {  	_ =	swait.ge [sflag:s21], $0x2000  }
0x97: {  	[sflag:s21] =	ssyncset.done $0x0  }
0x98: {  	s4 =	sadd.s32 $0x16700, s3;
	[sflag:s21] =	ssyncadd.s32 $0xFFFFE000  }
0x99: {  	[spmem:s1] =	stream.indirect.scatter.add.f32 [tilespmem:s8], [sflag:$0x3], $0x80, s4, s13, $0xb8;
	[tilespmem:$0x1A800] =	vst v63  }
0x9a: {  	_ =	swait.ge [sflag:s22], $0x2000  }
0x9b: {  	[sflag:s22] =	ssyncset.done $0x0  }
.Ltmp1:
0x9c: {  	s4 =	sadd.s32 $0x15400, s3;
	[sflag:s22] =	ssyncadd.s32 $0xFFFFE000;
	(pc) =	sbr.rel @p0 .LBB2_5-.Ltmp1, $4  }
0x9d: {  	[tilespmem:s8], [sflag:$0x1] =	stream.indirect.gather [hbm4b:s16+s13], $0x80, s4, s13, $0xb8;
	[tilespmem:$0x1A800] =	vst v63  }
0x9e: {  	_ =	swait.ge [sflag:s24], $0x2000  }
0x9f: {  	[sflag:s24] =	ssyncset.done $0x0  }
0xa0: {  	s3 =	sadd.s32 $0x16780, s3;
	[sflag:s24] =	ssyncadd.s32 $0xFFFFE000  }
0xa1: {  	[spmem:s1] =	stream.indirect.scatter.add.f32 [tilespmem:s20], [sflag:$0x4], $0x80, s3, s13, $0xb8;
	[tilespmem:$0x1A800] =	vst v63  }
0xa2: {  	_ =	swait.ge [sflag:s26], $0x2000  }
0xa3: {  	[sflag:s26] =	ssyncset.done $0x0  }
0xa4: {  	[sflag:s26] =	ssyncadd.s32 $0xFFFFE000  }
0xa5: {  	[tilespmem:s20], [sflag:$0x2] =	stream.indirect.gather [hbm4b:s16+s13], $0x80, s28, s13, $0xb8;
	[tilespmem:$0x1A800] =	vst v63  }
0xa6: {  	_ =	swait.ge [sflag:s21], $0x2000  }
0xa7: {  	[sflag:s21] =	ssyncset.done $0x0  }
0xa8: {  	[sflag:s21] =	ssyncadd.s32 $0xFFFFE000  }
0xa9: {  	[spmem:s1] =	stream.indirect.scatter.add.f32 [tilespmem:s8], [sflag:$0x3], $0x80, s29, s13, $0xb8;
	[tilespmem:$0x1A800] =	vst v63  }
0xaa: {  	_ =	swait.ge [sflag:s24], $0x2000  }
0xab: {  	[sflag:s24] =	ssyncset.done $0x0  }
0xac: {  	s10 =	sadd.s32 $0x1, s10;
	[sflag:s24] =	ssyncadd.s32 $0xFFFFE000  }
0xad: {  	[spmem:s1] =	stream.indirect.scatter.add.f32 [tilespmem:s20], [sflag:$0x4], $0x80, s30, s13, $0xb8;
	[tilespmem:$0x1A800] =	vst v63  }
0xae: {  	p0 =	sne.s32 s10, $0x4;
	_ =	swait.ge [sflag:s22], $0x2000  }
.Ltmp2:
0xaf: {  	[sflag:s22] =	ssyncset.done $0x0;
	(pc) =	sbr.rel @p0 .LBB2_4-.Ltmp2, $4  }
0xb0: {  	[sflag:s22] =	ssyncadd.s32 $0xFFFFE000  }
0xb1: {  	_ =	swait.ge [sflag:s26], $0x2000  }
0xb2: {  	[sflag:s26] =	ssyncset.done $0x0  }
0xb3: {  	[sflag:s26] =	ssyncadd.s32 $0xFFFFE000  }
0xb4: {  	[bflag:$0x0] =	sbarrier.arrive $0xFFFF  }
0xb5: {  	[tilespmem:s8], [sflag:$0x5] =	stream.linear.gather [spmem:s17], $0x2000, $0x38;
	[tilespmem:$0x1A800] =	vst v63  }
0xb6: {  	_ =	swait.ge [sflag:s9], $0x2000  }
0xb7: {  	[sflag:s9] =	ssyncset.done $0x0  }
0xb8: {  	s0 =	rddreg [dreg:$0x3];
	[sflag:s9] =	ssyncadd.s32 $0xFFFFE000  }
0xb9: {  	[hbm4b:s0+s2] =	stream.linear.scatter [tilespmem:s8], [sflag:$0x5], $0x2000, $0x38;
	[tilespmem:$0x1A800] =	vst v63  }
0xba: {  	_ =	swait.ge [sflag:s9], $0x2000  }
0xbb: {  	[sflag:s9] =	ssyncset.done $0x0  }
0xbc: {  	s10 =	rddreg [dreg:$0xe];
	[sflag:s9] =	ssyncadd.s32 $0xFFFFE000  }
0xbd: {  	[tilespmem:s8], [sflag:$0x5] =	stream.linear.gather [spmem:s10], $0x2000, $0x38;
	[tilespmem:$0x1A800] =	vst v63  }
0xbe: {  	_ =	swait.ge [sflag:s9], $0x2000  }
0xbf: {  	[sflag:s9] =	ssyncset.done $0x0  }
0xc0: {  	s3 =	rddreg [dreg:$0x4];
	[sflag:s9] =	ssyncadd.s32 $0xFFFFE000  }
0xc1: {  	[hbm4b:s3+s2] =	stream.linear.scatter [tilespmem:s8], [sflag:$0x5], $0x2000, $0x38;
	[tilespmem:$0x1A800] =	vst v63  }
0xc2: {  	_ =	swait.ge [sflag:s9], $0x2000  }
0xc3: {  	[sflag:s9] =	ssyncset.done $0x0  }
0xc4: {  	s4 =	rddreg [dreg:$0xf];
	[sflag:s9] =	ssyncadd.s32 $0xFFFFE000  }
0xc5: {  	[tilespmem:s8], [sflag:$0x5] =	stream.linear.gather [spmem:s4], $0x2000, $0x38;
	[tilespmem:$0x1A800] =	vst v63  }
0xc6: {  	_ =	swait.ge [sflag:s9], $0x2000  }
0xc7: {  	[sflag:s9] =	ssyncset.done $0x0  }
0xc8: {  	s10 =	rddreg [dreg:$0x5];
	[sflag:s9] =	ssyncadd.s32 $0xFFFFE000  }
0xc9: {  	[hbm4b:s10+s2] =	stream.linear.scatter [tilespmem:s8], [sflag:$0x5], $0x2000, $0x38;
	[tilespmem:$0x1A800] =	vst v63  }
0xca: {  	_ =	swait.ge [sflag:s9], $0x2000  }
0xcb: {  	[sflag:s9] =	ssyncset.done $0x0  }
0xcc: {  	s3 =	rddreg [dreg:$0x10];
	[sflag:s9] =	ssyncadd.s32 $0xFFFFE000  }
0xcd: {  	[tilespmem:s8], [sflag:$0x5] =	stream.linear.gather [spmem:s3], $0x2000, $0x38;
	[tilespmem:$0x1A800] =	vst v63  }
0xce: {  	_ =	swait.ge [sflag:s9], $0x2000  }
0xcf: {  	[sflag:s9] =	ssyncset.done $0x0  }
0xd0: {  	s4 =	rddreg [dreg:$0x6];
	[sflag:s9] =	ssyncadd.s32 $0xFFFFE000  }
0xd1: {  	[hbm4b:s4+s2] =	stream.linear.scatter [tilespmem:s8], [sflag:$0x5], $0x2000, $0x38;
	[tilespmem:$0x1A800] =	vst v63  }
0xd2: {  	_ =	swait.ge [sflag:s9], $0x2000  }
0xd3: {  	[sflag:s9] =	ssyncset.done $0x0  }
0xd4: {  	s10 =	rddreg [dreg:$0x11];
	[sflag:s9] =	ssyncadd.s32 $0xFFFFE000  }
0xd5: {  	[tilespmem:s8], [sflag:$0x5] =	stream.linear.gather [spmem:s10], $0x2000, $0x38;
	[tilespmem:$0x1A800] =	vst v63  }
0xd6: {  	_ =	swait.ge [sflag:s9], $0x2000  }
0xd7: {  	[sflag:s9] =	ssyncset.done $0x0  }
0xd8: {  	s3 =	rddreg [dreg:$0x7];
	[sflag:s9] =	ssyncadd.s32 $0xFFFFE000  }
0xd9: {  	[hbm4b:s3+s2] =	stream.linear.scatter [tilespmem:s8], [sflag:$0x5], $0x2000, $0x38;
	[tilespmem:$0x1A800] =	vst v63  }
0xda: {  	_ =	swait.ge [sflag:s9], $0x2000  }
0xdb: {  	[sflag:s9] =	ssyncset.done $0x0  }
0xdc: {  	s4 =	rddreg [dreg:$0x12];
	[sflag:s9] =	ssyncadd.s32 $0xFFFFE000  }
0xdd: {  	[tilespmem:s8], [sflag:$0x5] =	stream.linear.gather [spmem:s4], $0x2000, $0x38;
	[tilespmem:$0x1A800] =	vst v63  }
0xde: {  	_ =	swait.ge [sflag:s9], $0x2000  }
0xdf: {  	[sflag:s9] =	ssyncset.done $0x0  }
0xe0: {  	s10 =	rddreg [dreg:$0x8];
	[sflag:s9] =	ssyncadd.s32 $0xFFFFE000  }
0xe1: {  	[hbm4b:s10+s2] =	stream.linear.scatter [tilespmem:s8], [sflag:$0x5], $0x2000, $0x38;
	[tilespmem:$0x1A800] =	vst v63  }
0xe2: {  	_ =	swait.ge [sflag:s9], $0x2000  }
0xe3: {  	[sflag:s9] =	ssyncset.done $0x0  }
0xe4: {  	s3 =	rddreg [dreg:$0x13];
	[sflag:s9] =	ssyncadd.s32 $0xFFFFE000  }
0xe5: {  	[tilespmem:s8], [sflag:$0x5] =	stream.linear.gather [spmem:s3], $0x2000, $0x38;
	[tilespmem:$0x1A800] =	vst v63  }
0xe6: {  	_ =	swait.ge [sflag:s9], $0x2000  }
0xe7: {  	[sflag:s9] =	ssyncset.done $0x0  }
0xe8: {  	s4 =	rddreg [dreg:$0x9];
	[sflag:s9] =	ssyncadd.s32 $0xFFFFE000  }
0xe9: {  	[hbm4b:s4+s2] =	stream.linear.scatter [tilespmem:s8], [sflag:$0x5], $0x2000, $0x38;
	[tilespmem:$0x1A800] =	vst v63  }
0xea: {  	_ =	swait.ge [sflag:s9], $0x2000  }
0xeb: {  	[sflag:s9] =	ssyncset.done $0x0  }
0xec: {  	s10 =	rddreg [dreg:$0x14];
	[sflag:s9] =	ssyncadd.s32 $0xFFFFE000  }
0xed: {  	[tilespmem:s8], [sflag:$0x5] =	stream.linear.gather [spmem:s10], $0x2000, $0x38;
	[tilespmem:$0x1A800] =	vst v63  }
0xee: {  	_ =	swait.ge [sflag:s9], $0x2000  }
0xef: {  	[sflag:s9] =	ssyncset.done $0x0  }
0xf0: {  	s3 =	rddreg [dreg:$0xa];
	[sflag:s9] =	ssyncadd.s32 $0xFFFFE000  }
0xf1: {  	[hbm4b:s3+s2] =	stream.linear.scatter [tilespmem:s8], [sflag:$0x5], $0x2000, $0x38;
	[tilespmem:$0x1A800] =	vst v63  }
0xf2: {  	_ =	swait.ge [sflag:s9], $0x2000  }
0xf3: {  	[sflag:s9] =	ssyncset.done $0x0  }
0xf4: {  	s4 =	rddreg [dreg:$0x15];
	[sflag:s9] =	ssyncadd.s32 $0xFFFFE000  }
0xf5: {  	[tilespmem:s8], [sflag:$0x5] =	stream.linear.gather [spmem:s4], $0x2000, $0x38;
	[tilespmem:$0x1A800] =	vst v63  }
0xf6: {  	_ =	swait.ge [sflag:s9], $0x2000  }
0xf7: {  	[sflag:s9] =	ssyncset.done $0x0  }
0xf8: {  	s10 =	rddreg [dreg:$0xb];
	[sflag:s9] =	ssyncadd.s32 $0xFFFFE000  }
0xf9: {  	[hbm4b:s10+s2] =	stream.linear.scatter [tilespmem:s8], [sflag:$0x5], $0x2000, $0x38;
	[tilespmem:$0x1A800] =	vst v63  }
0xfa: {  	_ =	swait.ge [sflag:s9], $0x2000  }
0xfb: {  	[sflag:s9] =	ssyncset.done $0x0  }
0xfc: {  	s3 =	rddreg [dreg:$0x16];
	[sflag:s9] =	ssyncadd.s32 $0xFFFFE000  }
0xfd: {  	[tilespmem:s8], [sflag:$0x5] =	stream.linear.gather [spmem:s3], $0x2000, $0x38;
	[tilespmem:$0x1A800] =	vst v63  }
0xfe: {  	_ =	swait.ge [sflag:s9], $0x2000  }
0xff: {  	[sflag:s9] =	ssyncset.done $0x0  }
0x100: {  	s4 =	rddreg [dreg:$0xc];
	[sflag:s9] =	ssyncadd.s32 $0xFFFFE000  }
0x101: {  	[hbm4b:s4+s2] =	stream.linear.scatter [tilespmem:s8], [sflag:$0x5], $0x2000, $0x38;
	[tilespmem:$0x1A800] =	vst v63  }
0x102: {  	_ =	swait.ge [sflag:s9], $0x2000  }
0x103: {  	s31 =	sadd.s32 $0x1, s31;
	s10 =	rddreg [dreg:$0xd]  }
0x104: {  	p0 =	sne.s32 s31, s10  }
.Ltmp3:
0x105: {  	_ = 	snop;
	(pc) =	sbr.rel @p0 .LBB2_1-.Ltmp3, $3  }
0x106: {  	_ =	sdelay $0x1  }
0x107: {  	[sflag:s9] =	ssyncset.done $0x0  }
0x108: {  	[sflag:s9] =	ssyncadd.s32 $0xFFFFE000  }
0x109: {  	_ =	sfence.sel $0x180000  }
0x10a: {  	[bflag:$0x0] =	sbarrier.arrive $0xFFFF  }
0x10b: {  	_ =	strace $0x9000004A  }
0x10c: {  	s0 =	stileid.u32;
	[bflag:$0x2] =	sbarrier.arrive $0xFFFF  }
0x10d: {  	p0 =	sne.s32 s0, $0x0;
	s0 =	rddreg [dreg:$0x2]  }
0x10e: {  	s0 =	sadd.s32 @!p0 $0x100000, s0  }
0x10f: {  	[sflag:s0] =	ssyncadd.tile.s32 @!p0 $0x1;
	_ =	shalt  }
.Lfunc_end2:
_tile_overlayer_lowered:
.L_overlay_start_2:
0x110: {  	(tag) =	ssettag $0x2  }
0x111: {  	s0 =	rddreg [dreg:$0x0];
	s2 =	stileid.u32  }
0x112: {  	s1 =	rddreg [dreg:$0x1];
	p0 =	sne.s32 s2, $0x0  }
0x113: {  	s3 =	rddreg [dreg:$0x2];
	[bflag:$0x3] =	sbarrier.arrive $0xFFFF;
	s2 =	simm.s32 @!p0 $0x1C05  }
0x114: {  	[timem:s3], [sflag:s2] =	dma.local @!p0 [hbm:s0], s1  }
0x115: {  	s0 =	simm.s32 @!p0 $0x5  }
0x116: {  	_ =	swait.ge @!p0 [sflag:s0], s1  }
0x117: {  	s1 =	ssub.s32 @!p0 $0x0, s1;
	[sflag:s0] =	ssyncset.done @!p0 $0x0  }
0x118: {  	[sflag:s0] =	ssyncadd.s32 @!p0 s1  }
0x119: {  	[bflag:$0x3] =	sbarrier.arrive $0xFFFF  }
0x11a: {  	_ =	shalt  }

// kernel: kernel.17.cloned.1.call-start
scs
__scs_entry_jumppad:
0x0: {  	(pc) =	sbr.rel $0x88, $3  }
0x1: {  	(tag) =	ssettag $0x0;
	lr =	simm.s32 $0x1  }
0x2: {  	[smem:$0x3F99] =	sst lr;
	_ =	strace $0xD0000000  }
0x3: {  	_ = 	snop  }
0x4: {  	_ = 	snop  }
0x5: {  	_ = 	snop  }
0x6: {  	_ = 	snop  }
0x7: {  	_ = 	snop  }
__scs_overlays_trampoline_lowered:
0x8: {  	[smem:$0x3FA8] =	sst s0  }
0x9: {  	[smem:$0x3FA9] =	sst s1  }
0xa: {  	[smem:$0x3FAA] =	sst s2  }
0xb: {  	[smem:$0x3FAB] =	sst s3  }
0xc: {  	[smem:$0x3FAC] =	sst s4  }
0xd: {  	[smem:$0x3FAD] =	sst s5  }
0xe: {  	[smem:$0x3FAE] =	sst s6  }
0xf: {  	[smem:$0x3FAF] =	sst s7  }
0x10: {  	[smem:$0x3FB0] =	sst s8  }
0x11: {  	[smem:$0x3FB1] =	sst s9;
	s0 =	simm.s32 @!p0 $0x0  }
0x12: {  	s1 =	sld [smem:$0x3F97];
	s0 =	simm.s32 @p0 $0x1  }
0x13: {  	[smem:$0x3FB2] =	sst s0;
	s0 =	simm.s32 @!p1 $0x0  }
0x14: {  	s2 =	sld [smem:$0x3F96];
	s0 =	simm.s32 @p1 $0x1  }
0x15: {  	[smem:$0x3FB3] =	sst s0;
	s0 =	simm.s32 @!p2 $0x0  }
0x16: {  	s3 =	sld [smem:$0x3FDB];
	s0 =	simm.s32 @p2 $0x1  }
0x17: {  	s4 =	simm.s32 $0x1BF5;
	[smem:$0x3FB5] =	sst s0  }
0x18: {  	s0 =	sld [smem:$0x3F98];
	_ =	swait.ge [sflag:s4], $0x0  }
0x19: {  	s7 =	sld [smem:$0x3F99]  }
0x1a: {  	s8 =	sadd.s32 $0xFFFFE003, lr  }
0x1b: {  	s9 =	sadd.s32 $0xFFFFFEF7, lr;
	s5 =	simm.s32 $0xFFFFFFFF;
	p2 =	slt.u32 s8, $0xFFFFF086  }
0x1c: {  	p1 =	slt.u32 s9, $0xF7A;
	s5 =	simm.s32 @!p2 $0x0  }
0x1d: {  	s5 =	simm.s32 @p1 $0x1;
	p0 =	seq.s32 s7, s2  }
0x1e: {  	s7 =	smul.u32 @!p0 $0xF7A, s2;
	p2 =	seq.s32 @!p0 s5, $0x0  }
0x1f: {  	s9 =	smul.u32 $0xF7A, s1;
	s8 =	simm.s32 @!p0 $0x1BF5;
	p2 =	por !p2, p0  }
0x20: {  	[sflag:s8] =	ssyncset.s32 @!p0 $0xFFFFF086;
	s6 =	sadd.s32 @!p0 s3, s7;
	s7 =	simm.s32 @!p0 $0x108  }
0x21: {  	s3 =	sadd.s32 s3, s9;
	s6 =	sadd.s32 @!p0 $0x88, s6;
	s7 =	simm.s32 @p2 $0x1082  }
0x22: {  	[simem:s7], [sflag:s8] =	dma.local @!p0 [hbm:s6], $0xF7A  }
0x23: {  	s9 =	sor.u32 $0xD0000000, s2;
	s6 =	simm.s32 $0x108;
	_ =	swait.ge @!p0 [sflag:s8], $0x0  }
0x24: {  	s3 =	sadd.s32 $0x88, s3;
	s6 =	simm.s32 @!p1 $0x1082;
	[sflag:s4] =	ssyncset.s32 $0xFFFFF086  }
0x25: {  	[simem:s6], [sflag:s4] =	dma.local [hbm:s3], $0xF7A  }
0x26: {  	[smem:$0x3F99] =	sst s1;
	(tag) =	ssettag s2;
	_ =	strace s9  }
0x27: {  	s1 =	sld [smem:$0x3FA9]  }
0x28: {  	s2 =	sld [smem:$0x3FAA]  }
0x29: {  	s4 =	sld [smem:$0x3FAC]  }
0x2a: {  	p0 =	seq.s32 s5, $0x0;
	s5 =	sld [smem:$0x3FAD]  }
0x2b: {  	s6 =	sld [smem:$0x3FAE]  }
0x2c: {  	s7 =	sld [smem:$0x3FAF]  }
0x2d: {  	s3 =	simm.s32 $0x108;
	s8 =	sld [smem:$0x3FB0]  }
0x2e: {  	s3 =	simm.s32 @!p0 $0x1082;
	s9 =	sld [smem:$0x3FB1]  }
0x2f: {  	lr =	sadd.s32 s0, s3;
	s0 =	sld [smem:$0x3FA8]  }
0x30: {  	s3 =	sld [smem:$0x3FAB]  }
0x31: {  	[smem:$0x3FB4] =	sst s10  }
0x32: {  	s10 =	sld [smem:$0x3FB2];
	_ =	sdelay $0x3  }
0x33: {  	p0 =	seq.s32 s10, $0x1;
	s10 =	sld [smem:$0x3FB4];
	_ =	sdelay $0x3  }
0x34: {  	[smem:$0x3FB4] =	sst s10  }
0x35: {  	s10 =	sld [smem:$0x3FB3];
	_ =	sdelay $0x3  }
0x36: {  	p1 =	seq.s32 s10, $0x1;
	s10 =	sld [smem:$0x3FB4];
	_ =	sdelay $0x3  }
0x37: {  	[smem:$0x3FB4] =	sst s10  }
0x38: {  	s10 =	sld [smem:$0x3FB5]  }
0x39: {  	_ = 	snop;
	(pc) =	sbr.ind lr, $3  }
0x3a: {  	_ = 	snop  }
0x3b: {  	_ = 	snop  }
0x3c: {  	p2 =	seq.s32 s10, $0x1;
	s10 =	sld [smem:$0x3FB4]  }
0x3d: {  	_ =	shalt  }
0x3e: {  	_ =	shalt  }
0x3f: {  	_ =	shalt  }
0x40: {  	_ =	shalt  }
0x41: {  	_ =	shalt  }
0x42: {  	_ =	shalt  }
0x43: {  	_ =	shalt  }
0x44: {  	_ =	shalt  }
0x45: {  	_ =	shalt  }
0x46: {  	_ =	shalt  }
0x47: {  	_ =	shalt  }
0x48: {  	_ =	shalt  }
0x49: {  	_ =	shalt  }
0x4a: {  	_ =	shalt  }
0x4b: {  	_ =	shalt  }
0x4c: {  	_ =	shalt  }
0x4d: {  	_ =	shalt  }
0x4e: {  	_ =	shalt  }
0x4f: {  	_ =	shalt  }
0x50: {  	_ =	shalt  }
0x51: {  	_ =	shalt  }
0x52: {  	_ =	shalt  }
0x53: {  	_ =	shalt  }
0x54: {  	_ =	shalt  }
0x55: {  	_ =	shalt  }
0x56: {  	_ =	shalt  }
0x57: {  	_ =	shalt  }
0x58: {  	_ =	shalt  }
0x59: {  	_ =	shalt  }
0x5a: {  	_ =	shalt  }
0x5b: {  	_ =	shalt  }
0x5c: {  	_ =	shalt  }
0x5d: {  	_ =	shalt  }
0x5e: {  	_ =	shalt  }
0x5f: {  	_ =	shalt  }
0x60: {  	_ =	shalt  }
0x61: {  	_ =	shalt  }
0x62: {  	_ =	shalt  }
0x63: {  	_ =	shalt  }
0x64: {  	_ =	shalt  }
0x65: {  	_ =	shalt  }
0x66: {  	_ =	shalt  }
0x67: {  	_ =	shalt  }
0x68: {  	_ =	shalt  }
0x69: {  	_ =	shalt  }
0x6a: {  	_ =	shalt  }
0x6b: {  	_ =	shalt  }
0x6c: {  	_ =	shalt  }
0x6d: {  	_ =	shalt  }
0x6e: {  	_ =	shalt  }
0x6f: {  	_ =	shalt  }
0x70: {  	_ =	shalt  }
0x71: {  	_ =	shalt  }
0x72: {  	_ =	shalt  }
0x73: {  	_ =	shalt  }
0x74: {  	_ =	shalt  }
0x75: {  	_ =	shalt  }
0x76: {  	_ =	shalt  }
0x77: {  	_ =	shalt  }
0x78: {  	_ =	shalt  }
0x79: {  	_ =	shalt  }
0x7a: {  	_ =	shalt  }
0x7b: {  	_ =	shalt  }
0x7c: {  	_ =	shalt  }
0x7d: {  	_ =	shalt  }
0x7e: {  	_ =	shalt  }
0x7f: {  	_ =	shalt  }
0x80: {  	_ =	shalt  }
0x81: {  	_ =	shalt  }
0x82: {  	_ =	shalt  }
0x83: {  	_ =	shalt  }
0x84: {  	_ =	shalt  }
0x85: {  	_ =	shalt  }
0x86: {  	_ =	shalt  }
0x87: {  	_ =	shalt  }
.Lfunc_end0:
.L_simem_size_0:
called_computation.2_lowered:
.L_overlay_start_0:
0x88: {  	s2 =	sld [smem:$0x3FD9]  }
0x89: {  	s3 =	sld [smem:$0x3FFE];
	_ =	sdelay $0x1  }
0x8a: {  	s1 =	srdreg.scid  }
0x8b: {  	s0 =	sand.u32 $0x1, s1  }
0x8c: {  	s16 =	sshll.u32 s0, $0xA;
	s2 =	sadd.s32 s3, s2  }
0x8d: {  	s2 =	sadd.s32 s2, s16  }
0x8e: {  	[smem:$0x3FC0] =	sst s2  }
0x8f: {  	_ = 	snop  }
0x90: {  	(tm) =	ssettm $0x1  }
0x91: {  	s17 =	sld [smem:$0x3FFB];
	_ =	sdelay $0x3  }
0x92: {  	_ =	strace s17  }
0x93: {  	s2 =	sld [smem:$0x3FFC];
	_ =	sdelay $0x3  }
0x94: {  	_ =	strace s2  }
0x95: {  	s2 =	sld [smem:$0x3FFD];
	_ =	sdelay $0x3  }
0x96: {  	_ =	strace s2  }
0x97: {  	_ =	strace $0x8FFFFFFF  }
0x98: {  	s18 =	sld [smem:$0x3FDB];
	_ =	sdelay $0x1  }
0x99: {  	s19 =	simm.s32 $_scs_section_size  }
0x9a: {  	s4 =	simm.s32 $_size__tile_overlayer_lowered;
	s5 =	simm.s32 $_tile_overlayer_lowered  }
0x9b: {  	s22 =	simm.s32 $0x1BFF;
	s21 =	sshll.u32 s5, $0x1;
	s2 =	sadd.s32 s19, s18  }
0x9c: {  	s6 =	simm.s32 $0x0;
	s20 =	sshll.u32 s4, $0x1;
	s4 =	sadd.s32 s21, s2  }
0x9d: {  	[timem:s6], [sflag:s22] =	dma.local [hbm:s4], s20  }
0x9e: {  	_ =	swait.ge [sflag:s22], s20  }
0x9f: {  	s3 =	ssub.s32 $0x0, s20;
	[sflag:s22] =	ssyncset.done $0x0  }
0xa0: {  	[sflag:s22] =	ssyncadd.s32 s3;
	_ =	sdelay $0x1  }
0xa1: {  	s23 =	simm.s32 $0x1B8B  }
0xa2: {  	_ =	swait.ge [sflag:s23], $0x1  }
0xa3: {  	[sflag:s23] =	ssyncset.done $0x0  }
0xa4: {  	s25 =	simm.s32 $0x1B8E;
	s24 =	sld [smem:$0x3FFE];
	[sflag:s23] =	ssyncadd.s32 $0xFFFFFFFF  }
0xa5: {  	s26 =	simm.s32 $execute0_lowered;
	[smem:$0x3FD2] =	sst s25  }
0xa6: {  	s4 =	sshll.u32 s26, $0x1;
	_ =	strace $0x8000004C;
	[dreg:$0x1] =	wrdreg $0xFFFFFFFF  }
0xa7: {  	s28 =	simm.s32 $_size_execute0_lowered;
	s2 =	sadd.s32 s2, s4;
	[dreg:$0x0] =	wrdreg $0x0  }
0xa8: {  	s4 =	sshll.u32 s28, $0x1;
	[dreg:$0x2] =	wrdreg s2  }
0xa9: {  	[dreg:$0x3] =	wrdreg s4  }
0xaa: {  	[dreg:$0x4] =	wrdreg $0xC0  }
0xab: {  	_ =	task [dreg:s6], $0x5FFFF  }
0xac: {  	[dreg:$0x1] =	wrdreg $0xFFFFFFFF  }
0xad: {  	[dreg:$0x0] =	wrdreg $0x60  }
0xae: {  	[dreg:$0x2] =	wrdreg s24  }
0xaf: {  	[dreg:$0x3] =	wrdreg $0x0  }
0xb0: {  	[dreg:$0x4] =	wrdreg $0x9  }
0xb1: {  	_ =	task.clear_ibuf [dreg:s6], $0x5FFFF;
	_ =	strace $0x9000004C  }
0xb2: {  	s29 =	simm.s32 $0x9;
	_ =	strace $0x8000004E  }
0xb3: {  	_ =	swait.ge [sflag:s29], $0x1  }
0xb4: {  	[sflag:s29] =	ssyncadd.s32 $0xFFFFFFFF  }
0xb5: {  	_ =	strace $0x9000004E  }
0xb6: {  	_ =	sfence  }
0xb7: {  	s30 =	sld [smem:$0x0];
	_ =	sdelay $0x2  }
0xb8: {  	s31 =	sshll.u32 s1, $0xD;
	s1 =	sshrl.u32 s1, $0x2  }
0xb9: {  	s3 =	sand.u32 $0x4000, s31;
	s1 =	sadd.s32 s1, s30  }
0xba: {  	s0 =	sor.u32 s3, s0;
	s1 =	sshll.u32 s1, $0x11  }
0xbb: {  	s0 =	sor.u32 s1, s0  }
0xbc: {  	s0 =	sadd.s32 $0x8F2B, s0  }
0xbd: {  	[sflag:s0] =	ssyncadd.remote.s32 $0x1  }
0xbe: {  	_ =	sfence.sel $0xFFFF  }
0xbf: {  	[dreg:$0x0] =	wrdreg $0xFFFFFFFF;
	(pc) =	sbr.abs _section_cstart, $3  }
0xc0: {  	[dreg:$0x1] =	wrdreg $0xFFFFFFFF  }
0xc1: {  	_ =	task.clear_ibuf [dreg:s6], $0x2FFFF;
	_ =	strace $0x9FFFFFFF  }
0xc2: {  	(tm) =	ssettm $0x7FFFFFFF  }
0xc3: {  	_ =	shalt  }
tec
execute0_lowered:
.L_overlay_start_1:
0x0: {  	(tag) =	ssettag $0x1  }
0x1: {  	s0 =	rddreg [dreg:$0x0];
	s2 =	srdreg.scid  }
0x2: {  	s1 =	rddreg [dreg:$0x1];
	s15 =	stileid.u32;
	s3 =	sand.u32 $0x1, s2  }
0x3: {  	s2 =	simm.s32 $0x0;
	s6 =	smul.u32 $0x14000, s15;
	s7 =	sadd.s32 $0x7AC00, s0  }
0x4: {  	s4 =	smul.u32 $0x140000, s3;
	s5 =	ssub.s32 $0x2, s3;
	[smem:$0x7FF] =	sst s2  }
0x5: {  	s8 =	sshrl.u32 s5, $0x1;
	s9 =	sor.u32 $0x2000, s6;
	s10 =	sadd.s32 $0x4000, s6  }
0x6: {  	s12 =	sadd.s32 $0x6000, s6;
	s13 =	sadd.s32 $0xA000, s6;
	s5 =	ssub.s32 s5, s8  }
0x7: {  	s14 =	sadd.s32 s4, s6;
	s16 =	sadd.s32 s4, s9;
	s11 =	sadd.s32 s4, s10  }
0x8: {  	s18 =	sadd.s32 s4, s12;
	s8 =	sshrl.u32 s14, $0x3;
	s11 =	sshrl.u32 s11, $0x3  }
0x9: {  	s14 =	sadd.s32 s4, s13;
	s8 =	sadd.s32 s7, s8;
	s17 =	sadd.s32 s7, s11  }
0xa: {  	s11 =	sadd.s32 $0x8000, s6;
	[dreg:$0x3] =	wrdreg s8;
	s8 =	sshrl.u32 s16, $0x3  }
0xb: {  	s14 =	sshrl.u32 s14, $0x3;
	[dreg:$0x5] =	wrdreg s17;
	s8 =	sadd.s32 s7, s8  }
0xc: {  	s20 =	sadd.s32 s7, s14;
	[dreg:$0x4] =	wrdreg s8;
	s8 =	sshrl.u32 s18, $0x3  }
0xd: {  	s19 =	sadd.s32 s4, s11;
	[dreg:$0x8] =	wrdreg s20;
	s8 =	sadd.s32 s7, s8  }
0xe: {  	[dreg:$0x6] =	wrdreg s8;
	s8 =	sshrl.u32 s19, $0x3;
	s19 =	sadd.s32 $0xC000, s6  }
0xf: {  	s20 =	sadd.s32 $0xE000, s6;
	s8 =	sadd.s32 s7, s8;
	s21 =	sadd.s32 s4, s19  }
0x10: {  	s22 =	sadd.s32 s4, s20;
	[dreg:$0x7] =	wrdreg s8;
	s8 =	sshrl.u32 s21, $0x3  }
0x11: {  	s21 =	sadd.s32 $0x10000, s6;
	s6 =	sadd.s32 $0x12000, s6;
	s8 =	sadd.s32 s7, s8  }
0x12: {  	s23 =	sadd.s32 s4, s21;
	[dreg:$0x9] =	wrdreg s8;
	s8 =	sshrl.u32 s22, $0x3  }
0x13: {  	s4 =	sadd.s32 s4, s6;
	s14 =	sshrl.u32 s23, $0x3;
	s8 =	sadd.s32 s7, s8  }
0x14: {  	s4 =	sshrl.u32 s4, $0x3;
	s24 =	sadd.s32 s7, s14;
	[dreg:$0xa] =	wrdreg s8  }
0x15: {  	s4 =	sadd.s32 s7, s4;
	[dreg:$0xb] =	wrdreg s24  }
0x16: {  	s5 =	smax.u32 s5, $0x1;
	[dreg:$0xc] =	wrdreg s4  }
0x17: {  	s7 =	sadd.s32 s9, s1;
	_ =	strace $0x8000004D;
	[dreg:$0xd] =	wrdreg s5  }
0x18: {  	s8 =	sadd.s32 s10, s1;
	[dreg:$0xe] =	wrdreg s7  }
0x19: {  	s9 =	sadd.s32 s12, s1;
	[dreg:$0xf] =	wrdreg s8  }
0x1a: {  	s28 =	simm.s32 $0x15380;
	s10 =	sadd.s32 s11, s1;
	[dreg:$0x10] =	wrdreg s9  }
0x1b: {  	s29 =	simm.s32 $0x16700;
	s11 =	sadd.s32 s13, s1;
	[dreg:$0x11] =	wrdreg s10  }
0x1c: {  	s25 =	smul.u32 $0x50000, s15;
	s12 =	sadd.s32 s19, s1;
	[dreg:$0x12] =	wrdreg s11  }
0x1d: {  	s30 =	simm.s32 $0x16780;
	s13 =	sadd.s32 s20, s1;
	[dreg:$0x13] =	wrdreg s12  }
0x1e: {  	s26 =	sshrl.u32 s25, $0x2;
	s19 =	sadd.s32 s21, s1;
	[dreg:$0x14] =	wrdreg s13  }
0x1f: {  	s17 =	sadd.s32 s26, s1;
	s20 =	sadd.s32 s6, s1;
	[dreg:$0x15] =	wrdreg s19  }
0x20: {  	s31 =	simm.s32 $0x0;
	s21 =	sadd.s32 $0x2000, s17;
	[dreg:$0x16] =	wrdreg s20  }
0x21: {  	s3 =	sshll.u32 s3, $0x4;
	s22 =	sadd.s32 $0x4000, s17;
	[dreg:$0x17] =	wrdreg s21  }
0x22: {  	s3 =	sor.u32 s15, s3;
	s23 =	sadd.s32 $0x6000, s17;
	[dreg:$0x18] =	wrdreg s22  }
0x23: {  	s15 =	sadd.s32 $0x2C00, s0;
	s24 =	sadd.s32 $0x8000, s17;
	[dreg:$0x19] =	wrdreg s23  }
0x24: {  	s16 =	sadd.s32 $0x52C00, s0;
	s25 =	sadd.s32 $0xA000, s17;
	[dreg:$0x1a] =	wrdreg s24  }
0x25: {  	s26 =	sadd.s32 $0xC000, s17;
	s18 =	smul.u32 $0xA0, s3;
	[dreg:$0x1b] =	wrdreg s25  }
0x26: {  	s14 =	sadd.s32 $0x16C00, s0;
	s6 =	sadd.s32 $0x10000, s17;
	[dreg:$0x1c] =	wrdreg s26  }
0x27: {  	s5 =	sadd.s32 $0xE000, s17;
	s7 =	sadd.s32 $0x12000, s17;
	s8 =	simm.s32 $0x16800  }
0x28: {  	s9 =	simm.s32 $0x5;
	s11 =	simm.s32 $0x14000;
	s12 =	simm.s32 $0x15400  }
0x29: {  	s13 =	simm.s32 $0x40;
	s19 =	simm.s32 $0x14080;
	s20 =	simm.s32 $0x18800  }
0x2a: {  	s21 =	simm.s32 $0x1;
	s22 =	simm.s32 $0x3;
	s23 =	simm.s32 $0x14100  }
0x2b: {  	v0 =	vimm.f32 $0.0e+00;
	s24 =	simm.s32 $0x2;
	s25 =	simm.s32 $0x15480;
	s26 =	simm.s32 $0x4  }
.LBB2_1:
0x2c: {  	s0 =	simm.s32 $0x0;
	s10 =	simm.s32 $0x200  }
.LBB2_2:
0x2d: {  	p0 =	sne.s32 s10, $0x7E00;
	[tilespmem:s0+$0x16870] =	vst v0  }
0x2e: {  	[tilespmem:s0+$0x16800] =	vst v0  }
0x2f: {  	[tilespmem:s0+$0x16810] =	vst v0  }
.Ltmp0:
0x30: {  	[tilespmem:s0+$0x16820] =	vst v0;
	(pc) =	sbr.rel @p0 .LBB2_2-.Ltmp0, $4  }
0x31: {  	[tilespmem:s0+$0x16830] =	vst v0  }
0x32: {  	[tilespmem:s0+$0x16840] =	vst v0  }
0x33: {  	[tilespmem:s0+$0x16850] =	vst v0  }
0x34: {  	[tilespmem:s0+$0x16860] =	vst v0;
	s0 =	sshra.s32 s10, $0x2;
	s10 =	sadd.s32 $0x200, s10  }
0x35: {  	[tilespmem:s0+$0x16870] =	vst v0  }
0x36: {  	[tilespmem:s0+$0x16800] =	vst v0  }
0x37: {  	[tilespmem:s0+$0x16810] =	vst v0  }
0x38: {  	[tilespmem:s0+$0x16820] =	vst v0  }
0x39: {  	[tilespmem:s0+$0x16830] =	vst v0  }
0x3a: {  	[tilespmem:s0+$0x16840] =	vst v0  }
0x3b: {  	[tilespmem:s0+$0x16850] =	vst v0  }
0x3c: {  	[tilespmem:s0+$0x16860] =	vst v0  }
0x3d: {  	[spmem:s17] =	stream.linear.scatter [tilespmem:s8], [sflag:$0x5], $0x2000, $0x38;
	[tilespmem:$0x1A800] =	vst v63  }
0x3e: {  	_ =	swait.ge [sflag:s9], $0x2000  }
0x3f: {  	[sflag:s9] =	ssyncset.done $0x0  }
0x40: {  	s3 =	rddreg [dreg:$0x17];
	[sflag:s9] =	ssyncadd.s32 $0xFFFFE000  }
0x41: {  	[spmem:s3] =	stream.linear.scatter [tilespmem:s8], [sflag:$0x5], $0x2000, $0x38;
	[tilespmem:$0x1A800] =	vst v63  }
0x42: {  	_ =	swait.ge [sflag:s9], $0x2000  }
0x43: {  	[sflag:s9] =	ssyncset.done $0x0  }
0x44: {  	s4 =	rddreg [dreg:$0x18];
	[sflag:s9] =	ssyncadd.s32 $0xFFFFE000  }
0x45: {  	[spmem:s4] =	stream.linear.scatter [tilespmem:s8], [sflag:$0x5], $0x2000, $0x38;
	[tilespmem:$0x1A800] =	vst v63  }
0x46: {  	_ =	swait.ge [sflag:s9], $0x2000  }
0x47: {  	[sflag:s9] =	ssyncset.done $0x0  }
0x48: {  	s10 =	rddreg [dreg:$0x19];
	[sflag:s9] =	ssyncadd.s32 $0xFFFFE000  }
0x49: {  	[spmem:s10] =	stream.linear.scatter [tilespmem:s8], [sflag:$0x5], $0x2000, $0x38;
	[tilespmem:$0x1A800] =	vst v63  }
0x4a: {  	_ =	swait.ge [sflag:s9], $0x2000  }
0x4b: {  	[sflag:s9] =	ssyncset.done $0x0  }
0x4c: {  	s3 =	rddreg [dreg:$0x1a];
	[sflag:s9] =	ssyncadd.s32 $0xFFFFE000  }
0x4d: {  	[spmem:s3] =	stream.linear.scatter [tilespmem:s8], [sflag:$0x5], $0x2000, $0x38;
	[tilespmem:$0x1A800] =	vst v63  }
0x4e: {  	_ =	swait.ge [sflag:s9], $0x2000  }
0x4f: {  	[sflag:s9] =	ssyncset.done $0x0  }
0x50: {  	s4 =	rddreg [dreg:$0x1b];
	[sflag:s9] =	ssyncadd.s32 $0xFFFFE000  }
0x51: {  	[spmem:s4] =	stream.linear.scatter [tilespmem:s8], [sflag:$0x5], $0x2000, $0x38;
	[tilespmem:$0x1A800] =	vst v63  }
0x52: {  	_ =	swait.ge [sflag:s9], $0x2000  }
0x53: {  	[sflag:s9] =	ssyncset.done $0x0  }
0x54: {  	s10 =	rddreg [dreg:$0x1c];
	[sflag:s9] =	ssyncadd.s32 $0xFFFFE000  }
0x55: {  	[spmem:s10] =	stream.linear.scatter [tilespmem:s8], [sflag:$0x5], $0x2000, $0x38;
	[tilespmem:$0x1A800] =	vst v63  }
0x56: {  	_ =	swait.ge [sflag:s9], $0x2000  }
0x57: {  	[sflag:s9] =	ssyncset.done $0x0  }
0x58: {  	[sflag:s9] =	ssyncadd.s32 $0xFFFFE000  }
0x59: {  	[spmem:s5] =	stream.linear.scatter [tilespmem:s8], [sflag:$0x5], $0x2000, $0x38;
	[tilespmem:$0x1A800] =	vst v63  }
0x5a: {  	_ =	swait.ge [sflag:s9], $0x2000  }
0x5b: {  	[sflag:s9] =	ssyncset.done $0x0  }
0x5c: {  	[sflag:s9] =	ssyncadd.s32 $0xFFFFE000  }
0x5d: {  	[spmem:s6] =	stream.linear.scatter [tilespmem:s8], [sflag:$0x5], $0x2000, $0x38;
	[tilespmem:$0x1A800] =	vst v63  }
0x5e: {  	_ =	swait.ge [sflag:s9], $0x2000  }
0x5f: {  	[sflag:s9] =	ssyncset.done $0x0  }
0x60: {  	[sflag:s9] =	ssyncadd.s32 $0xFFFFE000  }
0x61: {  	[spmem:s7] =	stream.linear.scatter [tilespmem:s8], [sflag:$0x5], $0x2000, $0x38;
	[tilespmem:$0x1A800] =	vst v63  }
0x62: {  	_ =	swait.ge [sflag:s9], $0x2000  }
0x63: {  	[sflag:s9] =	ssyncset.done $0x0  }
0x64: {  	[sflag:s9] =	ssyncadd.s32 $0xFFFFE000  }
0x65: {  	s10 =	simm.s32 $0x0;
	[bflag:$0x0] =	sbarrier.arrive $0xFFFF  }
.LBB2_4:
0x66: {  	s0 =	smul.u32 $0x28, s10;
	_ =	sdelay $0x1  }
0x67: {  	s0 =	sadd.s32 s18, s0  }
0x68: {  	s0 =	sshll.u32 s0, $0x4  }
0x69: {  	s3 =	sadd.s32 s14, s0  }
0x6a: {  	[tilespmem:s11], [sflag:$0x5] =	stream.linear.gather [hbm4b:s3+s2], $0x1400, $0x38;
	[tilespmem:$0x1A800] =	vst v63  }
0x6b: {  	_ =	swait.ge [sflag:s9], $0x1400  }
0x6c: {  	[sflag:s9] =	ssyncset.done $0x0  }
0x6d: {  	s0 =	sadd.s32 s15, s0;
	[sflag:s9] =	ssyncadd.s32 $0xFFFFEC00  }
0x6e: {  	[tilespmem:s12], [sflag:$0x5] =	stream.linear.gather [hbm4b:s0+s2], $0x1400, $0x38;
	[tilespmem:$0x1A800] =	vst v63  }
0x6f: {  	_ =	swait.ge [sflag:s9], $0x1400  }
0x70: {  	[sflag:s9] =	ssyncset.done $0x0  }
0x71: {  	[sflag:s9] =	ssyncadd.s32 $0xFFFFEC00  }
0x72: {  	[tilespmem:s8], [sflag:$0x1] =	stream.indirect.gather [hbm4b:s16+s13], $0x80, s11, s13, $0xb8;
	[tilespmem:$0x1A800] =	vst v63  }
0x73: {  	_ = 	snop  }
0x74: {  	[tilespmem:s20], [sflag:$0x2] =	stream.indirect.gather [hbm4b:s16+s13], $0x80, s19, s13, $0xb8;
	[tilespmem:$0x1A800] =	vst v63  }
0x75: {  	_ =	swait.ge [sflag:s21], $0x2000  }
0x76: {  	[sflag:s21] =	ssyncset.done $0x0  }
0x77: {  	[sflag:s21] =	ssyncadd.s32 $0xFFFFE000  }
0x78: {  	[spmem:s1] =	stream.indirect.scatter.add.f32 [tilespmem:s8], [sflag:$0x3], $0x80, s12, s13, $0xb8;
	[tilespmem:$0x1A800] =	vst v63  }
0x79: {  	_ =	swait.ge [sflag:s22], $0x2000  }
0x7a: {  	[sflag:s22] =	ssyncset.done $0x0  }
0x7b: {  	[sflag:s22] =	ssyncadd.s32 $0xFFFFE000  }
0x7c: {  	[tilespmem:s8], [sflag:$0x1] =	stream.indirect.gather [hbm4b:s16+s13], $0x80, s23, s13, $0xb8;
	[tilespmem:$0x1A800] =	vst v63  }
0x7d: {  	_ =	swait.ge [sflag:s24], $0x2000  }
0x7e: {  	[sflag:s24] =	ssyncset.done $0x0  }
0x7f: {  	[sflag:s24] =	ssyncadd.s32 $0xFFFFE000  }
0x80: {  	[spmem:s1] =	stream.indirect.scatter.add.f32 [tilespmem:s20], [sflag:$0x4], $0x80, s25, s13, $0xb8;
	[tilespmem:$0x1A800] =	vst v63  }
0x81: {  	_ =	swait.ge [sflag:s26], $0x2000  }
0x82: {  	[sflag:s26] =	ssyncset.done $0x0  }
0x83: {  	s4 =	simm.s32 $0x14180;
	[sflag:s26] =	ssyncadd.s32 $0xFFFFE000  }
0x84: {  	[tilespmem:s20], [sflag:$0x2] =	stream.indirect.gather [hbm4b:s16+s13], $0x80, s4, s13, $0xb8;
	[tilespmem:$0x1A800] =	vst v63  }
0x85: {  	_ =	swait.ge [sflag:s21], $0x2000  }
0x86: {  	[sflag:s21] =	ssyncset.done $0x0  }
0x87: {  	s3 =	simm.s32 $0x15500;
	[sflag:s21] =	ssyncadd.s32 $0xFFFFE000  }
0x88: {  	[spmem:s1] =	stream.indirect.scatter.add.f32 [tilespmem:s8], [sflag:$0x3], $0x80, s3, s13, $0xb8;
	[tilespmem:$0x1A800] =	vst v63  }
0x89: {  	_ =	swait.ge [sflag:s22], $0x2000  }
0x8a: {  	[sflag:s22] =	ssyncset.done $0x0  }
0x8b: {  	s4 =	simm.s32 $0x14200;
	[sflag:s22] =	ssyncadd.s32 $0xFFFFE000  }
0x8c: {  	[tilespmem:s8], [sflag:$0x1] =	stream.indirect.gather [hbm4b:s16+s13], $0x80, s4, s13, $0xb8;
	[tilespmem:$0x1A800] =	vst v63  }
0x8d: {  	_ =	swait.ge [sflag:s24], $0x2000  }
0x8e: {  	[sflag:s24] =	ssyncset.done $0x0  }
0x8f: {  	s0 =	simm.s32 $0xFFFFBC00;
	s3 =	simm.s32 $0x15580;
	[sflag:s24] =	ssyncadd.s32 $0xFFFFE000  }
.LBB2_5:
0x90: {  	[spmem:s1] =	stream.indirect.scatter.add.f32 [tilespmem:s20], [sflag:$0x4], $0x80, s3, s13, $0xb8;
	[tilespmem:$0x1A800] =	vst v63  }
0x91: {  	s3 =	smov.u32 s0  }
0x92: {  	p0 =	sne.s32 s0, $0xFFFFFC00;
	s0 =	sadd.s32 $0x400, s0;
	_ =	swait.ge [sflag:s26], $0x2000  }
0x93: {  	s3 =	sshra.s32 s3, $0x2;
	[sflag:s26] =	ssyncset.done $0x0  }
0x94: {  	s4 =	sadd.s32 $0x15380, s3;
	[sflag:s26] =	ssyncadd.s32 $0xFFFFE000  }
0x95: {  	[tilespmem:s20], [sflag:$0x2] =	stream.indirect.gather [hbm4b:s16+s13], $0x80, s4, s13, $0xb8;
	[tilespmem:$0x1A800] =	vst v63  }
0x96: {  	_ =	swait.ge [sflag:s21], $0x2000  }
0x97: {  	[sflag:s21] =	ssyncset.done $0x0  }
0x98: {  	s4 =	sadd.s32 $0x16700, s3;
	[sflag:s21] =	ssyncadd.s32 $0xFFFFE000  }
0x99: {  	[spmem:s1] =	stream.indirect.scatter.add.f32 [tilespmem:s8], [sflag:$0x3], $0x80, s4, s13, $0xb8;
	[tilespmem:$0x1A800] =	vst v63  }
0x9a: {  	_ =	swait.ge [sflag:s22], $0x2000  }
0x9b: {  	[sflag:s22] =	ssyncset.done $0x0  }
.Ltmp1:
0x9c: {  	s4 =	sadd.s32 $0x15400, s3;
	[sflag:s22] =	ssyncadd.s32 $0xFFFFE000;
	(pc) =	sbr.rel @p0 .LBB2_5-.Ltmp1, $4  }
0x9d: {  	[tilespmem:s8], [sflag:$0x1] =	stream.indirect.gather [hbm4b:s16+s13], $0x80, s4, s13, $0xb8;
	[tilespmem:$0x1A800] =	vst v63  }
0x9e: {  	_ =	swait.ge [sflag:s24], $0x2000  }
0x9f: {  	[sflag:s24] =	ssyncset.done $0x0  }
0xa0: {  	s3 =	sadd.s32 $0x16780, s3;
	[sflag:s24] =	ssyncadd.s32 $0xFFFFE000  }
0xa1: {  	[spmem:s1] =	stream.indirect.scatter.add.f32 [tilespmem:s20], [sflag:$0x4], $0x80, s3, s13, $0xb8;
	[tilespmem:$0x1A800] =	vst v63  }
0xa2: {  	_ =	swait.ge [sflag:s26], $0x2000  }
0xa3: {  	[sflag:s26] =	ssyncset.done $0x0  }
0xa4: {  	[sflag:s26] =	ssyncadd.s32 $0xFFFFE000  }
0xa5: {  	[tilespmem:s20], [sflag:$0x2] =	stream.indirect.gather [hbm4b:s16+s13], $0x80, s28, s13, $0xb8;
	[tilespmem:$0x1A800] =	vst v63  }
0xa6: {  	_ =	swait.ge [sflag:s21], $0x2000  }
0xa7: {  	[sflag:s21] =	ssyncset.done $0x0  }
0xa8: {  	[sflag:s21] =	ssyncadd.s32 $0xFFFFE000  }
0xa9: {  	[spmem:s1] =	stream.indirect.scatter.add.f32 [tilespmem:s8], [sflag:$0x3], $0x80, s29, s13, $0xb8;
	[tilespmem:$0x1A800] =	vst v63  }
0xaa: {  	_ =	swait.ge [sflag:s24], $0x2000  }
0xab: {  	[sflag:s24] =	ssyncset.done $0x0  }
0xac: {  	s10 =	sadd.s32 $0x1, s10;
	[sflag:s24] =	ssyncadd.s32 $0xFFFFE000  }
0xad: {  	[spmem:s1] =	stream.indirect.scatter.add.f32 [tilespmem:s20], [sflag:$0x4], $0x80, s30, s13, $0xb8;
	[tilespmem:$0x1A800] =	vst v63  }
0xae: {  	p0 =	sne.s32 s10, $0x4;
	_ =	swait.ge [sflag:s22], $0x2000  }
.Ltmp2:
0xaf: {  	[sflag:s22] =	ssyncset.done $0x0;
	(pc) =	sbr.rel @p0 .LBB2_4-.Ltmp2, $4  }
0xb0: {  	[sflag:s22] =	ssyncadd.s32 $0xFFFFE000  }
0xb1: {  	_ =	swait.ge [sflag:s26], $0x2000  }
0xb2: {  	[sflag:s26] =	ssyncset.done $0x0  }
0xb3: {  	[sflag:s26] =	ssyncadd.s32 $0xFFFFE000  }
0xb4: {  	[bflag:$0x0] =	sbarrier.arrive $0xFFFF  }
0xb5: {  	[tilespmem:s8], [sflag:$0x5] =	stream.linear.gather [spmem:s17], $0x2000, $0x38;
	[tilespmem:$0x1A800] =	vst v63  }
0xb6: {  	_ =	swait.ge [sflag:s9], $0x2000  }
0xb7: {  	[sflag:s9] =	ssyncset.done $0x0  }
0xb8: {  	s0 =	rddreg [dreg:$0x3];
	[sflag:s9] =	ssyncadd.s32 $0xFFFFE000  }
0xb9: {  	[hbm4b:s0+s2] =	stream.linear.scatter [tilespmem:s8], [sflag:$0x5], $0x2000, $0x38;
	[tilespmem:$0x1A800] =	vst v63  }
0xba: {  	_ =	swait.ge [sflag:s9], $0x2000  }
0xbb: {  	[sflag:s9] =	ssyncset.done $0x0  }
0xbc: {  	s10 =	rddreg [dreg:$0xe];
	[sflag:s9] =	ssyncadd.s32 $0xFFFFE000  }
0xbd: {  	[tilespmem:s8], [sflag:$0x5] =	stream.linear.gather [spmem:s10], $0x2000, $0x38;
	[tilespmem:$0x1A800] =	vst v63  }
0xbe: {  	_ =	swait.ge [sflag:s9], $0x2000  }
0xbf: {  	[sflag:s9] =	ssyncset.done $0x0  }
0xc0: {  	s3 =	rddreg [dreg:$0x4];
	[sflag:s9] =	ssyncadd.s32 $0xFFFFE000  }
0xc1: {  	[hbm4b:s3+s2] =	stream.linear.scatter [tilespmem:s8], [sflag:$0x5], $0x2000, $0x38;
	[tilespmem:$0x1A800] =	vst v63  }
0xc2: {  	_ =	swait.ge [sflag:s9], $0x2000  }
0xc3: {  	[sflag:s9] =	ssyncset.done $0x0  }
0xc4: {  	s4 =	rddreg [dreg:$0xf];
	[sflag:s9] =	ssyncadd.s32 $0xFFFFE000  }
0xc5: {  	[tilespmem:s8], [sflag:$0x5] =	stream.linear.gather [spmem:s4], $0x2000, $0x38;
	[tilespmem:$0x1A800] =	vst v63  }
0xc6: {  	_ =	swait.ge [sflag:s9], $0x2000  }
0xc7: {  	[sflag:s9] =	ssyncset.done $0x0  }
0xc8: {  	s10 =	rddreg [dreg:$0x5];
	[sflag:s9] =	ssyncadd.s32 $0xFFFFE000  }
0xc9: {  	[hbm4b:s10+s2] =	stream.linear.scatter [tilespmem:s8], [sflag:$0x5], $0x2000, $0x38;
	[tilespmem:$0x1A800] =	vst v63  }
0xca: {  	_ =	swait.ge [sflag:s9], $0x2000  }
0xcb: {  	[sflag:s9] =	ssyncset.done $0x0  }
0xcc: {  	s3 =	rddreg [dreg:$0x10];
	[sflag:s9] =	ssyncadd.s32 $0xFFFFE000  }
0xcd: {  	[tilespmem:s8], [sflag:$0x5] =	stream.linear.gather [spmem:s3], $0x2000, $0x38;
	[tilespmem:$0x1A800] =	vst v63  }
0xce: {  	_ =	swait.ge [sflag:s9], $0x2000  }
0xcf: {  	[sflag:s9] =	ssyncset.done $0x0  }
0xd0: {  	s4 =	rddreg [dreg:$0x6];
	[sflag:s9] =	ssyncadd.s32 $0xFFFFE000  }
0xd1: {  	[hbm4b:s4+s2] =	stream.linear.scatter [tilespmem:s8], [sflag:$0x5], $0x2000, $0x38;
	[tilespmem:$0x1A800] =	vst v63  }
0xd2: {  	_ =	swait.ge [sflag:s9], $0x2000  }
0xd3: {  	[sflag:s9] =	ssyncset.done $0x0  }
0xd4: {  	s10 =	rddreg [dreg:$0x11];
	[sflag:s9] =	ssyncadd.s32 $0xFFFFE000  }
0xd5: {  	[tilespmem:s8], [sflag:$0x5] =	stream.linear.gather [spmem:s10], $0x2000, $0x38;
	[tilespmem:$0x1A800] =	vst v63  }
0xd6: {  	_ =	swait.ge [sflag:s9], $0x2000  }
0xd7: {  	[sflag:s9] =	ssyncset.done $0x0  }
0xd8: {  	s3 =	rddreg [dreg:$0x7];
	[sflag:s9] =	ssyncadd.s32 $0xFFFFE000  }
0xd9: {  	[hbm4b:s3+s2] =	stream.linear.scatter [tilespmem:s8], [sflag:$0x5], $0x2000, $0x38;
	[tilespmem:$0x1A800] =	vst v63  }
0xda: {  	_ =	swait.ge [sflag:s9], $0x2000  }
0xdb: {  	[sflag:s9] =	ssyncset.done $0x0  }
0xdc: {  	s4 =	rddreg [dreg:$0x12];
	[sflag:s9] =	ssyncadd.s32 $0xFFFFE000  }
0xdd: {  	[tilespmem:s8], [sflag:$0x5] =	stream.linear.gather [spmem:s4], $0x2000, $0x38;
	[tilespmem:$0x1A800] =	vst v63  }
0xde: {  	_ =	swait.ge [sflag:s9], $0x2000  }
0xdf: {  	[sflag:s9] =	ssyncset.done $0x0  }
0xe0: {  	s10 =	rddreg [dreg:$0x8];
	[sflag:s9] =	ssyncadd.s32 $0xFFFFE000  }
0xe1: {  	[hbm4b:s10+s2] =	stream.linear.scatter [tilespmem:s8], [sflag:$0x5], $0x2000, $0x38;
	[tilespmem:$0x1A800] =	vst v63  }
0xe2: {  	_ =	swait.ge [sflag:s9], $0x2000  }
0xe3: {  	[sflag:s9] =	ssyncset.done $0x0  }
0xe4: {  	s3 =	rddreg [dreg:$0x13];
	[sflag:s9] =	ssyncadd.s32 $0xFFFFE000  }
0xe5: {  	[tilespmem:s8], [sflag:$0x5] =	stream.linear.gather [spmem:s3], $0x2000, $0x38;
	[tilespmem:$0x1A800] =	vst v63  }
0xe6: {  	_ =	swait.ge [sflag:s9], $0x2000  }
0xe7: {  	[sflag:s9] =	ssyncset.done $0x0  }
0xe8: {  	s4 =	rddreg [dreg:$0x9];
	[sflag:s9] =	ssyncadd.s32 $0xFFFFE000  }
0xe9: {  	[hbm4b:s4+s2] =	stream.linear.scatter [tilespmem:s8], [sflag:$0x5], $0x2000, $0x38;
	[tilespmem:$0x1A800] =	vst v63  }
0xea: {  	_ =	swait.ge [sflag:s9], $0x2000  }
0xeb: {  	[sflag:s9] =	ssyncset.done $0x0  }
0xec: {  	s10 =	rddreg [dreg:$0x14];
	[sflag:s9] =	ssyncadd.s32 $0xFFFFE000  }
0xed: {  	[tilespmem:s8], [sflag:$0x5] =	stream.linear.gather [spmem:s10], $0x2000, $0x38;
	[tilespmem:$0x1A800] =	vst v63  }
0xee: {  	_ =	swait.ge [sflag:s9], $0x2000  }
0xef: {  	[sflag:s9] =	ssyncset.done $0x0  }
0xf0: {  	s3 =	rddreg [dreg:$0xa];
	[sflag:s9] =	ssyncadd.s32 $0xFFFFE000  }
0xf1: {  	[hbm4b:s3+s2] =	stream.linear.scatter [tilespmem:s8], [sflag:$0x5], $0x2000, $0x38;
	[tilespmem:$0x1A800] =	vst v63  }
0xf2: {  	_ =	swait.ge [sflag:s9], $0x2000  }
0xf3: {  	[sflag:s9] =	ssyncset.done $0x0  }
0xf4: {  	s4 =	rddreg [dreg:$0x15];
	[sflag:s9] =	ssyncadd.s32 $0xFFFFE000  }
0xf5: {  	[tilespmem:s8], [sflag:$0x5] =	stream.linear.gather [spmem:s4], $0x2000, $0x38;
	[tilespmem:$0x1A800] =	vst v63  }
0xf6: {  	_ =	swait.ge [sflag:s9], $0x2000  }
0xf7: {  	[sflag:s9] =	ssyncset.done $0x0  }
0xf8: {  	s10 =	rddreg [dreg:$0xb];
	[sflag:s9] =	ssyncadd.s32 $0xFFFFE000  }
0xf9: {  	[hbm4b:s10+s2] =	stream.linear.scatter [tilespmem:s8], [sflag:$0x5], $0x2000, $0x38;
	[tilespmem:$0x1A800] =	vst v63  }
0xfa: {  	_ =	swait.ge [sflag:s9], $0x2000  }
0xfb: {  	[sflag:s9] =	ssyncset.done $0x0  }
0xfc: {  	s3 =	rddreg [dreg:$0x16];
	[sflag:s9] =	ssyncadd.s32 $0xFFFFE000  }
0xfd: {  	[tilespmem:s8], [sflag:$0x5] =	stream.linear.gather [spmem:s3], $0x2000, $0x38;
	[tilespmem:$0x1A800] =	vst v63  }
0xfe: {  	_ =	swait.ge [sflag:s9], $0x2000  }
0xff: {  	[sflag:s9] =	ssyncset.done $0x0  }
0x100: {  	s4 =	rddreg [dreg:$0xc];
	[sflag:s9] =	ssyncadd.s32 $0xFFFFE000  }
0x101: {  	[hbm4b:s4+s2] =	stream.linear.scatter [tilespmem:s8], [sflag:$0x5], $0x2000, $0x38;
	[tilespmem:$0x1A800] =	vst v63  }
0x102: {  	_ =	swait.ge [sflag:s9], $0x2000  }
0x103: {  	s31 =	sadd.s32 $0x1, s31;
	s10 =	rddreg [dreg:$0xd]  }
0x104: {  	p0 =	sne.s32 s31, s10  }
.Ltmp3:
0x105: {  	_ = 	snop;
	(pc) =	sbr.rel @p0 .LBB2_1-.Ltmp3, $3  }
0x106: {  	_ =	sdelay $0x1  }
0x107: {  	[sflag:s9] =	ssyncset.done $0x0  }
0x108: {  	[sflag:s9] =	ssyncadd.s32 $0xFFFFE000  }
0x109: {  	_ =	sfence.sel $0x180000  }
0x10a: {  	[bflag:$0x0] =	sbarrier.arrive $0xFFFF  }
0x10b: {  	_ =	strace $0x9000004D  }
0x10c: {  	s0 =	stileid.u32;
	[bflag:$0x2] =	sbarrier.arrive $0xFFFF  }
0x10d: {  	p0 =	sne.s32 s0, $0x0;
	s0 =	rddreg [dreg:$0x2]  }
0x10e: {  	s0 =	sadd.s32 @!p0 $0x100000, s0  }
0x10f: {  	[sflag:s0] =	ssyncadd.tile.s32 @!p0 $0x1;
	_ =	shalt  }
.Lfunc_end2:
_tile_overlayer_lowered:
.L_overlay_start_2:
0x110: {  	(tag) =	ssettag $0x2  }
0x111: {  	s0 =	rddreg [dreg:$0x0];
	s2 =	stileid.u32  }
0x112: {  	s1 =	rddreg [dreg:$0x1];
	p0 =	sne.s32 s2, $0x0  }
0x113: {  	s3 =	rddreg [dreg:$0x2];
	[bflag:$0x3] =	sbarrier.arrive $0xFFFF;
	s2 =	simm.s32 @!p0 $0x1C05  }
0x114: {  	[timem:s3], [sflag:s2] =	dma.local @!p0 [hbm:s0], s1  }
0x115: {  	s0 =	simm.s32 @!p0 $0x5  }
0x116: {  	_ =	swait.ge @!p0 [sflag:s0], s1  }
0x117: {  	s1 =	ssub.s32 @!p0 $0x0, s1;
	[sflag:s0] =	ssyncset.done @!p0 $0x0  }
0x118: {  	[sflag:s0] =	ssyncadd.s32 @!p0 s1  }
0x119: {  	[bflag:$0x3] =	sbarrier.arrive $0xFFFF  }
0x11a: {  	_ =	shalt  }

// kernel: kernel.20.cloned.1.call-start
scs
__scs_entry_jumppad:
0x0: {  	(pc) =	sbr.rel $0x88, $3  }
0x1: {  	(tag) =	ssettag $0x0;
	lr =	simm.s32 $0x1  }
0x2: {  	[smem:$0x3F99] =	sst lr;
	_ =	strace $0xD0000000  }
0x3: {  	_ = 	snop  }
0x4: {  	_ = 	snop  }
0x5: {  	_ = 	snop  }
0x6: {  	_ = 	snop  }
0x7: {  	_ = 	snop  }
__scs_overlays_trampoline_lowered:
0x8: {  	[smem:$0x3FA8] =	sst s0  }
0x9: {  	[smem:$0x3FA9] =	sst s1  }
0xa: {  	[smem:$0x3FAA] =	sst s2  }
0xb: {  	[smem:$0x3FAB] =	sst s3  }
0xc: {  	[smem:$0x3FAC] =	sst s4  }
0xd: {  	[smem:$0x3FAD] =	sst s5  }
0xe: {  	[smem:$0x3FAE] =	sst s6  }
0xf: {  	[smem:$0x3FAF] =	sst s7  }
0x10: {  	[smem:$0x3FB0] =	sst s8  }
0x11: {  	[smem:$0x3FB1] =	sst s9;
	s0 =	simm.s32 @!p0 $0x0  }
0x12: {  	s1 =	sld [smem:$0x3F97];
	s0 =	simm.s32 @p0 $0x1  }
0x13: {  	[smem:$0x3FB2] =	sst s0;
	s0 =	simm.s32 @!p1 $0x0  }
0x14: {  	s2 =	sld [smem:$0x3F96];
	s0 =	simm.s32 @p1 $0x1  }
0x15: {  	[smem:$0x3FB3] =	sst s0;
	s0 =	simm.s32 @!p2 $0x0  }
0x16: {  	s3 =	sld [smem:$0x3FDB];
	s0 =	simm.s32 @p2 $0x1  }
0x17: {  	s4 =	simm.s32 $0x1BF5;
	[smem:$0x3FB5] =	sst s0  }
0x18: {  	s0 =	sld [smem:$0x3F98];
	_ =	swait.ge [sflag:s4], $0x0  }
0x19: {  	s7 =	sld [smem:$0x3F99]  }
0x1a: {  	s8 =	sadd.s32 $0xFFFFE003, lr  }
0x1b: {  	s9 =	sadd.s32 $0xFFFFFEF7, lr;
	s5 =	simm.s32 $0xFFFFFFFF;
	p2 =	slt.u32 s8, $0xFFFFF086  }
0x1c: {  	p1 =	slt.u32 s9, $0xF7A;
	s5 =	simm.s32 @!p2 $0x0  }
0x1d: {  	s5 =	simm.s32 @p1 $0x1;
	p0 =	seq.s32 s7, s2  }
0x1e: {  	s7 =	smul.u32 @!p0 $0xF7A, s2;
	p2 =	seq.s32 @!p0 s5, $0x0  }
0x1f: {  	s9 =	smul.u32 $0xF7A, s1;
	s8 =	simm.s32 @!p0 $0x1BF5;
	p2 =	por !p2, p0  }
0x20: {  	[sflag:s8] =	ssyncset.s32 @!p0 $0xFFFFF086;
	s6 =	sadd.s32 @!p0 s3, s7;
	s7 =	simm.s32 @!p0 $0x108  }
0x21: {  	s3 =	sadd.s32 s3, s9;
	s6 =	sadd.s32 @!p0 $0x88, s6;
	s7 =	simm.s32 @p2 $0x1082  }
0x22: {  	[simem:s7], [sflag:s8] =	dma.local @!p0 [hbm:s6], $0xF7A  }
0x23: {  	s9 =	sor.u32 $0xD0000000, s2;
	s6 =	simm.s32 $0x108;
	_ =	swait.ge @!p0 [sflag:s8], $0x0  }
0x24: {  	s3 =	sadd.s32 $0x88, s3;
	s6 =	simm.s32 @!p1 $0x1082;
	[sflag:s4] =	ssyncset.s32 $0xFFFFF086  }
0x25: {  	[simem:s6], [sflag:s4] =	dma.local [hbm:s3], $0xF7A  }
0x26: {  	[smem:$0x3F99] =	sst s1;
	(tag) =	ssettag s2;
	_ =	strace s9  }
0x27: {  	s1 =	sld [smem:$0x3FA9]  }
0x28: {  	s2 =	sld [smem:$0x3FAA]  }
0x29: {  	s4 =	sld [smem:$0x3FAC]  }
0x2a: {  	p0 =	seq.s32 s5, $0x0;
	s5 =	sld [smem:$0x3FAD]  }
0x2b: {  	s6 =	sld [smem:$0x3FAE]  }
0x2c: {  	s7 =	sld [smem:$0x3FAF]  }
0x2d: {  	s3 =	simm.s32 $0x108;
	s8 =	sld [smem:$0x3FB0]  }
0x2e: {  	s3 =	simm.s32 @!p0 $0x1082;
	s9 =	sld [smem:$0x3FB1]  }
0x2f: {  	lr =	sadd.s32 s0, s3;
	s0 =	sld [smem:$0x3FA8]  }
0x30: {  	s3 =	sld [smem:$0x3FAB]  }
0x31: {  	[smem:$0x3FB4] =	sst s10  }
0x32: {  	s10 =	sld [smem:$0x3FB2];
	_ =	sdelay $0x3  }
0x33: {  	p0 =	seq.s32 s10, $0x1;
	s10 =	sld [smem:$0x3FB4];
	_ =	sdelay $0x3  }
0x34: {  	[smem:$0x3FB4] =	sst s10  }
0x35: {  	s10 =	sld [smem:$0x3FB3];
	_ =	sdelay $0x3  }
0x36: {  	p1 =	seq.s32 s10, $0x1;
	s10 =	sld [smem:$0x3FB4];
	_ =	sdelay $0x3  }
0x37: {  	[smem:$0x3FB4] =	sst s10  }
0x38: {  	s10 =	sld [smem:$0x3FB5]  }
0x39: {  	_ = 	snop;
	(pc) =	sbr.ind lr, $3  }
0x3a: {  	_ = 	snop  }
0x3b: {  	_ = 	snop  }
0x3c: {  	p2 =	seq.s32 s10, $0x1;
	s10 =	sld [smem:$0x3FB4]  }
0x3d: {  	_ =	shalt  }
0x3e: {  	_ =	shalt  }
0x3f: {  	_ =	shalt  }
0x40: {  	_ =	shalt  }
0x41: {  	_ =	shalt  }
0x42: {  	_ =	shalt  }
0x43: {  	_ =	shalt  }
0x44: {  	_ =	shalt  }
0x45: {  	_ =	shalt  }
0x46: {  	_ =	shalt  }
0x47: {  	_ =	shalt  }
0x48: {  	_ =	shalt  }
0x49: {  	_ =	shalt  }
0x4a: {  	_ =	shalt  }
0x4b: {  	_ =	shalt  }
0x4c: {  	_ =	shalt  }
0x4d: {  	_ =	shalt  }
0x4e: {  	_ =	shalt  }
0x4f: {  	_ =	shalt  }
0x50: {  	_ =	shalt  }
0x51: {  	_ =	shalt  }
0x52: {  	_ =	shalt  }
0x53: {  	_ =	shalt  }
0x54: {  	_ =	shalt  }
0x55: {  	_ =	shalt  }
0x56: {  	_ =	shalt  }
0x57: {  	_ =	shalt  }
0x58: {  	_ =	shalt  }
0x59: {  	_ =	shalt  }
0x5a: {  	_ =	shalt  }
0x5b: {  	_ =	shalt  }
0x5c: {  	_ =	shalt  }
0x5d: {  	_ =	shalt  }
0x5e: {  	_ =	shalt  }
0x5f: {  	_ =	shalt  }
0x60: {  	_ =	shalt  }
0x61: {  	_ =	shalt  }
0x62: {  	_ =	shalt  }
0x63: {  	_ =	shalt  }
0x64: {  	_ =	shalt  }
0x65: {  	_ =	shalt  }
0x66: {  	_ =	shalt  }
0x67: {  	_ =	shalt  }
0x68: {  	_ =	shalt  }
0x69: {  	_ =	shalt  }
0x6a: {  	_ =	shalt  }
0x6b: {  	_ =	shalt  }
0x6c: {  	_ =	shalt  }
0x6d: {  	_ =	shalt  }
0x6e: {  	_ =	shalt  }
0x6f: {  	_ =	shalt  }
0x70: {  	_ =	shalt  }
0x71: {  	_ =	shalt  }
0x72: {  	_ =	shalt  }
0x73: {  	_ =	shalt  }
0x74: {  	_ =	shalt  }
0x75: {  	_ =	shalt  }
0x76: {  	_ =	shalt  }
0x77: {  	_ =	shalt  }
0x78: {  	_ =	shalt  }
0x79: {  	_ =	shalt  }
0x7a: {  	_ =	shalt  }
0x7b: {  	_ =	shalt  }
0x7c: {  	_ =	shalt  }
0x7d: {  	_ =	shalt  }
0x7e: {  	_ =	shalt  }
0x7f: {  	_ =	shalt  }
0x80: {  	_ =	shalt  }
0x81: {  	_ =	shalt  }
0x82: {  	_ =	shalt  }
0x83: {  	_ =	shalt  }
0x84: {  	_ =	shalt  }
0x85: {  	_ =	shalt  }
0x86: {  	_ =	shalt  }
0x87: {  	_ =	shalt  }
.Lfunc_end0:
.L_simem_size_0:
called_computation.3_lowered:
.L_overlay_start_0:
0x88: {  	s2 =	sld [smem:$0x3FD9]  }
0x89: {  	s3 =	sld [smem:$0x3FFE];
	_ =	sdelay $0x1  }
0x8a: {  	s1 =	srdreg.scid  }
0x8b: {  	s0 =	sand.u32 $0x1, s1  }
0x8c: {  	s16 =	sshll.u32 s0, $0xA;
	s2 =	sadd.s32 s3, s2  }
0x8d: {  	s2 =	sadd.s32 s2, s16  }
0x8e: {  	[smem:$0x3FC0] =	sst s2  }
0x8f: {  	_ = 	snop  }
0x90: {  	(tm) =	ssettm $0x1  }
0x91: {  	s17 =	sld [smem:$0x3FFB];
	_ =	sdelay $0x3  }
0x92: {  	_ =	strace s17  }
0x93: {  	s2 =	sld [smem:$0x3FFC];
	_ =	sdelay $0x3  }
0x94: {  	_ =	strace s2  }
0x95: {  	s2 =	sld [smem:$0x3FFD];
	_ =	sdelay $0x3  }
0x96: {  	_ =	strace s2  }
0x97: {  	_ =	strace $0x8FFFFFFF  }
0x98: {  	s18 =	sld [smem:$0x3FDB];
	_ =	sdelay $0x1  }
0x99: {  	s19 =	simm.s32 $_scs_section_size  }
0x9a: {  	s4 =	simm.s32 $_size__tile_overlayer_lowered;
	s5 =	simm.s32 $_tile_overlayer_lowered  }
0x9b: {  	s22 =	simm.s32 $0x1BFF;
	s21 =	sshll.u32 s5, $0x1;
	s2 =	sadd.s32 s19, s18  }
0x9c: {  	s6 =	simm.s32 $0x0;
	s20 =	sshll.u32 s4, $0x1;
	s4 =	sadd.s32 s21, s2  }
0x9d: {  	[timem:s6], [sflag:s22] =	dma.local [hbm:s4], s20  }
0x9e: {  	_ =	swait.ge [sflag:s22], s20  }
0x9f: {  	s3 =	ssub.s32 $0x0, s20;
	[sflag:s22] =	ssyncset.done $0x0  }
0xa0: {  	[sflag:s22] =	ssyncadd.s32 s3;
	_ =	sdelay $0x1  }
0xa1: {  	s23 =	simm.s32 $0x1B8B  }
0xa2: {  	_ =	swait.ge [sflag:s23], $0x1  }
0xa3: {  	[sflag:s23] =	ssyncset.done $0x0  }
0xa4: {  	s25 =	simm.s32 $0x1B8E;
	s24 =	sld [smem:$0x3FFE];
	[sflag:s23] =	ssyncadd.s32 $0xFFFFFFFF  }
0xa5: {  	s26 =	simm.s32 $execute0_lowered;
	[smem:$0x3FD2] =	sst s25  }
0xa6: {  	s4 =	sshll.u32 s26, $0x1;
	_ =	strace $0x8000004F;
	[dreg:$0x1] =	wrdreg $0xFFFFFFFF  }
0xa7: {  	s28 =	simm.s32 $_size_execute0_lowered;
	s2 =	sadd.s32 s2, s4;
	[dreg:$0x0] =	wrdreg $0x0  }
0xa8: {  	s4 =	sshll.u32 s28, $0x1;
	[dreg:$0x2] =	wrdreg s2  }
0xa9: {  	[dreg:$0x3] =	wrdreg s4  }
0xaa: {  	[dreg:$0x4] =	wrdreg $0xC0  }
0xab: {  	_ =	task [dreg:s6], $0x5FFFF  }
0xac: {  	[dreg:$0x1] =	wrdreg $0xFFFFFFFF  }
0xad: {  	[dreg:$0x0] =	wrdreg $0x60  }
0xae: {  	[dreg:$0x2] =	wrdreg s24  }
0xaf: {  	[dreg:$0x3] =	wrdreg $0x9  }
0xb0: {  	_ =	task.clear_ibuf [dreg:s6], $0x4FFFF;
	_ =	strace $0x9000004F  }
0xb1: {  	s29 =	simm.s32 $0x9;
	_ =	strace $0x80000051  }
0xb2: {  	_ =	swait.ge [sflag:s29], $0x1  }
0xb3: {  	[sflag:s29] =	ssyncadd.s32 $0xFFFFFFFF  }
0xb4: {  	_ =	strace $0x90000051  }
0xb5: {  	_ =	sfence  }
0xb6: {  	s30 =	sld [smem:$0x0];
	_ =	sdelay $0x2  }
0xb7: {  	s31 =	sshll.u32 s1, $0xD;
	s1 =	sshrl.u32 s1, $0x2  }
0xb8: {  	s3 =	sand.u32 $0x4000, s31;
	s1 =	sadd.s32 s1, s30  }
0xb9: {  	s0 =	sor.u32 s3, s0;
	s1 =	sshll.u32 s1, $0x11  }
0xba: {  	s0 =	sor.u32 s1, s0  }
0xbb: {  	s0 =	sadd.s32 $0x8F2B, s0  }
0xbc: {  	[sflag:s0] =	ssyncadd.remote.s32 $0x1  }
0xbd: {  	_ =	sfence.sel $0xFFFF  }
0xbe: {  	[dreg:$0x0] =	wrdreg $0xFFFFFFFF;
	(pc) =	sbr.abs _section_cstart, $3  }
0xbf: {  	[dreg:$0x1] =	wrdreg $0xFFFFFFFF  }
0xc0: {  	_ =	task.clear_ibuf [dreg:s6], $0x2FFFF;
	_ =	strace $0x9FFFFFFF  }
0xc1: {  	(tm) =	ssettm $0x7FFFFFFF  }
tec
execute0_lowered:
.L_overlay_start_1:
0x0: {  	(tag) =	ssettag $0x1  }
0x1: {  	s0 =	rddreg [dreg:$0x0]  }
0x2: {  	s1 =	srdreg.scid;
	s8 =	stileid.u32  }
0x3: {  	s2 =	simm.s32 $0x0;
	s12 =	simm.s32 $0x50;
	s14 =	simm.s32 $0x12000  }
0x4: {  	s16 =	simm.s32 $0xA800;
	s18 =	simm.s32 $0x14800;
	s19 =	simm.s32 $0x1  }
0x5: {  	s20 =	simm.s32 $0x5;
	s21 =	simm.s32 $0xD000;
	s22 =	simm.s32 $0x17000  }
0x6: {  	s23 =	simm.s32 $0x2;
	s28 =	simm.s32 $0x3;
	s29 =	simm.s32 $0x7  }
0x7: {  	s30 =	simm.s32 $0x4;
	s31 =	simm.s32 $0x8;
	s15 =	simm.s32 $0xA  }
0x8: {  	s17 =	simm.s32 $0xE;
	s1 =	sand.u32 $0x1, s1;
	s3 =	sshll.u32 s8, $0xE  }
0x9: {  	[smem:$0x7FF] =	sst s2;
	s24 =	sshll.u32 s8, $0xB;
	s4 =	sshll.u32 s1, $0x12  }
0xa: {  	_ =	strace $0x80000050;
	s5 =	smul.u32 $0x280000, s1;
	s3 =	sor.u32 s3, s4  }
0xb: {  	s7 =	ssub.s32 $0x2, s1;
	p0 =	seq.s32 s1, $0x0;
	s3 =	sadd.s32 $0xFFFC0000, s3  }
0xc: {  	s4 =	sadd.s32 s24, s0;
	s25 =	sshrl.u32 s7, $0x1;
	s3 =	sshrl.u32 s3, $0x3  }
0xd: {  	s24 =	simm.s32 $0x6;
	s1 =	sadd.s32 $0xE2C00, s4;
	s6 =	sadd.s32 s3, s0  }
0xe: {  	s3 =	sadd.s32 $0x2C00, s0;
	s0 =	sadd.s32 s5, s0;
	s5 =	ssub.s32 s7, s25  }
0xf: {  	s4 =	sadd.s32 $0xD2C00, s4;
	s25 =	simm.s32 $0xF800;
	s5 =	smax.u32 s5, $0x1  }
.Ltmp0:
0x10: {  	s26 =	sadd.s32 $0xEAC00, s0;
	[dreg:$0x4] =	wrdreg s5;
	(pc) =	sbr.rel .LBB2_1-.Ltmp0, $4  }
0x11: {  	s7 =	sadd.s32 $0xDAC00, s6;
	s0 =	sadd.s32 $0x5EAC00, s0;
	[dreg:$0x5] =	wrdreg s26  }
0x12: {  	s6 =	sadd.s32 $0xCAC00, s6;
	s7 =	smov.u32 @p0 s1;
	[dreg:$0x6] =	wrdreg s0  }
0x13: {  	s6 =	smov.u32 @p0 s4;
	s26 =	simm.s32 $0x19800;
	[dreg:$0x2] =	wrdreg s7  }
0x14: {  	s4 =	simm.s32 $0x0;
	[dreg:$0x3] =	wrdreg s6;
	s7 =	smul.u32 $0x28000, s8  }
.LBB2_4:
0x15: {  	s0 =	simm.s32 $0x9  }
0x16: {  	_ =	swait.ge [sflag:s0], $0x2800  }
0x17: {  	[sflag:s0] =	ssyncset.done $0x0  }
0x18: {  	s8 =	simm.s32 $0xD;
	[sflag:s0] =	ssyncadd.s32 $0xFFFFD800  }
0x19: {  	_ =	swait.ge [sflag:s8], $0x2800  }
0x1a: {  	[sflag:s8] =	ssyncset.done $0x0  }
0x1b: {  	[sflag:s8] =	ssyncadd.s32 $0xFFFFD800  }
0x1c: {  	_ =	swait.ge [sflag:s15], $0x2800  }
0x1d: {  	[sflag:s15] =	ssyncset.done $0x0  }
0x1e: {  	[sflag:s15] =	ssyncadd.s32 $0xFFFFD800  }
0x1f: {  	_ =	swait.ge [sflag:s17], $0x2800  }
0x20: {  	[sflag:s17] =	ssyncset.done $0x0  }
0x21: {  	s9 =	simm.s32 $0xB;
	[sflag:s17] =	ssyncadd.s32 $0xFFFFD800  }
0x22: {  	_ =	swait.ge [sflag:s9], $0x2800  }
0x23: {  	[sflag:s9] =	ssyncset.done $0x0  }
0x24: {  	s10 =	simm.s32 $0xF;
	[sflag:s9] =	ssyncadd.s32 $0xFFFFD800  }
0x25: {  	_ =	swait.ge [sflag:s10], $0x2800  }
0x26: {  	[sflag:s10] =	ssyncset.done $0x0  }
0x27: {  	s11 =	simm.s32 $0xC;
	[sflag:s10] =	ssyncadd.s32 $0xFFFFD800  }
0x28: {  	_ =	swait.ge [sflag:s11], $0x2800  }
0x29: {  	[sflag:s11] =	ssyncset.done $0x0  }
0x2a: {  	s1 =	simm.s32 $0x10;
	[sflag:s11] =	ssyncadd.s32 $0xFFFFD800  }
0x2b: {  	_ =	swait.ge [sflag:s1], $0x2800  }
0x2c: {  	s4 =	rddreg [dreg:$0x7]  }
0x2d: {  	s13 =	rddreg [dreg:$0x4];
	s4 =	sadd.s32 $0x1, s4  }
0x2e: {  	p0 =	sne.s32 s4, s13  }
.Ltmp1:
0x2f: {  	_ = 	snop;
	(pc) =	sbr.rel @!p0 .LBB2_5-.Ltmp1, $3  }
0x30: {  	_ =	sdelay $0x1  }
0x31: {  	[sflag:s1] =	ssyncset.done $0x0  }
0x32: {  	[sflag:s1] =	ssyncadd.s32 $0xFFFFD800  }
.LBB2_1:
0x33: {  	[dreg:$0x7] =	wrdreg s4  }
0x34: {  	s0 =	rddreg [dreg:$0x2];
	s1 =	simm.s32 $0x11  }
0x35: {  	[tilespmem:s2], [sflag:$0x11] =	stream.linear.gather [hbm4b:s0+s2], $0x4000, $0x38;
	[tilespmem:$0x1C000] =	vst v63  }
0x36: {  	_ =	swait.ge [sflag:s1], $0x4000  }
0x37: {  	[sflag:s1] =	ssyncset.done $0x0  }
0x38: {  	s9 =	simm.s32 $0x4000;
	s8 =	rddreg [dreg:$0x3];
	[sflag:s1] =	ssyncadd.s32 $0xFFFFC000  }
0x39: {  	[tilespmem:s9], [sflag:$0x11] =	stream.linear.gather [hbm4b:s8+s2], $0x4000, $0x38;
	[tilespmem:$0x1C000] =	vst v63  }
0x3a: {  	_ =	swait.ge [sflag:s1], $0x4000  }
0x3b: {  	[sflag:s1] =	ssyncset.done $0x0  }
0x3c: {  	s10 =	simm.s32 $0x8000;
	[sflag:s1] =	ssyncadd.s32 $0xFFFFC000  }
0x3d: {  	[tilespmem:s10], [sflag:$0x1] =	stream.indirect.gather [hbm4b:s3+s12], $0x80, s2, s12, $0xb8;
	[tilespmem:$0x1C000] =	vst v63  }
0x3e: {  	_ = 	snop  }
0x3f: {  	[tilespmem:s14], [sflag:$0x5] =	stream.indirect.gather [hbm4b:s3+s12], $0x80, s9, s12, $0xb8;
	[tilespmem:$0x1C000] =	vst v63  }
0x40: {  	s11 =	simm.s32 $0x80;
	s5 =	rddreg [dreg:$0x6]  }
0x41: {  	[tilespmem:s16], [sflag:$0x2] =	stream.indirect.gather [hbm4b:s3+s12], $0x80, s11, s12, $0xb8;
	[tilespmem:$0x1C000] =	vst v63  }
0x42: {  	s13 =	simm.s32 $0x4080;
	s0 =	rddreg [dreg:$0x5];
	s1 =	simm.s32 $0x0  }
0x43: {  	[tilespmem:s18], [sflag:$0x6] =	stream.indirect.gather [hbm4b:s3+s12], $0x80, s13, s12, $0xb8;
	[tilespmem:$0x1C000] =	vst v63  }
.LBB2_2:
0x44: {  	_ =	swait.ge [sflag:s19], $0x2800  }
0x45: {  	[sflag:s19] =	ssyncset.done $0x0  }
0x46: {  	[sflag:s19] =	ssyncadd.s32 $0xFFFFD800  }
0x47: {  	_ =	swait.ge [sflag:s20], $0x2800  }
0x48: {  	s11 =	sadd.s32 s0, s7;
	[sflag:s20] =	ssyncset.done $0x0  }
0x49: {  	s4 =	simm.s32 $0x8000;
	p0 =	seq.s32 s1, $0x0;
	[sflag:s20] =	ssyncadd.s32 $0xFFFFD800  }
0x4a: {  	[hbm4b:s11+s2] =	stream.linear.scatter [tilespmem:s4], [sflag:$0x9], $0x2800, $0x38;
	[tilespmem:$0x1C000] =	vst v63  }
0x4b: {  	s8 =	sadd.s32 s5, s7;
	s6 =	simm.s32 @!p0 $0xB  }
0x4c: {  	[hbm4b:s8+s2] =	stream.linear.scatter [tilespmem:s14], [sflag:$0xD], $0x2800, $0x38;
	[tilespmem:$0x1C000] =	vst v63  }
0x4d: {  	_ =	swait.ge @!p0 [sflag:s6], $0x2800  }
0x4e: {  	[sflag:s6] =	ssyncset.done @!p0 $0x0  }
0x4f: {  	s9 =	simm.s32 @!p0 $0xF;
	[sflag:s6] =	ssyncadd.s32 @!p0 $0xFFFFD800  }
0x50: {  	_ =	swait.ge @!p0 [sflag:s9], $0x2800  }
0x51: {  	s6 =	sshra.s32 s1, $0x2;
	[sflag:s9] =	ssyncset.done @!p0 $0x0  }
0x52: {  	s4 =	sadd.s32 $0x100, s6;
	[sflag:s9] =	ssyncadd.s32 @!p0 $0xFFFFD800  }
0x53: {  	[tilespmem:s21], [sflag:$0x3] =	stream.indirect.gather [hbm4b:s3+s12], $0x80, s4, s12, $0xb8;
	[tilespmem:$0x1C000] =	vst v63  }
0x54: {  	s10 =	sadd.s32 $0x4100, s6  }
0x55: {  	[tilespmem:s22], [sflag:$0x7] =	stream.indirect.gather [hbm4b:s3+s12], $0x80, s10, s12, $0xb8;
	[tilespmem:$0x1C000] =	vst v63  }
0x56: {  	_ =	swait.ge [sflag:s23], $0x2800  }
0x57: {  	[sflag:s23] =	ssyncset.done $0x0  }
0x58: {  	[sflag:s23] =	ssyncadd.s32 $0xFFFFD800  }
0x59: {  	_ =	swait.ge [sflag:s24], $0x2800  }
0x5a: {  	[sflag:s24] =	ssyncset.done $0x0  }
0x5b: {  	s13 =	sadd.s32 $0x500, s11;
	[sflag:s24] =	ssyncadd.s32 $0xFFFFD800  }
0x5c: {  	[hbm4b:s13+s2] =	stream.linear.scatter [tilespmem:s16], [sflag:$0xA], $0x2800, $0x38;
	[tilespmem:$0x1C000] =	vst v63  }
0x5d: {  	s9 =	simm.s32 @!p0 $0xC;
	s4 =	sadd.s32 $0x500, s8  }
0x5e: {  	[hbm4b:s4+s2] =	stream.linear.scatter [tilespmem:s18], [sflag:$0xE], $0x2800, $0x38;
	[tilespmem:$0x1C000] =	vst v63  }
0x5f: {  	_ =	swait.ge @!p0 [sflag:s9], $0x2800  }
0x60: {  	[sflag:s9] =	ssyncset.done @!p0 $0x0  }
0x61: {  	[sflag:s9] =	ssyncadd.s32 @!p0 $0xFFFFD800;
	s9 =	simm.s32 @!p0 $0x10  }
0x62: {  	_ =	swait.ge @!p0 [sflag:s9], $0x2800  }
0x63: {  	[sflag:s9] =	ssyncset.done @!p0 $0x0  }
0x64: {  	s10 =	sadd.s32 $0x180, s6;
	[sflag:s9] =	ssyncadd.s32 @!p0 $0xFFFFD800  }
0x65: {  	[tilespmem:s25], [sflag:$0x4] =	stream.indirect.gather [hbm4b:s3+s12], $0x80, s10, s12, $0xb8;
	[tilespmem:$0x1C000] =	vst v63  }
0x66: {  	s13 =	sadd.s32 $0x4180, s6  }
0x67: {  	[tilespmem:s26], [sflag:$0x8] =	stream.indirect.gather [hbm4b:s3+s12], $0x80, s13, s12, $0xb8;
	[tilespmem:$0x1C000] =	vst v63  }
0x68: {  	_ =	swait.ge [sflag:s28], $0x2800  }
0x69: {  	[sflag:s28] =	ssyncset.done $0x0  }
0x6a: {  	[sflag:s28] =	ssyncadd.s32 $0xFFFFD800  }
0x6b: {  	_ =	swait.ge [sflag:s29], $0x2800  }
0x6c: {  	[sflag:s29] =	ssyncset.done $0x0  }
0x6d: {  	s4 =	sadd.s32 $0xA00, s11;
	p0 =	seq.s32 s1, $0xF800;
	[sflag:s29] =	ssyncadd.s32 $0xFFFFD800  }
0x6e: {  	[hbm4b:s4+s2] =	stream.linear.scatter [tilespmem:s21], [sflag:$0xB], $0x2800, $0x38;
	[tilespmem:$0x1C000] =	vst v63  }
0x6f: {  	s10 =	sadd.s32 $0xA00, s8;
	s9 =	simm.s32 @!p0 $0x9  }
0x70: {  	[hbm4b:s10+s2] =	stream.linear.scatter [tilespmem:s22], [sflag:$0xF], $0x2800, $0x38;
	[tilespmem:$0x1C000] =	vst v63  }
0x71: {  	_ =	swait.ge @!p0 [sflag:s9], $0x2800  }
0x72: {  	[sflag:s9] =	ssyncset.done @!p0 $0x0  }
0x73: {  	[sflag:s9] =	ssyncadd.s32 @!p0 $0xFFFFD800;
	s9 =	simm.s32 @!p0 $0xD  }
0x74: {  	_ =	swait.ge @!p0 [sflag:s9], $0x2800  }
0x75: {  	[sflag:s9] =	ssyncset.done @!p0 $0x0  }
0x76: {  	[sflag:s9] =	ssyncadd.s32 @!p0 $0xFFFFD800;
	s9 =	sshra.s32 @!p0 s1, $0x2  }
0x77: {  	s13 =	simm.s32 @!p0 $0x8000;
	s4 =	simm.s32 @!p0 $0x50;
	s10 =	sadd.s32 @!p0 $0x200, s9  }
0x78: {  	[tilespmem:s13], [sflag:$0x1] =	stream.indirect.gather @!p0 [hbm4b:s3+s4], $0x80, s10, s4, $0xb8;
	[tilespmem:$0x1C000] =	vst v63  }
0x79: {  	s9 =	sadd.s32 @!p0 $0x4200, s9;
	s10 =	simm.s32 @!p0 $0x12000  }
0x7a: {  	[tilespmem:s10], [sflag:$0x5] =	stream.indirect.gather @!p0 [hbm4b:s3+s4], $0x80, s9, s4, $0xb8;
	[tilespmem:$0x1C000] =	vst v63  }
0x7b: {  	_ =	swait.ge [sflag:s30], $0x2800  }
0x7c: {  	[sflag:s30] =	ssyncset.done $0x0  }
0x7d: {  	[sflag:s30] =	ssyncadd.s32 $0xFFFFD800  }
0x7e: {  	_ =	swait.ge [sflag:s31], $0x2800  }
.Ltmp2:
0x7f: {  	[sflag:s31] =	ssyncset.done $0x0;
	(pc) =	sbr.rel @p0 .LBB2_4-.Ltmp2, $4  }
0x80: {  	s11 =	sadd.s32 $0xF00, s11;
	[sflag:s31] =	ssyncadd.s32 $0xFFFFD800  }
0x81: {  	[hbm4b:s11+s2] =	stream.linear.scatter [tilespmem:s25], [sflag:$0xC], $0x2800, $0x38;
	[tilespmem:$0x1C000] =	vst v63  }
0x82: {  	s13 =	sadd.s32 $0xF00, s8  }
0x83: {  	[hbm4b:s13+s2] =	stream.linear.scatter [tilespmem:s26], [sflag:$0x10], $0x2800, $0x38;
	[tilespmem:$0x1C000] =	vst v63  }
0x84: {  	_ =	swait.ge [sflag:s15], $0x2800  }
0x85: {  	[sflag:s15] =	ssyncset.done $0x0  }
0x86: {  	[sflag:s15] =	ssyncadd.s32 $0xFFFFD800  }
0x87: {  	_ =	swait.ge [sflag:s17], $0x2800  }
.Ltmp3:
0x88: {  	[sflag:s17] =	ssyncset.done $0x0;
	(pc) =	sbr.rel .LBB2_2-.Ltmp3, $4  }
0x89: {  	s4 =	sadd.s32 $0x280, s6;
	s13 =	sadd.s32 $0x4280, s6;
	[sflag:s17] =	ssyncadd.s32 $0xFFFFD800  }
0x8a: {  	[tilespmem:s16], [sflag:$0x2] =	stream.indirect.gather [hbm4b:s3+s12], $0x80, s4, s12, $0xb8;
	[tilespmem:$0x1C000] =	vst v63  }
0x8b: {  	s1 =	sadd.s32 $0x800, s1;
	s0 =	sadd.s32 $0x1400, s0;
	s5 =	sadd.s32 $0x1400, s5  }
0x8c: {  	[tilespmem:s18], [sflag:$0x6] =	stream.indirect.gather [hbm4b:s3+s12], $0x80, s13, s12, $0xb8;
	[tilespmem:$0x1C000] =	vst v63  }
.LBB2_5:
0x8d: {  	_ =	sfence.sel $0x180000  }
0x8e: {  	[bflag:$0x0] =	sbarrier.arrive $0xFFFF  }
0x8f: {  	_ =	strace $0x90000050  }
0x90: {  	s0 =	stileid.u32;
	[bflag:$0x2] =	sbarrier.arrive $0xFFFF  }
0x91: {  	p0 =	sne.s32 s0, $0x0;
	s0 =	rddreg [dreg:$0x1]  }
0x92: {  	s0 =	sadd.s32 @!p0 $0x100000, s0  }
0x93: {  	[sflag:s0] =	ssyncadd.tile.s32 @!p0 $0x1;
	_ =	shalt  }
.Lfunc_end2:
_tile_overlayer_lowered:
.L_overlay_start_2:
0x94: {  	(tag) =	ssettag $0x2  }
0x95: {  	s0 =	rddreg [dreg:$0x0];
	s2 =	stileid.u32  }
0x96: {  	s1 =	rddreg [dreg:$0x1];
	p0 =	sne.s32 s2, $0x0  }
0x97: {  	s3 =	rddreg [dreg:$0x2];
	[bflag:$0x3] =	sbarrier.arrive $0xFFFF;
	s2 =	simm.s32 @!p0 $0x1C11  }
0x98: {  	[timem:s3], [sflag:s2] =	dma.local @!p0 [hbm:s0], s1  }
0x99: {  	s0 =	simm.s32 @!p0 $0x11  }
0x9a: {  	_ =	swait.ge @!p0 [sflag:s0], s1  }
0x9b: {  	s1 =	ssub.s32 @!p0 $0x0, s1;
	[sflag:s0] =	ssyncset.done @!p0 $0x0  }
0x9c: {  	[sflag:s0] =	ssyncadd.s32 @!p0 s1  }
0x9d: {  	[bflag:$0x3] =	sbarrier.arrive $0xFFFF  }
0x9e: {  	_ =	shalt  }

</sc_bundles>
